<compile_context>
chip_gen: v7x
topology: tpu7x:2x2x1
jax: 0.10.2.dev20260603
libtpu: 0.0.44.dev20260713+nightly
codegen_flags: <defaults>
</compile_context>

<pallas_src>
import functools

import jax
import jax.numpy as jnp
import numpy as np
from jax import lax
from jax.experimental import pallas as pl
from jax.experimental.pallas import tpu as pltpu
from jax.experimental.pallas import tpu_sc as plsc

CIRCLE = 1000
D = 64
N_HIS = 20
BATCH = 16384

NC = 2
NS = 16
NW = NC * NS
BW = BATCH // NW
NBT = BW // 128


def _tempo_enc_np(n_his, d):
    pos = np.arange(n_his, dtype=np.float64)[:, None]
    i = np.arange(d, dtype=np.float64)[None, :]
    angle = pos / np.power(10000.0, (2.0 * (i // 2)) / d)
    enc = np.zeros((n_his, d), dtype=np.float64)
    enc[:, 0::2] = np.sin(angle[:, 0::2])
    enc[:, 1::2] = np.cos(angle[:, 1::2])
    return enc.astype(np.float32)


_ENC = _tempo_enc_np(N_HIS, D)
_ENC_SPLAT = np.repeat(_ENC.reshape(N_HIS * 8, 8), 16, axis=1)


def _body(stampT_hbm, tabT_hbm, enc_hbm, out_hbm,
          tbuf, encbuf, sbufA, sbufB, stg0, stg1, stg2, stg3,
          ssemA, ssemB, osem0, osem1, osem2, osem3):
    wid = lax.axis_index("s") * NC + lax.axis_index("c")
    b0 = wid * BW
    bt0 = wid * NBT
    pltpu.sync_copy(tabT_hbm, tbuf)
    pltpu.sync_copy(enc_hbm, encbuf)
    pltpu.async_copy(stampT_hbm.at[0, pl.ds(b0, BW)], sbufA, ssemA)
    pltpu.async_copy(stampT_hbm.at[1, pl.ds(b0, BW)], sbufB, ssemB)

    def unit(h, bt, sbuf, stg, osem, first_p):
        if first_p is None:
            pltpu.make_async_copy(stg, out_hbm.at[0, :, 0, :, :], osem).wait()
        else:
            @pl.when(first_p > 0)
            def _():
                pltpu.make_async_copy(
                    stg, out_hbm.at[0, :, 0, :, :], osem).wait()
        hbase = h * 8
        idx0 = tuple(
            sbuf[pl.ds(bt * 128 + g * 16, 16)] for g in range(8))

        @plsc.parallel_loop(0, D, step=1, unroll=4, carry=idx0)
        def dbody(d, idx):
            dt = d // 8
            di = d % 8
            encv = encbuf[hbase + dt, pl.ds(di * 16, 16)]
            for g in range(8):
                row = plsc.load_gather(tbuf, [idx[g]])
                stg[dt, di, pl.ds(g * 16, 16)] = row + encv
            return tuple(v + CIRCLE for v in idx)

        pltpu.async_copy(stg, out_hbm.at[h, :, bt0 + bt, :, :], osem)

    stgs = None

    def pair(p, carry):
        h0 = 2 * p
        pltpu.make_async_copy(
            stampT_hbm.at[0, pl.ds(b0, BW)], sbufA, ssemA).wait()
        for bt, (stg, osem) in enumerate(stgs):
            unit(h0, bt, sbufA, stg, osem, p)

        @pl.when(p < N_HIS // 2 - 1)
        def _():
            pltpu.async_copy(
                stampT_hbm.at[h0 + 2, pl.ds(b0, BW)], sbufA, ssemA)

        pltpu.make_async_copy(
            stampT_hbm.at[1, pl.ds(b0, BW)], sbufB, ssemB).wait()
        for bt, (stg, osem) in enumerate(stgs):
            unit(h0 + 1, bt, sbufB, stg, osem, None)

        @pl.when(p < N_HIS // 2 - 1)
        def _():
            pltpu.async_copy(
                stampT_hbm.at[h0 + 3, pl.ds(b0, BW)], sbufB, ssemB)

        return carry

    stgs = [(stg0, osem0), (stg1, osem1), (stg2, osem2), (stg3, osem3)]
    lax.fori_loop(0, N_HIS // 2, pair, 0)
    for stg, osem in stgs:
        pltpu.make_async_copy(stg, out_hbm.at[0, :, 0, :, :], osem).wait()


_sc = functools.partial(
    pl.kernel,
    out_type=jax.ShapeDtypeStruct((N_HIS, 8, 128, 8, 128), jnp.float32),
    mesh=plsc.VectorSubcoreMesh(core_axis_name="c", subcore_axis_name="s"),
    scratch_types=[
        pltpu.VMEM((D * CIRCLE,), jnp.float32),
        pltpu.VMEM((160, 128), jnp.float32),
        pltpu.VMEM((BW,), jnp.int32),
        pltpu.VMEM((BW,), jnp.int32),
        pltpu.VMEM((8, 8, 128), jnp.float32),
        pltpu.VMEM((8, 8, 128), jnp.float32),
        pltpu.VMEM((8, 8, 128), jnp.float32),
        pltpu.VMEM((8, 8, 128), jnp.float32),
        pltpu.SemaphoreType.DMA,
        pltpu.SemaphoreType.DMA,
        pltpu.SemaphoreType.DMA,
        pltpu.SemaphoreType.DMA,
        pltpu.SemaphoreType.DMA,
        pltpu.SemaphoreType.DMA,
    ],
    compiler_params=pltpu.CompilerParams(
        use_tc_tiling_on_sc=False, needs_layout_passes=False),
)(_body)


def kernel(stamp, table):
    stampT = jnp.transpose(stamp)
    tabT = jnp.transpose(table).reshape(D * CIRCLE)
    y5 = _sc(stampT, tabT, jnp.asarray(_ENC_SPLAT))
    y = jnp.transpose(y5, (0, 1, 3, 2, 4)).reshape(N_HIS, D, BATCH)
    return jnp.transpose(y, (2, 0, 1))

# --- scband reference (transcript-rebuilt; emitter-appended) ---
"""Pipeline reference for scband-timestamp-44538810859753 (READ-ONLY COPY).

The authoritative reference and input builder live on the scoring server;
editing this copy changes nothing except your own understanding.
"""

import jax, jax.numpy as jnp
import numpy as np

CIRCLE = 1000
N_ATTR = 256
D = N_ATTR // 4  # 64
N_HIS = 20
BATCH = 16384


def _tempo_enc(n_his, d):
    # Sinusoidal temporal encoding over the history axis (TempoEnc with no=False)
    pos = np.arange(n_his, dtype=np.float64)[:, None]
    i = np.arange(d, dtype=np.float64)[None, :]
    angle = pos / np.power(10000.0, (2.0 * (i // 2)) / d)
    enc = np.zeros((n_his, d), dtype=np.float64)
    enc[:, 0::2] = np.sin(angle[:, 0::2])
    enc[:, 1::2] = np.cos(angle[:, 1::2])
    return jnp.asarray(enc, dtype=jnp.float32)


def setup_inputs(seed: int = 0):
    key = jax.random.key(seed)
    k1, k2 = jax.random.split(key)
    stamp = jax.random.randint(k1, (BATCH, N_HIS), 0, CIRCLE, dtype=jnp.int32)
    # learned parameter: embedding table sized per init_kwargs (circle x n_attr//4)
    table = jax.random.normal(k2, (CIRCLE, D), dtype=jnp.float32)
    return {"stamp": stamp, "table": table}


def reference(stamp, table):
    # nn.Embedding lookup -> gather rows of the table
    time_emb = jnp.take(table, stamp, axis=0)  # [B, n_his, D]
    # TempoEnc: add sinusoidal temporal encoding along history dim
    enc = _tempo_enc(time_emb.shape[1], time_emb.shape[2])
    return time_emb + enc[None, :, :]

if __name__ == "__main__":
    import jax
    _d = setup_inputs()
    print(jax.jit(kernel)(*tuple(_d.values())))

</pallas_src>

<mosaic_0001>
#map = affine_map<(d0, d1) -> (0, 0)>
#map1 = affine_map<(d0, d1) -> (0)>
#map2 = affine_map<(d0, d1) -> (0, 0, 0, 0, 0)>
module attributes {stable_mosaic.version = 14 : i64} {
  func.func @_body(%arg0: i32, %arg1: i32, %arg2: memref<20x16384xi32, #tpu.memory_space<hbm>>, %arg3: memref<64000xf32, #tpu.memory_space<hbm>>, %arg4: memref<160x128xf32, #tpu.memory_space<hbm>>, %arg5: memref<20x8x128x8x128xf32, #tpu.memory_space<hbm>>, %arg6: memref<64000xf32, #tpu.memory_space<vmem>>, %arg7: memref<160x128xf32, #tpu.memory_space<vmem>>, %arg8: memref<512xi32, #tpu.memory_space<vmem>>, %arg9: memref<512xi32, #tpu.memory_space<vmem>>, %arg10: memref<8x8x128xf32, #tpu.memory_space<vmem>>, %arg11: memref<8x8x128xf32, #tpu.memory_space<vmem>>, %arg12: memref<8x8x128xf32, #tpu.memory_space<vmem>>, %arg13: memref<8x8x128xf32, #tpu.memory_space<vmem>>, %arg14: memref<!tpu.dma_semaphore, #tpu.memory_space<semaphore_mem>>, %arg15: memref<!tpu.dma_semaphore, #tpu.memory_space<semaphore_mem>>, %arg16: memref<!tpu.dma_semaphore, #tpu.memory_space<semaphore_mem>>, %arg17: memref<!tpu.dma_semaphore, #tpu.memory_space<semaphore_mem>>, %arg18: memref<!tpu.dma_semaphore, #tpu.memory_space<semaphore_mem>>, %arg19: memref<!tpu.dma_semaphore, #tpu.memory_space<semaphore_mem>>) attributes {dimension_semantics = [#tpu.dimension_semantics<core_parallel>, #tpu.dimension_semantics<subcore_parallel>], iteration_bounds = array<i64: 2, 16>, scalar_prefetch = 0 : i64, scratch_operands = 14 : i64, tpu.core_type = #tpu.core_type<sc_vector_subcore>, window_params = [{transform_indices = #map}, {transform_indices = #map1}, {transform_indices = #map}, {transform_indices = #map2}]} {
    %mul3A = arith.constant 2 : i32
    %mul3A_0 = arith.muli %arg1, %mul3A : i32
    %add3A = arith.addi %mul3A_0, %arg0 : i32
    %mul3A_1 = arith.constant 512 : i32
    %mul3A_2 = arith.muli %add3A, %mul3A_1 : i32
    %mul3A_3 = arith.constant 4 : i32
    %mul3A_4 = arith.muli %add3A, %mul3A_3 : i32
    "tpu.region"() ({
      %run_scoped3A = tpu.sem_alloc : memref<!tpu.dma_semaphore, #tpu.memory_space<semaphore_mem>>
      tpu.enqueue_dma source(%arg3 : memref<64000xf32, #tpu.memory_space<hbm>>) target(%arg6 : memref<64000xf32, #tpu.memory_space<vmem>>) target_semaphore(%run_scoped3A : memref<!tpu.dma_semaphore, #tpu.memory_space<semaphore_mem>>)
      tpu.wait_dma2 semaphore(%run_scoped3A : memref<!tpu.dma_semaphore, #tpu.memory_space<semaphore_mem>>) src(%arg3 : memref<64000xf32, #tpu.memory_space<hbm>>) dst(%arg6 : memref<64000xf32, #tpu.memory_space<vmem>>)
      tpu.yield
    }) : () -> ()
    "tpu.region"() ({
      %run_scoped3A = tpu.sem_alloc : memref<!tpu.dma_semaphore, #tpu.memory_space<semaphore_mem>>
      tpu.enqueue_dma source(%arg4 : memref<160x128xf32, #tpu.memory_space<hbm>>) target(%arg7 : memref<160x128xf32, #tpu.memory_space<vmem>>) target_semaphore(%run_scoped3A : memref<!tpu.dma_semaphore, #tpu.memory_space<semaphore_mem>>)
      tpu.wait_dma2 semaphore(%run_scoped3A : memref<!tpu.dma_semaphore, #tpu.memory_space<semaphore_mem>>) src(%arg4 : memref<160x128xf32, #tpu.memory_space<hbm>>) dst(%arg7 : memref<160x128xf32, #tpu.memory_space<vmem>>)
      tpu.yield
    }) : () -> ()
    %dma_start3A = arith.constant 0 : i32
    %dma_start3A_5 = tpu.memref_slice %arg2[%dma_start3A, %mul3A_2] : memref<20x16384xi32, #tpu.memory_space<hbm>> -> memref<1x512xi32, #tpu.memory_space<hbm>>
    %dma_start3A_6 = tpu.memref_squeeze %dma_start3A_5 : memref<1x512xi32, #tpu.memory_space<hbm>> -> memref<512xi32, #tpu.memory_space<hbm>>
    %dma_start3A_7 = tpu.memref_slice %arg2[%dma_start3A, %mul3A_2] : memref<20x16384xi32, #tpu.memory_space<hbm>> -> memref<1x512xi32, #tpu.memory_space<hbm>>
    %dma_start3A_8 = tpu.memref_squeeze %dma_start3A_7 : memref<1x512xi32, #tpu.memory_space<hbm>> -> memref<512xi32, #tpu.memory_space<hbm>>
    tpu.enqueue_dma source(%dma_start3A_8 : memref<512xi32, #tpu.memory_space<hbm>>) target(%arg8 : memref<512xi32, #tpu.memory_space<vmem>>) target_semaphore(%arg14 : memref<!tpu.dma_semaphore, #tpu.memory_space<semaphore_mem>>)
    %dma_start3A_9 = arith.constant 1 : i32
    %dma_start3A_10 = tpu.memref_slice %arg2[%dma_start3A_9, %mul3A_2] : memref<20x16384xi32, #tpu.memory_space<hbm>> -> memref<1x512xi32, #tpu.memory_space<hbm>>
    %dma_start3A_11 = tpu.memref_squeeze %dma_start3A_10 : memref<1x512xi32, #tpu.memory_space<hbm>> -> memref<512xi32, #tpu.memory_space<hbm>>
    %dma_start3A_12 = tpu.memref_slice %arg2[%dma_start3A_9, %mul3A_2] : memref<20x16384xi32, #tpu.memory_space<hbm>> -> memref<1x512xi32, #tpu.memory_space<hbm>>
    %dma_start3A_13 = tpu.memref_squeeze %dma_start3A_12 : memref<1x512xi32, #tpu.memory_space<hbm>> -> memref<512xi32, #tpu.memory_space<hbm>>
    tpu.enqueue_dma source(%dma_start3A_13 : memref<512xi32, #tpu.memory_space<hbm>>) target(%arg9 : memref<512xi32, #tpu.memory_space<vmem>>) target_semaphore(%arg15 : memref<!tpu.dma_semaphore, #tpu.memory_space<semaphore_mem>>)
    %scan3A = arith.constant 0 : i32
    %scan3A_14 = arith.constant 0 : i32
    %scan3A_15 = arith.constant 10 : i32
    %scan3A_16 = arith.addi %scan3A_14, %scan3A_15 : i32
    %scan3A_17 = arith.constant 1 : i32
    scf.for %scan3A_66 = %scan3A_14 to %scan3A_16 step %scan3A_17  : i32 {
      %mul3A_67 = arith.constant 2 : i32
      %mul3A_68 = arith.muli %mul3A_67, %scan3A_66 : i32
      %dma_wait3A_69 = arith.constant 0 : i32
      %dma_wait3A_70 = tpu.memref_slice %arg2[%dma_wait3A_69, %mul3A_2] : memref<20x16384xi32, #tpu.memory_space<hbm>> -> memref<1x512xi32, #tpu.memory_space<hbm>>
      %dma_wait3A_71 = tpu.memref_squeeze %dma_wait3A_70 : memref<1x512xi32, #tpu.memory_space<hbm>> -> memref<512xi32, #tpu.memory_space<hbm>>
      %dma_wait3A_72 = tpu.memref_slice %arg2[%dma_wait3A_69, %mul3A_2] : memref<20x16384xi32, #tpu.memory_space<hbm>> -> memref<1x512xi32, #tpu.memory_space<hbm>>
      %dma_wait3A_73 = tpu.memref_squeeze %dma_wait3A_72 : memref<1x512xi32, #tpu.memory_space<hbm>> -> memref<512xi32, #tpu.memory_space<hbm>>
      tpu.wait_dma2 semaphore(%arg14 : memref<!tpu.dma_semaphore, #tpu.memory_space<semaphore_mem>>) src(%dma_wait3A_73 : memref<512xi32, #tpu.memory_space<hbm>>) dst(%arg8 : memref<512xi32, #tpu.memory_space<vmem>>)
      %gt3A = arith.constant 0 : i32
      %gt3A_74 = arith.cmpi sgt, %scan3A_66, %gt3A : i32
      %convert_element_type3A = arith.extui %gt3A_74 : i1 to i32
      %cond3A = arith.constant 0 : i32
      %cond3A_75 = arith.cmpi ne, %convert_element_type3A, %cond3A : i32
      scf.if %cond3A_75 {
        %dma_wait3A_431 = arith.constant 0 : i32
        %dma_wait3A_432 = arith.constant 0 : i32
        %dma_wait3A_433 = arith.constant 0 : i32
        %dma_wait3A_434 = arith.constant 0 : i32
        %dma_wait3A_435 = arith.constant 0 : i32
        %dma_wait3A_436 = tpu.memref_slice %arg5[%dma_wait3A_431, %dma_wait3A_433, %dma_wait3A_432, %dma_wait3A_434, %dma_wait3A_435] : memref<20x8x128x8x128xf32, #tpu.memory_space<hbm>> -> memref<1x8x1x8x128xf32, #tpu.memory_space<hbm>>
        %dma_wait3A_437 = tpu.memref_squeeze %dma_wait3A_436 : memref<1x8x1x8x128xf32, #tpu.memory_space<hbm>> -> memref<8x8x128xf32, #tpu.memory_space<hbm>>
        %dma_wait3A_438 = arith.constant 0 : i32
        %dma_wait3A_439 = arith.constant 0 : i32
        %dma_wait3A_440 = arith.constant 0 : i32
        %dma_wait3A_441 = tpu.memref_slice %arg5[%dma_wait3A_431, %dma_wait3A_438, %dma_wait3A_432, %dma_wait3A_439, %dma_wait3A_440] : memref<20x8x128x8x128xf32, #tpu.memory_space<hbm>> -> memref<1x8x1x8x128xf32, #tpu.memory_space<hbm>>
        %dma_wait3A_442 = tpu.memref_squeeze %dma_wait3A_441 : memref<1x8x1x8x128xf32, #tpu.memory_space<hbm>> -> memref<8x8x128xf32, #tpu.memory_space<hbm>>
        tpu.wait_dma2 semaphore(%arg16 : memref<!tpu.dma_semaphore, #tpu.memory_space<semaphore_mem>>) src(%arg10 : memref<8x8x128xf32, #tpu.memory_space<vmem>>) dst(%dma_wait3A_442 : memref<8x8x128xf32, #tpu.memory_space<hbm>>)
      } else {
      }
      %mul3A_76 = arith.constant 8 : i32
      %mul3A_77 = arith.muli %mul3A_68, %mul3A_76 : i32
      %get3A = arith.constant 0 : index
      %get3A_78 = tpu.vector_load %arg8[%get3A] {strides = array<i32>} : memref<512xi32, #tpu.memory_space<vmem>>, vector<16xi32>,
      %get3A_79 = arith.constant 16 : index
      %get3A_80 = tpu.vector_load %arg8[%get3A_79] {strides = array<i32>} : memref<512xi32, #tpu.memory_space<vmem>>, vector<16xi32>,
      %get3A_81 = arith.constant 32 : index
      %get3A_82 = tpu.vector_load %arg8[%get3A_81] {strides = array<i32>} : memref<512xi32, #tpu.memory_space<vmem>>, vector<16xi32>,
      %get3A_83 = arith.constant 48 : index
      %get3A_84 = tpu.vector_load %arg8[%get3A_83] {strides = array<i32>} : memref<512xi32, #tpu.memory_space<vmem>>, vector<16xi32>,
      %get3A_85 = arith.constant 64 : index
      %get3A_86 = tpu.vector_load %arg8[%get3A_85] {strides = array<i32>} : memref<512xi32, #tpu.memory_space<vmem>>, vector<16xi32>,
      %get3A_87 = arith.constant 80 : index
      %get3A_88 = tpu.vector_load %arg8[%get3A_87] {strides = array<i32>} : memref<512xi32, #tpu.memory_space<vmem>>, vector<16xi32>,
      %get3A_89 = arith.constant 96 : index
      %get3A_90 = tpu.vector_load %arg8[%get3A_89] {strides = array<i32>} : memref<512xi32, #tpu.memory_space<vmem>>, vector<16xi32>,
      %get3A_91 = arith.constant 112 : index
      %get3A_92 = tpu.vector_load %arg8[%get3A_91] {strides = array<i32>} : memref<512xi32, #tpu.memory_space<vmem>>, vector<16xi32>,
      %parallel_loop3A = arith.constant 0 : i32
      %parallel_loop3A_93 = arith.constant 64 : i32
      %parallel_loop3A_94 = arith.constant 1 : i32
      %parallel_loop3A_95:8 = scf.for %parallel_loop3A_431 = %parallel_loop3A to %parallel_loop3A_93 step %parallel_loop3A_94 iter_args(%parallel_loop3A_432 = %get3A_78, %parallel_loop3A_433 = %get3A_80, %parallel_loop3A_434 = %get3A_82, %parallel_loop3A_435 = %get3A_84, %parallel_loop3A_436 = %get3A_86, %parallel_loop3A_437 = %get3A_88, %parallel_loop3A_438 = %get3A_90, %parallel_loop3A_439 = %get3A_92) -> (vector<16xi32>, vector<16xi32>, vector<16xi32>, vector<16xi32>, vector<16xi32>, vector<16xi32>, vector<16xi32>, vector<16xi32>)  : i32 {
        %parallel_loop3A_440 = arith.constant 8 : i32
        %parallel_loop3A_441 = arith.divsi %parallel_loop3A_431, %parallel_loop3A_440 : i32
        %parallel_loop3A_442 = arith.constant 0 : i32
        %parallel_loop3A_443 = arith.cmpi sgt, %parallel_loop3A_431, %parallel_loop3A_442 : i32
        %parallel_loop3A_444 = arith.extui %parallel_loop3A_443 : i1 to i32
        %parallel_loop3A_445 = arith.constant 0 : i32
        %parallel_loop3A_446 = arith.cmpi slt, %parallel_loop3A_431, %parallel_loop3A_445 : i32
        %parallel_loop3A_447 = arith.extui %parallel_loop3A_446 : i1 to i32
        %parallel_loop3A_448 = arith.subi %parallel_loop3A_444, %parallel_loop3A_447 : i32
        %parallel_loop3A_449 = arith.constant 0 : i32
        %parallel_loop3A_450 = arith.cmpi sgt, %parallel_loop3A_440, %parallel_loop3A_449 : i32
        %parallel_loop3A_451 = arith.extui %parallel_loop3A_450 : i1 to i32
        %parallel_loop3A_452 = arith.constant 0 : i32
        %parallel_loop3A_453 = arith.cmpi slt, %parallel_loop3A_440, %parallel_loop3A_452 : i32
        %parallel_loop3A_454 = arith.extui %parallel_loop3A_453 : i1 to i32
        %parallel_loop3A_455 = arith.subi %parallel_loop3A_451, %parallel_loop3A_454 : i32
        %parallel_loop3A_456 = arith.cmpi ne, %parallel_loop3A_448, %parallel_loop3A_455 : i32
        %parallel_loop3A_457 = arith.remsi %parallel_loop3A_431, %parallel_loop3A_440 : i32
        %parallel_loop3A_458 = arith.constant 0 : i32
        %parallel_loop3A_459 = arith.cmpi ne, %parallel_loop3A_457, %parallel_loop3A_458 : i32
        %parallel_loop3A_460 = arith.andi %parallel_loop3A_456, %parallel_loop3A_459 : i1
        %parallel_loop3A_461 = arith.constant 1 : i32
        %parallel_loop3A_462 = arith.subi %parallel_loop3A_441, %parallel_loop3A_461 : i32
        %parallel_loop3A_463 = arith.select %parallel_loop3A_460, %parallel_loop3A_462, %parallel_loop3A_441 : i32
        %parallel_loop3A_464 = arith.constant 8 : i32
        %parallel_loop3A_465 = arith.constant 0 : i32
        %parallel_loop3A_466 = arith.cmpi eq, %parallel_loop3A_464, %parallel_loop3A_465 : i32
        %parallel_loop3A_467 = arith.constant 1 : i32
        %parallel_loop3A_468 = arith.select %parallel_loop3A_466, %parallel_loop3A_467, %parallel_loop3A_464 : i32
        %parallel_loop3A_469 = arith.remsi %parallel_loop3A_431, %parallel_loop3A_468 : i32
        %parallel_loop3A_470 = arith.constant 0 : i32
        %parallel_loop3A_471 = arith.cmpi ne, %parallel_loop3A_469, %parallel_loop3A_470 : i32
        %parallel_loop3A_472 = arith.constant 0 : i32
        %parallel_loop3A_473 = arith.cmpi slt, %parallel_loop3A_469, %parallel_loop3A_472 : i32
        %parallel_loop3A_474 = arith.constant 0 : i32
        %parallel_loop3A_475 = arith.cmpi slt, %parallel_loop3A_468, %parallel_loop3A_474 : i32
        %parallel_loop3A_476 = arith.xori %parallel_loop3A_473, %parallel_loop3A_475 : i1
        %parallel_loop3A_477 = arith.andi %parallel_loop3A_476, %parallel_loop3A_471 : i1
        %parallel_loop3A_478 = arith.addi %parallel_loop3A_469, %parallel_loop3A_468 : i32
        %parallel_loop3A_479 = arith.select %parallel_loop3A_477, %parallel_loop3A_478, %parallel_loop3A_469 : i32
        %parallel_loop3A_480 = arith.addi %mul3A_77, %parallel_loop3A_463 : i32
        %parallel_loop3A_481 = arith.constant 16 : i32
        %parallel_loop3A_482 = arith.muli %parallel_loop3A_479, %parallel_loop3A_481 : i32
        %parallel_loop3A_483 = arith.index_cast %parallel_loop3A_480 : i32 to index
        %parallel_loop3A_484 = arith.index_cast %parallel_loop3A_482 : i32 to index
        %parallel_loop3A_485 = tpu.vector_load %arg7[%parallel_loop3A_483, %parallel_loop3A_484] {strides = array<i32>} : memref<160x128xf32, #tpu.memory_space<vmem>>, vector<16xf32>,
        %parallel_loop3A_486 = tpu.vector_load_idx %arg6[%parallel_loop3A_432] : memref<64000xf32, #tpu.memory_space<vmem>>[vector<16xi32>], vector<16xf32>,
        %parallel_loop3A_487 = arith.addf %parallel_loop3A_486, %parallel_loop3A_485 : vector<16xf32>
        %parallel_loop3A_488 = arith.index_cast %parallel_loop3A_463 : i32 to index
        %parallel_loop3A_489 = arith.index_cast %parallel_loop3A_479 : i32 to index
        %parallel_loop3A_490 = arith.constant 0 : index
        %parallel_loop3A_491 = tpu.vector_load %arg10[%parallel_loop3A_488, %parallel_loop3A_489, %parallel_loop3A_490] {strides = array<i32>} : memref<8x8x128xf32, #tpu.memory_space<vmem>>, vector<16xf32>,
        tpu.vector_store %arg10[%parallel_loop3A_488, %parallel_loop3A_489, %parallel_loop3A_490], %parallel_loop3A_487 {strides = array<i32>} : memref<8x8x128xf32, #tpu.memory_space<vmem>>, vector<16xf32>,
        %parallel_loop3A_492 = tpu.vector_load_idx %arg6[%parallel_loop3A_433] : memref<64000xf32, #tpu.memory_space<vmem>>[vector<16xi32>], vector<16xf32>,
        %parallel_loop3A_493 = arith.addf %parallel_loop3A_492, %parallel_loop3A_485 : vector<16xf32>
        %parallel_loop3A_494 = arith.index_cast %parallel_loop3A_463 : i32 to index
        %parallel_loop3A_495 = arith.index_cast %parallel_loop3A_479 : i32 to index
        %parallel_loop3A_496 = arith.constant 16 : index
        %parallel_loop3A_497 = tpu.vector_load %arg10[%parallel_loop3A_494, %parallel_loop3A_495, %parallel_loop3A_496] {strides = array<i32>} : memref<8x8x128xf32, #tpu.memory_space<vmem>>, vector<16xf32>,
        tpu.vector_store %arg10[%parallel_loop3A_494, %parallel_loop3A_495, %parallel_loop3A_496], %parallel_loop3A_493 {strides = array<i32>} : memref<8x8x128xf32, #tpu.memory_space<vmem>>, vector<16xf32>,
        %parallel_loop3A_498 = tpu.vector_load_idx %arg6[%parallel_loop3A_434] : memref<64000xf32, #tpu.memory_space<vmem>>[vector<16xi32>], vector<16xf32>,
        %parallel_loop3A_499 = arith.addf %parallel_loop3A_498, %parallel_loop3A_485 : vector<16xf32>
        %parallel_loop3A_500 = arith.index_cast %parallel_loop3A_463 : i32 to index
        %parallel_loop3A_501 = arith.index_cast %parallel_loop3A_479 : i32 to index
        %parallel_loop3A_502 = arith.constant 32 : index
        %parallel_loop3A_503 = tpu.vector_load %arg10[%parallel_loop3A_500, %parallel_loop3A_501, %parallel_loop3A_502] {strides = array<i32>} : memref<8x8x128xf32, #tpu.memory_space<vmem>>, vector<16xf32>,
        tpu.vector_store %arg10[%parallel_loop3A_500, %parallel_loop3A_501, %parallel_loop3A_502], %parallel_loop3A_499 {strides = array<i32>} : memref<8x8x128xf32, #tpu.memory_space<vmem>>, vector<16xf32>,
        %parallel_loop3A_504 = tpu.vector_load_idx %arg6[%parallel_loop3A_435] : memref<64000xf32, #tpu.memory_space<vmem>>[vector<16xi32>], vector<16xf32>,
        %parallel_loop3A_505 = arith.addf %parallel_loop3A_504, %parallel_loop3A_485 : vector<16xf32>
        %parallel_loop3A_506 = arith.index_cast %parallel_loop3A_463 : i32 to index
        %parallel_loop3A_507 = arith.index_cast %parallel_loop3A_479 : i32 to index
        %parallel_loop3A_508 = arith.constant 48 : index
        %parallel_loop3A_509 = tpu.vector_load %arg10[%parallel_loop3A_506, %parallel_loop3A_507, %parallel_loop3A_508] {strides = array<i32>} : memref<8x8x128xf32, #tpu.memory_space<vmem>>, vector<16xf32>,
        tpu.vector_store %arg10[%parallel_loop3A_506, %parallel_loop3A_507, %parallel_loop3A_508], %parallel_loop3A_505 {strides = array<i32>} : memref<8x8x128xf32, #tpu.memory_space<vmem>>, vector<16xf32>,
        %parallel_loop3A_510 = tpu.vector_load_idx %arg6[%parallel_loop3A_436] : memref<64000xf32, #tpu.memory_space<vmem>>[vector<16xi32>], vector<16xf32>,
        %parallel_loop3A_511 = arith.addf %parallel_loop3A_510, %parallel_loop3A_485 : vector<16xf32>
        %parallel_loop3A_512 = arith.index_cast %parallel_loop3A_463 : i32 to index
        %parallel_loop3A_513 = arith.index_cast %parallel_loop3A_479 : i32 to index
        %parallel_loop3A_514 = arith.constant 64 : index
        %parallel_loop3A_515 = tpu.vector_load %arg10[%parallel_loop3A_512, %parallel_loop3A_513, %parallel_loop3A_514] {strides = array<i32>} : memref<8x8x128xf32, #tpu.memory_space<vmem>>, vector<16xf32>,
        tpu.vector_store %arg10[%parallel_loop3A_512, %parallel_loop3A_513, %parallel_loop3A_514], %parallel_loop3A_511 {strides = array<i32>} : memref<8x8x128xf32, #tpu.memory_space<vmem>>, vector<16xf32>,
        %parallel_loop3A_516 = tpu.vector_load_idx %arg6[%parallel_loop3A_437] : memref<64000xf32, #tpu.memory_space<vmem>>[vector<16xi32>], vector<16xf32>,
        %parallel_loop3A_517 = arith.addf %parallel_loop3A_516, %parallel_loop3A_485 : vector<16xf32>
        %parallel_loop3A_518 = arith.index_cast %parallel_loop3A_463 : i32 to index
        %parallel_loop3A_519 = arith.index_cast %parallel_loop3A_479 : i32 to index
        %parallel_loop3A_520 = arith.constant 80 : index
        %parallel_loop3A_521 = tpu.vector_load %arg10[%parallel_loop3A_518, %parallel_loop3A_519, %parallel_loop3A_520] {strides = array<i32>} : memref<8x8x128xf32, #tpu.memory_space<vmem>>, vector<16xf32>,
        tpu.vector_store %arg10[%parallel_loop3A_518, %parallel_loop3A_519, %parallel_loop3A_520], %parallel_loop3A_517 {strides = array<i32>} : memref<8x8x128xf32, #tpu.memory_space<vmem>>, vector<16xf32>,
        %parallel_loop3A_522 = tpu.vector_load_idx %arg6[%parallel_loop3A_438] : memref<64000xf32, #tpu.memory_space<vmem>>[vector<16xi32>], vector<16xf32>,
        %parallel_loop3A_523 = arith.addf %parallel_loop3A_522, %parallel_loop3A_485 : vector<16xf32>
        %parallel_loop3A_524 = arith.index_cast %parallel_loop3A_463 : i32 to index
        %parallel_loop3A_525 = arith.index_cast %parallel_loop3A_479 : i32 to index
        %parallel_loop3A_526 = arith.constant 96 : index
        %parallel_loop3A_527 = tpu.vector_load %arg10[%parallel_loop3A_524, %parallel_loop3A_525, %parallel_loop3A_526] {strides = array<i32>} : memref<8x8x128xf32, #tpu.memory_space<vmem>>, vector<16xf32>,
        tpu.vector_store %arg10[%parallel_loop3A_524, %parallel_loop3A_525, %parallel_loop3A_526], %parallel_loop3A_523 {strides = array<i32>} : memref<8x8x128xf32, #tpu.memory_space<vmem>>, vector<16xf32>,
        %parallel_loop3A_528 = tpu.vector_load_idx %arg6[%parallel_loop3A_439] : memref<64000xf32, #tpu.memory_space<vmem>>[vector<16xi32>], vector<16xf32>,
        %parallel_loop3A_529 = arith.addf %parallel_loop3A_528, %parallel_loop3A_485 : vector<16xf32>
        %parallel_loop3A_530 = arith.index_cast %parallel_loop3A_463 : i32 to index
        %parallel_loop3A_531 = arith.index_cast %parallel_loop3A_479 : i32 to index
        %parallel_loop3A_532 = arith.constant 112 : index
        %parallel_loop3A_533 = tpu.vector_load %arg10[%parallel_loop3A_530, %parallel_loop3A_531, %parallel_loop3A_532] {strides = array<i32>} : memref<8x8x128xf32, #tpu.memory_space<vmem>>, vector<16xf32>,
        tpu.vector_store %arg10[%parallel_loop3A_530, %parallel_loop3A_531, %parallel_loop3A_532], %parallel_loop3A_529 {strides = array<i32>} : memref<8x8x128xf32, #tpu.memory_space<vmem>>, vector<16xf32>,
        %parallel_loop3A_534 = arith.constant 1000 : i32
        %parallel_loop3A_535 = vector.broadcast %parallel_loop3A_534 : i32 to vector<16xi32>
        %parallel_loop3A_536 = arith.addi %parallel_loop3A_432, %parallel_loop3A_535 : vector<16xi32>
        %parallel_loop3A_537 = arith.constant 1000 : i32
        %parallel_loop3A_538 = vector.broadcast %parallel_loop3A_537 : i32 to vector<16xi32>
        %parallel_loop3A_539 = arith.addi %parallel_loop3A_433, %parallel_loop3A_538 : vector<16xi32>
        %parallel_loop3A_540 = arith.constant 1000 : i32
        %parallel_loop3A_541 = vector.broadcast %parallel_loop3A_540 : i32 to vector<16xi32>
        %parallel_loop3A_542 = arith.addi %parallel_loop3A_434, %parallel_loop3A_541 : vector<16xi32>
        %parallel_loop3A_543 = arith.constant 1000 : i32
        %parallel_loop3A_544 = vector.broadcast %parallel_loop3A_543 : i32 to vector<16xi32>
        %parallel_loop3A_545 = arith.addi %parallel_loop3A_435, %parallel_loop3A_544 : vector<16xi32>
        %parallel_loop3A_546 = arith.constant 1000 : i32
        %parallel_loop3A_547 = vector.broadcast %parallel_loop3A_546 : i32 to vector<16xi32>
        %parallel_loop3A_548 = arith.addi %parallel_loop3A_436, %parallel_loop3A_547 : vector<16xi32>
        %parallel_loop3A_549 = arith.constant 1000 : i32
        %parallel_loop3A_550 = vector.broadcast %parallel_loop3A_549 : i32 to vector<16xi32>
        %parallel_loop3A_551 = arith.addi %parallel_loop3A_437, %parallel_loop3A_550 : vector<16xi32>
        %parallel_loop3A_552 = arith.constant 1000 : i32
        %parallel_loop3A_553 = vector.broadcast %parallel_loop3A_552 : i32 to vector<16xi32>
        %parallel_loop3A_554 = arith.addi %parallel_loop3A_438, %parallel_loop3A_553 : vector<16xi32>
        %parallel_loop3A_555 = arith.constant 1000 : i32
        %parallel_loop3A_556 = vector.broadcast %parallel_loop3A_555 : i32 to vector<16xi32>
        %parallel_loop3A_557 = arith.addi %parallel_loop3A_439, %parallel_loop3A_556 : vector<16xi32>
        scf.yield %parallel_loop3A_536, %parallel_loop3A_539, %parallel_loop3A_542, %parallel_loop3A_545, %parallel_loop3A_548, %parallel_loop3A_551, %parallel_loop3A_554, %parallel_loop3A_557 : vector<16xi32>, vector<16xi32>, vector<16xi32>, vector<16xi32>, vector<16xi32>, vector<16xi32>, vector<16xi32>, vector<16xi32>
      } {sc.loop_unroll_factor = 4 : i64, sc.parallel_access}
      %add3A_96 = arith.constant 0 : i32
      %add3A_97 = arith.addi %mul3A_4, %add3A_96 : i32
      %dma_start3A_98 = arith.constant 0 : i32
      %dma_start3A_99 = arith.constant 0 : i32
      %dma_start3A_100 = arith.constant 0 : i32
      %dma_start3A_101 = tpu.memref_slice %arg5[%mul3A_68, %dma_start3A_98, %add3A_97, %dma_start3A_99, %dma_start3A_100] : memref<20x8x128x8x128xf32, #tpu.memory_space<hbm>> -> memref<1x8x1x8x128xf32, #tpu.memory_space<hbm>>
      %dma_start3A_102 = tpu.memref_squeeze %dma_start3A_101 : memref<1x8x1x8x128xf32, #tpu.memory_space<hbm>> -> memref<8x8x128xf32, #tpu.memory_space<hbm>>
      %dma_start3A_103 = arith.constant 0 : i32
      %dma_start3A_104 = arith.constant 0 : i32
      %dma_start3A_105 = arith.constant 0 : i32
      %dma_start3A_106 = tpu.memref_slice %arg5[%mul3A_68, %dma_start3A_103, %add3A_97, %dma_start3A_104, %dma_start3A_105] : memref<20x8x128x8x128xf32, #tpu.memory_space<hbm>> -> memref<1x8x1x8x128xf32, #tpu.memory_space<hbm>>
      %dma_start3A_107 = tpu.memref_squeeze %dma_start3A_106 : memref<1x8x1x8x128xf32, #tpu.memory_space<hbm>> -> memref<8x8x128xf32, #tpu.memory_space<hbm>>
      tpu.enqueue_dma source(%arg10 : memref<8x8x128xf32, #tpu.memory_space<vmem>>) target(%dma_start3A_107 : memref<8x8x128xf32, #tpu.memory_space<hbm>>) target_semaphore(%arg16 : memref<!tpu.dma_semaphore, #tpu.memory_space<semaphore_mem>>)
      %gt3A_108 = arith.constant 0 : i32
      %gt3A_109 = arith.cmpi sgt, %scan3A_66, %gt3A_108 : i32
      %convert_element_type3A_110 = arith.extui %gt3A_109 : i1 to i32
      %cond3A_111 = arith.constant 0 : i32
      %cond3A_112 = arith.cmpi ne, %convert_element_type3A_110, %cond3A_111 : i32
      scf.if %cond3A_112 {
        %dma_wait3A_431 = arith.constant 0 : i32
        %dma_wait3A_432 = arith.constant 0 : i32
        %dma_wait3A_433 = arith.constant 0 : i32
        %dma_wait3A_434 = arith.constant 0 : i32
        %dma_wait3A_435 = arith.constant 0 : i32
        %dma_wait3A_436 = tpu.memref_slice %arg5[%dma_wait3A_431, %dma_wait3A_433, %dma_wait3A_432, %dma_wait3A_434, %dma_wait3A_435] : memref<20x8x128x8x128xf32, #tpu.memory_space<hbm>> -> memref<1x8x1x8x128xf32, #tpu.memory_space<hbm>>
        %dma_wait3A_437 = tpu.memref_squeeze %dma_wait3A_436 : memref<1x8x1x8x128xf32, #tpu.memory_space<hbm>> -> memref<8x8x128xf32, #tpu.memory_space<hbm>>
        %dma_wait3A_438 = arith.constant 0 : i32
        %dma_wait3A_439 = arith.constant 0 : i32
        %dma_wait3A_440 = arith.constant 0 : i32
        %dma_wait3A_441 = tpu.memref_slice %arg5[%dma_wait3A_431, %dma_wait3A_438, %dma_wait3A_432, %dma_wait3A_439, %dma_wait3A_440] : memref<20x8x128x8x128xf32, #tpu.memory_space<hbm>> -> memref<1x8x1x8x128xf32, #tpu.memory_space<hbm>>
        %dma_wait3A_442 = tpu.memref_squeeze %dma_wait3A_441 : memref<1x8x1x8x128xf32, #tpu.memory_space<hbm>> -> memref<8x8x128xf32, #tpu.memory_space<hbm>>
        tpu.wait_dma2 semaphore(%arg17 : memref<!tpu.dma_semaphore, #tpu.memory_space<semaphore_mem>>) src(%arg11 : memref<8x8x128xf32, #tpu.memory_space<vmem>>) dst(%dma_wait3A_442 : memref<8x8x128xf32, #tpu.memory_space<hbm>>)
      } else {
      }
      %mul3A_113 = arith.constant 8 : i32
      %mul3A_114 = arith.muli %mul3A_68, %mul3A_113 : i32
      %get3A_115 = arith.constant 128 : index
      %get3A_116 = tpu.vector_load %arg8[%get3A_115] {strides = array<i32>} : memref<512xi32, #tpu.memory_space<vmem>>, vector<16xi32>,
      %get3A_117 = arith.constant 144 : index
      %get3A_118 = tpu.vector_load %arg8[%get3A_117] {strides = array<i32>} : memref<512xi32, #tpu.memory_space<vmem>>, vector<16xi32>,
      %get3A_119 = arith.constant 160 : index
      %get3A_120 = tpu.vector_load %arg8[%get3A_119] {strides = array<i32>} : memref<512xi32, #tpu.memory_space<vmem>>, vector<16xi32>,
      %get3A_121 = arith.constant 176 : index
      %get3A_122 = tpu.vector_load %arg8[%get3A_121] {strides = array<i32>} : memref<512xi32, #tpu.memory_space<vmem>>, vector<16xi32>,
      %get3A_123 = arith.constant 192 : index
      %get3A_124 = tpu.vector_load %arg8[%get3A_123] {strides = array<i32>} : memref<512xi32, #tpu.memory_space<vmem>>, vector<16xi32>,
      %get3A_125 = arith.constant 208 : index
      %get3A_126 = tpu.vector_load %arg8[%get3A_125] {strides = array<i32>} : memref<512xi32, #tpu.memory_space<vmem>>, vector<16xi32>,
      %get3A_127 = arith.constant 224 : index
      %get3A_128 = tpu.vector_load %arg8[%get3A_127] {strides = array<i32>} : memref<512xi32, #tpu.memory_space<vmem>>, vector<16xi32>,
      %get3A_129 = arith.constant 240 : index
      %get3A_130 = tpu.vector_load %arg8[%get3A_129] {strides = array<i32>} : memref<512xi32, #tpu.memory_space<vmem>>, vector<16xi32>,
      %parallel_loop3A_131 = arith.constant 0 : i32
      %parallel_loop3A_132 = arith.constant 64 : i32
      %parallel_loop3A_133 = arith.constant 1 : i32
      %parallel_loop3A_134:8 = scf.for %parallel_loop3A_431 = %parallel_loop3A_131 to %parallel_loop3A_132 step %parallel_loop3A_133 iter_args(%parallel_loop3A_432 = %get3A_116, %parallel_loop3A_433 = %get3A_118, %parallel_loop3A_434 = %get3A_120, %parallel_loop3A_435 = %get3A_122, %parallel_loop3A_436 = %get3A_124, %parallel_loop3A_437 = %get3A_126, %parallel_loop3A_438 = %get3A_128, %parallel_loop3A_439 = %get3A_130) -> (vector<16xi32>, vector<16xi32>, vector<16xi32>, vector<16xi32>, vector<16xi32>, vector<16xi32>, vector<16xi32>, vector<16xi32>)  : i32 {
        %parallel_loop3A_440 = arith.constant 8 : i32
        %parallel_loop3A_441 = arith.divsi %parallel_loop3A_431, %parallel_loop3A_440 : i32
        %parallel_loop3A_442 = arith.constant 0 : i32
        %parallel_loop3A_443 = arith.cmpi sgt, %parallel_loop3A_431, %parallel_loop3A_442 : i32
        %parallel_loop3A_444 = arith.extui %parallel_loop3A_443 : i1 to i32
        %parallel_loop3A_445 = arith.constant 0 : i32
        %parallel_loop3A_446 = arith.cmpi slt, %parallel_loop3A_431, %parallel_loop3A_445 : i32
        %parallel_loop3A_447 = arith.extui %parallel_loop3A_446 : i1 to i32
        %parallel_loop3A_448 = arith.subi %parallel_loop3A_444, %parallel_loop3A_447 : i32
        %parallel_loop3A_449 = arith.constant 0 : i32
        %parallel_loop3A_450 = arith.cmpi sgt, %parallel_loop3A_440, %parallel_loop3A_449 : i32
        %parallel_loop3A_451 = arith.extui %parallel_loop3A_450 : i1 to i32
        %parallel_loop3A_452 = arith.constant 0 : i32
        %parallel_loop3A_453 = arith.cmpi slt, %parallel_loop3A_440, %parallel_loop3A_452 : i32
        %parallel_loop3A_454 = arith.extui %parallel_loop3A_453 : i1 to i32
        %parallel_loop3A_455 = arith.subi %parallel_loop3A_451, %parallel_loop3A_454 : i32
        %parallel_loop3A_456 = arith.cmpi ne, %parallel_loop3A_448, %parallel_loop3A_455 : i32
        %parallel_loop3A_457 = arith.remsi %parallel_loop3A_431, %parallel_loop3A_440 : i32
        %parallel_loop3A_458 = arith.constant 0 : i32
        %parallel_loop3A_459 = arith.cmpi ne, %parallel_loop3A_457, %parallel_loop3A_458 : i32
        %parallel_loop3A_460 = arith.andi %parallel_loop3A_456, %parallel_loop3A_459 : i1
        %parallel_loop3A_461 = arith.constant 1 : i32
        %parallel_loop3A_462 = arith.subi %parallel_loop3A_441, %parallel_loop3A_461 : i32
        %parallel_loop3A_463 = arith.select %parallel_loop3A_460, %parallel_loop3A_462, %parallel_loop3A_441 : i32
        %parallel_loop3A_464 = arith.constant 8 : i32
        %parallel_loop3A_465 = arith.constant 0 : i32
        %parallel_loop3A_466 = arith.cmpi eq, %parallel_loop3A_464, %parallel_loop3A_465 : i32
        %parallel_loop3A_467 = arith.constant 1 : i32
        %parallel_loop3A_468 = arith.select %parallel_loop3A_466, %parallel_loop3A_467, %parallel_loop3A_464 : i32
        %parallel_loop3A_469 = arith.remsi %parallel_loop3A_431, %parallel_loop3A_468 : i32
        %parallel_loop3A_470 = arith.constant 0 : i32
        %parallel_loop3A_471 = arith.cmpi ne, %parallel_loop3A_469, %parallel_loop3A_470 : i32
        %parallel_loop3A_472 = arith.constant 0 : i32
        %parallel_loop3A_473 = arith.cmpi slt, %parallel_loop3A_469, %parallel_loop3A_472 : i32
        %parallel_loop3A_474 = arith.constant 0 : i32
        %parallel_loop3A_475 = arith.cmpi slt, %parallel_loop3A_468, %parallel_loop3A_474 : i32
        %parallel_loop3A_476 = arith.xori %parallel_loop3A_473, %parallel_loop3A_475 : i1
        %parallel_loop3A_477 = arith.andi %parallel_loop3A_476, %parallel_loop3A_471 : i1
        %parallel_loop3A_478 = arith.addi %parallel_loop3A_469, %parallel_loop3A_468 : i32
        %parallel_loop3A_479 = arith.select %parallel_loop3A_477, %parallel_loop3A_478, %parallel_loop3A_469 : i32
        %parallel_loop3A_480 = arith.addi %mul3A_114, %parallel_loop3A_463 : i32
        %parallel_loop3A_481 = arith.constant 16 : i32
        %parallel_loop3A_482 = arith.muli %parallel_loop3A_479, %parallel_loop3A_481 : i32
        %parallel_loop3A_483 = arith.index_cast %parallel_loop3A_480 : i32 to index
        %parallel_loop3A_484 = arith.index_cast %parallel_loop3A_482 : i32 to index
        %parallel_loop3A_485 = tpu.vector_load %arg7[%parallel_loop3A_483, %parallel_loop3A_484] {strides = array<i32>} : memref<160x128xf32, #tpu.memory_space<vmem>>, vector<16xf32>,
        %parallel_loop3A_486 = tpu.vector_load_idx %arg6[%parallel_loop3A_432] : memref<64000xf32, #tpu.memory_space<vmem>>[vector<16xi32>], vector<16xf32>,
        %parallel_loop3A_487 = arith.addf %parallel_loop3A_486, %parallel_loop3A_485 : vector<16xf32>
        %parallel_loop3A_488 = arith.index_cast %parallel_loop3A_463 : i32 to index
        %parallel_loop3A_489 = arith.index_cast %parallel_loop3A_479 : i32 to index
        %parallel_loop3A_490 = arith.constant 0 : index
        %parallel_loop3A_491 = tpu.vector_load %arg11[%parallel_loop3A_488, %parallel_loop3A_489, %parallel_loop3A_490] {strides = array<i32>} : memref<8x8x128xf32, #tpu.memory_space<vmem>>, vector<16xf32>,
        tpu.vector_store %arg11[%parallel_loop3A_488, %parallel_loop3A_489, %parallel_loop3A_490], %parallel_loop3A_487 {strides = array<i32>} : memref<8x8x128xf32, #tpu.memory_space<vmem>>, vector<16xf32>,
        %parallel_loop3A_492 = tpu.vector_load_idx %arg6[%parallel_loop3A_433] : memref<64000xf32, #tpu.memory_space<vmem>>[vector<16xi32>], vector<16xf32>,
        %parallel_loop3A_493 = arith.addf %parallel_loop3A_492, %parallel_loop3A_485 : vector<16xf32>
        %parallel_loop3A_494 = arith.index_cast %parallel_loop3A_463 : i32 to index
        %parallel_loop3A_495 = arith.index_cast %parallel_loop3A_479 : i32 to index
        %parallel_loop3A_496 = arith.constant 16 : index
        %parallel_loop3A_497 = tpu.vector_load %arg11[%parallel_loop3A_494, %parallel_loop3A_495, %parallel_loop3A_496] {strides = array<i32>} : memref<8x8x128xf32, #tpu.memory_space<vmem>>, vector<16xf32>,
        tpu.vector_store %arg11[%parallel_loop3A_494, %parallel_loop3A_495, %parallel_loop3A_496], %parallel_loop3A_493 {strides = array<i32>} : memref<8x8x128xf32, #tpu.memory_space<vmem>>, vector<16xf32>,
        %parallel_loop3A_498 = tpu.vector_load_idx %arg6[%parallel_loop3A_434] : memref<64000xf32, #tpu.memory_space<vmem>>[vector<16xi32>], vector<16xf32>,
        %parallel_loop3A_499 = arith.addf %parallel_loop3A_498, %parallel_loop3A_485 : vector<16xf32>
        %parallel_loop3A_500 = arith.index_cast %parallel_loop3A_463 : i32 to index
        %parallel_loop3A_501 = arith.index_cast %parallel_loop3A_479 : i32 to index
        %parallel_loop3A_502 = arith.constant 32 : index
        %parallel_loop3A_503 = tpu.vector_load %arg11[%parallel_loop3A_500, %parallel_loop3A_501, %parallel_loop3A_502] {strides = array<i32>} : memref<8x8x128xf32, #tpu.memory_space<vmem>>, vector<16xf32>,
        tpu.vector_store %arg11[%parallel_loop3A_500, %parallel_loop3A_501, %parallel_loop3A_502], %parallel_loop3A_499 {strides = array<i32>} : memref<8x8x128xf32, #tpu.memory_space<vmem>>, vector<16xf32>,
        %parallel_loop3A_504 = tpu.vector_load_idx %arg6[%parallel_loop3A_435] : memref<64000xf32, #tpu.memory_space<vmem>>[vector<16xi32>], vector<16xf32>,
        %parallel_loop3A_505 = arith.addf %parallel_loop3A_504, %parallel_loop3A_485 : vector<16xf32>
        %parallel_loop3A_506 = arith.index_cast %parallel_loop3A_463 : i32 to index
        %parallel_loop3A_507 = arith.index_cast %parallel_loop3A_479 : i32 to index
        %parallel_loop3A_508 = arith.constant 48 : index
        %parallel_loop3A_509 = tpu.vector_load %arg11[%parallel_loop3A_506, %parallel_loop3A_507, %parallel_loop3A_508] {strides = array<i32>} : memref<8x8x128xf32, #tpu.memory_space<vmem>>, vector<16xf32>,
        tpu.vector_store %arg11[%parallel_loop3A_506, %parallel_loop3A_507, %parallel_loop3A_508], %parallel_loop3A_505 {strides = array<i32>} : memref<8x8x128xf32, #tpu.memory_space<vmem>>, vector<16xf32>,
        %parallel_loop3A_510 = tpu.vector_load_idx %arg6[%parallel_loop3A_436] : memref<64000xf32, #tpu.memory_space<vmem>>[vector<16xi32>], vector<16xf32>,
        %parallel_loop3A_511 = arith.addf %parallel_loop3A_510, %parallel_loop3A_485 : vector<16xf32>
        %parallel_loop3A_512 = arith.index_cast %parallel_loop3A_463 : i32 to index
        %parallel_loop3A_513 = arith.index_cast %parallel_loop3A_479 : i32 to index
        %parallel_loop3A_514 = arith.constant 64 : index
        %parallel_loop3A_515 = tpu.vector_load %arg11[%parallel_loop3A_512, %parallel_loop3A_513, %parallel_loop3A_514] {strides = array<i32>} : memref<8x8x128xf32, #tpu.memory_space<vmem>>, vector<16xf32>,
        tpu.vector_store %arg11[%parallel_loop3A_512, %parallel_loop3A_513, %parallel_loop3A_514], %parallel_loop3A_511 {strides = array<i32>} : memref<8x8x128xf32, #tpu.memory_space<vmem>>, vector<16xf32>,
        %parallel_loop3A_516 = tpu.vector_load_idx %arg6[%parallel_loop3A_437] : memref<64000xf32, #tpu.memory_space<vmem>>[vector<16xi32>], vector<16xf32>,
        %parallel_loop3A_517 = arith.addf %parallel_loop3A_516, %parallel_loop3A_485 : vector<16xf32>
        %parallel_loop3A_518 = arith.index_cast %parallel_loop3A_463 : i32 to index
        %parallel_loop3A_519 = arith.index_cast %parallel_loop3A_479 : i32 to index
        %parallel_loop3A_520 = arith.constant 80 : index
        %parallel_loop3A_521 = tpu.vector_load %arg11[%parallel_loop3A_518, %parallel_loop3A_519, %parallel_loop3A_520] {strides = array<i32>} : memref<8x8x128xf32, #tpu.memory_space<vmem>>, vector<16xf32>,
        tpu.vector_store %arg11[%parallel_loop3A_518, %parallel_loop3A_519, %parallel_loop3A_520], %parallel_loop3A_517 {strides = array<i32>} : memref<8x8x128xf32, #tpu.memory_space<vmem>>, vector<16xf32>,
        %parallel_loop3A_522 = tpu.vector_load_idx %arg6[%parallel_loop3A_438] : memref<64000xf32, #tpu.memory_space<vmem>>[vector<16xi32>], vector<16xf32>,
        %parallel_loop3A_523 = arith.addf %parallel_loop3A_522, %parallel_loop3A_485 : vector<16xf32>
        %parallel_loop3A_524 = arith.index_cast %parallel_loop3A_463 : i32 to index
        %parallel_loop3A_525 = arith.index_cast %parallel_loop3A_479 : i32 to index
        %parallel_loop3A_526 = arith.constant 96 : index
        %parallel_loop3A_527 = tpu.vector_load %arg11[%parallel_loop3A_524, %parallel_loop3A_525, %parallel_loop3A_526] {strides = array<i32>} : memref<8x8x128xf32, #tpu.memory_space<vmem>>, vector<16xf32>,
        tpu.vector_store %arg11[%parallel_loop3A_524, %parallel_loop3A_525, %parallel_loop3A_526], %parallel_loop3A_523 {strides = array<i32>} : memref<8x8x128xf32, #tpu.memory_space<vmem>>, vector<16xf32>,
        %parallel_loop3A_528 = tpu.vector_load_idx %arg6[%parallel_loop3A_439] : memref<64000xf32, #tpu.memory_space<vmem>>[vector<16xi32>], vector<16xf32>,
        %parallel_loop3A_529 = arith.addf %parallel_loop3A_528, %parallel_loop3A_485 : vector<16xf32>
        %parallel_loop3A_530 = arith.index_cast %parallel_loop3A_463 : i32 to index
        %parallel_loop3A_531 = arith.index_cast %parallel_loop3A_479 : i32 to index
        %parallel_loop3A_532 = arith.constant 112 : index
        %parallel_loop3A_533 = tpu.vector_load %arg11[%parallel_loop3A_530, %parallel_loop3A_531, %parallel_loop3A_532] {strides = array<i32>} : memref<8x8x128xf32, #tpu.memory_space<vmem>>, vector<16xf32>,
        tpu.vector_store %arg11[%parallel_loop3A_530, %parallel_loop3A_531, %parallel_loop3A_532], %parallel_loop3A_529 {strides = array<i32>} : memref<8x8x128xf32, #tpu.memory_space<vmem>>, vector<16xf32>,
        %parallel_loop3A_534 = arith.constant 1000 : i32
        %parallel_loop3A_535 = vector.broadcast %parallel_loop3A_534 : i32 to vector<16xi32>
        %parallel_loop3A_536 = arith.addi %parallel_loop3A_432, %parallel_loop3A_535 : vector<16xi32>
        %parallel_loop3A_537 = arith.constant 1000 : i32
        %parallel_loop3A_538 = vector.broadcast %parallel_loop3A_537 : i32 to vector<16xi32>
        %parallel_loop3A_539 = arith.addi %parallel_loop3A_433, %parallel_loop3A_538 : vector<16xi32>
        %parallel_loop3A_540 = arith.constant 1000 : i32
        %parallel_loop3A_541 = vector.broadcast %parallel_loop3A_540 : i32 to vector<16xi32>
        %parallel_loop3A_542 = arith.addi %parallel_loop3A_434, %parallel_loop3A_541 : vector<16xi32>
        %parallel_loop3A_543 = arith.constant 1000 : i32
        %parallel_loop3A_544 = vector.broadcast %parallel_loop3A_543 : i32 to vector<16xi32>
        %parallel_loop3A_545 = arith.addi %parallel_loop3A_435, %parallel_loop3A_544 : vector<16xi32>
        %parallel_loop3A_546 = arith.constant 1000 : i32
        %parallel_loop3A_547 = vector.broadcast %parallel_loop3A_546 : i32 to vector<16xi32>
        %parallel_loop3A_548 = arith.addi %parallel_loop3A_436, %parallel_loop3A_547 : vector<16xi32>
        %parallel_loop3A_549 = arith.constant 1000 : i32
        %parallel_loop3A_550 = vector.broadcast %parallel_loop3A_549 : i32 to vector<16xi32>
        %parallel_loop3A_551 = arith.addi %parallel_loop3A_437, %parallel_loop3A_550 : vector<16xi32>
        %parallel_loop3A_552 = arith.constant 1000 : i32
        %parallel_loop3A_553 = vector.broadcast %parallel_loop3A_552 : i32 to vector<16xi32>
        %parallel_loop3A_554 = arith.addi %parallel_loop3A_438, %parallel_loop3A_553 : vector<16xi32>
        %parallel_loop3A_555 = arith.constant 1000 : i32
        %parallel_loop3A_556 = vector.broadcast %parallel_loop3A_555 : i32 to vector<16xi32>
        %parallel_loop3A_557 = arith.addi %parallel_loop3A_439, %parallel_loop3A_556 : vector<16xi32>
        scf.yield %parallel_loop3A_536, %parallel_loop3A_539, %parallel_loop3A_542, %parallel_loop3A_545, %parallel_loop3A_548, %parallel_loop3A_551, %parallel_loop3A_554, %parallel_loop3A_557 : vector<16xi32>, vector<16xi32>, vector<16xi32>, vector<16xi32>, vector<16xi32>, vector<16xi32>, vector<16xi32>, vector<16xi32>
      } {sc.loop_unroll_factor = 4 : i64, sc.parallel_access}
      %add3A_135 = arith.constant 1 : i32
      %add3A_136 = arith.addi %mul3A_4, %add3A_135 : i32
      %dma_start3A_137 = arith.constant 0 : i32
      %dma_start3A_138 = arith.constant 0 : i32
      %dma_start3A_139 = arith.constant 0 : i32
      %dma_start3A_140 = tpu.memref_slice %arg5[%mul3A_68, %dma_start3A_137, %add3A_136, %dma_start3A_138, %dma_start3A_139] : memref<20x8x128x8x128xf32, #tpu.memory_space<hbm>> -> memref<1x8x1x8x128xf32, #tpu.memory_space<hbm>>
      %dma_start3A_141 = tpu.memref_squeeze %dma_start3A_140 : memref<1x8x1x8x128xf32, #tpu.memory_space<hbm>> -> memref<8x8x128xf32, #tpu.memory_space<hbm>>
      %dma_start3A_142 = arith.constant 0 : i32
      %dma_start3A_143 = arith.constant 0 : i32
      %dma_start3A_144 = arith.constant 0 : i32
      %dma_start3A_145 = tpu.memref_slice %arg5[%mul3A_68, %dma_start3A_142, %add3A_136, %dma_start3A_143, %dma_start3A_144] : memref<20x8x128x8x128xf32, #tpu.memory_space<hbm>> -> memref<1x8x1x8x128xf32, #tpu.memory_space<hbm>>
      %dma_start3A_146 = tpu.memref_squeeze %dma_start3A_145 : memref<1x8x1x8x128xf32, #tpu.memory_space<hbm>> -> memref<8x8x128xf32, #tpu.memory_space<hbm>>
      tpu.enqueue_dma source(%arg11 : memref<8x8x128xf32, #tpu.memory_space<vmem>>) target(%dma_start3A_146 : memref<8x8x128xf32, #tpu.memory_space<hbm>>) target_semaphore(%arg17 : memref<!tpu.dma_semaphore, #tpu.memory_space<semaphore_mem>>)
      %gt3A_147 = arith.constant 0 : i32
      %gt3A_148 = arith.cmpi sgt, %scan3A_66, %gt3A_147 : i32
      %convert_element_type3A_149 = arith.extui %gt3A_148 : i1 to i32
      %cond3A_150 = arith.constant 0 : i32
      %cond3A_151 = arith.cmpi ne, %convert_element_type3A_149, %cond3A_150 : i32
      scf.if %cond3A_151 {
        %dma_wait3A_431 = arith.constant 0 : i32
        %dma_wait3A_432 = arith.constant 0 : i32
        %dma_wait3A_433 = arith.constant 0 : i32
        %dma_wait3A_434 = arith.constant 0 : i32
        %dma_wait3A_435 = arith.constant 0 : i32
        %dma_wait3A_436 = tpu.memref_slice %arg5[%dma_wait3A_431, %dma_wait3A_433, %dma_wait3A_432, %dma_wait3A_434, %dma_wait3A_435] : memref<20x8x128x8x128xf32, #tpu.memory_space<hbm>> -> memref<1x8x1x8x128xf32, #tpu.memory_space<hbm>>
        %dma_wait3A_437 = tpu.memref_squeeze %dma_wait3A_436 : memref<1x8x1x8x128xf32, #tpu.memory_space<hbm>> -> memref<8x8x128xf32, #tpu.memory_space<hbm>>
        %dma_wait3A_438 = arith.constant 0 : i32
        %dma_wait3A_439 = arith.constant 0 : i32
        %dma_wait3A_440 = arith.constant 0 : i32
        %dma_wait3A_441 = tpu.memref_slice %arg5[%dma_wait3A_431, %dma_wait3A_438, %dma_wait3A_432, %dma_wait3A_439, %dma_wait3A_440] : memref<20x8x128x8x128xf32, #tpu.memory_space<hbm>> -> memref<1x8x1x8x128xf32, #tpu.memory_space<hbm>>
        %dma_wait3A_442 = tpu.memref_squeeze %dma_wait3A_441 : memref<1x8x1x8x128xf32, #tpu.memory_space<hbm>> -> memref<8x8x128xf32, #tpu.memory_space<hbm>>
        tpu.wait_dma2 semaphore(%arg18 : memref<!tpu.dma_semaphore, #tpu.memory_space<semaphore_mem>>) src(%arg12 : memref<8x8x128xf32, #tpu.memory_space<vmem>>) dst(%dma_wait3A_442 : memref<8x8x128xf32, #tpu.memory_space<hbm>>)
      } else {
      }
      %mul3A_152 = arith.constant 8 : i32
      %mul3A_153 = arith.muli %mul3A_68, %mul3A_152 : i32
      %get3A_154 = arith.constant 256 : index
      %get3A_155 = tpu.vector_load %arg8[%get3A_154] {strides = array<i32>} : memref<512xi32, #tpu.memory_space<vmem>>, vector<16xi32>,
      %get3A_156 = arith.constant 272 : index
      %get3A_157 = tpu.vector_load %arg8[%get3A_156] {strides = array<i32>} : memref<512xi32, #tpu.memory_space<vmem>>, vector<16xi32>,
      %get3A_158 = arith.constant 288 : index
      %get3A_159 = tpu.vector_load %arg8[%get3A_158] {strides = array<i32>} : memref<512xi32, #tpu.memory_space<vmem>>, vector<16xi32>,
      %get3A_160 = arith.constant 304 : index
      %get3A_161 = tpu.vector_load %arg8[%get3A_160] {strides = array<i32>} : memref<512xi32, #tpu.memory_space<vmem>>, vector<16xi32>,
      %get3A_162 = arith.constant 320 : index
      %get3A_163 = tpu.vector_load %arg8[%get3A_162] {strides = array<i32>} : memref<512xi32, #tpu.memory_space<vmem>>, vector<16xi32>,
      %get3A_164 = arith.constant 336 : index
      %get3A_165 = tpu.vector_load %arg8[%get3A_164] {strides = array<i32>} : memref<512xi32, #tpu.memory_space<vmem>>, vector<16xi32>,
      %get3A_166 = arith.constant 352 : index
      %get3A_167 = tpu.vector_load %arg8[%get3A_166] {strides = array<i32>} : memref<512xi32, #tpu.memory_space<vmem>>, vector<16xi32>,
      %get3A_168 = arith.constant 368 : index
      %get3A_169 = tpu.vector_load %arg8[%get3A_168] {strides = array<i32>} : memref<512xi32, #tpu.memory_space<vmem>>, vector<16xi32>,
      %parallel_loop3A_170 = arith.constant 0 : i32
      %parallel_loop3A_171 = arith.constant 64 : i32
      %parallel_loop3A_172 = arith.constant 1 : i32
      %parallel_loop3A_173:8 = scf.for %parallel_loop3A_431 = %parallel_loop3A_170 to %parallel_loop3A_171 step %parallel_loop3A_172 iter_args(%parallel_loop3A_432 = %get3A_155, %parallel_loop3A_433 = %get3A_157, %parallel_loop3A_434 = %get3A_159, %parallel_loop3A_435 = %get3A_161, %parallel_loop3A_436 = %get3A_163, %parallel_loop3A_437 = %get3A_165, %parallel_loop3A_438 = %get3A_167, %parallel_loop3A_439 = %get3A_169) -> (vector<16xi32>, vector<16xi32>, vector<16xi32>, vector<16xi32>, vector<16xi32>, vector<16xi32>, vector<16xi32>, vector<16xi32>)  : i32 {
        %parallel_loop3A_440 = arith.constant 8 : i32
        %parallel_loop3A_441 = arith.divsi %parallel_loop3A_431, %parallel_loop3A_440 : i32
        %parallel_loop3A_442 = arith.constant 0 : i32
        %parallel_loop3A_443 = arith.cmpi sgt, %parallel_loop3A_431, %parallel_loop3A_442 : i32
        %parallel_loop3A_444 = arith.extui %parallel_loop3A_443 : i1 to i32
        %parallel_loop3A_445 = arith.constant 0 : i32
        %parallel_loop3A_446 = arith.cmpi slt, %parallel_loop3A_431, %parallel_loop3A_445 : i32
        %parallel_loop3A_447 = arith.extui %parallel_loop3A_446 : i1 to i32
        %parallel_loop3A_448 = arith.subi %parallel_loop3A_444, %parallel_loop3A_447 : i32
        %parallel_loop3A_449 = arith.constant 0 : i32
        %parallel_loop3A_450 = arith.cmpi sgt, %parallel_loop3A_440, %parallel_loop3A_449 : i32
        %parallel_loop3A_451 = arith.extui %parallel_loop3A_450 : i1 to i32
        %parallel_loop3A_452 = arith.constant 0 : i32
        %parallel_loop3A_453 = arith.cmpi slt, %parallel_loop3A_440, %parallel_loop3A_452 : i32
        %parallel_loop3A_454 = arith.extui %parallel_loop3A_453 : i1 to i32
        %parallel_loop3A_455 = arith.subi %parallel_loop3A_451, %parallel_loop3A_454 : i32
        %parallel_loop3A_456 = arith.cmpi ne, %parallel_loop3A_448, %parallel_loop3A_455 : i32
        %parallel_loop3A_457 = arith.remsi %parallel_loop3A_431, %parallel_loop3A_440 : i32
        %parallel_loop3A_458 = arith.constant 0 : i32
        %parallel_loop3A_459 = arith.cmpi ne, %parallel_loop3A_457, %parallel_loop3A_458 : i32
        %parallel_loop3A_460 = arith.andi %parallel_loop3A_456, %parallel_loop3A_459 : i1
        %parallel_loop3A_461 = arith.constant 1 : i32
        %parallel_loop3A_462 = arith.subi %parallel_loop3A_441, %parallel_loop3A_461 : i32
        %parallel_loop3A_463 = arith.select %parallel_loop3A_460, %parallel_loop3A_462, %parallel_loop3A_441 : i32
        %parallel_loop3A_464 = arith.constant 8 : i32
        %parallel_loop3A_465 = arith.constant 0 : i32
        %parallel_loop3A_466 = arith.cmpi eq, %parallel_loop3A_464, %parallel_loop3A_465 : i32
        %parallel_loop3A_467 = arith.constant 1 : i32
        %parallel_loop3A_468 = arith.select %parallel_loop3A_466, %parallel_loop3A_467, %parallel_loop3A_464 : i32
        %parallel_loop3A_469 = arith.remsi %parallel_loop3A_431, %parallel_loop3A_468 : i32
        %parallel_loop3A_470 = arith.constant 0 : i32
        %parallel_loop3A_471 = arith.cmpi ne, %parallel_loop3A_469, %parallel_loop3A_470 : i32
        %parallel_loop3A_472 = arith.constant 0 : i32
        %parallel_loop3A_473 = arith.cmpi slt, %parallel_loop3A_469, %parallel_loop3A_472 : i32
        %parallel_loop3A_474 = arith.constant 0 : i32
        %parallel_loop3A_475 = arith.cmpi slt, %parallel_loop3A_468, %parallel_loop3A_474 : i32
        %parallel_loop3A_476 = arith.xori %parallel_loop3A_473, %parallel_loop3A_475 : i1
        %parallel_loop3A_477 = arith.andi %parallel_loop3A_476, %parallel_loop3A_471 : i1
        %parallel_loop3A_478 = arith.addi %parallel_loop3A_469, %parallel_loop3A_468 : i32
        %parallel_loop3A_479 = arith.select %parallel_loop3A_477, %parallel_loop3A_478, %parallel_loop3A_469 : i32
        %parallel_loop3A_480 = arith.addi %mul3A_153, %parallel_loop3A_463 : i32
        %parallel_loop3A_481 = arith.constant 16 : i32
        %parallel_loop3A_482 = arith.muli %parallel_loop3A_479, %parallel_loop3A_481 : i32
        %parallel_loop3A_483 = arith.index_cast %parallel_loop3A_480 : i32 to index
        %parallel_loop3A_484 = arith.index_cast %parallel_loop3A_482 : i32 to index
        %parallel_loop3A_485 = tpu.vector_load %arg7[%parallel_loop3A_483, %parallel_loop3A_484] {strides = array<i32>} : memref<160x128xf32, #tpu.memory_space<vmem>>, vector<16xf32>,
        %parallel_loop3A_486 = tpu.vector_load_idx %arg6[%parallel_loop3A_432] : memref<64000xf32, #tpu.memory_space<vmem>>[vector<16xi32>], vector<16xf32>,
        %parallel_loop3A_487 = arith.addf %parallel_loop3A_486, %parallel_loop3A_485 : vector<16xf32>
        %parallel_loop3A_488 = arith.index_cast %parallel_loop3A_463 : i32 to index
        %parallel_loop3A_489 = arith.index_cast %parallel_loop3A_479 : i32 to index
        %parallel_loop3A_490 = arith.constant 0 : index
        %parallel_loop3A_491 = tpu.vector_load %arg12[%parallel_loop3A_488, %parallel_loop3A_489, %parallel_loop3A_490] {strides = array<i32>} : memref<8x8x128xf32, #tpu.memory_space<vmem>>, vector<16xf32>,
        tpu.vector_store %arg12[%parallel_loop3A_488, %parallel_loop3A_489, %parallel_loop3A_490], %parallel_loop3A_487 {strides = array<i32>} : memref<8x8x128xf32, #tpu.memory_space<vmem>>, vector<16xf32>,
        %parallel_loop3A_492 = tpu.vector_load_idx %arg6[%parallel_loop3A_433] : memref<64000xf32, #tpu.memory_space<vmem>>[vector<16xi32>], vector<16xf32>,
        %parallel_loop3A_493 = arith.addf %parallel_loop3A_492, %parallel_loop3A_485 : vector<16xf32>
        %parallel_loop3A_494 = arith.index_cast %parallel_loop3A_463 : i32 to index
        %parallel_loop3A_495 = arith.index_cast %parallel_loop3A_479 : i32 to index
        %parallel_loop3A_496 = arith.constant 16 : index
        %parallel_loop3A_497 = tpu.vector_load %arg12[%parallel_loop3A_494, %parallel_loop3A_495, %parallel_loop3A_496] {strides = array<i32>} : memref<8x8x128xf32, #tpu.memory_space<vmem>>, vector<16xf32>,
        tpu.vector_store %arg12[%parallel_loop3A_494, %parallel_loop3A_495, %parallel_loop3A_496], %parallel_loop3A_493 {strides = array<i32>} : memref<8x8x128xf32, #tpu.memory_space<vmem>>, vector<16xf32>,
        %parallel_loop3A_498 = tpu.vector_load_idx %arg6[%parallel_loop3A_434] : memref<64000xf32, #tpu.memory_space<vmem>>[vector<16xi32>], vector<16xf32>,
        %parallel_loop3A_499 = arith.addf %parallel_loop3A_498, %parallel_loop3A_485 : vector<16xf32>
        %parallel_loop3A_500 = arith.index_cast %parallel_loop3A_463 : i32 to index
        %parallel_loop3A_501 = arith.index_cast %parallel_loop3A_479 : i32 to index
        %parallel_loop3A_502 = arith.constant 32 : index
        %parallel_loop3A_503 = tpu.vector_load %arg12[%parallel_loop3A_500, %parallel_loop3A_501, %parallel_loop3A_502] {strides = array<i32>} : memref<8x8x128xf32, #tpu.memory_space<vmem>>, vector<16xf32>,
        tpu.vector_store %arg12[%parallel_loop3A_500, %parallel_loop3A_501, %parallel_loop3A_502], %parallel_loop3A_499 {strides = array<i32>} : memref<8x8x128xf32, #tpu.memory_space<vmem>>, vector<16xf32>,
        %parallel_loop3A_504 = tpu.vector_load_idx %arg6[%parallel_loop3A_435] : memref<64000xf32, #tpu.memory_space<vmem>>[vector<16xi32>], vector<16xf32>,
        %parallel_loop3A_505 = arith.addf %parallel_loop3A_504, %parallel_loop3A_485 : vector<16xf32>
        %parallel_loop3A_506 = arith.index_cast %parallel_loop3A_463 : i32 to index
        %parallel_loop3A_507 = arith.index_cast %parallel_loop3A_479 : i32 to index
        %parallel_loop3A_508 = arith.constant 48 : index
        %parallel_loop3A_509 = tpu.vector_load %arg12[%parallel_loop3A_506, %parallel_loop3A_507, %parallel_loop3A_508] {strides = array<i32>} : memref<8x8x128xf32, #tpu.memory_space<vmem>>, vector<16xf32>,
        tpu.vector_store %arg12[%parallel_loop3A_506, %parallel_loop3A_507, %parallel_loop3A_508], %parallel_loop3A_505 {strides = array<i32>} : memref<8x8x128xf32, #tpu.memory_space<vmem>>, vector<16xf32>,
        %parallel_loop3A_510 = tpu.vector_load_idx %arg6[%parallel_loop3A_436] : memref<64000xf32, #tpu.memory_space<vmem>>[vector<16xi32>], vector<16xf32>,
        %parallel_loop3A_511 = arith.addf %parallel_loop3A_510, %parallel_loop3A_485 : vector<16xf32>
        %parallel_loop3A_512 = arith.index_cast %parallel_loop3A_463 : i32 to index
        %parallel_loop3A_513 = arith.index_cast %parallel_loop3A_479 : i32 to index
        %parallel_loop3A_514 = arith.constant 64 : index
        %parallel_loop3A_515 = tpu.vector_load %arg12[%parallel_loop3A_512, %parallel_loop3A_513, %parallel_loop3A_514] {strides = array<i32>} : memref<8x8x128xf32, #tpu.memory_space<vmem>>, vector<16xf32>,
        tpu.vector_store %arg12[%parallel_loop3A_512, %parallel_loop3A_513, %parallel_loop3A_514], %parallel_loop3A_511 {strides = array<i32>} : memref<8x8x128xf32, #tpu.memory_space<vmem>>, vector<16xf32>,
        %parallel_loop3A_516 = tpu.vector_load_idx %arg6[%parallel_loop3A_437] : memref<64000xf32, #tpu.memory_space<vmem>>[vector<16xi32>], vector<16xf32>,
        %parallel_loop3A_517 = arith.addf %parallel_loop3A_516, %parallel_loop3A_485 : vector<16xf32>
        %parallel_loop3A_518 = arith.index_cast %parallel_loop3A_463 : i32 to index
        %parallel_loop3A_519 = arith.index_cast %parallel_loop3A_479 : i32 to index
        %parallel_loop3A_520 = arith.constant 80 : index
        %parallel_loop3A_521 = tpu.vector_load %arg12[%parallel_loop3A_518, %parallel_loop3A_519, %parallel_loop3A_520] {strides = array<i32>} : memref<8x8x128xf32, #tpu.memory_space<vmem>>, vector<16xf32>,
        tpu.vector_store %arg12[%parallel_loop3A_518, %parallel_loop3A_519, %parallel_loop3A_520], %parallel_loop3A_517 {strides = array<i32>} : memref<8x8x128xf32, #tpu.memory_space<vmem>>, vector<16xf32>,
        %parallel_loop3A_522 = tpu.vector_load_idx %arg6[%parallel_loop3A_438] : memref<64000xf32, #tpu.memory_space<vmem>>[vector<16xi32>], vector<16xf32>,
        %parallel_loop3A_523 = arith.addf %parallel_loop3A_522, %parallel_loop3A_485 : vector<16xf32>
        %parallel_loop3A_524 = arith.index_cast %parallel_loop3A_463 : i32 to index
        %parallel_loop3A_525 = arith.index_cast %parallel_loop3A_479 : i32 to index
        %parallel_loop3A_526 = arith.constant 96 : index
        %parallel_loop3A_527 = tpu.vector_load %arg12[%parallel_loop3A_524, %parallel_loop3A_525, %parallel_loop3A_526] {strides = array<i32>} : memref<8x8x128xf32, #tpu.memory_space<vmem>>, vector<16xf32>,
        tpu.vector_store %arg12[%parallel_loop3A_524, %parallel_loop3A_525, %parallel_loop3A_526], %parallel_loop3A_523 {strides = array<i32>} : memref<8x8x128xf32, #tpu.memory_space<vmem>>, vector<16xf32>,
        %parallel_loop3A_528 = tpu.vector_load_idx %arg6[%parallel_loop3A_439] : memref<64000xf32, #tpu.memory_space<vmem>>[vector<16xi32>], vector<16xf32>,
        %parallel_loop3A_529 = arith.addf %parallel_loop3A_528, %parallel_loop3A_485 : vector<16xf32>
        %parallel_loop3A_530 = arith.index_cast %parallel_loop3A_463 : i32 to index
        %parallel_loop3A_531 = arith.index_cast %parallel_loop3A_479 : i32 to index
        %parallel_loop3A_532 = arith.constant 112 : index
        %parallel_loop3A_533 = tpu.vector_load %arg12[%parallel_loop3A_530, %parallel_loop3A_531, %parallel_loop3A_532] {strides = array<i32>} : memref<8x8x128xf32, #tpu.memory_space<vmem>>, vector<16xf32>,
        tpu.vector_store %arg12[%parallel_loop3A_530, %parallel_loop3A_531, %parallel_loop3A_532], %parallel_loop3A_529 {strides = array<i32>} : memref<8x8x128xf32, #tpu.memory_space<vmem>>, vector<16xf32>,
        %parallel_loop3A_534 = arith.constant 1000 : i32
        %parallel_loop3A_535 = vector.broadcast %parallel_loop3A_534 : i32 to vector<16xi32>
        %parallel_loop3A_536 = arith.addi %parallel_loop3A_432, %parallel_loop3A_535 : vector<16xi32>
        %parallel_loop3A_537 = arith.constant 1000 : i32
        %parallel_loop3A_538 = vector.broadcast %parallel_loop3A_537 : i32 to vector<16xi32>
        %parallel_loop3A_539 = arith.addi %parallel_loop3A_433, %parallel_loop3A_538 : vector<16xi32>
        %parallel_loop3A_540 = arith.constant 1000 : i32
        %parallel_loop3A_541 = vector.broadcast %parallel_loop3A_540 : i32 to vector<16xi32>
        %parallel_loop3A_542 = arith.addi %parallel_loop3A_434, %parallel_loop3A_541 : vector<16xi32>
        %parallel_loop3A_543 = arith.constant 1000 : i32
        %parallel_loop3A_544 = vector.broadcast %parallel_loop3A_543 : i32 to vector<16xi32>
        %parallel_loop3A_545 = arith.addi %parallel_loop3A_435, %parallel_loop3A_544 : vector<16xi32>
        %parallel_loop3A_546 = arith.constant 1000 : i32
        %parallel_loop3A_547 = vector.broadcast %parallel_loop3A_546 : i32 to vector<16xi32>
        %parallel_loop3A_548 = arith.addi %parallel_loop3A_436, %parallel_loop3A_547 : vector<16xi32>
        %parallel_loop3A_549 = arith.constant 1000 : i32
        %parallel_loop3A_550 = vector.broadcast %parallel_loop3A_549 : i32 to vector<16xi32>
        %parallel_loop3A_551 = arith.addi %parallel_loop3A_437, %parallel_loop3A_550 : vector<16xi32>
        %parallel_loop3A_552 = arith.constant 1000 : i32
        %parallel_loop3A_553 = vector.broadcast %parallel_loop3A_552 : i32 to vector<16xi32>
        %parallel_loop3A_554 = arith.addi %parallel_loop3A_438, %parallel_loop3A_553 : vector<16xi32>
        %parallel_loop3A_555 = arith.constant 1000 : i32
        %parallel_loop3A_556 = vector.broadcast %parallel_loop3A_555 : i32 to vector<16xi32>
        %parallel_loop3A_557 = arith.addi %parallel_loop3A_439, %parallel_loop3A_556 : vector<16xi32>
        scf.yield %parallel_loop3A_536, %parallel_loop3A_539, %parallel_loop3A_542, %parallel_loop3A_545, %parallel_loop3A_548, %parallel_loop3A_551, %parallel_loop3A_554, %parallel_loop3A_557 : vector<16xi32>, vector<16xi32>, vector<16xi32>, vector<16xi32>, vector<16xi32>, vector<16xi32>, vector<16xi32>, vector<16xi32>
      } {sc.loop_unroll_factor = 4 : i64, sc.parallel_access}
      %add3A_174 = arith.constant 2 : i32
      %add3A_175 = arith.addi %mul3A_4, %add3A_174 : i32
      %dma_start3A_176 = arith.constant 0 : i32
      %dma_start3A_177 = arith.constant 0 : i32
      %dma_start3A_178 = arith.constant 0 : i32
      %dma_start3A_179 = tpu.memref_slice %arg5[%mul3A_68, %dma_start3A_176, %add3A_175, %dma_start3A_177, %dma_start3A_178] : memref<20x8x128x8x128xf32, #tpu.memory_space<hbm>> -> memref<1x8x1x8x128xf32, #tpu.memory_space<hbm>>
      %dma_start3A_180 = tpu.memref_squeeze %dma_start3A_179 : memref<1x8x1x8x128xf32, #tpu.memory_space<hbm>> -> memref<8x8x128xf32, #tpu.memory_space<hbm>>
      %dma_start3A_181 = arith.constant 0 : i32
      %dma_start3A_182 = arith.constant 0 : i32
      %dma_start3A_183 = arith.constant 0 : i32
      %dma_start3A_184 = tpu.memref_slice %arg5[%mul3A_68, %dma_start3A_181, %add3A_175, %dma_start3A_182, %dma_start3A_183] : memref<20x8x128x8x128xf32, #tpu.memory_space<hbm>> -> memref<1x8x1x8x128xf32, #tpu.memory_space<hbm>>
      %dma_start3A_185 = tpu.memref_squeeze %dma_start3A_184 : memref<1x8x1x8x128xf32, #tpu.memory_space<hbm>> -> memref<8x8x128xf32, #tpu.memory_space<hbm>>
      tpu.enqueue_dma source(%arg12 : memref<8x8x128xf32, #tpu.memory_space<vmem>>) target(%dma_start3A_185 : memref<8x8x128xf32, #tpu.memory_space<hbm>>) target_semaphore(%arg18 : memref<!tpu.dma_semaphore, #tpu.memory_space<semaphore_mem>>)
      %gt3A_186 = arith.constant 0 : i32
      %gt3A_187 = arith.cmpi sgt, %scan3A_66, %gt3A_186 : i32
      %convert_element_type3A_188 = arith.extui %gt3A_187 : i1 to i32
      %cond3A_189 = arith.constant 0 : i32
      %cond3A_190 = arith.cmpi ne, %convert_element_type3A_188, %cond3A_189 : i32
      scf.if %cond3A_190 {
        %dma_wait3A_431 = arith.constant 0 : i32
        %dma_wait3A_432 = arith.constant 0 : i32
        %dma_wait3A_433 = arith.constant 0 : i32
        %dma_wait3A_434 = arith.constant 0 : i32
        %dma_wait3A_435 = arith.constant 0 : i32
        %dma_wait3A_436 = tpu.memref_slice %arg5[%dma_wait3A_431, %dma_wait3A_433, %dma_wait3A_432, %dma_wait3A_434, %dma_wait3A_435] : memref<20x8x128x8x128xf32, #tpu.memory_space<hbm>> -> memref<1x8x1x8x128xf32, #tpu.memory_space<hbm>>
        %dma_wait3A_437 = tpu.memref_squeeze %dma_wait3A_436 : memref<1x8x1x8x128xf32, #tpu.memory_space<hbm>> -> memref<8x8x128xf32, #tpu.memory_space<hbm>>
        %dma_wait3A_438 = arith.constant 0 : i32
        %dma_wait3A_439 = arith.constant 0 : i32
        %dma_wait3A_440 = arith.constant 0 : i32
        %dma_wait3A_441 = tpu.memref_slice %arg5[%dma_wait3A_431, %dma_wait3A_438, %dma_wait3A_432, %dma_wait3A_439, %dma_wait3A_440] : memref<20x8x128x8x128xf32, #tpu.memory_space<hbm>> -> memref<1x8x1x8x128xf32, #tpu.memory_space<hbm>>
        %dma_wait3A_442 = tpu.memref_squeeze %dma_wait3A_441 : memref<1x8x1x8x128xf32, #tpu.memory_space<hbm>> -> memref<8x8x128xf32, #tpu.memory_space<hbm>>
        tpu.wait_dma2 semaphore(%arg19 : memref<!tpu.dma_semaphore, #tpu.memory_space<semaphore_mem>>) src(%arg13 : memref<8x8x128xf32, #tpu.memory_space<vmem>>) dst(%dma_wait3A_442 : memref<8x8x128xf32, #tpu.memory_space<hbm>>)
      } else {
      }
      %mul3A_191 = arith.constant 8 : i32
      %mul3A_192 = arith.muli %mul3A_68, %mul3A_191 : i32
      %get3A_193 = arith.constant 384 : index
      %get3A_194 = tpu.vector_load %arg8[%get3A_193] {strides = array<i32>} : memref<512xi32, #tpu.memory_space<vmem>>, vector<16xi32>,
      %get3A_195 = arith.constant 400 : index
      %get3A_196 = tpu.vector_load %arg8[%get3A_195] {strides = array<i32>} : memref<512xi32, #tpu.memory_space<vmem>>, vector<16xi32>,
      %get3A_197 = arith.constant 416 : index
      %get3A_198 = tpu.vector_load %arg8[%get3A_197] {strides = array<i32>} : memref<512xi32, #tpu.memory_space<vmem>>, vector<16xi32>,
      %get3A_199 = arith.constant 432 : index
      %get3A_200 = tpu.vector_load %arg8[%get3A_199] {strides = array<i32>} : memref<512xi32, #tpu.memory_space<vmem>>, vector<16xi32>,
      %get3A_201 = arith.constant 448 : index
      %get3A_202 = tpu.vector_load %arg8[%get3A_201] {strides = array<i32>} : memref<512xi32, #tpu.memory_space<vmem>>, vector<16xi32>,
      %get3A_203 = arith.constant 464 : index
      %get3A_204 = tpu.vector_load %arg8[%get3A_203] {strides = array<i32>} : memref<512xi32, #tpu.memory_space<vmem>>, vector<16xi32>,
      %get3A_205 = arith.constant 480 : index
      %get3A_206 = tpu.vector_load %arg8[%get3A_205] {strides = array<i32>} : memref<512xi32, #tpu.memory_space<vmem>>, vector<16xi32>,
      %get3A_207 = arith.constant 496 : index
      %get3A_208 = tpu.vector_load %arg8[%get3A_207] {strides = array<i32>} : memref<512xi32, #tpu.memory_space<vmem>>, vector<16xi32>,
      %parallel_loop3A_209 = arith.constant 0 : i32
      %parallel_loop3A_210 = arith.constant 64 : i32
      %parallel_loop3A_211 = arith.constant 1 : i32
      %parallel_loop3A_212:8 = scf.for %parallel_loop3A_431 = %parallel_loop3A_209 to %parallel_loop3A_210 step %parallel_loop3A_211 iter_args(%parallel_loop3A_432 = %get3A_194, %parallel_loop3A_433 = %get3A_196, %parallel_loop3A_434 = %get3A_198, %parallel_loop3A_435 = %get3A_200, %parallel_loop3A_436 = %get3A_202, %parallel_loop3A_437 = %get3A_204, %parallel_loop3A_438 = %get3A_206, %parallel_loop3A_439 = %get3A_208) -> (vector<16xi32>, vector<16xi32>, vector<16xi32>, vector<16xi32>, vector<16xi32>, vector<16xi32>, vector<16xi32>, vector<16xi32>)  : i32 {
        %parallel_loop3A_440 = arith.constant 8 : i32
        %parallel_loop3A_441 = arith.divsi %parallel_loop3A_431, %parallel_loop3A_440 : i32
        %parallel_loop3A_442 = arith.constant 0 : i32
        %parallel_loop3A_443 = arith.cmpi sgt, %parallel_loop3A_431, %parallel_loop3A_442 : i32
        %parallel_loop3A_444 = arith.extui %parallel_loop3A_443 : i1 to i32
        %parallel_loop3A_445 = arith.constant 0 : i32
        %parallel_loop3A_446 = arith.cmpi slt, %parallel_loop3A_431, %parallel_loop3A_445 : i32
        %parallel_loop3A_447 = arith.extui %parallel_loop3A_446 : i1 to i32
        %parallel_loop3A_448 = arith.subi %parallel_loop3A_444, %parallel_loop3A_447 : i32
        %parallel_loop3A_449 = arith.constant 0 : i32
        %parallel_loop3A_450 = arith.cmpi sgt, %parallel_loop3A_440, %parallel_loop3A_449 : i32
        %parallel_loop3A_451 = arith.extui %parallel_loop3A_450 : i1 to i32
        %parallel_loop3A_452 = arith.constant 0 : i32
        %parallel_loop3A_453 = arith.cmpi slt, %parallel_loop3A_440, %parallel_loop3A_452 : i32
        %parallel_loop3A_454 = arith.extui %parallel_loop3A_453 : i1 to i32
        %parallel_loop3A_455 = arith.subi %parallel_loop3A_451, %parallel_loop3A_454 : i32
        %parallel_loop3A_456 = arith.cmpi ne, %parallel_loop3A_448, %parallel_loop3A_455 : i32
        %parallel_loop3A_457 = arith.remsi %parallel_loop3A_431, %parallel_loop3A_440 : i32
        %parallel_loop3A_458 = arith.constant 0 : i32
        %parallel_loop3A_459 = arith.cmpi ne, %parallel_loop3A_457, %parallel_loop3A_458 : i32
        %parallel_loop3A_460 = arith.andi %parallel_loop3A_456, %parallel_loop3A_459 : i1
        %parallel_loop3A_461 = arith.constant 1 : i32
        %parallel_loop3A_462 = arith.subi %parallel_loop3A_441, %parallel_loop3A_461 : i32
        %parallel_loop3A_463 = arith.select %parallel_loop3A_460, %parallel_loop3A_462, %parallel_loop3A_441 : i32
        %parallel_loop3A_464 = arith.constant 8 : i32
        %parallel_loop3A_465 = arith.constant 0 : i32
        %parallel_loop3A_466 = arith.cmpi eq, %parallel_loop3A_464, %parallel_loop3A_465 : i32
        %parallel_loop3A_467 = arith.constant 1 : i32
        %parallel_loop3A_468 = arith.select %parallel_loop3A_466, %parallel_loop3A_467, %parallel_loop3A_464 : i32
        %parallel_loop3A_469 = arith.remsi %parallel_loop3A_431, %parallel_loop3A_468 : i32
        %parallel_loop3A_470 = arith.constant 0 : i32
        %parallel_loop3A_471 = arith.cmpi ne, %parallel_loop3A_469, %parallel_loop3A_470 : i32
        %parallel_loop3A_472 = arith.constant 0 : i32
        %parallel_loop3A_473 = arith.cmpi slt, %parallel_loop3A_469, %parallel_loop3A_472 : i32
        %parallel_loop3A_474 = arith.constant 0 : i32
        %parallel_loop3A_475 = arith.cmpi slt, %parallel_loop3A_468, %parallel_loop3A_474 : i32
        %parallel_loop3A_476 = arith.xori %parallel_loop3A_473, %parallel_loop3A_475 : i1
        %parallel_loop3A_477 = arith.andi %parallel_loop3A_476, %parallel_loop3A_471 : i1
        %parallel_loop3A_478 = arith.addi %parallel_loop3A_469, %parallel_loop3A_468 : i32
        %parallel_loop3A_479 = arith.select %parallel_loop3A_477, %parallel_loop3A_478, %parallel_loop3A_469 : i32
        %parallel_loop3A_480 = arith.addi %mul3A_192, %parallel_loop3A_463 : i32
        %parallel_loop3A_481 = arith.constant 16 : i32
        %parallel_loop3A_482 = arith.muli %parallel_loop3A_479, %parallel_loop3A_481 : i32
        %parallel_loop3A_483 = arith.index_cast %parallel_loop3A_480 : i32 to index
        %parallel_loop3A_484 = arith.index_cast %parallel_loop3A_482 : i32 to index
        %parallel_loop3A_485 = tpu.vector_load %arg7[%parallel_loop3A_483, %parallel_loop3A_484] {strides = array<i32>} : memref<160x128xf32, #tpu.memory_space<vmem>>, vector<16xf32>,
        %parallel_loop3A_486 = tpu.vector_load_idx %arg6[%parallel_loop3A_432] : memref<64000xf32, #tpu.memory_space<vmem>>[vector<16xi32>], vector<16xf32>,
        %parallel_loop3A_487 = arith.addf %parallel_loop3A_486, %parallel_loop3A_485 : vector<16xf32>
        %parallel_loop3A_488 = arith.index_cast %parallel_loop3A_463 : i32 to index
        %parallel_loop3A_489 = arith.index_cast %parallel_loop3A_479 : i32 to index
        %parallel_loop3A_490 = arith.constant 0 : index
        %parallel_loop3A_491 = tpu.vector_load %arg13[%parallel_loop3A_488, %parallel_loop3A_489, %parallel_loop3A_490] {strides = array<i32>} : memref<8x8x128xf32, #tpu.memory_space<vmem>>, vector<16xf32>,
        tpu.vector_store %arg13[%parallel_loop3A_488, %parallel_loop3A_489, %parallel_loop3A_490], %parallel_loop3A_487 {strides = array<i32>} : memref<8x8x128xf32, #tpu.memory_space<vmem>>, vector<16xf32>,
        %parallel_loop3A_492 = tpu.vector_load_idx %arg6[%parallel_loop3A_433] : memref<64000xf32, #tpu.memory_space<vmem>>[vector<16xi32>], vector<16xf32>,
        %parallel_loop3A_493 = arith.addf %parallel_loop3A_492, %parallel_loop3A_485 : vector<16xf32>
        %parallel_loop3A_494 = arith.index_cast %parallel_loop3A_463 : i32 to index
        %parallel_loop3A_495 = arith.index_cast %parallel_loop3A_479 : i32 to index
        %parallel_loop3A_496 = arith.constant 16 : index
        %parallel_loop3A_497 = tpu.vector_load %arg13[%parallel_loop3A_494, %parallel_loop3A_495, %parallel_loop3A_496] {strides = array<i32>} : memref<8x8x128xf32, #tpu.memory_space<vmem>>, vector<16xf32>,
        tpu.vector_store %arg13[%parallel_loop3A_494, %parallel_loop3A_495, %parallel_loop3A_496], %parallel_loop3A_493 {strides = array<i32>} : memref<8x8x128xf32, #tpu.memory_space<vmem>>, vector<16xf32>,
        %parallel_loop3A_498 = tpu.vector_load_idx %arg6[%parallel_loop3A_434] : memref<64000xf32, #tpu.memory_space<vmem>>[vector<16xi32>], vector<16xf32>,
        %parallel_loop3A_499 = arith.addf %parallel_loop3A_498, %parallel_loop3A_485 : vector<16xf32>
        %parallel_loop3A_500 = arith.index_cast %parallel_loop3A_463 : i32 to index
        %parallel_loop3A_501 = arith.index_cast %parallel_loop3A_479 : i32 to index
        %parallel_loop3A_502 = arith.constant 32 : index
        %parallel_loop3A_503 = tpu.vector_load %arg13[%parallel_loop3A_500, %parallel_loop3A_501, %parallel_loop3A_502] {strides = array<i32>} : memref<8x8x128xf32, #tpu.memory_space<vmem>>, vector<16xf32>,
        tpu.vector_store %arg13[%parallel_loop3A_500, %parallel_loop3A_501, %parallel_loop3A_502], %parallel_loop3A_499 {strides = array<i32>} : memref<8x8x128xf32, #tpu.memory_space<vmem>>, vector<16xf32>,
        %parallel_loop3A_504 = tpu.vector_load_idx %arg6[%parallel_loop3A_435] : memref<64000xf32, #tpu.memory_space<vmem>>[vector<16xi32>], vector<16xf32>,
        %parallel_loop3A_505 = arith.addf %parallel_loop3A_504, %parallel_loop3A_485 : vector<16xf32>
        %parallel_loop3A_506 = arith.index_cast %parallel_loop3A_463 : i32 to index
        %parallel_loop3A_507 = arith.index_cast %parallel_loop3A_479 : i32 to index
        %parallel_loop3A_508 = arith.constant 48 : index
        %parallel_loop3A_509 = tpu.vector_load %arg13[%parallel_loop3A_506, %parallel_loop3A_507, %parallel_loop3A_508] {strides = array<i32>} : memref<8x8x128xf32, #tpu.memory_space<vmem>>, vector<16xf32>,
        tpu.vector_store %arg13[%parallel_loop3A_506, %parallel_loop3A_507, %parallel_loop3A_508], %parallel_loop3A_505 {strides = array<i32>} : memref<8x8x128xf32, #tpu.memory_space<vmem>>, vector<16xf32>,
        %parallel_loop3A_510 = tpu.vector_load_idx %arg6[%parallel_loop3A_436] : memref<64000xf32, #tpu.memory_space<vmem>>[vector<16xi32>], vector<16xf32>,
        %parallel_loop3A_511 = arith.addf %parallel_loop3A_510, %parallel_loop3A_485 : vector<16xf32>
        %parallel_loop3A_512 = arith.index_cast %parallel_loop3A_463 : i32 to index
        %parallel_loop3A_513 = arith.index_cast %parallel_loop3A_479 : i32 to index
        %parallel_loop3A_514 = arith.constant 64 : index
        %parallel_loop3A_515 = tpu.vector_load %arg13[%parallel_loop3A_512, %parallel_loop3A_513, %parallel_loop3A_514] {strides = array<i32>} : memref<8x8x128xf32, #tpu.memory_space<vmem>>, vector<16xf32>,
        tpu.vector_store %arg13[%parallel_loop3A_512, %parallel_loop3A_513, %parallel_loop3A_514], %parallel_loop3A_511 {strides = array<i32>} : memref<8x8x128xf32, #tpu.memory_space<vmem>>, vector<16xf32>,
        %parallel_loop3A_516 = tpu.vector_load_idx %arg6[%parallel_loop3A_437] : memref<64000xf32, #tpu.memory_space<vmem>>[vector<16xi32>], vector<16xf32>,
        %parallel_loop3A_517 = arith.addf %parallel_loop3A_516, %parallel_loop3A_485 : vector<16xf32>
        %parallel_loop3A_518 = arith.index_cast %parallel_loop3A_463 : i32 to index
        %parallel_loop3A_519 = arith.index_cast %parallel_loop3A_479 : i32 to index
        %parallel_loop3A_520 = arith.constant 80 : index
        %parallel_loop3A_521 = tpu.vector_load %arg13[%parallel_loop3A_518, %parallel_loop3A_519, %parallel_loop3A_520] {strides = array<i32>} : memref<8x8x128xf32, #tpu.memory_space<vmem>>, vector<16xf32>,
        tpu.vector_store %arg13[%parallel_loop3A_518, %parallel_loop3A_519, %parallel_loop3A_520], %parallel_loop3A_517 {strides = array<i32>} : memref<8x8x128xf32, #tpu.memory_space<vmem>>, vector<16xf32>,
        %parallel_loop3A_522 = tpu.vector_load_idx %arg6[%parallel_loop3A_438] : memref<64000xf32, #tpu.memory_space<vmem>>[vector<16xi32>], vector<16xf32>,
        %parallel_loop3A_523 = arith.addf %parallel_loop3A_522, %parallel_loop3A_485 : vector<16xf32>
        %parallel_loop3A_524 = arith.index_cast %parallel_loop3A_463 : i32 to index
        %parallel_loop3A_525 = arith.index_cast %parallel_loop3A_479 : i32 to index
        %parallel_loop3A_526 = arith.constant 96 : index
        %parallel_loop3A_527 = tpu.vector_load %arg13[%parallel_loop3A_524, %parallel_loop3A_525, %parallel_loop3A_526] {strides = array<i32>} : memref<8x8x128xf32, #tpu.memory_space<vmem>>, vector<16xf32>,
        tpu.vector_store %arg13[%parallel_loop3A_524, %parallel_loop3A_525, %parallel_loop3A_526], %parallel_loop3A_523 {strides = array<i32>} : memref<8x8x128xf32, #tpu.memory_space<vmem>>, vector<16xf32>,
        %parallel_loop3A_528 = tpu.vector_load_idx %arg6[%parallel_loop3A_439] : memref<64000xf32, #tpu.memory_space<vmem>>[vector<16xi32>], vector<16xf32>,
        %parallel_loop3A_529 = arith.addf %parallel_loop3A_528, %parallel_loop3A_485 : vector<16xf32>
        %parallel_loop3A_530 = arith.index_cast %parallel_loop3A_463 : i32 to index
        %parallel_loop3A_531 = arith.index_cast %parallel_loop3A_479 : i32 to index
        %parallel_loop3A_532 = arith.constant 112 : index
        %parallel_loop3A_533 = tpu.vector_load %arg13[%parallel_loop3A_530, %parallel_loop3A_531, %parallel_loop3A_532] {strides = array<i32>} : memref<8x8x128xf32, #tpu.memory_space<vmem>>, vector<16xf32>,
        tpu.vector_store %arg13[%parallel_loop3A_530, %parallel_loop3A_531, %parallel_loop3A_532], %parallel_loop3A_529 {strides = array<i32>} : memref<8x8x128xf32, #tpu.memory_space<vmem>>, vector<16xf32>,
        %parallel_loop3A_534 = arith.constant 1000 : i32
        %parallel_loop3A_535 = vector.broadcast %parallel_loop3A_534 : i32 to vector<16xi32>
        %parallel_loop3A_536 = arith.addi %parallel_loop3A_432, %parallel_loop3A_535 : vector<16xi32>
        %parallel_loop3A_537 = arith.constant 1000 : i32
        %parallel_loop3A_538 = vector.broadcast %parallel_loop3A_537 : i32 to vector<16xi32>
        %parallel_loop3A_539 = arith.addi %parallel_loop3A_433, %parallel_loop3A_538 : vector<16xi32>
        %parallel_loop3A_540 = arith.constant 1000 : i32
        %parallel_loop3A_541 = vector.broadcast %parallel_loop3A_540 : i32 to vector<16xi32>
        %parallel_loop3A_542 = arith.addi %parallel_loop3A_434, %parallel_loop3A_541 : vector<16xi32>
        %parallel_loop3A_543 = arith.constant 1000 : i32
        %parallel_loop3A_544 = vector.broadcast %parallel_loop3A_543 : i32 to vector<16xi32>
        %parallel_loop3A_545 = arith.addi %parallel_loop3A_435, %parallel_loop3A_544 : vector<16xi32>
        %parallel_loop3A_546 = arith.constant 1000 : i32
        %parallel_loop3A_547 = vector.broadcast %parallel_loop3A_546 : i32 to vector<16xi32>
        %parallel_loop3A_548 = arith.addi %parallel_loop3A_436, %parallel_loop3A_547 : vector<16xi32>
        %parallel_loop3A_549 = arith.constant 1000 : i32
        %parallel_loop3A_550 = vector.broadcast %parallel_loop3A_549 : i32 to vector<16xi32>
        %parallel_loop3A_551 = arith.addi %parallel_loop3A_437, %parallel_loop3A_550 : vector<16xi32>
        %parallel_loop3A_552 = arith.constant 1000 : i32
        %parallel_loop3A_553 = vector.broadcast %parallel_loop3A_552 : i32 to vector<16xi32>
        %parallel_loop3A_554 = arith.addi %parallel_loop3A_438, %parallel_loop3A_553 : vector<16xi32>
        %parallel_loop3A_555 = arith.constant 1000 : i32
        %parallel_loop3A_556 = vector.broadcast %parallel_loop3A_555 : i32 to vector<16xi32>
        %parallel_loop3A_557 = arith.addi %parallel_loop3A_439, %parallel_loop3A_556 : vector<16xi32>
        scf.yield %parallel_loop3A_536, %parallel_loop3A_539, %parallel_loop3A_542, %parallel_loop3A_545, %parallel_loop3A_548, %parallel_loop3A_551, %parallel_loop3A_554, %parallel_loop3A_557 : vector<16xi32>, vector<16xi32>, vector<16xi32>, vector<16xi32>, vector<16xi32>, vector<16xi32>, vector<16xi32>, vector<16xi32>
      } {sc.loop_unroll_factor = 4 : i64, sc.parallel_access}
      %add3A_213 = arith.constant 3 : i32
      %add3A_214 = arith.addi %mul3A_4, %add3A_213 : i32
      %dma_start3A_215 = arith.constant 0 : i32
      %dma_start3A_216 = arith.constant 0 : i32
      %dma_start3A_217 = arith.constant 0 : i32
      %dma_start3A_218 = tpu.memref_slice %arg5[%mul3A_68, %dma_start3A_215, %add3A_214, %dma_start3A_216, %dma_start3A_217] : memref<20x8x128x8x128xf32, #tpu.memory_space<hbm>> -> memref<1x8x1x8x128xf32, #tpu.memory_space<hbm>>
      %dma_start3A_219 = tpu.memref_squeeze %dma_start3A_218 : memref<1x8x1x8x128xf32, #tpu.memory_space<hbm>> -> memref<8x8x128xf32, #tpu.memory_space<hbm>>
      %dma_start3A_220 = arith.constant 0 : i32
      %dma_start3A_221 = arith.constant 0 : i32
      %dma_start3A_222 = arith.constant 0 : i32
      %dma_start3A_223 = tpu.memref_slice %arg5[%mul3A_68, %dma_start3A_220, %add3A_214, %dma_start3A_221, %dma_start3A_222] : memref<20x8x128x8x128xf32, #tpu.memory_space<hbm>> -> memref<1x8x1x8x128xf32, #tpu.memory_space<hbm>>
      %dma_start3A_224 = tpu.memref_squeeze %dma_start3A_223 : memref<1x8x1x8x128xf32, #tpu.memory_space<hbm>> -> memref<8x8x128xf32, #tpu.memory_space<hbm>>
      tpu.enqueue_dma source(%arg13 : memref<8x8x128xf32, #tpu.memory_space<vmem>>) target(%dma_start3A_224 : memref<8x8x128xf32, #tpu.memory_space<hbm>>) target_semaphore(%arg19 : memref<!tpu.dma_semaphore, #tpu.memory_space<semaphore_mem>>)
      %lt3A = arith.constant 9 : i32
      %lt3A_225 = arith.cmpi slt, %scan3A_66, %lt3A : i32
      %convert_element_type3A_226 = arith.extui %lt3A_225 : i1 to i32
      %cond3A_227 = arith.constant 0 : i32
      %cond3A_228 = arith.cmpi ne, %convert_element_type3A_226, %cond3A_227 : i32
      scf.if %cond3A_228 {
        %add3A_431 = arith.constant 2 : i32
        %add3A_432 = arith.addi %mul3A_68, %add3A_431 : i32
        %dma_start3A_433 = tpu.memref_slice %arg2[%add3A_432, %mul3A_2] : memref<20x16384xi32, #tpu.memory_space<hbm>> -> memref<1x512xi32, #tpu.memory_space<hbm>>
        %dma_start3A_434 = tpu.memref_squeeze %dma_start3A_433 : memref<1x512xi32, #tpu.memory_space<hbm>> -> memref<512xi32, #tpu.memory_space<hbm>>
        %dma_start3A_435 = tpu.memref_slice %arg2[%add3A_432, %mul3A_2] : memref<20x16384xi32, #tpu.memory_space<hbm>> -> memref<1x512xi32, #tpu.memory_space<hbm>>
        %dma_start3A_436 = tpu.memref_squeeze %dma_start3A_435 : memref<1x512xi32, #tpu.memory_space<hbm>> -> memref<512xi32, #tpu.memory_space<hbm>>
        tpu.enqueue_dma source(%dma_start3A_436 : memref<512xi32, #tpu.memory_space<hbm>>) target(%arg8 : memref<512xi32, #tpu.memory_space<vmem>>) target_semaphore(%arg14 : memref<!tpu.dma_semaphore, #tpu.memory_space<semaphore_mem>>)
      } else {
      }
      %dma_wait3A_229 = arith.constant 1 : i32
      %dma_wait3A_230 = tpu.memref_slice %arg2[%dma_wait3A_229, %mul3A_2] : memref<20x16384xi32, #tpu.memory_space<hbm>> -> memref<1x512xi32, #tpu.memory_space<hbm>>
      %dma_wait3A_231 = tpu.memref_squeeze %dma_wait3A_230 : memref<1x512xi32, #tpu.memory_space<hbm>> -> memref<512xi32, #tpu.memory_space<hbm>>
      %dma_wait3A_232 = tpu.memref_slice %arg2[%dma_wait3A_229, %mul3A_2] : memref<20x16384xi32, #tpu.memory_space<hbm>> -> memref<1x512xi32, #tpu.memory_space<hbm>>
      %dma_wait3A_233 = tpu.memref_squeeze %dma_wait3A_232 : memref<1x512xi32, #tpu.memory_space<hbm>> -> memref<512xi32, #tpu.memory_space<hbm>>
      tpu.wait_dma2 semaphore(%arg15 : memref<!tpu.dma_semaphore, #tpu.memory_space<semaphore_mem>>) src(%dma_wait3A_233 : memref<512xi32, #tpu.memory_space<hbm>>) dst(%arg9 : memref<512xi32, #tpu.memory_space<vmem>>)
      %add3A_234 = arith.constant 1 : i32
      %add3A_235 = arith.addi %mul3A_68, %add3A_234 : i32
      %dma_wait3A_236 = arith.constant 0 : i32
      %dma_wait3A_237 = arith.constant 0 : i32
      %dma_wait3A_238 = arith.constant 0 : i32
      %dma_wait3A_239 = arith.constant 0 : i32
      %dma_wait3A_240 = arith.constant 0 : i32
      %dma_wait3A_241 = tpu.memref_slice %arg5[%dma_wait3A_236, %dma_wait3A_238, %dma_wait3A_237, %dma_wait3A_239, %dma_wait3A_240] : memref<20x8x128x8x128xf32, #tpu.memory_space<hbm>> -> memref<1x8x1x8x128xf32, #tpu.memory_space<hbm>>
      %dma_wait3A_242 = tpu.memref_squeeze %dma_wait3A_241 : memref<1x8x1x8x128xf32, #tpu.memory_space<hbm>> -> memref<8x8x128xf32, #tpu.memory_space<hbm>>
      %dma_wait3A_243 = arith.constant 0 : i32
      %dma_wait3A_244 = arith.constant 0 : i32
      %dma_wait3A_245 = arith.constant 0 : i32
      %dma_wait3A_246 = tpu.memref_slice %arg5[%dma_wait3A_236, %dma_wait3A_243, %dma_wait3A_237, %dma_wait3A_244, %dma_wait3A_245] : memref<20x8x128x8x128xf32, #tpu.memory_space<hbm>> -> memref<1x8x1x8x128xf32, #tpu.memory_space<hbm>>
      %dma_wait3A_247 = tpu.memref_squeeze %dma_wait3A_246 : memref<1x8x1x8x128xf32, #tpu.memory_space<hbm>> -> memref<8x8x128xf32, #tpu.memory_space<hbm>>
      tpu.wait_dma2 semaphore(%arg16 : memref<!tpu.dma_semaphore, #tpu.memory_space<semaphore_mem>>) src(%arg10 : memref<8x8x128xf32, #tpu.memory_space<vmem>>) dst(%dma_wait3A_247 : memref<8x8x128xf32, #tpu.memory_space<hbm>>)
      %mul3A_248 = arith.constant 8 : i32
      %mul3A_249 = arith.muli %add3A_235, %mul3A_248 : i32
      %get3A_250 = arith.constant 0 : index
      %get3A_251 = tpu.vector_load %arg9[%get3A_250] {strides = array<i32>} : memref<512xi32, #tpu.memory_space<vmem>>, vector<16xi32>,
      %get3A_252 = arith.constant 16 : index
      %get3A_253 = tpu.vector_load %arg9[%get3A_252] {strides = array<i32>} : memref<512xi32, #tpu.memory_space<vmem>>, vector<16xi32>,
      %get3A_254 = arith.constant 32 : index
      %get3A_255 = tpu.vector_load %arg9[%get3A_254] {strides = array<i32>} : memref<512xi32, #tpu.memory_space<vmem>>, vector<16xi32>,
      %get3A_256 = arith.constant 48 : index
      %get3A_257 = tpu.vector_load %arg9[%get3A_256] {strides = array<i32>} : memref<512xi32, #tpu.memory_space<vmem>>, vector<16xi32>,
      %get3A_258 = arith.constant 64 : index
      %get3A_259 = tpu.vector_load %arg9[%get3A_258] {strides = array<i32>} : memref<512xi32, #tpu.memory_space<vmem>>, vector<16xi32>,
      %get3A_260 = arith.constant 80 : index
      %get3A_261 = tpu.vector_load %arg9[%get3A_260] {strides = array<i32>} : memref<512xi32, #tpu.memory_space<vmem>>, vector<16xi32>,
      %get3A_262 = arith.constant 96 : index
      %get3A_263 = tpu.vector_load %arg9[%get3A_262] {strides = array<i32>} : memref<512xi32, #tpu.memory_space<vmem>>, vector<16xi32>,
      %get3A_264 = arith.constant 112 : index
      %get3A_265 = tpu.vector_load %arg9[%get3A_264] {strides = array<i32>} : memref<512xi32, #tpu.memory_space<vmem>>, vector<16xi32>,
      %parallel_loop3A_266 = arith.constant 0 : i32
      %parallel_loop3A_267 = arith.constant 64 : i32
      %parallel_loop3A_268 = arith.constant 1 : i32
      %parallel_loop3A_269:8 = scf.for %parallel_loop3A_431 = %parallel_loop3A_266 to %parallel_loop3A_267 step %parallel_loop3A_268 iter_args(%parallel_loop3A_432 = %get3A_251, %parallel_loop3A_433 = %get3A_253, %parallel_loop3A_434 = %get3A_255, %parallel_loop3A_435 = %get3A_257, %parallel_loop3A_436 = %get3A_259, %parallel_loop3A_437 = %get3A_261, %parallel_loop3A_438 = %get3A_263, %parallel_loop3A_439 = %get3A_265) -> (vector<16xi32>, vector<16xi32>, vector<16xi32>, vector<16xi32>, vector<16xi32>, vector<16xi32>, vector<16xi32>, vector<16xi32>)  : i32 {
        %parallel_loop3A_440 = arith.constant 8 : i32
        %parallel_loop3A_441 = arith.divsi %parallel_loop3A_431, %parallel_loop3A_440 : i32
        %parallel_loop3A_442 = arith.constant 0 : i32
        %parallel_loop3A_443 = arith.cmpi sgt, %parallel_loop3A_431, %parallel_loop3A_442 : i32
        %parallel_loop3A_444 = arith.extui %parallel_loop3A_443 : i1 to i32
        %parallel_loop3A_445 = arith.constant 0 : i32
        %parallel_loop3A_446 = arith.cmpi slt, %parallel_loop3A_431, %parallel_loop3A_445 : i32
        %parallel_loop3A_447 = arith.extui %parallel_loop3A_446 : i1 to i32
        %parallel_loop3A_448 = arith.subi %parallel_loop3A_444, %parallel_loop3A_447 : i32
        %parallel_loop3A_449 = arith.constant 0 : i32
        %parallel_loop3A_450 = arith.cmpi sgt, %parallel_loop3A_440, %parallel_loop3A_449 : i32
        %parallel_loop3A_451 = arith.extui %parallel_loop3A_450 : i1 to i32
        %parallel_loop3A_452 = arith.constant 0 : i32
        %parallel_loop3A_453 = arith.cmpi slt, %parallel_loop3A_440, %parallel_loop3A_452 : i32
        %parallel_loop3A_454 = arith.extui %parallel_loop3A_453 : i1 to i32
        %parallel_loop3A_455 = arith.subi %parallel_loop3A_451, %parallel_loop3A_454 : i32
        %parallel_loop3A_456 = arith.cmpi ne, %parallel_loop3A_448, %parallel_loop3A_455 : i32
        %parallel_loop3A_457 = arith.remsi %parallel_loop3A_431, %parallel_loop3A_440 : i32
        %parallel_loop3A_458 = arith.constant 0 : i32
        %parallel_loop3A_459 = arith.cmpi ne, %parallel_loop3A_457, %parallel_loop3A_458 : i32
        %parallel_loop3A_460 = arith.andi %parallel_loop3A_456, %parallel_loop3A_459 : i1
        %parallel_loop3A_461 = arith.constant 1 : i32
        %parallel_loop3A_462 = arith.subi %parallel_loop3A_441, %parallel_loop3A_461 : i32
        %parallel_loop3A_463 = arith.select %parallel_loop3A_460, %parallel_loop3A_462, %parallel_loop3A_441 : i32
        %parallel_loop3A_464 = arith.constant 8 : i32
        %parallel_loop3A_465 = arith.constant 0 : i32
        %parallel_loop3A_466 = arith.cmpi eq, %parallel_loop3A_464, %parallel_loop3A_465 : i32
        %parallel_loop3A_467 = arith.constant 1 : i32
        %parallel_loop3A_468 = arith.select %parallel_loop3A_466, %parallel_loop3A_467, %parallel_loop3A_464 : i32
        %parallel_loop3A_469 = arith.remsi %parallel_loop3A_431, %parallel_loop3A_468 : i32
        %parallel_loop3A_470 = arith.constant 0 : i32
        %parallel_loop3A_471 = arith.cmpi ne, %parallel_loop3A_469, %parallel_loop3A_470 : i32
        %parallel_loop3A_472 = arith.constant 0 : i32
        %parallel_loop3A_473 = arith.cmpi slt, %parallel_loop3A_469, %parallel_loop3A_472 : i32
        %parallel_loop3A_474 = arith.constant 0 : i32
        %parallel_loop3A_475 = arith.cmpi slt, %parallel_loop3A_468, %parallel_loop3A_474 : i32
        %parallel_loop3A_476 = arith.xori %parallel_loop3A_473, %parallel_loop3A_475 : i1
        %parallel_loop3A_477 = arith.andi %parallel_loop3A_476, %parallel_loop3A_471 : i1
        %parallel_loop3A_478 = arith.addi %parallel_loop3A_469, %parallel_loop3A_468 : i32
        %parallel_loop3A_479 = arith.select %parallel_loop3A_477, %parallel_loop3A_478, %parallel_loop3A_469 : i32
        %parallel_loop3A_480 = arith.addi %mul3A_249, %parallel_loop3A_463 : i32
        %parallel_loop3A_481 = arith.constant 16 : i32
        %parallel_loop3A_482 = arith.muli %parallel_loop3A_479, %parallel_loop3A_481 : i32
        %parallel_loop3A_483 = arith.index_cast %parallel_loop3A_480 : i32 to index
        %parallel_loop3A_484 = arith.index_cast %parallel_loop3A_482 : i32 to index
        %parallel_loop3A_485 = tpu.vector_load %arg7[%parallel_loop3A_483, %parallel_loop3A_484] {strides = array<i32>} : memref<160x128xf32, #tpu.memory_space<vmem>>, vector<16xf32>,
        %parallel_loop3A_486 = tpu.vector_load_idx %arg6[%parallel_loop3A_432] : memref<64000xf32, #tpu.memory_space<vmem>>[vector<16xi32>], vector<16xf32>,
        %parallel_loop3A_487 = arith.addf %parallel_loop3A_486, %parallel_loop3A_485 : vector<16xf32>
        %parallel_loop3A_488 = arith.index_cast %parallel_loop3A_463 : i32 to index
        %parallel_loop3A_489 = arith.index_cast %parallel_loop3A_479 : i32 to index
        %parallel_loop3A_490 = arith.constant 0 : index
        %parallel_loop3A_491 = tpu.vector_load %arg10[%parallel_loop3A_488, %parallel_loop3A_489, %parallel_loop3A_490] {strides = array<i32>} : memref<8x8x128xf32, #tpu.memory_space<vmem>>, vector<16xf32>,
        tpu.vector_store %arg10[%parallel_loop3A_488, %parallel_loop3A_489, %parallel_loop3A_490], %parallel_loop3A_487 {strides = array<i32>} : memref<8x8x128xf32, #tpu.memory_space<vmem>>, vector<16xf32>,
        %parallel_loop3A_492 = tpu.vector_load_idx %arg6[%parallel_loop3A_433] : memref<64000xf32, #tpu.memory_space<vmem>>[vector<16xi32>], vector<16xf32>,
        %parallel_loop3A_493 = arith.addf %parallel_loop3A_492, %parallel_loop3A_485 : vector<16xf32>
        %parallel_loop3A_494 = arith.index_cast %parallel_loop3A_463 : i32 to index
        %parallel_loop3A_495 = arith.index_cast %parallel_loop3A_479 : i32 to index
        %parallel_loop3A_496 = arith.constant 16 : index
        %parallel_loop3A_497 = tpu.vector_load %arg10[%parallel_loop3A_494, %parallel_loop3A_495, %parallel_loop3A_496] {strides = array<i32>} : memref<8x8x128xf32, #tpu.memory_space<vmem>>, vector<16xf32>,
        tpu.vector_store %arg10[%parallel_loop3A_494, %parallel_loop3A_495, %parallel_loop3A_496], %parallel_loop3A_493 {strides = array<i32>} : memref<8x8x128xf32, #tpu.memory_space<vmem>>, vector<16xf32>,
        %parallel_loop3A_498 = tpu.vector_load_idx %arg6[%parallel_loop3A_434] : memref<64000xf32, #tpu.memory_space<vmem>>[vector<16xi32>], vector<16xf32>,
        %parallel_loop3A_499 = arith.addf %parallel_loop3A_498, %parallel_loop3A_485 : vector<16xf32>
        %parallel_loop3A_500 = arith.index_cast %parallel_loop3A_463 : i32 to index
        %parallel_loop3A_501 = arith.index_cast %parallel_loop3A_479 : i32 to index
        %parallel_loop3A_502 = arith.constant 32 : index
        %parallel_loop3A_503 = tpu.vector_load %arg10[%parallel_loop3A_500, %parallel_loop3A_501, %parallel_loop3A_502] {strides = array<i32>} : memref<8x8x128xf32, #tpu.memory_space<vmem>>, vector<16xf32>,
        tpu.vector_store %arg10[%parallel_loop3A_500, %parallel_loop3A_501, %parallel_loop3A_502], %parallel_loop3A_499 {strides = array<i32>} : memref<8x8x128xf32, #tpu.memory_space<vmem>>, vector<16xf32>,
        %parallel_loop3A_504 = tpu.vector_load_idx %arg6[%parallel_loop3A_435] : memref<64000xf32, #tpu.memory_space<vmem>>[vector<16xi32>], vector<16xf32>,
        %parallel_loop3A_505 = arith.addf %parallel_loop3A_504, %parallel_loop3A_485 : vector<16xf32>
        %parallel_loop3A_506 = arith.index_cast %parallel_loop3A_463 : i32 to index
        %parallel_loop3A_507 = arith.index_cast %parallel_loop3A_479 : i32 to index
        %parallel_loop3A_508 = arith.constant 48 : index
        %parallel_loop3A_509 = tpu.vector_load %arg10[%parallel_loop3A_506, %parallel_loop3A_507, %parallel_loop3A_508] {strides = array<i32>} : memref<8x8x128xf32, #tpu.memory_space<vmem>>, vector<16xf32>,
        tpu.vector_store %arg10[%parallel_loop3A_506, %parallel_loop3A_507, %parallel_loop3A_508], %parallel_loop3A_505 {strides = array<i32>} : memref<8x8x128xf32, #tpu.memory_space<vmem>>, vector<16xf32>,
        %parallel_loop3A_510 = tpu.vector_load_idx %arg6[%parallel_loop3A_436] : memref<64000xf32, #tpu.memory_space<vmem>>[vector<16xi32>], vector<16xf32>,
        %parallel_loop3A_511 = arith.addf %parallel_loop3A_510, %parallel_loop3A_485 : vector<16xf32>
        %parallel_loop3A_512 = arith.index_cast %parallel_loop3A_463 : i32 to index
        %parallel_loop3A_513 = arith.index_cast %parallel_loop3A_479 : i32 to index
        %parallel_loop3A_514 = arith.constant 64 : index
        %parallel_loop3A_515 = tpu.vector_load %arg10[%parallel_loop3A_512, %parallel_loop3A_513, %parallel_loop3A_514] {strides = array<i32>} : memref<8x8x128xf32, #tpu.memory_space<vmem>>, vector<16xf32>,
        tpu.vector_store %arg10[%parallel_loop3A_512, %parallel_loop3A_513, %parallel_loop3A_514], %parallel_loop3A_511 {strides = array<i32>} : memref<8x8x128xf32, #tpu.memory_space<vmem>>, vector<16xf32>,
        %parallel_loop3A_516 = tpu.vector_load_idx %arg6[%parallel_loop3A_437] : memref<64000xf32, #tpu.memory_space<vmem>>[vector<16xi32>], vector<16xf32>,
        %parallel_loop3A_517 = arith.addf %parallel_loop3A_516, %parallel_loop3A_485 : vector<16xf32>
        %parallel_loop3A_518 = arith.index_cast %parallel_loop3A_463 : i32 to index
        %parallel_loop3A_519 = arith.index_cast %parallel_loop3A_479 : i32 to index
        %parallel_loop3A_520 = arith.constant 80 : index
        %parallel_loop3A_521 = tpu.vector_load %arg10[%parallel_loop3A_518, %parallel_loop3A_519, %parallel_loop3A_520] {strides = array<i32>} : memref<8x8x128xf32, #tpu.memory_space<vmem>>, vector<16xf32>,
        tpu.vector_store %arg10[%parallel_loop3A_518, %parallel_loop3A_519, %parallel_loop3A_520], %parallel_loop3A_517 {strides = array<i32>} : memref<8x8x128xf32, #tpu.memory_space<vmem>>, vector<16xf32>,
        %parallel_loop3A_522 = tpu.vector_load_idx %arg6[%parallel_loop3A_438] : memref<64000xf32, #tpu.memory_space<vmem>>[vector<16xi32>], vector<16xf32>,
        %parallel_loop3A_523 = arith.addf %parallel_loop3A_522, %parallel_loop3A_485 : vector<16xf32>
        %parallel_loop3A_524 = arith.index_cast %parallel_loop3A_463 : i32 to index
        %parallel_loop3A_525 = arith.index_cast %parallel_loop3A_479 : i32 to index
        %parallel_loop3A_526 = arith.constant 96 : index
        %parallel_loop3A_527 = tpu.vector_load %arg10[%parallel_loop3A_524, %parallel_loop3A_525, %parallel_loop3A_526] {strides = array<i32>} : memref<8x8x128xf32, #tpu.memory_space<vmem>>, vector<16xf32>,
        tpu.vector_store %arg10[%parallel_loop3A_524, %parallel_loop3A_525, %parallel_loop3A_526], %parallel_loop3A_523 {strides = array<i32>} : memref<8x8x128xf32, #tpu.memory_space<vmem>>, vector<16xf32>,
        %parallel_loop3A_528 = tpu.vector_load_idx %arg6[%parallel_loop3A_439] : memref<64000xf32, #tpu.memory_space<vmem>>[vector<16xi32>], vector<16xf32>,
        %parallel_loop3A_529 = arith.addf %parallel_loop3A_528, %parallel_loop3A_485 : vector<16xf32>
        %parallel_loop3A_530 = arith.index_cast %parallel_loop3A_463 : i32 to index
        %parallel_loop3A_531 = arith.index_cast %parallel_loop3A_479 : i32 to index
        %parallel_loop3A_532 = arith.constant 112 : index
        %parallel_loop3A_533 = tpu.vector_load %arg10[%parallel_loop3A_530, %parallel_loop3A_531, %parallel_loop3A_532] {strides = array<i32>} : memref<8x8x128xf32, #tpu.memory_space<vmem>>, vector<16xf32>,
        tpu.vector_store %arg10[%parallel_loop3A_530, %parallel_loop3A_531, %parallel_loop3A_532], %parallel_loop3A_529 {strides = array<i32>} : memref<8x8x128xf32, #tpu.memory_space<vmem>>, vector<16xf32>,
        %parallel_loop3A_534 = arith.constant 1000 : i32
        %parallel_loop3A_535 = vector.broadcast %parallel_loop3A_534 : i32 to vector<16xi32>
        %parallel_loop3A_536 = arith.addi %parallel_loop3A_432, %parallel_loop3A_535 : vector<16xi32>
        %parallel_loop3A_537 = arith.constant 1000 : i32
        %parallel_loop3A_538 = vector.broadcast %parallel_loop3A_537 : i32 to vector<16xi32>
        %parallel_loop3A_539 = arith.addi %parallel_loop3A_433, %parallel_loop3A_538 : vector<16xi32>
        %parallel_loop3A_540 = arith.constant 1000 : i32
        %parallel_loop3A_541 = vector.broadcast %parallel_loop3A_540 : i32 to vector<16xi32>
        %parallel_loop3A_542 = arith.addi %parallel_loop3A_434, %parallel_loop3A_541 : vector<16xi32>
        %parallel_loop3A_543 = arith.constant 1000 : i32
        %parallel_loop3A_544 = vector.broadcast %parallel_loop3A_543 : i32 to vector<16xi32>
        %parallel_loop3A_545 = arith.addi %parallel_loop3A_435, %parallel_loop3A_544 : vector<16xi32>
        %parallel_loop3A_546 = arith.constant 1000 : i32
        %parallel_loop3A_547 = vector.broadcast %parallel_loop3A_546 : i32 to vector<16xi32>
        %parallel_loop3A_548 = arith.addi %parallel_loop3A_436, %parallel_loop3A_547 : vector<16xi32>
        %parallel_loop3A_549 = arith.constant 1000 : i32
        %parallel_loop3A_550 = vector.broadcast %parallel_loop3A_549 : i32 to vector<16xi32>
        %parallel_loop3A_551 = arith.addi %parallel_loop3A_437, %parallel_loop3A_550 : vector<16xi32>
        %parallel_loop3A_552 = arith.constant 1000 : i32
        %parallel_loop3A_553 = vector.broadcast %parallel_loop3A_552 : i32 to vector<16xi32>
        %parallel_loop3A_554 = arith.addi %parallel_loop3A_438, %parallel_loop3A_553 : vector<16xi32>
        %parallel_loop3A_555 = arith.constant 1000 : i32
        %parallel_loop3A_556 = vector.broadcast %parallel_loop3A_555 : i32 to vector<16xi32>
        %parallel_loop3A_557 = arith.addi %parallel_loop3A_439, %parallel_loop3A_556 : vector<16xi32>
        scf.yield %parallel_loop3A_536, %parallel_loop3A_539, %parallel_loop3A_542, %parallel_loop3A_545, %parallel_loop3A_548, %parallel_loop3A_551, %parallel_loop3A_554, %parallel_loop3A_557 : vector<16xi32>, vector<16xi32>, vector<16xi32>, vector<16xi32>, vector<16xi32>, vector<16xi32>, vector<16xi32>, vector<16xi32>
      } {sc.loop_unroll_factor = 4 : i64, sc.parallel_access}
      %add3A_270 = arith.constant 0 : i32
      %add3A_271 = arith.addi %mul3A_4, %add3A_270 : i32
      %dma_start3A_272 = arith.constant 0 : i32
      %dma_start3A_273 = arith.constant 0 : i32
      %dma_start3A_274 = arith.constant 0 : i32
      %dma_start3A_275 = tpu.memref_slice %arg5[%add3A_235, %dma_start3A_272, %add3A_271, %dma_start3A_273, %dma_start3A_274] : memref<20x8x128x8x128xf32, #tpu.memory_space<hbm>> -> memref<1x8x1x8x128xf32, #tpu.memory_space<hbm>>
      %dma_start3A_276 = tpu.memref_squeeze %dma_start3A_275 : memref<1x8x1x8x128xf32, #tpu.memory_space<hbm>> -> memref<8x8x128xf32, #tpu.memory_space<hbm>>
      %dma_start3A_277 = arith.constant 0 : i32
      %dma_start3A_278 = arith.constant 0 : i32
      %dma_start3A_279 = arith.constant 0 : i32
      %dma_start3A_280 = tpu.memref_slice %arg5[%add3A_235, %dma_start3A_277, %add3A_271, %dma_start3A_278, %dma_start3A_279] : memref<20x8x128x8x128xf32, #tpu.memory_space<hbm>> -> memref<1x8x1x8x128xf32, #tpu.memory_space<hbm>>
      %dma_start3A_281 = tpu.memref_squeeze %dma_start3A_280 : memref<1x8x1x8x128xf32, #tpu.memory_space<hbm>> -> memref<8x8x128xf32, #tpu.memory_space<hbm>>
      tpu.enqueue_dma source(%arg10 : memref<8x8x128xf32, #tpu.memory_space<vmem>>) target(%dma_start3A_281 : memref<8x8x128xf32, #tpu.memory_space<hbm>>) target_semaphore(%arg16 : memref<!tpu.dma_semaphore, #tpu.memory_space<semaphore_mem>>)
      %add3A_282 = arith.constant 1 : i32
      %add3A_283 = arith.addi %mul3A_68, %add3A_282 : i32
      %dma_wait3A_284 = arith.constant 0 : i32
      %dma_wait3A_285 = arith.constant 0 : i32
      %dma_wait3A_286 = arith.constant 0 : i32
      %dma_wait3A_287 = arith.constant 0 : i32
      %dma_wait3A_288 = arith.constant 0 : i32
      %dma_wait3A_289 = tpu.memref_slice %arg5[%dma_wait3A_284, %dma_wait3A_286, %dma_wait3A_285, %dma_wait3A_287, %dma_wait3A_288] : memref<20x8x128x8x128xf32, #tpu.memory_space<hbm>> -> memref<1x8x1x8x128xf32, #tpu.memory_space<hbm>>
      %dma_wait3A_290 = tpu.memref_squeeze %dma_wait3A_289 : memref<1x8x1x8x128xf32, #tpu.memory_space<hbm>> -> memref<8x8x128xf32, #tpu.memory_space<hbm>>
      %dma_wait3A_291 = arith.constant 0 : i32
      %dma_wait3A_292 = arith.constant 0 : i32
      %dma_wait3A_293 = arith.constant 0 : i32
      %dma_wait3A_294 = tpu.memref_slice %arg5[%dma_wait3A_284, %dma_wait3A_291, %dma_wait3A_285, %dma_wait3A_292, %dma_wait3A_293] : memref<20x8x128x8x128xf32, #tpu.memory_space<hbm>> -> memref<1x8x1x8x128xf32, #tpu.memory_space<hbm>>
      %dma_wait3A_295 = tpu.memref_squeeze %dma_wait3A_294 : memref<1x8x1x8x128xf32, #tpu.memory_space<hbm>> -> memref<8x8x128xf32, #tpu.memory_space<hbm>>
      tpu.wait_dma2 semaphore(%arg17 : memref<!tpu.dma_semaphore, #tpu.memory_space<semaphore_mem>>) src(%arg11 : memref<8x8x128xf32, #tpu.memory_space<vmem>>) dst(%dma_wait3A_295 : memref<8x8x128xf32, #tpu.memory_space<hbm>>)
      %mul3A_296 = arith.constant 8 : i32
      %mul3A_297 = arith.muli %add3A_283, %mul3A_296 : i32
      %get3A_298 = arith.constant 128 : index
      %get3A_299 = tpu.vector_load %arg9[%get3A_298] {strides = array<i32>} : memref<512xi32, #tpu.memory_space<vmem>>, vector<16xi32>,
      %get3A_300 = arith.constant 144 : index
      %get3A_301 = tpu.vector_load %arg9[%get3A_300] {strides = array<i32>} : memref<512xi32, #tpu.memory_space<vmem>>, vector<16xi32>,
      %get3A_302 = arith.constant 160 : index
      %get3A_303 = tpu.vector_load %arg9[%get3A_302] {strides = array<i32>} : memref<512xi32, #tpu.memory_space<vmem>>, vector<16xi32>,
      %get3A_304 = arith.constant 176 : index
      %get3A_305 = tpu.vector_load %arg9[%get3A_304] {strides = array<i32>} : memref<512xi32, #tpu.memory_space<vmem>>, vector<16xi32>,
      %get3A_306 = arith.constant 192 : index
      %get3A_307 = tpu.vector_load %arg9[%get3A_306] {strides = array<i32>} : memref<512xi32, #tpu.memory_space<vmem>>, vector<16xi32>,
      %get3A_308 = arith.constant 208 : index
      %get3A_309 = tpu.vector_load %arg9[%get3A_308] {strides = array<i32>} : memref<512xi32, #tpu.memory_space<vmem>>, vector<16xi32>,
      %get3A_310 = arith.constant 224 : index
      %get3A_311 = tpu.vector_load %arg9[%get3A_310] {strides = array<i32>} : memref<512xi32, #tpu.memory_space<vmem>>, vector<16xi32>,
      %get3A_312 = arith.constant 240 : index
      %get3A_313 = tpu.vector_load %arg9[%get3A_312] {strides = array<i32>} : memref<512xi32, #tpu.memory_space<vmem>>, vector<16xi32>,
      %parallel_loop3A_314 = arith.constant 0 : i32
      %parallel_loop3A_315 = arith.constant 64 : i32
      %parallel_loop3A_316 = arith.constant 1 : i32
      %parallel_loop3A_317:8 = scf.for %parallel_loop3A_431 = %parallel_loop3A_314 to %parallel_loop3A_315 step %parallel_loop3A_316 iter_args(%parallel_loop3A_432 = %get3A_299, %parallel_loop3A_433 = %get3A_301, %parallel_loop3A_434 = %get3A_303, %parallel_loop3A_435 = %get3A_305, %parallel_loop3A_436 = %get3A_307, %parallel_loop3A_437 = %get3A_309, %parallel_loop3A_438 = %get3A_311, %parallel_loop3A_439 = %get3A_313) -> (vector<16xi32>, vector<16xi32>, vector<16xi32>, vector<16xi32>, vector<16xi32>, vector<16xi32>, vector<16xi32>, vector<16xi32>)  : i32 {
        %parallel_loop3A_440 = arith.constant 8 : i32
        %parallel_loop3A_441 = arith.divsi %parallel_loop3A_431, %parallel_loop3A_440 : i32
        %parallel_loop3A_442 = arith.constant 0 : i32
        %parallel_loop3A_443 = arith.cmpi sgt, %parallel_loop3A_431, %parallel_loop3A_442 : i32
        %parallel_loop3A_444 = arith.extui %parallel_loop3A_443 : i1 to i32
        %parallel_loop3A_445 = arith.constant 0 : i32
        %parallel_loop3A_446 = arith.cmpi slt, %parallel_loop3A_431, %parallel_loop3A_445 : i32
        %parallel_loop3A_447 = arith.extui %parallel_loop3A_446 : i1 to i32
        %parallel_loop3A_448 = arith.subi %parallel_loop3A_444, %parallel_loop3A_447 : i32
        %parallel_loop3A_449 = arith.constant 0 : i32
        %parallel_loop3A_450 = arith.cmpi sgt, %parallel_loop3A_440, %parallel_loop3A_449 : i32
        %parallel_loop3A_451 = arith.extui %parallel_loop3A_450 : i1 to i32
        %parallel_loop3A_452 = arith.constant 0 : i32
        %parallel_loop3A_453 = arith.cmpi slt, %parallel_loop3A_440, %parallel_loop3A_452 : i32
        %parallel_loop3A_454 = arith.extui %parallel_loop3A_453 : i1 to i32
        %parallel_loop3A_455 = arith.subi %parallel_loop3A_451, %parallel_loop3A_454 : i32
        %parallel_loop3A_456 = arith.cmpi ne, %parallel_loop3A_448, %parallel_loop3A_455 : i32
        %parallel_loop3A_457 = arith.remsi %parallel_loop3A_431, %parallel_loop3A_440 : i32
        %parallel_loop3A_458 = arith.constant 0 : i32
        %parallel_loop3A_459 = arith.cmpi ne, %parallel_loop3A_457, %parallel_loop3A_458 : i32
        %parallel_loop3A_460 = arith.andi %parallel_loop3A_456, %parallel_loop3A_459 : i1
        %parallel_loop3A_461 = arith.constant 1 : i32
        %parallel_loop3A_462 = arith.subi %parallel_loop3A_441, %parallel_loop3A_461 : i32
        %parallel_loop3A_463 = arith.select %parallel_loop3A_460, %parallel_loop3A_462, %parallel_loop3A_441 : i32
        %parallel_loop3A_464 = arith.constant 8 : i32
        %parallel_loop3A_465 = arith.constant 0 : i32
        %parallel_loop3A_466 = arith.cmpi eq, %parallel_loop3A_464, %parallel_loop3A_465 : i32
        %parallel_loop3A_467 = arith.constant 1 : i32
        %parallel_loop3A_468 = arith.select %parallel_loop3A_466, %parallel_loop3A_467, %parallel_loop3A_464 : i32
        %parallel_loop3A_469 = arith.remsi %parallel_loop3A_431, %parallel_loop3A_468 : i32
        %parallel_loop3A_470 = arith.constant 0 : i32
        %parallel_loop3A_471 = arith.cmpi ne, %parallel_loop3A_469, %parallel_loop3A_470 : i32
        %parallel_loop3A_472 = arith.constant 0 : i32
        %parallel_loop3A_473 = arith.cmpi slt, %parallel_loop3A_469, %parallel_loop3A_472 : i32
        %parallel_loop3A_474 = arith.constant 0 : i32
        %parallel_loop3A_475 = arith.cmpi slt, %parallel_loop3A_468, %parallel_loop3A_474 : i32
        %parallel_loop3A_476 = arith.xori %parallel_loop3A_473, %parallel_loop3A_475 : i1
        %parallel_loop3A_477 = arith.andi %parallel_loop3A_476, %parallel_loop3A_471 : i1
        %parallel_loop3A_478 = arith.addi %parallel_loop3A_469, %parallel_loop3A_468 : i32
        %parallel_loop3A_479 = arith.select %parallel_loop3A_477, %parallel_loop3A_478, %parallel_loop3A_469 : i32
        %parallel_loop3A_480 = arith.addi %mul3A_297, %parallel_loop3A_463 : i32
        %parallel_loop3A_481 = arith.constant 16 : i32
        %parallel_loop3A_482 = arith.muli %parallel_loop3A_479, %parallel_loop3A_481 : i32
        %parallel_loop3A_483 = arith.index_cast %parallel_loop3A_480 : i32 to index
        %parallel_loop3A_484 = arith.index_cast %parallel_loop3A_482 : i32 to index
        %parallel_loop3A_485 = tpu.vector_load %arg7[%parallel_loop3A_483, %parallel_loop3A_484] {strides = array<i32>} : memref<160x128xf32, #tpu.memory_space<vmem>>, vector<16xf32>,
        %parallel_loop3A_486 = tpu.vector_load_idx %arg6[%parallel_loop3A_432] : memref<64000xf32, #tpu.memory_space<vmem>>[vector<16xi32>], vector<16xf32>,
        %parallel_loop3A_487 = arith.addf %parallel_loop3A_486, %parallel_loop3A_485 : vector<16xf32>
        %parallel_loop3A_488 = arith.index_cast %parallel_loop3A_463 : i32 to index
        %parallel_loop3A_489 = arith.index_cast %parallel_loop3A_479 : i32 to index
        %parallel_loop3A_490 = arith.constant 0 : index
        %parallel_loop3A_491 = tpu.vector_load %arg11[%parallel_loop3A_488, %parallel_loop3A_489, %parallel_loop3A_490] {strides = array<i32>} : memref<8x8x128xf32, #tpu.memory_space<vmem>>, vector<16xf32>,
        tpu.vector_store %arg11[%parallel_loop3A_488, %parallel_loop3A_489, %parallel_loop3A_490], %parallel_loop3A_487 {strides = array<i32>} : memref<8x8x128xf32, #tpu.memory_space<vmem>>, vector<16xf32>,
        %parallel_loop3A_492 = tpu.vector_load_idx %arg6[%parallel_loop3A_433] : memref<64000xf32, #tpu.memory_space<vmem>>[vector<16xi32>], vector<16xf32>,
        %parallel_loop3A_493 = arith.addf %parallel_loop3A_492, %parallel_loop3A_485 : vector<16xf32>
        %parallel_loop3A_494 = arith.index_cast %parallel_loop3A_463 : i32 to index
        %parallel_loop3A_495 = arith.index_cast %parallel_loop3A_479 : i32 to index
        %parallel_loop3A_496 = arith.constant 16 : index
        %parallel_loop3A_497 = tpu.vector_load %arg11[%parallel_loop3A_494, %parallel_loop3A_495, %parallel_loop3A_496] {strides = array<i32>} : memref<8x8x128xf32, #tpu.memory_space<vmem>>, vector<16xf32>,
        tpu.vector_store %arg11[%parallel_loop3A_494, %parallel_loop3A_495, %parallel_loop3A_496], %parallel_loop3A_493 {strides = array<i32>} : memref<8x8x128xf32, #tpu.memory_space<vmem>>, vector<16xf32>,
        %parallel_loop3A_498 = tpu.vector_load_idx %arg6[%parallel_loop3A_434] : memref<64000xf32, #tpu.memory_space<vmem>>[vector<16xi32>], vector<16xf32>,
        %parallel_loop3A_499 = arith.addf %parallel_loop3A_498, %parallel_loop3A_485 : vector<16xf32>
        %parallel_loop3A_500 = arith.index_cast %parallel_loop3A_463 : i32 to index
        %parallel_loop3A_501 = arith.index_cast %parallel_loop3A_479 : i32 to index
        %parallel_loop3A_502 = arith.constant 32 : index
        %parallel_loop3A_503 = tpu.vector_load %arg11[%parallel_loop3A_500, %parallel_loop3A_501, %parallel_loop3A_502] {strides = array<i32>} : memref<8x8x128xf32, #tpu.memory_space<vmem>>, vector<16xf32>,
        tpu.vector_store %arg11[%parallel_loop3A_500, %parallel_loop3A_501, %parallel_loop3A_502], %parallel_loop3A_499 {strides = array<i32>} : memref<8x8x128xf32, #tpu.memory_space<vmem>>, vector<16xf32>,
        %parallel_loop3A_504 = tpu.vector_load_idx %arg6[%parallel_loop3A_435] : memref<64000xf32, #tpu.memory_space<vmem>>[vector<16xi32>], vector<16xf32>,
        %parallel_loop3A_505 = arith.addf %parallel_loop3A_504, %parallel_loop3A_485 : vector<16xf32>
        %parallel_loop3A_506 = arith.index_cast %parallel_loop3A_463 : i32 to index
        %parallel_loop3A_507 = arith.index_cast %parallel_loop3A_479 : i32 to index
        %parallel_loop3A_508 = arith.constant 48 : index
        %parallel_loop3A_509 = tpu.vector_load %arg11[%parallel_loop3A_506, %parallel_loop3A_507, %parallel_loop3A_508] {strides = array<i32>} : memref<8x8x128xf32, #tpu.memory_space<vmem>>, vector<16xf32>,
        tpu.vector_store %arg11[%parallel_loop3A_506, %parallel_loop3A_507, %parallel_loop3A_508], %parallel_loop3A_505 {strides = array<i32>} : memref<8x8x128xf32, #tpu.memory_space<vmem>>, vector<16xf32>,
        %parallel_loop3A_510 = tpu.vector_load_idx %arg6[%parallel_loop3A_436] : memref<64000xf32, #tpu.memory_space<vmem>>[vector<16xi32>], vector<16xf32>,
        %parallel_loop3A_511 = arith.addf %parallel_loop3A_510, %parallel_loop3A_485 : vector<16xf32>
        %parallel_loop3A_512 = arith.index_cast %parallel_loop3A_463 : i32 to index
        %parallel_loop3A_513 = arith.index_cast %parallel_loop3A_479 : i32 to index
        %parallel_loop3A_514 = arith.constant 64 : index
        %parallel_loop3A_515 = tpu.vector_load %arg11[%parallel_loop3A_512, %parallel_loop3A_513, %parallel_loop3A_514] {strides = array<i32>} : memref<8x8x128xf32, #tpu.memory_space<vmem>>, vector<16xf32>,
        tpu.vector_store %arg11[%parallel_loop3A_512, %parallel_loop3A_513, %parallel_loop3A_514], %parallel_loop3A_511 {strides = array<i32>} : memref<8x8x128xf32, #tpu.memory_space<vmem>>, vector<16xf32>,
        %parallel_loop3A_516 = tpu.vector_load_idx %arg6[%parallel_loop3A_437] : memref<64000xf32, #tpu.memory_space<vmem>>[vector<16xi32>], vector<16xf32>,
        %parallel_loop3A_517 = arith.addf %parallel_loop3A_516, %parallel_loop3A_485 : vector<16xf32>
        %parallel_loop3A_518 = arith.index_cast %parallel_loop3A_463 : i32 to index
        %parallel_loop3A_519 = arith.index_cast %parallel_loop3A_479 : i32 to index
        %parallel_loop3A_520 = arith.constant 80 : index
        %parallel_loop3A_521 = tpu.vector_load %arg11[%parallel_loop3A_518, %parallel_loop3A_519, %parallel_loop3A_520] {strides = array<i32>} : memref<8x8x128xf32, #tpu.memory_space<vmem>>, vector<16xf32>,
        tpu.vector_store %arg11[%parallel_loop3A_518, %parallel_loop3A_519, %parallel_loop3A_520], %parallel_loop3A_517 {strides = array<i32>} : memref<8x8x128xf32, #tpu.memory_space<vmem>>, vector<16xf32>,
        %parallel_loop3A_522 = tpu.vector_load_idx %arg6[%parallel_loop3A_438] : memref<64000xf32, #tpu.memory_space<vmem>>[vector<16xi32>], vector<16xf32>,
        %parallel_loop3A_523 = arith.addf %parallel_loop3A_522, %parallel_loop3A_485 : vector<16xf32>
        %parallel_loop3A_524 = arith.index_cast %parallel_loop3A_463 : i32 to index
        %parallel_loop3A_525 = arith.index_cast %parallel_loop3A_479 : i32 to index
        %parallel_loop3A_526 = arith.constant 96 : index
        %parallel_loop3A_527 = tpu.vector_load %arg11[%parallel_loop3A_524, %parallel_loop3A_525, %parallel_loop3A_526] {strides = array<i32>} : memref<8x8x128xf32, #tpu.memory_space<vmem>>, vector<16xf32>,
        tpu.vector_store %arg11[%parallel_loop3A_524, %parallel_loop3A_525, %parallel_loop3A_526], %parallel_loop3A_523 {strides = array<i32>} : memref<8x8x128xf32, #tpu.memory_space<vmem>>, vector<16xf32>,
        %parallel_loop3A_528 = tpu.vector_load_idx %arg6[%parallel_loop3A_439] : memref<64000xf32, #tpu.memory_space<vmem>>[vector<16xi32>], vector<16xf32>,
        %parallel_loop3A_529 = arith.addf %parallel_loop3A_528, %parallel_loop3A_485 : vector<16xf32>
        %parallel_loop3A_530 = arith.index_cast %parallel_loop3A_463 : i32 to index
        %parallel_loop3A_531 = arith.index_cast %parallel_loop3A_479 : i32 to index
        %parallel_loop3A_532 = arith.constant 112 : index
        %parallel_loop3A_533 = tpu.vector_load %arg11[%parallel_loop3A_530, %parallel_loop3A_531, %parallel_loop3A_532] {strides = array<i32>} : memref<8x8x128xf32, #tpu.memory_space<vmem>>, vector<16xf32>,
        tpu.vector_store %arg11[%parallel_loop3A_530, %parallel_loop3A_531, %parallel_loop3A_532], %parallel_loop3A_529 {strides = array<i32>} : memref<8x8x128xf32, #tpu.memory_space<vmem>>, vector<16xf32>,
        %parallel_loop3A_534 = arith.constant 1000 : i32
        %parallel_loop3A_535 = vector.broadcast %parallel_loop3A_534 : i32 to vector<16xi32>
        %parallel_loop3A_536 = arith.addi %parallel_loop3A_432, %parallel_loop3A_535 : vector<16xi32>
        %parallel_loop3A_537 = arith.constant 1000 : i32
        %parallel_loop3A_538 = vector.broadcast %parallel_loop3A_537 : i32 to vector<16xi32>
        %parallel_loop3A_539 = arith.addi %parallel_loop3A_433, %parallel_loop3A_538 : vector<16xi32>
        %parallel_loop3A_540 = arith.constant 1000 : i32
        %parallel_loop3A_541 = vector.broadcast %parallel_loop3A_540 : i32 to vector<16xi32>
        %parallel_loop3A_542 = arith.addi %parallel_loop3A_434, %parallel_loop3A_541 : vector<16xi32>
        %parallel_loop3A_543 = arith.constant 1000 : i32
        %parallel_loop3A_544 = vector.broadcast %parallel_loop3A_543 : i32 to vector<16xi32>
        %parallel_loop3A_545 = arith.addi %parallel_loop3A_435, %parallel_loop3A_544 : vector<16xi32>
        %parallel_loop3A_546 = arith.constant 1000 : i32
        %parallel_loop3A_547 = vector.broadcast %parallel_loop3A_546 : i32 to vector<16xi32>
        %parallel_loop3A_548 = arith.addi %parallel_loop3A_436, %parallel_loop3A_547 : vector<16xi32>
        %parallel_loop3A_549 = arith.constant 1000 : i32
        %parallel_loop3A_550 = vector.broadcast %parallel_loop3A_549 : i32 to vector<16xi32>
        %parallel_loop3A_551 = arith.addi %parallel_loop3A_437, %parallel_loop3A_550 : vector<16xi32>
        %parallel_loop3A_552 = arith.constant 1000 : i32
        %parallel_loop3A_553 = vector.broadcast %parallel_loop3A_552 : i32 to vector<16xi32>
        %parallel_loop3A_554 = arith.addi %parallel_loop3A_438, %parallel_loop3A_553 : vector<16xi32>
        %parallel_loop3A_555 = arith.constant 1000 : i32
        %parallel_loop3A_556 = vector.broadcast %parallel_loop3A_555 : i32 to vector<16xi32>
        %parallel_loop3A_557 = arith.addi %parallel_loop3A_439, %parallel_loop3A_556 : vector<16xi32>
        scf.yield %parallel_loop3A_536, %parallel_loop3A_539, %parallel_loop3A_542, %parallel_loop3A_545, %parallel_loop3A_548, %parallel_loop3A_551, %parallel_loop3A_554, %parallel_loop3A_557 : vector<16xi32>, vector<16xi32>, vector<16xi32>, vector<16xi32>, vector<16xi32>, vector<16xi32>, vector<16xi32>, vector<16xi32>
      } {sc.loop_unroll_factor = 4 : i64, sc.parallel_access}
      %add3A_318 = arith.constant 1 : i32
      %add3A_319 = arith.addi %mul3A_4, %add3A_318 : i32
      %dma_start3A_320 = arith.constant 0 : i32
      %dma_start3A_321 = arith.constant 0 : i32
      %dma_start3A_322 = arith.constant 0 : i32
      %dma_start3A_323 = tpu.memref_slice %arg5[%add3A_283, %dma_start3A_320, %add3A_319, %dma_start3A_321, %dma_start3A_322] : memref<20x8x128x8x128xf32, #tpu.memory_space<hbm>> -> memref<1x8x1x8x128xf32, #tpu.memory_space<hbm>>
      %dma_start3A_324 = tpu.memref_squeeze %dma_start3A_323 : memref<1x8x1x8x128xf32, #tpu.memory_space<hbm>> -> memref<8x8x128xf32, #tpu.memory_space<hbm>>
      %dma_start3A_325 = arith.constant 0 : i32
      %dma_start3A_326 = arith.constant 0 : i32
      %dma_start3A_327 = arith.constant 0 : i32
      %dma_start3A_328 = tpu.memref_slice %arg5[%add3A_283, %dma_start3A_325, %add3A_319, %dma_start3A_326, %dma_start3A_327] : memref<20x8x128x8x128xf32, #tpu.memory_space<hbm>> -> memref<1x8x1x8x128xf32, #tpu.memory_space<hbm>>
      %dma_start3A_329 = tpu.memref_squeeze %dma_start3A_328 : memref<1x8x1x8x128xf32, #tpu.memory_space<hbm>> -> memref<8x8x128xf32, #tpu.memory_space<hbm>>
      tpu.enqueue_dma source(%arg11 : memref<8x8x128xf32, #tpu.memory_space<vmem>>) target(%dma_start3A_329 : memref<8x8x128xf32, #tpu.memory_space<hbm>>) target_semaphore(%arg17 : memref<!tpu.dma_semaphore, #tpu.memory_space<semaphore_mem>>)
      %add3A_330 = arith.constant 1 : i32
      %add3A_331 = arith.addi %mul3A_68, %add3A_330 : i32
      %dma_wait3A_332 = arith.constant 0 : i32
      %dma_wait3A_333 = arith.constant 0 : i32
      %dma_wait3A_334 = arith.constant 0 : i32
      %dma_wait3A_335 = arith.constant 0 : i32
      %dma_wait3A_336 = arith.constant 0 : i32
      %dma_wait3A_337 = tpu.memref_slice %arg5[%dma_wait3A_332, %dma_wait3A_334, %dma_wait3A_333, %dma_wait3A_335, %dma_wait3A_336] : memref<20x8x128x8x128xf32, #tpu.memory_space<hbm>> -> memref<1x8x1x8x128xf32, #tpu.memory_space<hbm>>
      %dma_wait3A_338 = tpu.memref_squeeze %dma_wait3A_337 : memref<1x8x1x8x128xf32, #tpu.memory_space<hbm>> -> memref<8x8x128xf32, #tpu.memory_space<hbm>>
      %dma_wait3A_339 = arith.constant 0 : i32
      %dma_wait3A_340 = arith.constant 0 : i32
      %dma_wait3A_341 = arith.constant 0 : i32
      %dma_wait3A_342 = tpu.memref_slice %arg5[%dma_wait3A_332, %dma_wait3A_339, %dma_wait3A_333, %dma_wait3A_340, %dma_wait3A_341] : memref<20x8x128x8x128xf32, #tpu.memory_space<hbm>> -> memref<1x8x1x8x128xf32, #tpu.memory_space<hbm>>
      %dma_wait3A_343 = tpu.memref_squeeze %dma_wait3A_342 : memref<1x8x1x8x128xf32, #tpu.memory_space<hbm>> -> memref<8x8x128xf32, #tpu.memory_space<hbm>>
      tpu.wait_dma2 semaphore(%arg18 : memref<!tpu.dma_semaphore, #tpu.memory_space<semaphore_mem>>) src(%arg12 : memref<8x8x128xf32, #tpu.memory_space<vmem>>) dst(%dma_wait3A_343 : memref<8x8x128xf32, #tpu.memory_space<hbm>>)
      %mul3A_344 = arith.constant 8 : i32
      %mul3A_345 = arith.muli %add3A_331, %mul3A_344 : i32
      %get3A_346 = arith.constant 256 : index
      %get3A_347 = tpu.vector_load %arg9[%get3A_346] {strides = array<i32>} : memref<512xi32, #tpu.memory_space<vmem>>, vector<16xi32>,
      %get3A_348 = arith.constant 272 : index
      %get3A_349 = tpu.vector_load %arg9[%get3A_348] {strides = array<i32>} : memref<512xi32, #tpu.memory_space<vmem>>, vector<16xi32>,
      %get3A_350 = arith.constant 288 : index
      %get3A_351 = tpu.vector_load %arg9[%get3A_350] {strides = array<i32>} : memref<512xi32, #tpu.memory_space<vmem>>, vector<16xi32>,
      %get3A_352 = arith.constant 304 : index
      %get3A_353 = tpu.vector_load %arg9[%get3A_352] {strides = array<i32>} : memref<512xi32, #tpu.memory_space<vmem>>, vector<16xi32>,
      %get3A_354 = arith.constant 320 : index
      %get3A_355 = tpu.vector_load %arg9[%get3A_354] {strides = array<i32>} : memref<512xi32, #tpu.memory_space<vmem>>, vector<16xi32>,
      %get3A_356 = arith.constant 336 : index
      %get3A_357 = tpu.vector_load %arg9[%get3A_356] {strides = array<i32>} : memref<512xi32, #tpu.memory_space<vmem>>, vector<16xi32>,
      %get3A_358 = arith.constant 352 : index
      %get3A_359 = tpu.vector_load %arg9[%get3A_358] {strides = array<i32>} : memref<512xi32, #tpu.memory_space<vmem>>, vector<16xi32>,
      %get3A_360 = arith.constant 368 : index
      %get3A_361 = tpu.vector_load %arg9[%get3A_360] {strides = array<i32>} : memref<512xi32, #tpu.memory_space<vmem>>, vector<16xi32>,
      %parallel_loop3A_362 = arith.constant 0 : i32
      %parallel_loop3A_363 = arith.constant 64 : i32
      %parallel_loop3A_364 = arith.constant 1 : i32
      %parallel_loop3A_365:8 = scf.for %parallel_loop3A_431 = %parallel_loop3A_362 to %parallel_loop3A_363 step %parallel_loop3A_364 iter_args(%parallel_loop3A_432 = %get3A_347, %parallel_loop3A_433 = %get3A_349, %parallel_loop3A_434 = %get3A_351, %parallel_loop3A_435 = %get3A_353, %parallel_loop3A_436 = %get3A_355, %parallel_loop3A_437 = %get3A_357, %parallel_loop3A_438 = %get3A_359, %parallel_loop3A_439 = %get3A_361) -> (vector<16xi32>, vector<16xi32>, vector<16xi32>, vector<16xi32>, vector<16xi32>, vector<16xi32>, vector<16xi32>, vector<16xi32>)  : i32 {
        %parallel_loop3A_440 = arith.constant 8 : i32
        %parallel_loop3A_441 = arith.divsi %parallel_loop3A_431, %parallel_loop3A_440 : i32
        %parallel_loop3A_442 = arith.constant 0 : i32
        %parallel_loop3A_443 = arith.cmpi sgt, %parallel_loop3A_431, %parallel_loop3A_442 : i32
        %parallel_loop3A_444 = arith.extui %parallel_loop3A_443 : i1 to i32
        %parallel_loop3A_445 = arith.constant 0 : i32
        %parallel_loop3A_446 = arith.cmpi slt, %parallel_loop3A_431, %parallel_loop3A_445 : i32
        %parallel_loop3A_447 = arith.extui %parallel_loop3A_446 : i1 to i32
        %parallel_loop3A_448 = arith.subi %parallel_loop3A_444, %parallel_loop3A_447 : i32
        %parallel_loop3A_449 = arith.constant 0 : i32
        %parallel_loop3A_450 = arith.cmpi sgt, %parallel_loop3A_440, %parallel_loop3A_449 : i32
        %parallel_loop3A_451 = arith.extui %parallel_loop3A_450 : i1 to i32
        %parallel_loop3A_452 = arith.constant 0 : i32
        %parallel_loop3A_453 = arith.cmpi slt, %parallel_loop3A_440, %parallel_loop3A_452 : i32
        %parallel_loop3A_454 = arith.extui %parallel_loop3A_453 : i1 to i32
        %parallel_loop3A_455 = arith.subi %parallel_loop3A_451, %parallel_loop3A_454 : i32
        %parallel_loop3A_456 = arith.cmpi ne, %parallel_loop3A_448, %parallel_loop3A_455 : i32
        %parallel_loop3A_457 = arith.remsi %parallel_loop3A_431, %parallel_loop3A_440 : i32
        %parallel_loop3A_458 = arith.constant 0 : i32
        %parallel_loop3A_459 = arith.cmpi ne, %parallel_loop3A_457, %parallel_loop3A_458 : i32
        %parallel_loop3A_460 = arith.andi %parallel_loop3A_456, %parallel_loop3A_459 : i1
        %parallel_loop3A_461 = arith.constant 1 : i32
        %parallel_loop3A_462 = arith.subi %parallel_loop3A_441, %parallel_loop3A_461 : i32
        %parallel_loop3A_463 = arith.select %parallel_loop3A_460, %parallel_loop3A_462, %parallel_loop3A_441 : i32
        %parallel_loop3A_464 = arith.constant 8 : i32
        %parallel_loop3A_465 = arith.constant 0 : i32
        %parallel_loop3A_466 = arith.cmpi eq, %parallel_loop3A_464, %parallel_loop3A_465 : i32
        %parallel_loop3A_467 = arith.constant 1 : i32
        %parallel_loop3A_468 = arith.select %parallel_loop3A_466, %parallel_loop3A_467, %parallel_loop3A_464 : i32
        %parallel_loop3A_469 = arith.remsi %parallel_loop3A_431, %parallel_loop3A_468 : i32
        %parallel_loop3A_470 = arith.constant 0 : i32
        %parallel_loop3A_471 = arith.cmpi ne, %parallel_loop3A_469, %parallel_loop3A_470 : i32
        %parallel_loop3A_472 = arith.constant 0 : i32
        %parallel_loop3A_473 = arith.cmpi slt, %parallel_loop3A_469, %parallel_loop3A_472 : i32
        %parallel_loop3A_474 = arith.constant 0 : i32
        %parallel_loop3A_475 = arith.cmpi slt, %parallel_loop3A_468, %parallel_loop3A_474 : i32
        %parallel_loop3A_476 = arith.xori %parallel_loop3A_473, %parallel_loop3A_475 : i1
        %parallel_loop3A_477 = arith.andi %parallel_loop3A_476, %parallel_loop3A_471 : i1
        %parallel_loop3A_478 = arith.addi %parallel_loop3A_469, %parallel_loop3A_468 : i32
        %parallel_loop3A_479 = arith.select %parallel_loop3A_477, %parallel_loop3A_478, %parallel_loop3A_469 : i32
        %parallel_loop3A_480 = arith.addi %mul3A_345, %parallel_loop3A_463 : i32
        %parallel_loop3A_481 = arith.constant 16 : i32
        %parallel_loop3A_482 = arith.muli %parallel_loop3A_479, %parallel_loop3A_481 : i32
        %parallel_loop3A_483 = arith.index_cast %parallel_loop3A_480 : i32 to index
        %parallel_loop3A_484 = arith.index_cast %parallel_loop3A_482 : i32 to index
        %parallel_loop3A_485 = tpu.vector_load %arg7[%parallel_loop3A_483, %parallel_loop3A_484] {strides = array<i32>} : memref<160x128xf32, #tpu.memory_space<vmem>>, vector<16xf32>,
        %parallel_loop3A_486 = tpu.vector_load_idx %arg6[%parallel_loop3A_432] : memref<64000xf32, #tpu.memory_space<vmem>>[vector<16xi32>], vector<16xf32>,
        %parallel_loop3A_487 = arith.addf %parallel_loop3A_486, %parallel_loop3A_485 : vector<16xf32>
        %parallel_loop3A_488 = arith.index_cast %parallel_loop3A_463 : i32 to index
        %parallel_loop3A_489 = arith.index_cast %parallel_loop3A_479 : i32 to index
        %parallel_loop3A_490 = arith.constant 0 : index
        %parallel_loop3A_491 = tpu.vector_load %arg12[%parallel_loop3A_488, %parallel_loop3A_489, %parallel_loop3A_490] {strides = array<i32>} : memref<8x8x128xf32, #tpu.memory_space<vmem>>, vector<16xf32>,
        tpu.vector_store %arg12[%parallel_loop3A_488, %parallel_loop3A_489, %parallel_loop3A_490], %parallel_loop3A_487 {strides = array<i32>} : memref<8x8x128xf32, #tpu.memory_space<vmem>>, vector<16xf32>,
        %parallel_loop3A_492 = tpu.vector_load_idx %arg6[%parallel_loop3A_433] : memref<64000xf32, #tpu.memory_space<vmem>>[vector<16xi32>], vector<16xf32>,
        %parallel_loop3A_493 = arith.addf %parallel_loop3A_492, %parallel_loop3A_485 : vector<16xf32>
        %parallel_loop3A_494 = arith.index_cast %parallel_loop3A_463 : i32 to index
        %parallel_loop3A_495 = arith.index_cast %parallel_loop3A_479 : i32 to index
        %parallel_loop3A_496 = arith.constant 16 : index
        %parallel_loop3A_497 = tpu.vector_load %arg12[%parallel_loop3A_494, %parallel_loop3A_495, %parallel_loop3A_496] {strides = array<i32>} : memref<8x8x128xf32, #tpu.memory_space<vmem>>, vector<16xf32>,
        tpu.vector_store %arg12[%parallel_loop3A_494, %parallel_loop3A_495, %parallel_loop3A_496], %parallel_loop3A_493 {strides = array<i32>} : memref<8x8x128xf32, #tpu.memory_space<vmem>>, vector<16xf32>,
        %parallel_loop3A_498 = tpu.vector_load_idx %arg6[%parallel_loop3A_434] : memref<64000xf32, #tpu.memory_space<vmem>>[vector<16xi32>], vector<16xf32>,
        %parallel_loop3A_499 = arith.addf %parallel_loop3A_498, %parallel_loop3A_485 : vector<16xf32>
        %parallel_loop3A_500 = arith.index_cast %parallel_loop3A_463 : i32 to index
        %parallel_loop3A_501 = arith.index_cast %parallel_loop3A_479 : i32 to index
        %parallel_loop3A_502 = arith.constant 32 : index
        %parallel_loop3A_503 = tpu.vector_load %arg12[%parallel_loop3A_500, %parallel_loop3A_501, %parallel_loop3A_502] {strides = array<i32>} : memref<8x8x128xf32, #tpu.memory_space<vmem>>, vector<16xf32>,
        tpu.vector_store %arg12[%parallel_loop3A_500, %parallel_loop3A_501, %parallel_loop3A_502], %parallel_loop3A_499 {strides = array<i32>} : memref<8x8x128xf32, #tpu.memory_space<vmem>>, vector<16xf32>,
        %parallel_loop3A_504 = tpu.vector_load_idx %arg6[%parallel_loop3A_435] : memref<64000xf32, #tpu.memory_space<vmem>>[vector<16xi32>], vector<16xf32>,
        %parallel_loop3A_505 = arith.addf %parallel_loop3A_504, %parallel_loop3A_485 : vector<16xf32>
        %parallel_loop3A_506 = arith.index_cast %parallel_loop3A_463 : i32 to index
        %parallel_loop3A_507 = arith.index_cast %parallel_loop3A_479 : i32 to index
        %parallel_loop3A_508 = arith.constant 48 : index
        %parallel_loop3A_509 = tpu.vector_load %arg12[%parallel_loop3A_506, %parallel_loop3A_507, %parallel_loop3A_508] {strides = array<i32>} : memref<8x8x128xf32, #tpu.memory_space<vmem>>, vector<16xf32>,
        tpu.vector_store %arg12[%parallel_loop3A_506, %parallel_loop3A_507, %parallel_loop3A_508], %parallel_loop3A_505 {strides = array<i32>} : memref<8x8x128xf32, #tpu.memory_space<vmem>>, vector<16xf32>,
        %parallel_loop3A_510 = tpu.vector_load_idx %arg6[%parallel_loop3A_436] : memref<64000xf32, #tpu.memory_space<vmem>>[vector<16xi32>], vector<16xf32>,
        %parallel_loop3A_511 = arith.addf %parallel_loop3A_510, %parallel_loop3A_485 : vector<16xf32>
        %parallel_loop3A_512 = arith.index_cast %parallel_loop3A_463 : i32 to index
        %parallel_loop3A_513 = arith.index_cast %parallel_loop3A_479 : i32 to index
        %parallel_loop3A_514 = arith.constant 64 : index
        %parallel_loop3A_515 = tpu.vector_load %arg12[%parallel_loop3A_512, %parallel_loop3A_513, %parallel_loop3A_514] {strides = array<i32>} : memref<8x8x128xf32, #tpu.memory_space<vmem>>, vector<16xf32>,
        tpu.vector_store %arg12[%parallel_loop3A_512, %parallel_loop3A_513, %parallel_loop3A_514], %parallel_loop3A_511 {strides = array<i32>} : memref<8x8x128xf32, #tpu.memory_space<vmem>>, vector<16xf32>,
        %parallel_loop3A_516 = tpu.vector_load_idx %arg6[%parallel_loop3A_437] : memref<64000xf32, #tpu.memory_space<vmem>>[vector<16xi32>], vector<16xf32>,
        %parallel_loop3A_517 = arith.addf %parallel_loop3A_516, %parallel_loop3A_485 : vector<16xf32>
        %parallel_loop3A_518 = arith.index_cast %parallel_loop3A_463 : i32 to index
        %parallel_loop3A_519 = arith.index_cast %parallel_loop3A_479 : i32 to index
        %parallel_loop3A_520 = arith.constant 80 : index
        %parallel_loop3A_521 = tpu.vector_load %arg12[%parallel_loop3A_518, %parallel_loop3A_519, %parallel_loop3A_520] {strides = array<i32>} : memref<8x8x128xf32, #tpu.memory_space<vmem>>, vector<16xf32>,
        tpu.vector_store %arg12[%parallel_loop3A_518, %parallel_loop3A_519, %parallel_loop3A_520], %parallel_loop3A_517 {strides = array<i32>} : memref<8x8x128xf32, #tpu.memory_space<vmem>>, vector<16xf32>,
        %parallel_loop3A_522 = tpu.vector_load_idx %arg6[%parallel_loop3A_438] : memref<64000xf32, #tpu.memory_space<vmem>>[vector<16xi32>], vector<16xf32>,
        %parallel_loop3A_523 = arith.addf %parallel_loop3A_522, %parallel_loop3A_485 : vector<16xf32>
        %parallel_loop3A_524 = arith.index_cast %parallel_loop3A_463 : i32 to index
        %parallel_loop3A_525 = arith.index_cast %parallel_loop3A_479 : i32 to index
        %parallel_loop3A_526 = arith.constant 96 : index
        %parallel_loop3A_527 = tpu.vector_load %arg12[%parallel_loop3A_524, %parallel_loop3A_525, %parallel_loop3A_526] {strides = array<i32>} : memref<8x8x128xf32, #tpu.memory_space<vmem>>, vector<16xf32>,
        tpu.vector_store %arg12[%parallel_loop3A_524, %parallel_loop3A_525, %parallel_loop3A_526], %parallel_loop3A_523 {strides = array<i32>} : memref<8x8x128xf32, #tpu.memory_space<vmem>>, vector<16xf32>,
        %parallel_loop3A_528 = tpu.vector_load_idx %arg6[%parallel_loop3A_439] : memref<64000xf32, #tpu.memory_space<vmem>>[vector<16xi32>], vector<16xf32>,
        %parallel_loop3A_529 = arith.addf %parallel_loop3A_528, %parallel_loop3A_485 : vector<16xf32>
        %parallel_loop3A_530 = arith.index_cast %parallel_loop3A_463 : i32 to index
        %parallel_loop3A_531 = arith.index_cast %parallel_loop3A_479 : i32 to index
        %parallel_loop3A_532 = arith.constant 112 : index
        %parallel_loop3A_533 = tpu.vector_load %arg12[%parallel_loop3A_530, %parallel_loop3A_531, %parallel_loop3A_532] {strides = array<i32>} : memref<8x8x128xf32, #tpu.memory_space<vmem>>, vector<16xf32>,
        tpu.vector_store %arg12[%parallel_loop3A_530, %parallel_loop3A_531, %parallel_loop3A_532], %parallel_loop3A_529 {strides = array<i32>} : memref<8x8x128xf32, #tpu.memory_space<vmem>>, vector<16xf32>,
        %parallel_loop3A_534 = arith.constant 1000 : i32
        %parallel_loop3A_535 = vector.broadcast %parallel_loop3A_534 : i32 to vector<16xi32>
        %parallel_loop3A_536 = arith.addi %parallel_loop3A_432, %parallel_loop3A_535 : vector<16xi32>
        %parallel_loop3A_537 = arith.constant 1000 : i32
        %parallel_loop3A_538 = vector.broadcast %parallel_loop3A_537 : i32 to vector<16xi32>
        %parallel_loop3A_539 = arith.addi %parallel_loop3A_433, %parallel_loop3A_538 : vector<16xi32>
        %parallel_loop3A_540 = arith.constant 1000 : i32
        %parallel_loop3A_541 = vector.broadcast %parallel_loop3A_540 : i32 to vector<16xi32>
        %parallel_loop3A_542 = arith.addi %parallel_loop3A_434, %parallel_loop3A_541 : vector<16xi32>
        %parallel_loop3A_543 = arith.constant 1000 : i32
        %parallel_loop3A_544 = vector.broadcast %parallel_loop3A_543 : i32 to vector<16xi32>
        %parallel_loop3A_545 = arith.addi %parallel_loop3A_435, %parallel_loop3A_544 : vector<16xi32>
        %parallel_loop3A_546 = arith.constant 1000 : i32
        %parallel_loop3A_547 = vector.broadcast %parallel_loop3A_546 : i32 to vector<16xi32>
        %parallel_loop3A_548 = arith.addi %parallel_loop3A_436, %parallel_loop3A_547 : vector<16xi32>
        %parallel_loop3A_549 = arith.constant 1000 : i32
        %parallel_loop3A_550 = vector.broadcast %parallel_loop3A_549 : i32 to vector<16xi32>
        %parallel_loop3A_551 = arith.addi %parallel_loop3A_437, %parallel_loop3A_550 : vector<16xi32>
        %parallel_loop3A_552 = arith.constant 1000 : i32
        %parallel_loop3A_553 = vector.broadcast %parallel_loop3A_552 : i32 to vector<16xi32>
        %parallel_loop3A_554 = arith.addi %parallel_loop3A_438, %parallel_loop3A_553 : vector<16xi32>
        %parallel_loop3A_555 = arith.constant 1000 : i32
        %parallel_loop3A_556 = vector.broadcast %parallel_loop3A_555 : i32 to vector<16xi32>
        %parallel_loop3A_557 = arith.addi %parallel_loop3A_439, %parallel_loop3A_556 : vector<16xi32>
        scf.yield %parallel_loop3A_536, %parallel_loop3A_539, %parallel_loop3A_542, %parallel_loop3A_545, %parallel_loop3A_548, %parallel_loop3A_551, %parallel_loop3A_554, %parallel_loop3A_557 : vector<16xi32>, vector<16xi32>, vector<16xi32>, vector<16xi32>, vector<16xi32>, vector<16xi32>, vector<16xi32>, vector<16xi32>
      } {sc.loop_unroll_factor = 4 : i64, sc.parallel_access}
      %add3A_366 = arith.constant 2 : i32
      %add3A_367 = arith.addi %mul3A_4, %add3A_366 : i32
      %dma_start3A_368 = arith.constant 0 : i32
      %dma_start3A_369 = arith.constant 0 : i32
      %dma_start3A_370 = arith.constant 0 : i32
      %dma_start3A_371 = tpu.memref_slice %arg5[%add3A_331, %dma_start3A_368, %add3A_367, %dma_start3A_369, %dma_start3A_370] : memref<20x8x128x8x128xf32, #tpu.memory_space<hbm>> -> memref<1x8x1x8x128xf32, #tpu.memory_space<hbm>>
      %dma_start3A_372 = tpu.memref_squeeze %dma_start3A_371 : memref<1x8x1x8x128xf32, #tpu.memory_space<hbm>> -> memref<8x8x128xf32, #tpu.memory_space<hbm>>
      %dma_start3A_373 = arith.constant 0 : i32
      %dma_start3A_374 = arith.constant 0 : i32
      %dma_start3A_375 = arith.constant 0 : i32
      %dma_start3A_376 = tpu.memref_slice %arg5[%add3A_331, %dma_start3A_373, %add3A_367, %dma_start3A_374, %dma_start3A_375] : memref<20x8x128x8x128xf32, #tpu.memory_space<hbm>> -> memref<1x8x1x8x128xf32, #tpu.memory_space<hbm>>
      %dma_start3A_377 = tpu.memref_squeeze %dma_start3A_376 : memref<1x8x1x8x128xf32, #tpu.memory_space<hbm>> -> memref<8x8x128xf32, #tpu.memory_space<hbm>>
      tpu.enqueue_dma source(%arg12 : memref<8x8x128xf32, #tpu.memory_space<vmem>>) target(%dma_start3A_377 : memref<8x8x128xf32, #tpu.memory_space<hbm>>) target_semaphore(%arg18 : memref<!tpu.dma_semaphore, #tpu.memory_space<semaphore_mem>>)
      %add3A_378 = arith.constant 1 : i32
      %add3A_379 = arith.addi %mul3A_68, %add3A_378 : i32
      %dma_wait3A_380 = arith.constant 0 : i32
      %dma_wait3A_381 = arith.constant 0 : i32
      %dma_wait3A_382 = arith.constant 0 : i32
      %dma_wait3A_383 = arith.constant 0 : i32
      %dma_wait3A_384 = arith.constant 0 : i32
      %dma_wait3A_385 = tpu.memref_slice %arg5[%dma_wait3A_380, %dma_wait3A_382, %dma_wait3A_381, %dma_wait3A_383, %dma_wait3A_384] : memref<20x8x128x8x128xf32, #tpu.memory_space<hbm>> -> memref<1x8x1x8x128xf32, #tpu.memory_space<hbm>>
      %dma_wait3A_386 = tpu.memref_squeeze %dma_wait3A_385 : memref<1x8x1x8x128xf32, #tpu.memory_space<hbm>> -> memref<8x8x128xf32, #tpu.memory_space<hbm>>
      %dma_wait3A_387 = arith.constant 0 : i32
      %dma_wait3A_388 = arith.constant 0 : i32
      %dma_wait3A_389 = arith.constant 0 : i32
      %dma_wait3A_390 = tpu.memref_slice %arg5[%dma_wait3A_380, %dma_wait3A_387, %dma_wait3A_381, %dma_wait3A_388, %dma_wait3A_389] : memref<20x8x128x8x128xf32, #tpu.memory_space<hbm>> -> memref<1x8x1x8x128xf32, #tpu.memory_space<hbm>>
      %dma_wait3A_391 = tpu.memref_squeeze %dma_wait3A_390 : memref<1x8x1x8x128xf32, #tpu.memory_space<hbm>> -> memref<8x8x128xf32, #tpu.memory_space<hbm>>
      tpu.wait_dma2 semaphore(%arg19 : memref<!tpu.dma_semaphore, #tpu.memory_space<semaphore_mem>>) src(%arg13 : memref<8x8x128xf32, #tpu.memory_space<vmem>>) dst(%dma_wait3A_391 : memref<8x8x128xf32, #tpu.memory_space<hbm>>)
      %mul3A_392 = arith.constant 8 : i32
      %mul3A_393 = arith.muli %add3A_379, %mul3A_392 : i32
      %get3A_394 = arith.constant 384 : index
      %get3A_395 = tpu.vector_load %arg9[%get3A_394] {strides = array<i32>} : memref<512xi32, #tpu.memory_space<vmem>>, vector<16xi32>,
      %get3A_396 = arith.constant 400 : index
      %get3A_397 = tpu.vector_load %arg9[%get3A_396] {strides = array<i32>} : memref<512xi32, #tpu.memory_space<vmem>>, vector<16xi32>,
      %get3A_398 = arith.constant 416 : index
      %get3A_399 = tpu.vector_load %arg9[%get3A_398] {strides = array<i32>} : memref<512xi32, #tpu.memory_space<vmem>>, vector<16xi32>,
      %get3A_400 = arith.constant 432 : index
      %get3A_401 = tpu.vector_load %arg9[%get3A_400] {strides = array<i32>} : memref<512xi32, #tpu.memory_space<vmem>>, vector<16xi32>,
      %get3A_402 = arith.constant 448 : index
      %get3A_403 = tpu.vector_load %arg9[%get3A_402] {strides = array<i32>} : memref<512xi32, #tpu.memory_space<vmem>>, vector<16xi32>,
      %get3A_404 = arith.constant 464 : index
      %get3A_405 = tpu.vector_load %arg9[%get3A_404] {strides = array<i32>} : memref<512xi32, #tpu.memory_space<vmem>>, vector<16xi32>,
      %get3A_406 = arith.constant 480 : index
      %get3A_407 = tpu.vector_load %arg9[%get3A_406] {strides = array<i32>} : memref<512xi32, #tpu.memory_space<vmem>>, vector<16xi32>,
      %get3A_408 = arith.constant 496 : index
      %get3A_409 = tpu.vector_load %arg9[%get3A_408] {strides = array<i32>} : memref<512xi32, #tpu.memory_space<vmem>>, vector<16xi32>,
      %parallel_loop3A_410 = arith.constant 0 : i32
      %parallel_loop3A_411 = arith.constant 64 : i32
      %parallel_loop3A_412 = arith.constant 1 : i32
      %parallel_loop3A_413:8 = scf.for %parallel_loop3A_431 = %parallel_loop3A_410 to %parallel_loop3A_411 step %parallel_loop3A_412 iter_args(%parallel_loop3A_432 = %get3A_395, %parallel_loop3A_433 = %get3A_397, %parallel_loop3A_434 = %get3A_399, %parallel_loop3A_435 = %get3A_401, %parallel_loop3A_436 = %get3A_403, %parallel_loop3A_437 = %get3A_405, %parallel_loop3A_438 = %get3A_407, %parallel_loop3A_439 = %get3A_409) -> (vector<16xi32>, vector<16xi32>, vector<16xi32>, vector<16xi32>, vector<16xi32>, vector<16xi32>, vector<16xi32>, vector<16xi32>)  : i32 {
        %parallel_loop3A_440 = arith.constant 8 : i32
        %parallel_loop3A_441 = arith.divsi %parallel_loop3A_431, %parallel_loop3A_440 : i32
        %parallel_loop3A_442 = arith.constant 0 : i32
        %parallel_loop3A_443 = arith.cmpi sgt, %parallel_loop3A_431, %parallel_loop3A_442 : i32
        %parallel_loop3A_444 = arith.extui %parallel_loop3A_443 : i1 to i32
        %parallel_loop3A_445 = arith.constant 0 : i32
        %parallel_loop3A_446 = arith.cmpi slt, %parallel_loop3A_431, %parallel_loop3A_445 : i32
        %parallel_loop3A_447 = arith.extui %parallel_loop3A_446 : i1 to i32
        %parallel_loop3A_448 = arith.subi %parallel_loop3A_444, %parallel_loop3A_447 : i32
        %parallel_loop3A_449 = arith.constant 0 : i32
        %parallel_loop3A_450 = arith.cmpi sgt, %parallel_loop3A_440, %parallel_loop3A_449 : i32
        %parallel_loop3A_451 = arith.extui %parallel_loop3A_450 : i1 to i32
        %parallel_loop3A_452 = arith.constant 0 : i32
        %parallel_loop3A_453 = arith.cmpi slt, %parallel_loop3A_440, %parallel_loop3A_452 : i32
        %parallel_loop3A_454 = arith.extui %parallel_loop3A_453 : i1 to i32
        %parallel_loop3A_455 = arith.subi %parallel_loop3A_451, %parallel_loop3A_454 : i32
        %parallel_loop3A_456 = arith.cmpi ne, %parallel_loop3A_448, %parallel_loop3A_455 : i32
        %parallel_loop3A_457 = arith.remsi %parallel_loop3A_431, %parallel_loop3A_440 : i32
        %parallel_loop3A_458 = arith.constant 0 : i32
        %parallel_loop3A_459 = arith.cmpi ne, %parallel_loop3A_457, %parallel_loop3A_458 : i32
        %parallel_loop3A_460 = arith.andi %parallel_loop3A_456, %parallel_loop3A_459 : i1
        %parallel_loop3A_461 = arith.constant 1 : i32
        %parallel_loop3A_462 = arith.subi %parallel_loop3A_441, %parallel_loop3A_461 : i32
        %parallel_loop3A_463 = arith.select %parallel_loop3A_460, %parallel_loop3A_462, %parallel_loop3A_441 : i32
        %parallel_loop3A_464 = arith.constant 8 : i32
        %parallel_loop3A_465 = arith.constant 0 : i32
        %parallel_loop3A_466 = arith.cmpi eq, %parallel_loop3A_464, %parallel_loop3A_465 : i32
        %parallel_loop3A_467 = arith.constant 1 : i32
        %parallel_loop3A_468 = arith.select %parallel_loop3A_466, %parallel_loop3A_467, %parallel_loop3A_464 : i32
        %parallel_loop3A_469 = arith.remsi %parallel_loop3A_431, %parallel_loop3A_468 : i32
        %parallel_loop3A_470 = arith.constant 0 : i32
        %parallel_loop3A_471 = arith.cmpi ne, %parallel_loop3A_469, %parallel_loop3A_470 : i32
        %parallel_loop3A_472 = arith.constant 0 : i32
        %parallel_loop3A_473 = arith.cmpi slt, %parallel_loop3A_469, %parallel_loop3A_472 : i32
        %parallel_loop3A_474 = arith.constant 0 : i32
        %parallel_loop3A_475 = arith.cmpi slt, %parallel_loop3A_468, %parallel_loop3A_474 : i32
        %parallel_loop3A_476 = arith.xori %parallel_loop3A_473, %parallel_loop3A_475 : i1
        %parallel_loop3A_477 = arith.andi %parallel_loop3A_476, %parallel_loop3A_471 : i1
        %parallel_loop3A_478 = arith.addi %parallel_loop3A_469, %parallel_loop3A_468 : i32
        %parallel_loop3A_479 = arith.select %parallel_loop3A_477, %parallel_loop3A_478, %parallel_loop3A_469 : i32
        %parallel_loop3A_480 = arith.addi %mul3A_393, %parallel_loop3A_463 : i32
        %parallel_loop3A_481 = arith.constant 16 : i32
        %parallel_loop3A_482 = arith.muli %parallel_loop3A_479, %parallel_loop3A_481 : i32
        %parallel_loop3A_483 = arith.index_cast %parallel_loop3A_480 : i32 to index
        %parallel_loop3A_484 = arith.index_cast %parallel_loop3A_482 : i32 to index
        %parallel_loop3A_485 = tpu.vector_load %arg7[%parallel_loop3A_483, %parallel_loop3A_484] {strides = array<i32>} : memref<160x128xf32, #tpu.memory_space<vmem>>, vector<16xf32>,
        %parallel_loop3A_486 = tpu.vector_load_idx %arg6[%parallel_loop3A_432] : memref<64000xf32, #tpu.memory_space<vmem>>[vector<16xi32>], vector<16xf32>,
        %parallel_loop3A_487 = arith.addf %parallel_loop3A_486, %parallel_loop3A_485 : vector<16xf32>
        %parallel_loop3A_488 = arith.index_cast %parallel_loop3A_463 : i32 to index
        %parallel_loop3A_489 = arith.index_cast %parallel_loop3A_479 : i32 to index
        %parallel_loop3A_490 = arith.constant 0 : index
        %parallel_loop3A_491 = tpu.vector_load %arg13[%parallel_loop3A_488, %parallel_loop3A_489, %parallel_loop3A_490] {strides = array<i32>} : memref<8x8x128xf32, #tpu.memory_space<vmem>>, vector<16xf32>,
        tpu.vector_store %arg13[%parallel_loop3A_488, %parallel_loop3A_489, %parallel_loop3A_490], %parallel_loop3A_487 {strides = array<i32>} : memref<8x8x128xf32, #tpu.memory_space<vmem>>, vector<16xf32>,
        %parallel_loop3A_492 = tpu.vector_load_idx %arg6[%parallel_loop3A_433] : memref<64000xf32, #tpu.memory_space<vmem>>[vector<16xi32>], vector<16xf32>,
        %parallel_loop3A_493 = arith.addf %parallel_loop3A_492, %parallel_loop3A_485 : vector<16xf32>
        %parallel_loop3A_494 = arith.index_cast %parallel_loop3A_463 : i32 to index
        %parallel_loop3A_495 = arith.index_cast %parallel_loop3A_479 : i32 to index
        %parallel_loop3A_496 = arith.constant 16 : index
        %parallel_loop3A_497 = tpu.vector_load %arg13[%parallel_loop3A_494, %parallel_loop3A_495, %parallel_loop3A_496] {strides = array<i32>} : memref<8x8x128xf32, #tpu.memory_space<vmem>>, vector<16xf32>,
        tpu.vector_store %arg13[%parallel_loop3A_494, %parallel_loop3A_495, %parallel_loop3A_496], %parallel_loop3A_493 {strides = array<i32>} : memref<8x8x128xf32, #tpu.memory_space<vmem>>, vector<16xf32>,
        %parallel_loop3A_498 = tpu.vector_load_idx %arg6[%parallel_loop3A_434] : memref<64000xf32, #tpu.memory_space<vmem>>[vector<16xi32>], vector<16xf32>,
        %parallel_loop3A_499 = arith.addf %parallel_loop3A_498, %parallel_loop3A_485 : vector<16xf32>
        %parallel_loop3A_500 = arith.index_cast %parallel_loop3A_463 : i32 to index
        %parallel_loop3A_501 = arith.index_cast %parallel_loop3A_479 : i32 to index
        %parallel_loop3A_502 = arith.constant 32 : index
        %parallel_loop3A_503 = tpu.vector_load %arg13[%parallel_loop3A_500, %parallel_loop3A_501, %parallel_loop3A_502] {strides = array<i32>} : memref<8x8x128xf32, #tpu.memory_space<vmem>>, vector<16xf32>,
        tpu.vector_store %arg13[%parallel_loop3A_500, %parallel_loop3A_501, %parallel_loop3A_502], %parallel_loop3A_499 {strides = array<i32>} : memref<8x8x128xf32, #tpu.memory_space<vmem>>, vector<16xf32>,
        %parallel_loop3A_504 = tpu.vector_load_idx %arg6[%parallel_loop3A_435] : memref<64000xf32, #tpu.memory_space<vmem>>[vector<16xi32>], vector<16xf32>,
        %parallel_loop3A_505 = arith.addf %parallel_loop3A_504, %parallel_loop3A_485 : vector<16xf32>
        %parallel_loop3A_506 = arith.index_cast %parallel_loop3A_463 : i32 to index
        %parallel_loop3A_507 = arith.index_cast %parallel_loop3A_479 : i32 to index
        %parallel_loop3A_508 = arith.constant 48 : index
        %parallel_loop3A_509 = tpu.vector_load %arg13[%parallel_loop3A_506, %parallel_loop3A_507, %parallel_loop3A_508] {strides = array<i32>} : memref<8x8x128xf32, #tpu.memory_space<vmem>>, vector<16xf32>,
        tpu.vector_store %arg13[%parallel_loop3A_506, %parallel_loop3A_507, %parallel_loop3A_508], %parallel_loop3A_505 {strides = array<i32>} : memref<8x8x128xf32, #tpu.memory_space<vmem>>, vector<16xf32>,
        %parallel_loop3A_510 = tpu.vector_load_idx %arg6[%parallel_loop3A_436] : memref<64000xf32, #tpu.memory_space<vmem>>[vector<16xi32>], vector<16xf32>,
        %parallel_loop3A_511 = arith.addf %parallel_loop3A_510, %parallel_loop3A_485 : vector<16xf32>
        %parallel_loop3A_512 = arith.index_cast %parallel_loop3A_463 : i32 to index
        %parallel_loop3A_513 = arith.index_cast %parallel_loop3A_479 : i32 to index
        %parallel_loop3A_514 = arith.constant 64 : index
        %parallel_loop3A_515 = tpu.vector_load %arg13[%parallel_loop3A_512, %parallel_loop3A_513, %parallel_loop3A_514] {strides = array<i32>} : memref<8x8x128xf32, #tpu.memory_space<vmem>>, vector<16xf32>,
        tpu.vector_store %arg13[%parallel_loop3A_512, %parallel_loop3A_513, %parallel_loop3A_514], %parallel_loop3A_511 {strides = array<i32>} : memref<8x8x128xf32, #tpu.memory_space<vmem>>, vector<16xf32>,
        %parallel_loop3A_516 = tpu.vector_load_idx %arg6[%parallel_loop3A_437] : memref<64000xf32, #tpu.memory_space<vmem>>[vector<16xi32>], vector<16xf32>,
        %parallel_loop3A_517 = arith.addf %parallel_loop3A_516, %parallel_loop3A_485 : vector<16xf32>
        %parallel_loop3A_518 = arith.index_cast %parallel_loop3A_463 : i32 to index
        %parallel_loop3A_519 = arith.index_cast %parallel_loop3A_479 : i32 to index
        %parallel_loop3A_520 = arith.constant 80 : index
        %parallel_loop3A_521 = tpu.vector_load %arg13[%parallel_loop3A_518, %parallel_loop3A_519, %parallel_loop3A_520] {strides = array<i32>} : memref<8x8x128xf32, #tpu.memory_space<vmem>>, vector<16xf32>,
        tpu.vector_store %arg13[%parallel_loop3A_518, %parallel_loop3A_519, %parallel_loop3A_520], %parallel_loop3A_517 {strides = array<i32>} : memref<8x8x128xf32, #tpu.memory_space<vmem>>, vector<16xf32>,
        %parallel_loop3A_522 = tpu.vector_load_idx %arg6[%parallel_loop3A_438] : memref<64000xf32, #tpu.memory_space<vmem>>[vector<16xi32>], vector<16xf32>,
        %parallel_loop3A_523 = arith.addf %parallel_loop3A_522, %parallel_loop3A_485 : vector<16xf32>
        %parallel_loop3A_524 = arith.index_cast %parallel_loop3A_463 : i32 to index
        %parallel_loop3A_525 = arith.index_cast %parallel_loop3A_479 : i32 to index
        %parallel_loop3A_526 = arith.constant 96 : index
        %parallel_loop3A_527 = tpu.vector_load %arg13[%parallel_loop3A_524, %parallel_loop3A_525, %parallel_loop3A_526] {strides = array<i32>} : memref<8x8x128xf32, #tpu.memory_space<vmem>>, vector<16xf32>,
        tpu.vector_store %arg13[%parallel_loop3A_524, %parallel_loop3A_525, %parallel_loop3A_526], %parallel_loop3A_523 {strides = array<i32>} : memref<8x8x128xf32, #tpu.memory_space<vmem>>, vector<16xf32>,
        %parallel_loop3A_528 = tpu.vector_load_idx %arg6[%parallel_loop3A_439] : memref<64000xf32, #tpu.memory_space<vmem>>[vector<16xi32>], vector<16xf32>,
        %parallel_loop3A_529 = arith.addf %parallel_loop3A_528, %parallel_loop3A_485 : vector<16xf32>
        %parallel_loop3A_530 = arith.index_cast %parallel_loop3A_463 : i32 to index
        %parallel_loop3A_531 = arith.index_cast %parallel_loop3A_479 : i32 to index
        %parallel_loop3A_532 = arith.constant 112 : index
        %parallel_loop3A_533 = tpu.vector_load %arg13[%parallel_loop3A_530, %parallel_loop3A_531, %parallel_loop3A_532] {strides = array<i32>} : memref<8x8x128xf32, #tpu.memory_space<vmem>>, vector<16xf32>,
        tpu.vector_store %arg13[%parallel_loop3A_530, %parallel_loop3A_531, %parallel_loop3A_532], %parallel_loop3A_529 {strides = array<i32>} : memref<8x8x128xf32, #tpu.memory_space<vmem>>, vector<16xf32>,
        %parallel_loop3A_534 = arith.constant 1000 : i32
        %parallel_loop3A_535 = vector.broadcast %parallel_loop3A_534 : i32 to vector<16xi32>
        %parallel_loop3A_536 = arith.addi %parallel_loop3A_432, %parallel_loop3A_535 : vector<16xi32>
        %parallel_loop3A_537 = arith.constant 1000 : i32
        %parallel_loop3A_538 = vector.broadcast %parallel_loop3A_537 : i32 to vector<16xi32>
        %parallel_loop3A_539 = arith.addi %parallel_loop3A_433, %parallel_loop3A_538 : vector<16xi32>
        %parallel_loop3A_540 = arith.constant 1000 : i32
        %parallel_loop3A_541 = vector.broadcast %parallel_loop3A_540 : i32 to vector<16xi32>
        %parallel_loop3A_542 = arith.addi %parallel_loop3A_434, %parallel_loop3A_541 : vector<16xi32>
        %parallel_loop3A_543 = arith.constant 1000 : i32
        %parallel_loop3A_544 = vector.broadcast %parallel_loop3A_543 : i32 to vector<16xi32>
        %parallel_loop3A_545 = arith.addi %parallel_loop3A_435, %parallel_loop3A_544 : vector<16xi32>
        %parallel_loop3A_546 = arith.constant 1000 : i32
        %parallel_loop3A_547 = vector.broadcast %parallel_loop3A_546 : i32 to vector<16xi32>
        %parallel_loop3A_548 = arith.addi %parallel_loop3A_436, %parallel_loop3A_547 : vector<16xi32>
        %parallel_loop3A_549 = arith.constant 1000 : i32
        %parallel_loop3A_550 = vector.broadcast %parallel_loop3A_549 : i32 to vector<16xi32>
        %parallel_loop3A_551 = arith.addi %parallel_loop3A_437, %parallel_loop3A_550 : vector<16xi32>
        %parallel_loop3A_552 = arith.constant 1000 : i32
        %parallel_loop3A_553 = vector.broadcast %parallel_loop3A_552 : i32 to vector<16xi32>
        %parallel_loop3A_554 = arith.addi %parallel_loop3A_438, %parallel_loop3A_553 : vector<16xi32>
        %parallel_loop3A_555 = arith.constant 1000 : i32
        %parallel_loop3A_556 = vector.broadcast %parallel_loop3A_555 : i32 to vector<16xi32>
        %parallel_loop3A_557 = arith.addi %parallel_loop3A_439, %parallel_loop3A_556 : vector<16xi32>
        scf.yield %parallel_loop3A_536, %parallel_loop3A_539, %parallel_loop3A_542, %parallel_loop3A_545, %parallel_loop3A_548, %parallel_loop3A_551, %parallel_loop3A_554, %parallel_loop3A_557 : vector<16xi32>, vector<16xi32>, vector<16xi32>, vector<16xi32>, vector<16xi32>, vector<16xi32>, vector<16xi32>, vector<16xi32>
      } {sc.loop_unroll_factor = 4 : i64, sc.parallel_access}
      %add3A_414 = arith.constant 3 : i32
      %add3A_415 = arith.addi %mul3A_4, %add3A_414 : i32
      %dma_start3A_416 = arith.constant 0 : i32
      %dma_start3A_417 = arith.constant 0 : i32
      %dma_start3A_418 = arith.constant 0 : i32
      %dma_start3A_419 = tpu.memref_slice %arg5[%add3A_379, %dma_start3A_416, %add3A_415, %dma_start3A_417, %dma_start3A_418] : memref<20x8x128x8x128xf32, #tpu.memory_space<hbm>> -> memref<1x8x1x8x128xf32, #tpu.memory_space<hbm>>
      %dma_start3A_420 = tpu.memref_squeeze %dma_start3A_419 : memref<1x8x1x8x128xf32, #tpu.memory_space<hbm>> -> memref<8x8x128xf32, #tpu.memory_space<hbm>>
      %dma_start3A_421 = arith.constant 0 : i32
      %dma_start3A_422 = arith.constant 0 : i32
      %dma_start3A_423 = arith.constant 0 : i32
      %dma_start3A_424 = tpu.memref_slice %arg5[%add3A_379, %dma_start3A_421, %add3A_415, %dma_start3A_422, %dma_start3A_423] : memref<20x8x128x8x128xf32, #tpu.memory_space<hbm>> -> memref<1x8x1x8x128xf32, #tpu.memory_space<hbm>>
      %dma_start3A_425 = tpu.memref_squeeze %dma_start3A_424 : memref<1x8x1x8x128xf32, #tpu.memory_space<hbm>> -> memref<8x8x128xf32, #tpu.memory_space<hbm>>
      tpu.enqueue_dma source(%arg13 : memref<8x8x128xf32, #tpu.memory_space<vmem>>) target(%dma_start3A_425 : memref<8x8x128xf32, #tpu.memory_space<hbm>>) target_semaphore(%arg19 : memref<!tpu.dma_semaphore, #tpu.memory_space<semaphore_mem>>)
      %lt3A_426 = arith.constant 9 : i32
      %lt3A_427 = arith.cmpi slt, %scan3A_66, %lt3A_426 : i32
      %convert_element_type3A_428 = arith.extui %lt3A_427 : i1 to i32
      %cond3A_429 = arith.constant 0 : i32
      %cond3A_430 = arith.cmpi ne, %convert_element_type3A_428, %cond3A_429 : i32
      scf.if %cond3A_430 {
        %add3A_431 = arith.constant 3 : i32
        %add3A_432 = arith.addi %mul3A_68, %add3A_431 : i32
        %dma_start3A_433 = tpu.memref_slice %arg2[%add3A_432, %mul3A_2] : memref<20x16384xi32, #tpu.memory_space<hbm>> -> memref<1x512xi32, #tpu.memory_space<hbm>>
        %dma_start3A_434 = tpu.memref_squeeze %dma_start3A_433 : memref<1x512xi32, #tpu.memory_space<hbm>> -> memref<512xi32, #tpu.memory_space<hbm>>
        %dma_start3A_435 = tpu.memref_slice %arg2[%add3A_432, %mul3A_2] : memref<20x16384xi32, #tpu.memory_space<hbm>> -> memref<1x512xi32, #tpu.memory_space<hbm>>
        %dma_start3A_436 = tpu.memref_squeeze %dma_start3A_435 : memref<1x512xi32, #tpu.memory_space<hbm>> -> memref<512xi32, #tpu.memory_space<hbm>>
        tpu.enqueue_dma source(%dma_start3A_436 : memref<512xi32, #tpu.memory_space<hbm>>) target(%arg9 : memref<512xi32, #tpu.memory_space<vmem>>) target_semaphore(%arg15 : memref<!tpu.dma_semaphore, #tpu.memory_space<semaphore_mem>>)
      } else {
      }
    }
    %scan3A_18 = arith.constant 10 : i32
    %dma_wait3A = arith.constant 0 : i32
    %dma_wait3A_19 = arith.constant 0 : i32
    %dma_wait3A_20 = arith.constant 0 : i32
    %dma_wait3A_21 = arith.constant 0 : i32
    %dma_wait3A_22 = arith.constant 0 : i32
    %dma_wait3A_23 = tpu.memref_slice %arg5[%dma_wait3A, %dma_wait3A_20, %dma_wait3A_19, %dma_wait3A_21, %dma_wait3A_22] : memref<20x8x128x8x128xf32, #tpu.memory_space<hbm>> -> memref<1x8x1x8x128xf32, #tpu.memory_space<hbm>>
    %dma_wait3A_24 = tpu.memref_squeeze %dma_wait3A_23 : memref<1x8x1x8x128xf32, #tpu.memory_space<hbm>> -> memref<8x8x128xf32, #tpu.memory_space<hbm>>
    %dma_wait3A_25 = arith.constant 0 : i32
    %dma_wait3A_26 = arith.constant 0 : i32
    %dma_wait3A_27 = arith.constant 0 : i32
    %dma_wait3A_28 = tpu.memref_slice %arg5[%dma_wait3A, %dma_wait3A_25, %dma_wait3A_19, %dma_wait3A_26, %dma_wait3A_27] : memref<20x8x128x8x128xf32, #tpu.memory_space<hbm>> -> memref<1x8x1x8x128xf32, #tpu.memory_space<hbm>>
    %dma_wait3A_29 = tpu.memref_squeeze %dma_wait3A_28 : memref<1x8x1x8x128xf32, #tpu.memory_space<hbm>> -> memref<8x8x128xf32, #tpu.memory_space<hbm>>
    tpu.wait_dma2 semaphore(%arg16 : memref<!tpu.dma_semaphore, #tpu.memory_space<semaphore_mem>>) src(%arg10 : memref<8x8x128xf32, #tpu.memory_space<vmem>>) dst(%dma_wait3A_29 : memref<8x8x128xf32, #tpu.memory_space<hbm>>)
    %dma_wait3A_30 = arith.constant 0 : i32
    %dma_wait3A_31 = arith.constant 0 : i32
    %dma_wait3A_32 = arith.constant 0 : i32
    %dma_wait3A_33 = arith.constant 0 : i32
    %dma_wait3A_34 = arith.constant 0 : i32
    %dma_wait3A_35 = tpu.memref_slice %arg5[%dma_wait3A_30, %dma_wait3A_32, %dma_wait3A_31, %dma_wait3A_33, %dma_wait3A_34] : memref<20x8x128x8x128xf32, #tpu.memory_space<hbm>> -> memref<1x8x1x8x128xf32, #tpu.memory_space<hbm>>
    %dma_wait3A_36 = tpu.memref_squeeze %dma_wait3A_35 : memref<1x8x1x8x128xf32, #tpu.memory_space<hbm>> -> memref<8x8x128xf32, #tpu.memory_space<hbm>>
    %dma_wait3A_37 = arith.constant 0 : i32
    %dma_wait3A_38 = arith.constant 0 : i32
    %dma_wait3A_39 = arith.constant 0 : i32
    %dma_wait3A_40 = tpu.memref_slice %arg5[%dma_wait3A_30, %dma_wait3A_37, %dma_wait3A_31, %dma_wait3A_38, %dma_wait3A_39] : memref<20x8x128x8x128xf32, #tpu.memory_space<hbm>> -> memref<1x8x1x8x128xf32, #tpu.memory_space<hbm>>
    %dma_wait3A_41 = tpu.memref_squeeze %dma_wait3A_40 : memref<1x8x1x8x128xf32, #tpu.memory_space<hbm>> -> memref<8x8x128xf32, #tpu.memory_space<hbm>>
    tpu.wait_dma2 semaphore(%arg17 : memref<!tpu.dma_semaphore, #tpu.memory_space<semaphore_mem>>) src(%arg11 : memref<8x8x128xf32, #tpu.memory_space<vmem>>) dst(%dma_wait3A_41 : memref<8x8x128xf32, #tpu.memory_space<hbm>>)
    %dma_wait3A_42 = arith.constant 0 : i32
    %dma_wait3A_43 = arith.constant 0 : i32
    %dma_wait3A_44 = arith.constant 0 : i32
    %dma_wait3A_45 = arith.constant 0 : i32
    %dma_wait3A_46 = arith.constant 0 : i32
    %dma_wait3A_47 = tpu.memref_slice %arg5[%dma_wait3A_42, %dma_wait3A_44, %dma_wait3A_43, %dma_wait3A_45, %dma_wait3A_46] : memref<20x8x128x8x128xf32, #tpu.memory_space<hbm>> -> memref<1x8x1x8x128xf32, #tpu.memory_space<hbm>>
    %dma_wait3A_48 = tpu.memref_squeeze %dma_wait3A_47 : memref<1x8x1x8x128xf32, #tpu.memory_space<hbm>> -> memref<8x8x128xf32, #tpu.memory_space<hbm>>
    %dma_wait3A_49 = arith.constant 0 : i32
    %dma_wait3A_50 = arith.constant 0 : i32
    %dma_wait3A_51 = arith.constant 0 : i32
    %dma_wait3A_52 = tpu.memref_slice %arg5[%dma_wait3A_42, %dma_wait3A_49, %dma_wait3A_43, %dma_wait3A_50, %dma_wait3A_51] : memref<20x8x128x8x128xf32, #tpu.memory_space<hbm>> -> memref<1x8x1x8x128xf32, #tpu.memory_space<hbm>>
    %dma_wait3A_53 = tpu.memref_squeeze %dma_wait3A_52 : memref<1x8x1x8x128xf32, #tpu.memory_space<hbm>> -> memref<8x8x128xf32, #tpu.memory_space<hbm>>
    tpu.wait_dma2 semaphore(%arg18 : memref<!tpu.dma_semaphore, #tpu.memory_space<semaphore_mem>>) src(%arg12 : memref<8x8x128xf32, #tpu.memory_space<vmem>>) dst(%dma_wait3A_53 : memref<8x8x128xf32, #tpu.memory_space<hbm>>)
    %dma_wait3A_54 = arith.constant 0 : i32
    %dma_wait3A_55 = arith.constant 0 : i32
    %dma_wait3A_56 = arith.constant 0 : i32
    %dma_wait3A_57 = arith.constant 0 : i32
    %dma_wait3A_58 = arith.constant 0 : i32
    %dma_wait3A_59 = tpu.memref_slice %arg5[%dma_wait3A_54, %dma_wait3A_56, %dma_wait3A_55, %dma_wait3A_57, %dma_wait3A_58] : memref<20x8x128x8x128xf32, #tpu.memory_space<hbm>> -> memref<1x8x1x8x128xf32, #tpu.memory_space<hbm>>
    %dma_wait3A_60 = tpu.memref_squeeze %dma_wait3A_59 : memref<1x8x1x8x128xf32, #tpu.memory_space<hbm>> -> memref<8x8x128xf32, #tpu.memory_space<hbm>>
    %dma_wait3A_61 = arith.constant 0 : i32
    %dma_wait3A_62 = arith.constant 0 : i32
    %dma_wait3A_63 = arith.constant 0 : i32
    %dma_wait3A_64 = tpu.memref_slice %arg5[%dma_wait3A_54, %dma_wait3A_61, %dma_wait3A_55, %dma_wait3A_62, %dma_wait3A_63] : memref<20x8x128x8x128xf32, #tpu.memory_space<hbm>> -> memref<1x8x1x8x128xf32, #tpu.memory_space<hbm>>
    %dma_wait3A_65 = tpu.memref_squeeze %dma_wait3A_64 : memref<1x8x1x8x128xf32, #tpu.memory_space<hbm>> -> memref<8x8x128xf32, #tpu.memory_space<hbm>>
    tpu.wait_dma2 semaphore(%arg19 : memref<!tpu.dma_semaphore, #tpu.memory_space<semaphore_mem>>) src(%arg13 : memref<8x8x128xf32, #tpu.memory_space<vmem>>) dst(%dma_wait3A_65 : memref<8x8x128xf32, #tpu.memory_space<hbm>>)
    return
  }
}

</mosaic_0001>

<sc_bundles>
// kernel: kernel.3.cloned.1.call-start
scs
__scs_entry_jumppad:
0x0: {  	(pc) =	sbr.rel $0x88, $3  }
0x1: {  	(tag) =	ssettag $0x0;
	lr =	simm.s32 $0x1  }
0x2: {  	[smem:$0x3F9F] =	sst lr;
	_ =	strace $0xD0000000  }
0x3: {  	_ = 	snop  }
0x4: {  	_ = 	snop  }
0x5: {  	_ = 	snop  }
0x6: {  	_ = 	snop  }
0x7: {  	_ = 	snop  }
__scs_overlays_trampoline_lowered:
0x8: {  	[smem:$0x3FAE] =	sst s0  }
0x9: {  	[smem:$0x3FAF] =	sst s1  }
0xa: {  	[smem:$0x3FB0] =	sst s2  }
0xb: {  	[smem:$0x3FB1] =	sst s3  }
0xc: {  	[smem:$0x3FB2] =	sst s4  }
0xd: {  	[smem:$0x3FB3] =	sst s5  }
0xe: {  	[smem:$0x3FB4] =	sst s6  }
0xf: {  	[smem:$0x3FB5] =	sst s7  }
0x10: {  	[smem:$0x3FB6] =	sst s8  }
0x11: {  	[smem:$0x3FB7] =	sst s9;
	s0 =	simm.s32 @!p0 $0x0  }
0x12: {  	s1 =	sld [smem:$0x3F9D];
	s0 =	simm.s32 @p0 $0x1  }
0x13: {  	[smem:$0x3FB8] =	sst s0;
	s0 =	simm.s32 @!p1 $0x0  }
0x14: {  	s2 =	sld [smem:$0x3F9C];
	s0 =	simm.s32 @p1 $0x1  }
0x15: {  	[smem:$0x3FB9] =	sst s0;
	s0 =	simm.s32 @!p2 $0x0  }
0x16: {  	s3 =	sld [smem:$0x3FDB];
	s0 =	simm.s32 @p2 $0x1  }
0x17: {  	s4 =	simm.s32 $0x1BF5;
	[smem:$0x3FBB] =	sst s0  }
0x18: {  	s0 =	sld [smem:$0x3F9E];
	_ =	swait.ge [sflag:s4], $0x0  }
0x19: {  	s7 =	sld [smem:$0x3F9F]  }
0x1a: {  	s8 =	sadd.s32 $0xFFFFE003, lr  }
0x1b: {  	s9 =	sadd.s32 $0xFFFFFEF7, lr;
	s5 =	simm.s32 $0xFFFFFFFF;
	p2 =	slt.u32 s8, $0xFFFFF086  }
0x1c: {  	p1 =	slt.u32 s9, $0xF7A;
	s5 =	simm.s32 @!p2 $0x0  }
0x1d: {  	s5 =	simm.s32 @p1 $0x1;
	p0 =	seq.s32 s7, s2  }
0x1e: {  	s7 =	smul.u32 @!p0 $0xF7A, s2;
	p2 =	seq.s32 @!p0 s5, $0x0  }
0x1f: {  	s9 =	smul.u32 $0xF7A, s1;
	s8 =	simm.s32 @!p0 $0x1BF5;
	p2 =	por !p2, p0  }
0x20: {  	[sflag:s8] =	ssyncset.s32 @!p0 $0xFFFFF086;
	s6 =	sadd.s32 @!p0 s3, s7;
	s7 =	simm.s32 @!p0 $0x108  }
0x21: {  	s3 =	sadd.s32 s3, s9;
	s6 =	sadd.s32 @!p0 $0x88, s6;
	s7 =	simm.s32 @p2 $0x1082  }
0x22: {  	[simem:s7], [sflag:s8] =	dma.local @!p0 [hbm:s6], $0xF7A  }
0x23: {  	s9 =	sor.u32 $0xD0000000, s2;
	s6 =	simm.s32 $0x108;
	_ =	swait.ge @!p0 [sflag:s8], $0x0  }
0x24: {  	s3 =	sadd.s32 $0x88, s3;
	s6 =	simm.s32 @!p1 $0x1082;
	[sflag:s4] =	ssyncset.s32 $0xFFFFF086  }
0x25: {  	[simem:s6], [sflag:s4] =	dma.local [hbm:s3], $0xF7A  }
0x26: {  	[smem:$0x3F9F] =	sst s1;
	(tag) =	ssettag s2;
	_ =	strace s9  }
0x27: {  	s1 =	sld [smem:$0x3FAF]  }
0x28: {  	s2 =	sld [smem:$0x3FB0]  }
0x29: {  	s4 =	sld [smem:$0x3FB2]  }
0x2a: {  	p0 =	seq.s32 s5, $0x0;
	s5 =	sld [smem:$0x3FB3]  }
0x2b: {  	s6 =	sld [smem:$0x3FB4]  }
0x2c: {  	s7 =	sld [smem:$0x3FB5]  }
0x2d: {  	s3 =	simm.s32 $0x108;
	s8 =	sld [smem:$0x3FB6]  }
0x2e: {  	s3 =	simm.s32 @!p0 $0x1082;
	s9 =	sld [smem:$0x3FB7]  }
0x2f: {  	lr =	sadd.s32 s0, s3;
	s0 =	sld [smem:$0x3FAE]  }
0x30: {  	s3 =	sld [smem:$0x3FB1]  }
0x31: {  	[smem:$0x3FBA] =	sst s10  }
0x32: {  	s10 =	sld [smem:$0x3FB8];
	_ =	sdelay $0x3  }
0x33: {  	p0 =	seq.s32 s10, $0x1;
	s10 =	sld [smem:$0x3FBA];
	_ =	sdelay $0x3  }
0x34: {  	[smem:$0x3FBA] =	sst s10  }
0x35: {  	s10 =	sld [smem:$0x3FB9];
	_ =	sdelay $0x3  }
0x36: {  	p1 =	seq.s32 s10, $0x1;
	s10 =	sld [smem:$0x3FBA];
	_ =	sdelay $0x3  }
0x37: {  	[smem:$0x3FBA] =	sst s10  }
0x38: {  	s10 =	sld [smem:$0x3FBB]  }
0x39: {  	_ = 	snop;
	(pc) =	sbr.ind lr, $3  }
0x3a: {  	_ = 	snop  }
0x3b: {  	_ = 	snop  }
0x3c: {  	p2 =	seq.s32 s10, $0x1;
	s10 =	sld [smem:$0x3FBA]  }
0x3d: {  	_ =	shalt  }
0x3e: {  	_ =	shalt  }
0x3f: {  	_ =	shalt  }
0x40: {  	_ =	shalt  }
0x41: {  	_ =	shalt  }
0x42: {  	_ =	shalt  }
0x43: {  	_ =	shalt  }
0x44: {  	_ =	shalt  }
0x45: {  	_ =	shalt  }
0x46: {  	_ =	shalt  }
0x47: {  	_ =	shalt  }
0x48: {  	_ =	shalt  }
0x49: {  	_ =	shalt  }
0x4a: {  	_ =	shalt  }
0x4b: {  	_ =	shalt  }
0x4c: {  	_ =	shalt  }
0x4d: {  	_ =	shalt  }
0x4e: {  	_ =	shalt  }
0x4f: {  	_ =	shalt  }
0x50: {  	_ =	shalt  }
0x51: {  	_ =	shalt  }
0x52: {  	_ =	shalt  }
0x53: {  	_ =	shalt  }
0x54: {  	_ =	shalt  }
0x55: {  	_ =	shalt  }
0x56: {  	_ =	shalt  }
0x57: {  	_ =	shalt  }
0x58: {  	_ =	shalt  }
0x59: {  	_ =	shalt  }
0x5a: {  	_ =	shalt  }
0x5b: {  	_ =	shalt  }
0x5c: {  	_ =	shalt  }
0x5d: {  	_ =	shalt  }
0x5e: {  	_ =	shalt  }
0x5f: {  	_ =	shalt  }
0x60: {  	_ =	shalt  }
0x61: {  	_ =	shalt  }
0x62: {  	_ =	shalt  }
0x63: {  	_ =	shalt  }
0x64: {  	_ =	shalt  }
0x65: {  	_ =	shalt  }
0x66: {  	_ =	shalt  }
0x67: {  	_ =	shalt  }
0x68: {  	_ =	shalt  }
0x69: {  	_ =	shalt  }
0x6a: {  	_ =	shalt  }
0x6b: {  	_ =	shalt  }
0x6c: {  	_ =	shalt  }
0x6d: {  	_ =	shalt  }
0x6e: {  	_ =	shalt  }
0x6f: {  	_ =	shalt  }
0x70: {  	_ =	shalt  }
0x71: {  	_ =	shalt  }
0x72: {  	_ =	shalt  }
0x73: {  	_ =	shalt  }
0x74: {  	_ =	shalt  }
0x75: {  	_ =	shalt  }
0x76: {  	_ =	shalt  }
0x77: {  	_ =	shalt  }
0x78: {  	_ =	shalt  }
0x79: {  	_ =	shalt  }
0x7a: {  	_ =	shalt  }
0x7b: {  	_ =	shalt  }
0x7c: {  	_ =	shalt  }
0x7d: {  	_ =	shalt  }
0x7e: {  	_ =	shalt  }
0x7f: {  	_ =	shalt  }
0x80: {  	_ =	shalt  }
0x81: {  	_ =	shalt  }
0x82: {  	_ =	shalt  }
0x83: {  	_ =	shalt  }
0x84: {  	_ =	shalt  }
0x85: {  	_ =	shalt  }
0x86: {  	_ =	shalt  }
0x87: {  	_ =	shalt  }
.Lfunc_end0:
.L_simem_size_0:
called_computation_lowered:
.L_overlay_start_0:
0x88: {  	s2 =	sld [smem:$0x3FD9]  }
0x89: {  	s3 =	sld [smem:$0x3FFE];
	_ =	sdelay $0x1  }
0x8a: {  	s1 =	srdreg.scid  }
0x8b: {  	s0 =	sand.u32 $0x1, s1  }
0x8c: {  	s17 =	sshll.u32 s0, $0xA;
	s2 =	sadd.s32 s3, s2  }
0x8d: {  	s2 =	sadd.s32 s2, s17  }
0x8e: {  	[smem:$0x3FC6] =	sst s2  }
0x8f: {  	_ = 	snop  }
0x90: {  	s2 =	sld [smem:$0x3FD0];
	(tm) =	ssettm $0x1  }
0x91: {  	s18 =	sld [smem:$0x3FFB];
	_ =	sdelay $0x3  }
0x92: {  	_ =	strace s18  }
0x93: {  	s3 =	sld [smem:$0x3FFC];
	_ =	sdelay $0x3  }
0x94: {  	_ =	strace s3  }
0x95: {  	s3 =	sld [smem:$0x3FFD];
	_ =	sdelay $0x3  }
0x96: {  	_ =	strace s3  }
0x97: {  	_ =	strace $0x8FFFFFFF  }
0x98: {  	s19 =	sld [smem:$0x3FDB];
	_ =	sdelay $0x1  }
0x99: {  	s4 =	simm.s32 $_scs_section_size  }
0x9a: {  	s5 =	simm.s32 $_size__tile_overlayer_lowered;
	s6 =	simm.s32 $_tile_overlayer_lowered  }
0x9b: {  	s22 =	simm.s32 $0x1BFF;
	s21 =	sshll.u32 s6, $0x1;
	s3 =	sadd.s32 s4, s19  }
0x9c: {  	s7 =	simm.s32 $0x0;
	s20 =	sshll.u32 s5, $0x1;
	s5 =	sadd.s32 s21, s3  }
0x9d: {  	[timem:s7], [sflag:s22] =	dma.local [hbm:s5], s20  }
0x9e: {  	_ =	swait.ge [sflag:s22], s20  }
0x9f: {  	s4 =	ssub.s32 $0x0, s20;
	[sflag:s22] =	ssyncset.done $0x0  }
0xa0: {  	[sflag:s22] =	ssyncadd.s32 s4;
	_ =	sdelay $0x1  }
0xa1: {  	s23 =	simm.s32 $0x1B8B  }
0xa2: {  	_ =	swait.ge [sflag:s23], $0x1  }
0xa3: {  	[sflag:s23] =	ssyncset.done $0x0  }
0xa4: {  	s25 =	simm.s32 $0x1B8E;
	s24 =	sld [smem:$0x3FFE];
	[sflag:s23] =	ssyncadd.s32 $0xFFFFFFFF  }
0xa5: {  	s26 =	simm.s32 $execute0_lowered;
	[smem:$0x3FD2] =	sst s25  }
0xa6: {  	s5 =	sshll.u32 s26, $0x1;
	_ =	strace $0x80000046;
	[dreg:$0x1] =	wrdreg $0xFFFFFFFF  }
0xa7: {  	s28 =	simm.s32 $_size_execute0_lowered;
	s3 =	sadd.s32 s3, s5;
	[dreg:$0x0] =	wrdreg $0x0  }
0xa8: {  	s5 =	sshll.u32 s28, $0x1;
	[dreg:$0x2] =	wrdreg s3  }
0xa9: {  	[dreg:$0x3] =	wrdreg s5  }
0xaa: {  	[dreg:$0x4] =	wrdreg $0xC0  }
0xab: {  	_ =	task [dreg:s7], $0x5FFFF  }
0xac: {  	[dreg:$0x1] =	wrdreg $0xFFFFFFFF  }
0xad: {  	[dreg:$0x0] =	wrdreg $0x60  }
0xae: {  	[dreg:$0x2] =	wrdreg s24  }
0xaf: {  	[dreg:$0x3] =	wrdreg s2  }
0xb0: {  	[dreg:$0x4] =	wrdreg $0x9  }
0xb1: {  	_ =	task.clear_ibuf [dreg:s7], $0x5FFFF;
	_ =	strace $0x90000046  }
0xb2: {  	s29 =	simm.s32 $0x9;
	_ =	strace $0x80000048  }
0xb3: {  	_ =	swait.ge [sflag:s29], $0x1  }
0xb4: {  	[sflag:s29] =	ssyncadd.s32 $0xFFFFFFFF  }
0xb5: {  	_ =	strace $0x90000048  }
0xb6: {  	_ =	sfence  }
0xb7: {  	s30 =	sld [smem:$0x0];
	_ =	sdelay $0x2  }
0xb8: {  	s31 =	sshll.u32 s1, $0xD;
	s1 =	sshrl.u32 s1, $0x2  }
0xb9: {  	s3 =	sand.u32 $0x4000, s31;
	s1 =	sadd.s32 s1, s30  }
0xba: {  	s0 =	sor.u32 s3, s0;
	s1 =	sshll.u32 s1, $0x11  }
0xbb: {  	s0 =	sor.u32 s1, s0  }
0xbc: {  	s0 =	sadd.s32 $0x8F2B, s0  }
0xbd: {  	[sflag:s0] =	ssyncadd.remote.s32 $0x1  }
0xbe: {  	_ =	sfence.sel $0xFFFF  }
0xbf: {  	[dreg:$0x0] =	wrdreg $0xFFFFFFFF;
	(pc) =	sbr.abs _section_cstart, $3  }
0xc0: {  	[dreg:$0x1] =	wrdreg $0xFFFFFFFF  }
0xc1: {  	_ =	task.clear_ibuf [dreg:s7], $0x2FFFF;
	_ =	strace $0x9FFFFFFF  }
0xc2: {  	(tm) =	ssettm $0x7FFFFFFF  }
0xc3: {  	_ =	shalt  }
tec
execute0_lowered:
.L_overlay_start_1:
0x0: {  	(tag) =	ssettag $0x1  }
0x1: {  	s0 =	rddreg [dreg:$0x0]  }
0x2: {  	s1 =	rddreg [dreg:$0x1];
	s3 =	simm.s32 $0x0;
	s2 =	srdreg.scid  }
0x3: {  	s4 =	stileid.u32;
	[smem:$0x7FF] =	sst s3;
	s2 =	sand.u32 $0x1, s2  }
0x4: {  	s8 =	sadd.s32 $0x2600, s0;
	s6 =	sshll.u32 s4, $0x1;
	s25 =	sadd.s32 $0x600, s0  }
0x5: {  	s0 =	sadd.s32 $0xC600, s0;
	_ =	strace $0x80000047;
	[dreg:$0x4] =	wrdreg s25  }
0x6: {  	s5 =	ssub.s32 $0x2, s2;
	s2 =	sor.u32 s2, s6;
	[dreg:$0x5] =	wrdreg s0  }
0x7: {  	[dreg:$0x3] =	wrdreg s8;
	s7 =	sshrl.u32 s5, $0x1;
	s28 =	sshll.u32 s2, $0x6  }
0x8: {  	s26 =	ssub.s32 s5, s7;
	s7 =	sshll.u32 s2, $0xC;
	s29 =	sadd.s32 s8, s28  }
0x9: {  	s2 =	sshll.u32 s2, $0x9;
	[dreg:$0x6] =	wrdreg s29;
	s4 =	sadd.s32 $0x800, s29  }
.Ltmp0:
0xa: {  	s30 =	sor.u32 $0x8000, s2;
	[dreg:$0x7] =	wrdreg s4;
	(pc) =	sbr.rel .LBB2_1-.Ltmp0, $4  }
0xb: {  	s21 =	simm.s32 $0x400;
	s2 =	sor.u32 $0xC000, s2;
	[dreg:$0x8] =	wrdreg s30  }
0xc: {  	s22 =	simm.s32 $0x20000;
	s31 =	sor.u32 $0x400, s7;
	[dreg:$0x9] =	wrdreg s2  }
0xd: {  	s13 =	sor.u32 $0x800, s7;
	s0 =	smax.u32 s26, $0x1;
	[dreg:$0xa] =	wrdreg s31  }
0xe: {  	s14 =	sor.u32 $0xC00, s7;
	[dreg:$0xb] =	wrdreg s0;
	s4 =	simm.s32 $0x0  }
.LBB2_20:
0xf: {  	s0 =	simm.s32 $0x3  }
0x10: {  	_ =	swait.ge [sflag:s0], $0x2000  }
0x11: {  	[sflag:s0] =	ssyncset.done $0x0  }
0x12: {  	s29 =	simm.s32 $0x4;
	[sflag:s0] =	ssyncadd.s32 $0xFFFFE000  }
0x13: {  	_ =	swait.ge [sflag:s29], $0x2000  }
0x14: {  	[sflag:s29] =	ssyncset.done $0x0  }
0x15: {  	s30 =	simm.s32 $0x5;
	[sflag:s29] =	ssyncadd.s32 $0xFFFFE000  }
0x16: {  	_ =	swait.ge [sflag:s30], $0x2000  }
0x17: {  	[sflag:s30] =	ssyncset.done $0x0  }
0x18: {  	s2 =	simm.s32 $0x6;
	[sflag:s30] =	ssyncadd.s32 $0xFFFFE000  }
0x19: {  	_ =	swait.ge [sflag:s2], $0x2000  }
0x1a: {  	s4 =	rddreg [dreg:$0xc]  }
0x1b: {  	s31 =	rddreg [dreg:$0xb];
	s4 =	sadd.s32 $0x1, s4  }
0x1c: {  	p0 =	sne.s32 s4, s31  }
.Ltmp1:
0x1d: {  	_ = 	snop;
	(pc) =	sbr.rel @!p0 .LBB2_21-.Ltmp1, $3  }
0x1e: {  	_ =	sdelay $0x1  }
0x1f: {  	[sflag:s2] =	ssyncset.done $0x0  }
0x20: {  	[sflag:s2] =	ssyncadd.s32 $0xFFFFE000  }
.LBB2_1:
0x21: {  	[dreg:$0xc] =	wrdreg s4  }
0x22: {  	s0 =	rddreg [dreg:$0x4];
	s2 =	simm.s32 $0x7  }
0x23: {  	[tilespmem:s3], [sflag:$0x7] =	stream.linear.gather [hbm4b:s0+s3], $0xFA00, $0x38;
	[tilespmem:$0x1CE00] =	vst v63  }
0x24: {  	_ =	swait.ge [sflag:s2], $0xFA00  }
0x25: {  	[sflag:s2] =	ssyncset.done $0x0  }
0x26: {  	s26 =	simm.s32 $0xFA00;
	s25 =	rddreg [dreg:$0x5];
	[sflag:s2] =	ssyncadd.s32 $0xFFFF0600  }
0x27: {  	[tilespmem:s26], [sflag:$0x7] =	stream.linear.gather [hbm4b:s25+s3], $0x5000, $0x38;
	[tilespmem:$0x1CE00] =	vst v63  }
0x28: {  	_ =	swait.ge [sflag:s2], $0x5000  }
0x29: {  	[sflag:s2] =	ssyncset.done $0x0  }
0x2a: {  	s29 =	simm.s32 $0x14A00;
	s28 =	rddreg [dreg:$0x6];
	[sflag:s2] =	ssyncadd.s32 $0xFFFFB000  }
0x2b: {  	[tilespmem:s29], [sflag:$0x1] =	stream.linear.gather [hbm4b:s28+s3], $0x200, $0x38;
	[tilespmem:$0x1CE00] =	vst v63  }
0x2c: {  	s31 =	simm.s32 $0x14C00;
	s17 =	simm.s32 $0x0;
	s30 =	rddreg [dreg:$0x7]  }
0x2d: {  	[tilespmem:s31], [sflag:$0x2] =	stream.linear.gather [hbm4b:s30+s3], $0x200, $0x38;
	[tilespmem:$0x1CE00] =	vst v63  }
.LBB2_2:
0x2e: {  	s0 =	simm.s32 $0x1  }
0x2f: {  	_ =	swait.ge [sflag:s0], $0x200  }
0x30: {  	p0 =	seq.s32 s17, $0x0;
	[sflag:s0] =	ssyncset.done $0x0  }
0x31: {  	s2 =	simm.s32 @!p0 $0x3;
	[sflag:s0] =	ssyncadd.s32 $0xFFFFFE00  }
0x32: {  	_ =	swait.ge @!p0 [sflag:s2], $0x2000  }
0x33: {  	[sflag:s2] =	ssyncset.done @!p0 $0x0  }
0x34: {  	[sflag:s2] =	ssyncadd.s32 @!p0 $0xFFFFE000  }
0x35: {  	v2 =	vld [tilespmem:$0x14A00];
	_ =	sdelay $0x2  }
0x36: {  	s18 =	sshll.u32 s17, $0x4  }
0x37: {  	s11 =	simm.s32 $0x0;
	s5 =	sadd.s32 $0x0, s18  }
0x38: {  	s5 =	sshll.u32 s5, $0x7;
	s2 =	sand.u32 $0x4, s11;
	v3 =	vld [tilespmem:$0x14A10];
	v0 =	vadd.s32 $0xBB8, v2  }
0x39: {  	s5 =	sand.u32 $0x3FFFFF80, s5;
	v9 =	vld [tilespmem:$0x14A20];
	s6 =	sor.u32 $0x3, s2  }
0x3a: {  	s8 =	sadd.s32 $0xFA00, s5;
	v7 =	vld [tilespmem:$0x14A30];
	s12 =	sshll.u32 s6, $0x4  }
0x3b: {  	v6 =	vld [tilespmem:$0x14A40];
	s5 =	sor.u32 s12, s8  }
0x3c: {  	s10 =	sshll.u32 s2, $0x4;
	v8 =	vld [tilespmem:s5+$0x0];
	v4 =	vadd.s32 $0x3E8, v2  }
0x3d: {  	s9 =	sor.u32 $0x1, s2;
	s10 =	sor.u32 s10, s8;
	v0 =	vld.idx.msk [tilespmem:v0+s3+$0x0], $0xffff  }
0x3e: {  	s15 =	sshll.u32 s9, $0x4;
	v13 =	vld [tilespmem:s10+$0x0]  }
0x3f: {  	s5 =	sor.u32 s15, s8;
	v5 =	vld.idx.msk [tilespmem:v2+s3+$0x0], $0xffff  }
0x40: {  	s16 =	simm.s32 $0x0;
	v1 =	vld [tilespmem:s5+$0x0];
	v10 =	vadd.s32 $0xBB8, v3  }
0x41: {  	s5 =	sand.u32 $0x3FFFFC00, s16;
	v11 =	vadd.s32 $0x7D0, v2;
	v4 =	vld.idx.msk [tilespmem:v4+s3+$0x0], $0xffff  }
0x42: {  	v12 =	vld [tilespmem:$0x14A50];
	s20 =	sshll.u32 s6, $0x7;
	s19 =	sadd.s32 $0x14E00, s5;
	v0 =	vadd.f32 v0, v8  }
0x43: {  	v15 =	vld [tilespmem:$0x14A60];
	s5 =	sadd.s32 s20, s19  }
0x44: {  	v17 =	vld [tilespmem:$0x14A70];
	s23 =	sor.u32 $0x2, s2;
	s2 =	sshll.u32 s2, $0x7;
	v14 =	vadd.s32 $0x3E8, v3;
	v5 =	vadd.f32 v5, v13;
	[tilespmem:s5+$0x0] =	vst v0  }
0x45: {  	s24 =	sshll.u32 s9, $0x7;
	s9 =	sadd.s32 s2, s19;
	v10 =	vld.idx.msk [tilespmem:v10+s3+$0x0], $0xffff  }
0x46: {  	s11 =	sshll.u32 s23, $0x4;
	v11 =	vld.idx.msk [tilespmem:v11+s3+$0x0], $0xffff;
	v4 =	vadd.f32 v4, v1;
	[tilespmem:s9+$0x0] =	vst v5  }
0x47: {  	s8 =	sor.u32 s11, s8;
	s15 =	sadd.s32 s24, s19;
	v5 =	vld.idx.msk [tilespmem:v3+s3+$0x0], $0xffff  }
0x48: {  	v0 =	vld [tilespmem:s8+$0x0];
	[tilespmem:s15+$0x0] =	vst v4;
	v4 =	vadd.s32 $0xBB8, v9  }
0x49: {  	v14 =	vld.idx.msk [tilespmem:v14+s3+$0x0], $0xffff  }
0x4a: {  	v10 =	vadd.f32 v10, v8  }
0x4b: {  	v16 =	vadd.s32 $0x7D0, v3  }
0x4c: {  	v5 =	vadd.f32 v5, v13;
	[tilespmem:s5+$0x10] =	vst v10  }
0x4d: {  	s25 =	sshll.u32 s23, $0x7;
	v18 =	vadd.s32 $0x3E8, v9;
	v11 =	vadd.f32 v11, v0;
	v4 =	vld.idx.msk [tilespmem:v4+s3+$0x0], $0xffff  }
0x4e: {  	s6 =	sadd.s32 s25, s19;
	[tilespmem:s9+$0x10] =	vst v5;
	v10 =	vadd.f32 v14, v1  }
0x4f: {  	[tilespmem:s6+$0x0] =	vst v11;
	v5 =	vld.idx.msk [tilespmem:v9+s3+$0x0], $0xffff  }
0x50: {  	v11 =	vld.idx.msk [tilespmem:v16+s3+$0x0], $0xffff;
	[tilespmem:s15+$0x10] =	vst v10;
	v10 =	vadd.s32 $0xBB8, v7;
	_ =	sdelay $0x1  }
0x51: {  	v14 =	vld.idx.msk [tilespmem:v18+s3+$0x0], $0xffff;
	v4 =	vadd.f32 v4, v8  }
0x52: {  	v16 =	vadd.s32 $0x7D0, v9  }
0x53: {  	s26 =	simm.s32 $0x4;
	s28 =	sadd.s32 $0x0, s18;
	[tilespmem:s5+$0x20] =	vst v4  }
0x54: {  	s29 =	sand.u32 $0x4, s26;
	s30 =	sshll.u32 s28, $0x7;
	v11 =	vadd.f32 v11, v0;
	v4 =	vadd.f32 v5, v13;
	v5 =	vld.idx.msk [tilespmem:v10+s3+$0x0], $0xffff;
	v10 =	vadd.s32 $0xFA0, v2  }
0x55: {  	s16 =	sor.u32 $0x1, s29;
	s2 =	sand.u32 $0x3FFFFF80, s30  }
0x56: {  	s20 =	sshll.u32 s16, $0x4;
	s2 =	sadd.s32 $0xFA00, s2;
	[tilespmem:s6+$0x10] =	vst v11;
	v2 =	vadd.f32 v14, v1;
	v11 =	vadd.s32 $0xBB8, v10  }
0x57: {  	s31 =	sor.u32 $0x3, s29;
	s20 =	sor.u32 s20, s2;
	v16 =	vld.idx.msk [tilespmem:v16+s3+$0x0], $0xffff  }
0x58: {  	s0 =	sshll.u32 s31, $0x4;
	v14 =	vadd.s32 $0xFA0, v3;
	v3 =	vld [tilespmem:s20+$0x0];
	[tilespmem:s15+$0x20] =	vst v2;
	v2 =	vadd.s32 $0xBB8, v6  }
0x59: {  	s11 =	sor.u32 s0, s2;
	v20 =	vld.idx.msk [tilespmem:v10+s3+$0x0], $0xffff  }
0x5a: {  	s19 =	sshll.u32 s29, $0x4;
	v18 =	vadd.s32 $0x3E8, v7;
	[tilespmem:s9+$0x20] =	vst v4;
	v4 =	vadd.f32 v5, v8;
	v5 =	vld [tilespmem:s11+$0x0]  }
0x5b: {  	s19 =	sor.u32 s19, s2;
	v21 =	vadd.s32 $0x3E8, v10;
	v11 =	vld.idx.msk [tilespmem:v11+s3+$0x0], $0xffff  }
0x5c: {  	[tilespmem:s5+$0x30] =	vst v4;
	v4 =	vld [tilespmem:s19+$0x0]  }
0x5d: {  	v22 =	vadd.s32 $0x7D0, v10;
	v23 =	vld.idx.msk [tilespmem:v2+s3+$0x0], $0xffff  }
0x5e: {  	s4 =	sor.u32 $0x2, s29;
	s12 =	simm.s32 $0x200;
	v24 =	vadd.s32 $0x7D0, v7;
	v19 =	vld.idx.msk [tilespmem:v7+s3+$0x0], $0xffff  }
0x5f: {  	s23 =	sshll.u32 s4, $0x4;
	s20 =	sand.u32 $0x3FFFFC00, s12;
	v25 =	vadd.s32 $0xBB8, v14;
	v18 =	vld.idx.msk [tilespmem:v18+s3+$0x0], $0xffff;
	v16 =	vadd.f32 v16, v0  }
0x60: {  	s24 =	sshll.u32 s31, $0x7;
	s2 =	sor.u32 s23, s2;
	s23 =	sadd.s32 $0x14E00, s20;
	v21 =	vld.idx.msk [tilespmem:v21+s3+$0x0], $0xffff;
	v11 =	vadd.f32 v11, v5  }
0x61: {  	v26 =	vadd.s32 $0xBB8, v12;
	s25 =	sshll.u32 s29, $0x7;
	[tilespmem:s6+$0x20] =	vst v16;
	v2 =	vld [tilespmem:s2+$0x0];
	s2 =	sadd.s32 s24, s23;
	v20 =	vadd.f32 v20, v4  }
0x62: {  	v16 =	vld.idx.msk [tilespmem:v22+s3+$0x0], $0xffff;
	s19 =	sadd.s32 s25, s23;
	v22 =	vadd.f32 v23, v8;
	[tilespmem:s2+$0x0] =	vst v11  }
0x63: {  	v24 =	vld.idx.msk [tilespmem:v24+s3+$0x0], $0xffff;
	v23 =	vadd.s32 $0x3E8, v6;
	v11 =	vadd.f32 v19, v13;
	[tilespmem:s19+$0x0] =	vst v20  }
0x64: {  	v19 =	vadd.s32 $0x3E8, v14;
	v25 =	vld.idx.msk [tilespmem:v25+s3+$0x0], $0xffff;
	[tilespmem:s5+$0x40] =	vst v22  }
0x65: {  	v27 =	vadd.s32 $0x7D0, v14;
	v22 =	vadd.f32 v18, v1;
	[tilespmem:s9+$0x30] =	vst v11;
	v11 =	vld.idx.msk [tilespmem:v14+s3+$0x0], $0xffff  }
0x66: {  	s26 =	sshll.u32 s16, $0x7;
	v21 =	vadd.f32 v21, v3;
	v18 =	vadd.s32 $0xFA0, v9;
	v20 =	vld.idx.msk [tilespmem:v26+s3+$0x0], $0xffff;
	v26 =	vadd.s32 $0x7D0, v6  }
0x67: {  	s28 =	sshll.u32 s4, $0x7;
	s8 =	sadd.s32 s26, s23;
	v16 =	vadd.f32 v16, v2;
	v9 =	vld.idx.msk [tilespmem:v6+s3+$0x0], $0xffff;
	[tilespmem:s15+$0x30] =	vst v22;
	v22 =	vadd.s32 $0xBB8, v18  }
0x68: {  	s16 =	sadd.s32 s28, s23;
	[tilespmem:s8+$0x0] =	vst v21;
	v21 =	vadd.f32 v24, v0;
	v23 =	vld.idx.msk [tilespmem:v23+s3+$0x0], $0xffff  }
0x69: {  	v24 =	vadd.s32 $0xBB8, v15;
	[tilespmem:s16+$0x0] =	vst v16;
	v19 =	vld.idx.msk [tilespmem:v19+s3+$0x0], $0xffff;
	v16 =	vadd.f32 v25, v5  }
0x6a: {  	[tilespmem:s6+$0x30] =	vst v21;
	v25 =	vld.idx.msk [tilespmem:v27+s3+$0x0], $0xffff;
	v11 =	vadd.f32 v11, v4  }
0x6b: {  	v21 =	vadd.s32 $0x3E8, v12;
	v20 =	vadd.f32 v20, v8;
	[tilespmem:s2+$0x10] =	vst v16;
	v26 =	vld.idx.msk [tilespmem:v26+s3+$0x0], $0xffff  }
0x6c: {  	v27 =	vadd.s32 $0x3E8, v18;
	v9 =	vadd.f32 v9, v13;
	v22 =	vld.idx.msk [tilespmem:v22+s3+$0x0], $0xffff;
	[tilespmem:s19+$0x10] =	vst v11  }
0x6d: {  	[tilespmem:s5+$0x50] =	vst v20;
	v20 =	vadd.s32 $0x7D0, v18;
	v23 =	vadd.f32 v23, v1;
	v28 =	vld.idx.msk [tilespmem:v18+s3+$0x0], $0xffff  }
0x6e: {  	v16 =	vadd.s32 $0xFA0, v7;
	v19 =	vadd.f32 v19, v3;
	[tilespmem:s9+$0x40] =	vst v9;
	v11 =	vld.idx.msk [tilespmem:v24+s3+$0x0], $0xffff;
	v24 =	vadd.s32 $0x7D0, v12  }
0x6f: {  	v7 =	vadd.f32 v25, v2;
	v9 =	vld.idx.msk [tilespmem:v12+s3+$0x0], $0xffff;
	[tilespmem:s15+$0x40] =	vst v23;
	v23 =	vadd.s32 $0xBB8, v16  }
0x70: {  	[tilespmem:s8+$0x10] =	vst v19;
	v19 =	vld.idx.msk [tilespmem:v21+s3+$0x0], $0xffff;
	v21 =	vadd.f32 v26, v0  }
0x71: {  	v25 =	vadd.s32 $0xBB8, v17;
	v26 =	vld.idx.msk [tilespmem:v27+s3+$0x0], $0xffff;
	[tilespmem:s16+$0x10] =	vst v7;
	v7 =	vadd.f32 v22, v5  }
0x72: {  	v20 =	vld.idx.msk [tilespmem:v20+s3+$0x0], $0xffff;
	[tilespmem:s6+$0x40] =	vst v21;
	v22 =	vadd.f32 v28, v4  }
0x73: {  	v21 =	vadd.s32 $0x3E8, v15;
	v11 =	vadd.f32 v11, v8;
	[tilespmem:s2+$0x20] =	vst v7;
	v24 =	vld.idx.msk [tilespmem:v24+s3+$0x0], $0xffff  }
0x74: {  	v7 =	vadd.s32 $0x3E8, v16;
	v9 =	vadd.f32 v9, v13;
	v23 =	vld.idx.msk [tilespmem:v23+s3+$0x0], $0xffff;
	[tilespmem:s19+$0x20] =	vst v22  }
0x75: {  	v10 =	vadd.s32 $0xFA0, v10;
	[tilespmem:s5+$0x60] =	vst v11;
	v11 =	vadd.f32 v19, v1;
	v22 =	vld.idx.msk [tilespmem:v16+s3+$0x0], $0xffff  }
0x76: {  	[tilespmem:s9+$0x50] =	vst v9;
	v9 =	vadd.s32 $0xBB8, v10;
	v19 =	vld.idx.msk [tilespmem:v25+s3+$0x0], $0xffff;
	v25 =	vadd.f32 v26, v3  }
0x77: {  	s29 =	sadd.s32 $0x1, s18;
	s25 =	simm.s32 $0x8;
	v26 =	vld.idx.msk [tilespmem:v15+s3+$0x0], $0xffff;
	[tilespmem:s15+$0x50] =	vst v11  }
0x78: {  	s10 =	sshll.u32 s29, $0x7;
	s30 =	sand.u32 $0x4, s25;
	[tilespmem:s8+$0x20] =	vst v25;
	v21 =	vld.idx.msk [tilespmem:v21+s3+$0x0], $0xffff  }
0x79: {  	s10 =	sand.u32 $0x3FFFFF80, s10;
	v29 =	vadd.s32 $0x7D0, v10;
	s31 =	sor.u32 $0x3, s30;
	v11 =	vadd.s32 $0xFA0, v6;
	v20 =	vadd.f32 v20, v2;
	v25 =	vld.idx.msk [tilespmem:v7+s3+$0x0], $0xffff  }
0x7a: {  	s10 =	sadd.s32 $0xFA00, s10;
	s24 =	sor.u32 $0x1, s30;
	s0 =	sshll.u32 s31, $0x4;
	v6 =	vadd.s32 $0xBB8, v11;
	v7 =	vadd.f32 v23, v5;
	v23 =	vld.idx.msk [tilespmem:v10+s3+$0x0], $0xffff  }
0x7b: {  	s4 =	sshll.u32 s24, $0x4;
	s23 =	sor.u32 s0, s10;
	[tilespmem:s16+$0x20] =	vst v20;
	v27 =	vld.idx.msk [tilespmem:v9+s3+$0x0], $0xffff  }
0x7c: {  	v20 =	vadd.f32 v22, v4;
	[tilespmem:s2+$0x30] =	vst v7;
	v7 =	vld [tilespmem:s23+$0x0];
	s23 =	sor.u32 s4, s10  }
0x7d: {  	v28 =	vadd.s32 $0x3E8, v10;
	v9 =	vld [tilespmem:s23+$0x0]  }
0x7e: {  	s26 =	sshll.u32 s30, $0x4;
	s28 =	sor.u32 $0x2, s30;
	v31 =	vadd.s32 $0x7D0, v16;
	[tilespmem:s19+$0x30] =	vst v20;
	v20 =	vld.idx.msk [tilespmem:v29+s3+$0x0], $0xffff  }
0x7f: {  	s26 =	sor.u32 s26, s10;
	s29 =	sshll.u32 s28, $0x4;
	v24 =	vadd.f32 v24, v0;
	v29 =	vadd.s32 $0x3E8, v11;
	v30 =	vld.idx.msk [tilespmem:v6+s3+$0x0], $0xffff  }
0x80: {  	v14 =	vadd.s32 $0xFA0, v14;
	v19 =	vadd.f32 v19, v8;
	s10 =	sor.u32 s29, s10;
	v6 =	vld [tilespmem:s26+$0x0]  }
0x81: {  	s12 =	simm.s32 $0x400;
	v12 =	vadd.s32 $0xFA0, v12;
	v22 =	vadd.s32 $0xBB8, v14;
	[tilespmem:s6+$0x50] =	vst v24;
	v8 =	vld [tilespmem:s10+$0x0];
	v25 =	vadd.f32 v25, v3  }
0x82: {  	v26 =	vadd.f32 v26, v13;
	[tilespmem:s5+$0x70] =	vst v19;
	s26 =	sand.u32 $0x3FFFFC00, s12;
	v19 =	vld.idx.msk [tilespmem:v28+s3+$0x0], $0xffff;
	v28 =	vadd.s32 $0xBB8, v12  }
0x83: {  	v24 =	vld.idx.msk [tilespmem:v31+s3+$0x0], $0xffff;
	s29 =	sshll.u32 s31, $0x7;
	s5 =	sadd.s32 $0x14E00, s26;
	v27 =	vadd.f32 v27, v7;
	[tilespmem:s8+$0x30] =	vst v25  }
0x84: {  	v31 =	vadd.s32 $0x7D0, v15;
	[tilespmem:s9+$0x60] =	vst v26;
	s10 =	sadd.s32 s29, s5;
	v26 =	vld.idx.msk [tilespmem:v29+s3+$0x0], $0xffff;
	v30 =	vadd.f32 v30, v5  }
0x85: {  	s11 =	sshll.u32 s30, $0x7;
	v23 =	vadd.f32 v23, v6;
	[tilespmem:s10+$0x0] =	vst v27;
	v27 =	vld.idx.msk [tilespmem:v11+s3+$0x0], $0xffff  }
0x86: {  	v32 =	vadd.s32 $0x3E8, v14;
	s31 =	sshll.u32 s28, $0x7;
	s23 =	sadd.s32 s11, s5;
	v20 =	vadd.f32 v20, v8;
	v22 =	vld.idx.msk [tilespmem:v22+s3+$0x0], $0xffff;
	[tilespmem:s2+$0x40] =	vst v30  }
0x87: {  	s30 =	sshll.u32 s24, $0x7;
	s11 =	sadd.s32 s31, s5;
	v30 =	vadd.s32 $0x7D0, v14;
	[tilespmem:s23+$0x0] =	vst v23;
	v23 =	vld.idx.msk [tilespmem:v28+s3+$0x0], $0xffff;
	v28 =	vadd.f32 v19, v9  }
0x88: {  	v33 =	vadd.s32 $0x7D0, v11;
	s24 =	sadd.s32 s30, s5;
	[tilespmem:s11+$0x0] =	vst v20;
	v20 =	vadd.f32 v24, v2;
	v25 =	vld.idx.msk [tilespmem:v14+s3+$0x0], $0xffff  }
0x89: {  	v19 =	vadd.s32 $0xFA0, v18;
	v18 =	vadd.f32 v21, v1;
	[tilespmem:s24+$0x0] =	vst v28;
	v28 =	vld.idx.msk [tilespmem:v31+s3+$0x0], $0xffff  }
0x8a: {  	v15 =	vadd.s32 $0xFA0, v15;
	[tilespmem:s16+$0x30] =	vst v20;
	v21 =	vadd.s32 $0xBB8, v19;
	v31 =	vld.idx.msk [tilespmem:v17+s3+$0x0], $0xffff;
	v27 =	vadd.f32 v27, v4  }
0x8b: {  	v24 =	vadd.s32 $0xBB8, v15;
	[tilespmem:s15+$0x60] =	vst v18;
	v29 =	vld.idx.msk [tilespmem:v32+s3+$0x0], $0xffff;
	v22 =	vadd.f32 v22, v7  }
0x8c: {  	v18 =	vld.idx.msk [tilespmem:v30+s3+$0x0], $0xffff;
	[tilespmem:s19+$0x40] =	vst v27  }
0x8d: {  	v20 =	vadd.f32 v23, v5;
	v23 =	vadd.s32 $0x3E8, v12;
	[tilespmem:s10+$0x10] =	vst v22;
	v22 =	vld.idx.msk [tilespmem:v33+s3+$0x0], $0xffff  }
0x8e: {  	v30 =	vadd.s32 $0x3E8, v19;
	v25 =	vadd.f32 v25, v6;
	v62 =	vld.idx.msk [tilespmem:v12+s3+$0x0], $0xffff  }
0x8f: {  	v61 =	vld.idx.msk [tilespmem:v21+s3+$0x0], $0xffff;
	v21 =	vadd.f32 v26, v3;
	[tilespmem:s2+$0x50] =	vst v20;
	v20 =	vadd.s32 $0x7D0, v19  }
0x90: {  	[tilespmem:s23+$0x10] =	vst v25;
	v25 =	vadd.s32 $0x3E8, v17;
	v24 =	vld.idx.msk [tilespmem:v24+s3+$0x0], $0xffff;
	v29 =	vadd.f32 v29, v9  }
0x91: {  	v27 =	vadd.s32 $0x7D0, v12;
	v26 =	vld.idx.msk [tilespmem:v19+s3+$0x0], $0xffff;
	[tilespmem:s8+$0x40] =	vst v21;
	v21 =	vadd.s32 $0xFA0, v16;
	v18 =	vadd.f32 v18, v8  }
0x92: {  	v28 =	vadd.f32 v28, v0;
	v16 =	vadd.s32 $0xFA0, v17;
	v34 =	vadd.s32 $0xBB8, v21;
	[tilespmem:s24+$0x10] =	vst v29;
	v35 =	vld.idx.msk [tilespmem:v23+s3+$0x0], $0xffff  }
0x93: {  	v36 =	vadd.s32 $0xBB8, v16;
	v30 =	vld.idx.msk [tilespmem:v30+s3+$0x0], $0xffff;
	[tilespmem:s11+$0x10] =	vst v18;
	v18 =	vadd.f32 v22, v2  }
0x94: {  	[tilespmem:s6+$0x60] =	vst v28;
	v22 =	vadd.f32 v61, v7;
	v29 =	vld.idx.msk [tilespmem:v20+s3+$0x0], $0xffff  }
0x95: {  	v17 =	vadd.s32 $0x7D0, v17;
	v28 =	vadd.s32 $0x3E8, v21;
	v25 =	vld.idx.msk [tilespmem:v25+s3+$0x0], $0xffff;
	[tilespmem:s16+$0x40] =	vst v18;
	v24 =	vadd.f32 v24, v5  }
0x96: {  	v23 =	vadd.s32 $0x3E8, v15;
	v33 =	vadd.f32 v62, v4;
	v63 =	vadd.f32 v26, v6;
	[tilespmem:s10+$0x20] =	vst v22;
	v26 =	vld.idx.msk [tilespmem:v27+s3+$0x0], $0xffff  }
0x97: {  	v20 =	vadd.s32 $0x7D0, v15;
	v22 =	vadd.s32 $0x7D0, v21;
	v27 =	vadd.f32 v31, v13;
	v31 =	vld.idx.msk [tilespmem:v34+s3+$0x0], $0xffff;
	[tilespmem:s2+$0x60] =	vst v24  }
0x98: {  	s5 =	sshll.u32 s17, $0x1;
	v18 =	vadd.s32 $0x3E8, v16;
	v13 =	vadd.s32 $0x7D0, v16;
	[tilespmem:s23+$0x20] =	vst v63;
	v32 =	vadd.f32 v35, v3;
	v24 =	vld.idx.msk [tilespmem:v36+s3+$0x0], $0xffff  }
.LBB2_3:
0x99: {  	s25 =	sadd.s32 $0x4, s25;
	v34 =	vld.idx.msk [tilespmem:v21+s3+$0x0], $0xffff;
	v30 =	vadd.f32 v30, v9;
	v10 =	vadd.s32 $0xFA0, v10;
	[tilespmem:s19+$0x50] =	vst v33  }
0x9a: {  	s20 =	sshrl.u32 s25, $0x3;
	v33 =	vadd.s32 $0x3E8, v10;
	v35 =	vadd.s32 $0x7D0, v10;
	v36 =	vadd.s32 $0xBB8, v10;
	v37 =	vld.idx.msk [tilespmem:v15+s3+$0x0], $0xffff;
	[tilespmem:s8+$0x50] =	vst v32  }
0x9b: {  	v29 =	vadd.f32 v29, v8;
	v11 =	vadd.s32 $0xFA0, v11;
	p1 =	slt.u32 s25, $0x3C;
	s20 =	sadd.s32 s18, s20;
	[tilespmem:s24+$0x20] =	vst v30;
	v23 =	vld.idx.msk [tilespmem:v23+s3+$0x0], $0xffff;
	v30 =	vadd.f32 v25, v1  }
0x9c: {  	s28 =	sand.u32 $0x4, s25;
	v32 =	vadd.s32 $0x3E8, v11;
	v38 =	vadd.s32 $0xBB8, v11;
	v25 =	vadd.s32 $0x7D0, v11;
	v1 =	vmovc v3;
	v3 =	vmovc v9;
	s20 =	sshll.u32 s20, $0x7;
	v28 =	vld.idx.msk [tilespmem:v28+s3+$0x0], $0xffff;
	[tilespmem:s9+$0x70] =	vst v27;
	s9 =	smov.u32 s19  }
0x9d: {  	s26 =	sor.u32 $0x3, s28;
	v26 =	vadd.f32 v26, v2;
	v9 =	vadd.f32 v31, v7;
	s19 =	sand.u32 $0x3FFFFF80, s20;
	s20 =	sor.u32 $0x1, s28;
	[tilespmem:s11+$0x20] =	vst v29;
	v27 =	vld.idx.msk [tilespmem:v17+s3+$0x0], $0xffff;
	v17 =	vmov v13  }
0x9e: {  	s29 =	sor.u32 $0x2, s28;
	s30 =	sshll.u32 s26, $0x4;
	v24 =	vadd.f32 v24, v5;
	v5 =	vmov v7;
	s19 =	sadd.s32 $0xFA00, s19;
	v13 =	vld.idx.msk [tilespmem:v10+s3+$0x0], $0xffff;
	[tilespmem:s15+$0x70] =	vst v30  }
0x9f: {  	s31 =	sshll.u32 s29, $0x4;
	s15 =	sshll.u32 s20, $0x4;
	v30 =	vadd.f32 v34, v6;
	s30 =	sor.u32 s30, s19;
	v29 =	vld.idx.msk [tilespmem:v36+s3+$0x0], $0xffff;
	[tilespmem:s10+$0x30] =	vst v9  }
0xa0: {  	s0 =	sshll.u32 s28, $0x4;
	s4 =	sor.u32 s15, s19;
	s31 =	sor.u32 s31, s19;
	v31 =	vadd.f32 v37, v4;
	v7 =	vld [tilespmem:s30+$0x0];
	[tilespmem:s2+$0x70] =	vst v24  }
0xa1: {  	s29 =	sshll.u32 s29, $0x7;
	s20 =	sshll.u32 s20, $0x7;
	s0 =	sor.u32 s0, s19;
	v23 =	vadd.f32 v23, v1;
	[tilespmem:s23+$0x30] =	vst v30;
	v30 =	vld.idx.msk [tilespmem:v38+s3+$0x0], $0xffff  }
0xa2: {  	s19 =	smov.u32 s23;
	s15 =	smov.u32 s8;
	v28 =	vadd.f32 v28, v3;
	v24 =	vld [tilespmem:s0+$0x0];
	s0 =	sshll.u32 s28, $0x7;
	[tilespmem:s16+$0x50] =	vst v26  }
0xa3: {  	v14 =	vadd.s32 $0xFA0, v14;
	s8 =	smov.u32 s24;
	s2 =	smov.u32 s10;
	v26 =	vadd.f32 v27, v0;
	v0 =	vmovc v2;
	v2 =	vmov v8;
	v9 =	vld [tilespmem:s4+$0x0];
	[tilespmem:s9+$0x60] =	vst v31  }
0xa4: {  	v12 =	vadd.s32 $0xFA0, v12;
	v27 =	vadd.s32 $0x3E8, v14;
	s4 =	sshll.u32 s25, $0x7;
	v31 =	vadd.s32 $0xBB8, v14;
	v8 =	vld [tilespmem:s31+$0x0];
	[tilespmem:s8+$0x30] =	vst v28  }
0xa5: {  	v34 =	vadd.s32 $0x3E8, v12;
	v36 =	vadd.s32 $0xBB8, v12;
	s4 =	sand.u32 $0x3FFFFC00, s4;
	v28 =	vld.idx.msk [tilespmem:v33+s3+$0x0], $0xffff;
	v33 =	vadd.s32 $0x7D0, v14;
	[tilespmem:s15+$0x60] =	vst v23  }
0xa6: {  	s10 =	sshll.u32 s26, $0x7;
	s4 =	sadd.s32 $0x14E00, s4;
	v29 =	vadd.f32 v29, v7;
	v23 =	vld.idx.msk [tilespmem:v35+s3+$0x0], $0xffff;
	v35 =	vadd.s32 $0x7D0, v12;
	[tilespmem:s6+$0x70] =	vst v26;
	s6 =	smov.u32 s16  }
0xa7: {  	s23 =	sadd.s32 s0, s4;
	s24 =	sadd.s32 s20, s4;
	s10 =	sadd.s32 s10, s4;
	v26 =	vadd.f32 v30, v5;
	v13 =	vadd.f32 v13, v24;
	v22 =	vld.idx.msk [tilespmem:v22+s3+$0x0], $0xffff  }
0xa8: {  	s16 =	smov.u32 s11;
	s11 =	sadd.s32 s29, s4;
	[tilespmem:s10+$0x0] =	vst v29;
	v29 =	vld.idx.msk [tilespmem:v11+s3+$0x0], $0xffff  }
0xa9: {  	v30 =	vld.idx.msk [tilespmem:v31+s3+$0x0], $0xffff;
	[tilespmem:s2+$0x40] =	vst v26  }
0xaa: {  	[tilespmem:s23+$0x0] =	vst v13;
	v13 =	vld.idx.msk [tilespmem:v36+s3+$0x0], $0xffff  }
0xab: {  	v28 =	vadd.f32 v28, v9;
	v26 =	vld.idx.msk [tilespmem:v14+s3+$0x0], $0xffff  }
0xac: {  	v19 =	vadd.s32 $0xFA0, v19;
	v23 =	vadd.f32 v23, v8;
	v31 =	vld.idx.msk [tilespmem:v32+s3+$0x0], $0xffff  }
0xad: {  	v15 =	vadd.s32 $0xFA0, v15;
	v32 =	vadd.s32 $0x3E8, v19;
	[tilespmem:s24+$0x0] =	vst v28;
	v28 =	vadd.s32 $0xBB8, v19;
	v36 =	vld.idx.msk [tilespmem:v20+s3+$0x0], $0xffff  }
0xae: {  	v37 =	vadd.s32 $0x7D0, v19;
	v38 =	vadd.s32 $0xBB8, v15;
	v22 =	vadd.f32 v22, v2;
	v27 =	vld.idx.msk [tilespmem:v27+s3+$0x0], $0xffff;
	[tilespmem:s11+$0x0] =	vst v23  }
0xaf: {  	v29 =	vadd.f32 v29, v6;
	v30 =	vadd.f32 v30, v7;
	v23 =	vadd.s32 $0x3E8, v15;
	v33 =	vld.idx.msk [tilespmem:v33+s3+$0x0], $0xffff  }
0xb0: {  	v20 =	vadd.s32 $0x7D0, v15;
	v13 =	vadd.f32 v13, v5;
	[tilespmem:s16+$0x30] =	vst v22;
	v39 =	vld.idx.msk [tilespmem:v16+s3+$0x0], $0xffff  }
0xb1: {  	v22 =	vadd.f32 v26, v24;
	[tilespmem:s10+$0x10] =	vst v30;
	v25 =	vld.idx.msk [tilespmem:v25+s3+$0x0], $0xffff  }
0xb2: {  	v26 =	vld.idx.msk [tilespmem:v28+s3+$0x0], $0xffff;
	v28 =	vadd.f32 v31, v3;
	[tilespmem:s2+$0x50] =	vst v13  }
0xb3: {  	v36 =	vadd.f32 v36, v0;
	[tilespmem:s23+$0x10] =	vst v22;
	v31 =	vld.idx.msk [tilespmem:v38+s3+$0x0], $0xffff  }
0xb4: {  	v13 =	vadd.f32 v27, v9;
	v38 =	vld.idx.msk [tilespmem:v19+s3+$0x0], $0xffff;
	[tilespmem:s19+$0x40] =	vst v29  }
0xb5: {  	v21 =	vadd.s32 $0xFA0, v21;
	v27 =	vadd.f32 v33, v8;
	v33 =	vld.idx.msk [tilespmem:v12+s3+$0x0], $0xffff;
	[tilespmem:s8+$0x40] =	vst v28  }
0xb6: {  	v40 =	vadd.s32 $0xBB8, v21;
	v16 =	vadd.s32 $0xFA0, v16;
	v28 =	vadd.s32 $0x3E8, v21;
	[tilespmem:s24+$0x10] =	vst v13;
	v34 =	vld.idx.msk [tilespmem:v34+s3+$0x0], $0xffff  }
0xb7: {  	v41 =	vadd.s32 $0xBB8, v16;
	v22 =	vadd.s32 $0x7D0, v21;
	v25 =	vadd.f32 v25, v2;
	v30 =	vld.idx.msk [tilespmem:v32+s3+$0x0], $0xffff;
	[tilespmem:s11+$0x10] =	vst v27  }
.Ltmp2:
0xb8: {  	v13 =	vadd.s32 $0x7D0, v16;
	v26 =	vadd.f32 v26, v7;
	v32 =	vadd.s32 $0x3E8, v16;
	v29 =	vld.idx.msk [tilespmem:v37+s3+$0x0], $0xffff;
	[tilespmem:s6+$0x60] =	vst v36;
	(pc) =	sbr.rel @p1 .LBB2_3-.Ltmp2, $4  }
0xb9: {  	v27 =	vadd.f32 v39, v4;
	v4 =	vmov v6;
	v36 =	vadd.f32 v31, v5;
	[tilespmem:s16+$0x40] =	vst v25;
	v25 =	vld.idx.msk [tilespmem:v18+s3+$0x0], $0xffff  }
0xba: {  	v6 =	vmov v24;
	v37 =	vadd.f32 v38, v24;
	v18 =	vmov v32;
	[tilespmem:s10+$0x20] =	vst v26;
	v26 =	vld.idx.msk [tilespmem:v35+s3+$0x0], $0xffff  }
0xbb: {  	v33 =	vadd.f32 v33, v4;
	v31 =	vld.idx.msk [tilespmem:v40+s3+$0x0], $0xffff;
	[tilespmem:s2+$0x60] =	vst v36  }
0xbc: {  	v32 =	vadd.f32 v34, v3;
	[tilespmem:s23+$0x20] =	vst v37;
	v24 =	vld.idx.msk [tilespmem:v41+s3+$0x0], $0xffff  }
0xbd: {  	_ =	sdelay $0x1  }
0xbe: {  	v10 =	vadd.f32 v30, v9  }
0xbf: {  	v14 =	vadd.f32 v29, v8  }
0xc0: {  	v19 =	vld.idx.msk [tilespmem:v21+s3+$0x0], $0xffff;
	[tilespmem:s24+$0x20] =	vst v10;
	v10 =	vadd.s32 $0xFA0, v11  }
0xc1: {  	[tilespmem:s11+$0x20] =	vst v14;
	v11 =	vld.idx.msk [tilespmem:v28+s3+$0x0], $0xffff;
	v21 =	vadd.s32 $0xBB8, v10  }
0xc2: {  	v14 =	vld.idx.msk [tilespmem:v22+s3+$0x0], $0xffff  }
0xc3: {  	v22 =	vadd.f32 v31, v7  }
0xc4: {  	v28 =	vadd.s32 $0x3E8, v10  }
0xc5: {  	v29 =	vadd.s32 $0x7D0, v10;
	v19 =	vadd.f32 v19, v6;
	[tilespmem:s10+$0x30] =	vst v22  }
0xc6: {  	v21 =	vld.idx.msk [tilespmem:v21+s3+$0x0], $0xffff;
	v11 =	vadd.f32 v11, v9  }
0xc7: {  	[tilespmem:s23+$0x30] =	vst v19;
	v14 =	vadd.f32 v14, v8  }
0xc8: {  	v10 =	vld.idx.msk [tilespmem:v10+s3+$0x0], $0xffff;
	[tilespmem:s24+$0x30] =	vst v11;
	v11 =	vadd.s32 $0xFA0, v12  }
0xc9: {  	[tilespmem:s11+$0x30] =	vst v14;
	v12 =	vadd.s32 $0xBB8, v11;
	v19 =	vld.idx.msk [tilespmem:v28+s3+$0x0], $0xffff  }
0xca: {  	v14 =	vld.idx.msk [tilespmem:v29+s3+$0x0], $0xffff  }
0xcb: {  	v21 =	vadd.f32 v21, v7  }
0xcc: {  	[tilespmem:s19+$0x50] =	vst v33;
	v22 =	vadd.s32 $0x3E8, v11  }
0xcd: {  	v28 =	vadd.s32 $0x7D0, v11;
	v10 =	vadd.f32 v10, v6;
	[tilespmem:s10+$0x40] =	vst v21  }
0xce: {  	[tilespmem:s8+$0x50] =	vst v32;
	v12 =	vld.idx.msk [tilespmem:v12+s3+$0x0], $0xffff;
	v19 =	vadd.f32 v19, v9  }
0xcf: {  	v23 =	vld.idx.msk [tilespmem:v23+s3+$0x0], $0xffff;
	[tilespmem:s23+$0x40] =	vst v10;
	v10 =	vadd.f32 v14, v8  }
0xd0: {  	v1 =	vadd.f32 v25, v1;
	v14 =	vadd.s32 $0xFA0, v15;
	v11 =	vld.idx.msk [tilespmem:v11+s3+$0x0], $0xffff;
	[tilespmem:s24+$0x40] =	vst v19  }
0xd1: {  	v5 =	vadd.f32 v24, v5;
	v19 =	vadd.s32 $0xBB8, v14;
	[tilespmem:s11+$0x40] =	vst v10;
	v21 =	vld.idx.msk [tilespmem:v22+s3+$0x0], $0xffff  }
0xd2: {  	[tilespmem:s15+$0x70] =	vst v1;
	v10 =	vld.idx.msk [tilespmem:v28+s3+$0x0], $0xffff;
	v22 =	vadd.f32 v26, v2  }
0xd3: {  	[tilespmem:s2+$0x70] =	vst v5;
	v15 =	vld.idx.msk [tilespmem:v15+s3+$0x0], $0xffff;
	v12 =	vadd.f32 v12, v7  }
0xd4: {  	v5 =	vadd.f32 v23, v3;
	v1 =	vadd.s32 $0x3E8, v14;
	[tilespmem:s16+$0x50] =	vst v22  }
0xd5: {  	v25 =	vadd.s32 $0x7D0, v14;
	v11 =	vadd.f32 v11, v6;
	v20 =	vld.idx.msk [tilespmem:v20+s3+$0x0], $0xffff;
	[tilespmem:s10+$0x50] =	vst v12  }
0xd6: {  	[tilespmem:s8+$0x60] =	vst v5;
	v12 =	vld.idx.msk [tilespmem:v19+s3+$0x0], $0xffff;
	v19 =	vadd.f32 v21, v9  }
0xd7: {  	v17 =	vld.idx.msk [tilespmem:v17+s3+$0x0], $0xffff;
	[tilespmem:s23+$0x50] =	vst v11;
	v10 =	vadd.f32 v10, v8  }
0xd8: {  	v15 =	vadd.f32 v15, v4;
	v14 =	vld.idx.msk [tilespmem:v14+s3+$0x0], $0xffff;
	[tilespmem:s24+$0x50] =	vst v19  }
0xd9: {  	v11 =	vadd.s32 $0xFA0, v16;
	[tilespmem:s11+$0x50] =	vst v10;
	v1 =	vld.idx.msk [tilespmem:v1+s3+$0x0], $0xffff  }
0xda: {  	[tilespmem:s19+$0x60] =	vst v15;
	v19 =	vadd.s32 $0xBB8, v11;
	v10 =	vld.idx.msk [tilespmem:v25+s3+$0x0], $0xffff;
	v15 =	vadd.f32 v20, v2  }
0xdb: {  	v18 =	vld.idx.msk [tilespmem:v18+s3+$0x0], $0xffff;
	v12 =	vadd.f32 v12, v7  }
0xdc: {  	v0 =	vadd.f32 v17, v0;
	v5 =	vld.idx.msk [tilespmem:v16+s3+$0x0], $0xffff;
	v16 =	vadd.s32 $0x3E8, v11;
	[tilespmem:s16+$0x60] =	vst v15  }
0xdd: {  	v20 =	vadd.s32 $0x7D0, v11;
	[tilespmem:s10+$0x60] =	vst v12;
	v12 =	vadd.f32 v14, v6  }
0xde: {  	[tilespmem:s6+$0x70] =	vst v0;
	v13 =	vld.idx.msk [tilespmem:v13+s3+$0x0], $0xffff;
	v1 =	vadd.f32 v1, v9  }
0xdf: {  	v14 =	vld.idx.msk [tilespmem:v19+s3+$0x0], $0xffff;
	v10 =	vadd.f32 v10, v8;
	[tilespmem:s23+$0x60] =	vst v12  }
0xe0: {  	[tilespmem:s24+$0x60] =	vst v1;
	v1 =	vld.idx.msk [tilespmem:v11+s3+$0x0], $0xffff  }
0xe1: {  	v0 =	vadd.f32 v18, v3;
	v4 =	vadd.f32 v5, v4;
	[tilespmem:s11+$0x60] =	vst v10;
	v5 =	vld.idx.msk [tilespmem:v16+s3+$0x0], $0xffff  }
0xe2: {  	[tilespmem:s9+$0x70] =	vst v27;
	v3 =	vld.idx.msk [tilespmem:v20+s3+$0x0], $0xffff  }
0xe3: {  	[tilespmem:s8+$0x70] =	vst v0;
	v0 =	vadd.f32 v13, v2  }
0xe4: {  	[tilespmem:s19+$0x70] =	vst v4;
	v4 =	vadd.f32 v14, v7  }
0xe5: {  	[tilespmem:s16+$0x70] =	vst v0;
	v1 =	vadd.f32 v1, v6  }
0xe6: {  	s6 =	sshll.u32 s17, $0x15;
	[tilespmem:s10+$0x70] =	vst v4;
	v0 =	vadd.f32 v5, v9  }
0xe7: {  	s0 =	sor.u32 s7, s6;
	[tilespmem:s23+$0x70] =	vst v1;
	v1 =	vadd.f32 v3, v8  }
0xe8: {  	s0 =	sshrl.u32 s0, $0x3;
	[tilespmem:s24+$0x70] =	vst v0  }
0xe9: {  	s20 =	simm.s32 $0x14E00;
	s0 =	sadd.s32 s1, s0;
	[tilespmem:s11+$0x70] =	vst v1  }
0xea: {  	[hbm4b:s0+s21] =	stream.strided.scatter [tilespmem:s20], [sflag:$0x3], $0x2000, s22, s21, $0x38;
	[tilespmem:$0x1CE00] =	vst v63  }
0xeb: {  	s0 =	simm.s32 @!p0 $0x4  }
0xec: {  	_ =	swait.ge @!p0 [sflag:s0], $0x2000  }
0xed: {  	[sflag:s0] =	ssyncset.done @!p0 $0x0  }
0xee: {  	[sflag:s0] =	ssyncadd.s32 @!p0 $0xFFFFE000  }
0xef: {  	v2 =	vld [tilespmem:$0x14A80];
	_ =	sdelay $0x3  }
0xf0: {  	s23 =	simm.s32 $0x0;
	s24 =	sadd.s32 $0x0, s18  }
0xf1: {  	s2 =	sshll.u32 s24, $0x7;
	s0 =	sand.u32 $0x4, s23;
	v3 =	vld [tilespmem:$0x14A90];
	v0 =	vadd.s32 $0xBB8, v2  }
0xf2: {  	s2 =	sand.u32 $0x3FFFFF80, s2;
	v9 =	vld [tilespmem:$0x14AA0];
	s4 =	sor.u32 $0x3, s0  }
0xf3: {  	s2 =	sadd.s32 $0xFA00, s2;
	v7 =	vld [tilespmem:$0x14AB0];
	s25 =	sshll.u32 s4, $0x4  }
0xf4: {  	v6 =	vld [tilespmem:$0x14AC0];
	s8 =	sor.u32 s25, s2  }
0xf5: {  	s28 =	sshll.u32 s0, $0x4;
	v8 =	vld [tilespmem:s8+$0x0];
	v4 =	vadd.s32 $0x3E8, v2  }
0xf6: {  	s26 =	sor.u32 $0x1, s0;
	s10 =	sor.u32 s28, s2;
	v0 =	vld.idx.msk [tilespmem:v0+s3+$0x0], $0xffff  }
0xf7: {  	s29 =	sshll.u32 s26, $0x4;
	v13 =	vld [tilespmem:s10+$0x0]  }
0xf8: {  	s8 =	sor.u32 s29, s2;
	v5 =	vld.idx.msk [tilespmem:v2+s3+$0x0], $0xffff  }
0xf9: {  	s30 =	simm.s32 $0x0;
	v1 =	vld [tilespmem:s8+$0x0];
	v10 =	vadd.s32 $0xBB8, v3  }
0xfa: {  	s8 =	sand.u32 $0x3FFFFC00, s30;
	v11 =	vadd.s32 $0x7D0, v2;
	v4 =	vld.idx.msk [tilespmem:v4+s3+$0x0], $0xffff  }
0xfb: {  	v12 =	vld [tilespmem:$0x14AD0];
	s4 =	sshll.u32 s4, $0x7;
	s31 =	sadd.s32 $0x16E00, s8;
	v0 =	vadd.f32 v0, v8  }
0xfc: {  	v15 =	vld [tilespmem:$0x14AE0];
	s10 =	sadd.s32 s4, s31  }
0xfd: {  	v17 =	vld [tilespmem:$0x14AF0];
	s12 =	sor.u32 $0x2, s0;
	s0 =	sshll.u32 s0, $0x7;
	v14 =	vadd.s32 $0x3E8, v3;
	v5 =	vadd.f32 v5, v13;
	[tilespmem:s10+$0x0] =	vst v0  }
0xfe: {  	s15 =	sadd.s32 s0, s31;
	v10 =	vld.idx.msk [tilespmem:v10+s3+$0x0], $0xffff  }
0xff: {  	s19 =	sshll.u32 s12, $0x4;
	s20 =	sshll.u32 s26, $0x7;
	v11 =	vld.idx.msk [tilespmem:v11+s3+$0x0], $0xffff;
	v4 =	vadd.f32 v4, v1;
	[tilespmem:s15+$0x0] =	vst v5  }
0x100: {  	s2 =	sor.u32 s19, s2;
	s8 =	sadd.s32 s20, s31;
	v5 =	vld.idx.msk [tilespmem:v3+s3+$0x0], $0xffff  }
0x101: {  	v0 =	vld [tilespmem:s2+$0x0];
	[tilespmem:s8+$0x0] =	vst v4;
	v4 =	vadd.s32 $0xBB8, v9  }
0x102: {  	v14 =	vld.idx.msk [tilespmem:v14+s3+$0x0], $0xffff  }
0x103: {  	v10 =	vadd.f32 v10, v8  }
0x104: {  	v16 =	vadd.s32 $0x7D0, v3  }
0x105: {  	v5 =	vadd.f32 v5, v13;
	[tilespmem:s10+$0x10] =	vst v10  }
0x106: {  	s23 =	sshll.u32 s12, $0x7;
	v18 =	vadd.s32 $0x3E8, v9;
	v11 =	vadd.f32 v11, v0;
	v4 =	vld.idx.msk [tilespmem:v4+s3+$0x0], $0xffff  }
0x107: {  	s9 =	sadd.s32 s23, s31;
	[tilespmem:s15+$0x10] =	vst v5;
	v10 =	vadd.f32 v14, v1  }
0x108: {  	[tilespmem:s9+$0x0] =	vst v11;
	v5 =	vld.idx.msk [tilespmem:v9+s3+$0x0], $0xffff  }
0x109: {  	v11 =	vld.idx.msk [tilespmem:v16+s3+$0x0], $0xffff;
	[tilespmem:s8+$0x10] =	vst v10;
	v10 =	vadd.s32 $0xBB8, v7;
	_ =	sdelay $0x1  }
0x10a: {  	v14 =	vld.idx.msk [tilespmem:v18+s3+$0x0], $0xffff;
	v4 =	vadd.f32 v4, v8  }
0x10b: {  	v16 =	vadd.s32 $0x7D0, v9  }
0x10c: {  	[tilespmem:s10+$0x20] =	vst v4  }
0x10d: {  	v11 =	vadd.f32 v11, v0;
	v4 =	vadd.f32 v5, v13;
	v5 =	vld.idx.msk [tilespmem:v10+s3+$0x0], $0xffff;
	v10 =	vadd.s32 $0xFA0, v2  }
0x10e: {  	s24 =	simm.s32 $0x4;
	s25 =	sadd.s32 $0x0, s18  }
0x10f: {  	s0 =	sand.u32 $0x4, s24;
	s2 =	sshll.u32 s25, $0x7;
	[tilespmem:s9+$0x10] =	vst v11;
	v2 =	vadd.f32 v14, v1;
	v11 =	vadd.s32 $0xBB8, v10  }
0x110: {  	s26 =	sor.u32 $0x3, s0;
	s2 =	sand.u32 $0x3FFFFF80, s2;
	v16 =	vld.idx.msk [tilespmem:v16+s3+$0x0], $0xffff;
	[tilespmem:s15+$0x20] =	vst v4  }
0x111: {  	s28 =	sshll.u32 s26, $0x4;
	s2 =	sadd.s32 $0xFA00, s2;
	v19 =	vld.idx.msk [tilespmem:v7+s3+$0x0], $0xffff;
	[tilespmem:s8+$0x20] =	vst v2;
	v2 =	vadd.s32 $0xBB8, v6  }
0x112: {  	s11 =	sor.u32 s28, s2;
	v18 =	vadd.s32 $0x3E8, v7;
	v20 =	vld.idx.msk [tilespmem:v10+s3+$0x0], $0xffff  }
0x113: {  	s30 =	sshll.u32 s0, $0x4;
	v4 =	vadd.f32 v5, v8;
	v5 =	vld [tilespmem:s11+$0x0]  }
0x114: {  	s19 =	sor.u32 s30, s2;
	v11 =	vld.idx.msk [tilespmem:v11+s3+$0x0], $0xffff  }
0x115: {  	s29 =	sor.u32 $0x1, s0;
	v21 =	vadd.s32 $0x3E8, v10;
	[tilespmem:s10+$0x30] =	vst v4;
	v4 =	vld [tilespmem:s19+$0x0]  }
0x116: {  	s20 =	sor.u32 $0x2, s0;
	s31 =	sshll.u32 s29, $0x4;
	v22 =	vadd.s32 $0x7D0, v10;
	v23 =	vld.idx.msk [tilespmem:v2+s3+$0x0], $0xffff  }
0x117: {  	v24 =	vadd.s32 $0x7D0, v7;
	s23 =	simm.s32 $0x200;
	s12 =	sshll.u32 s20, $0x4;
	v14 =	vadd.s32 $0xFA0, v3;
	v18 =	vld.idx.msk [tilespmem:v18+s3+$0x0], $0xffff;
	s11 =	sor.u32 s31, s2  }
0x118: {  	s24 =	sand.u32 $0x3FFFFC00, s23;
	v25 =	vadd.s32 $0xBB8, v14;
	v16 =	vadd.f32 v16, v0;
	s2 =	sor.u32 s12, s2;
	v3 =	vld [tilespmem:s11+$0x0]  }
0x119: {  	s4 =	sshll.u32 s26, $0x7;
	v2 =	vld [tilespmem:s2+$0x0];
	s2 =	sadd.s32 $0x16E00, s24;
	v11 =	vadd.f32 v11, v5  }
0x11a: {  	v26 =	vadd.s32 $0xBB8, v12;
	s0 =	sshll.u32 s0, $0x7;
	v21 =	vld.idx.msk [tilespmem:v21+s3+$0x0], $0xffff;
	[tilespmem:s9+$0x20] =	vst v16;
	s19 =	sadd.s32 s4, s2;
	v20 =	vadd.f32 v20, v4  }
0x11b: {  	v16 =	vld.idx.msk [tilespmem:v22+s3+$0x0], $0xffff;
	s11 =	sadd.s32 s0, s2;
	v22 =	vadd.f32 v23, v8;
	[tilespmem:s19+$0x0] =	vst v11  }
0x11c: {  	v24 =	vld.idx.msk [tilespmem:v24+s3+$0x0], $0xffff;
	v23 =	vadd.s32 $0x3E8, v6;
	v11 =	vadd.f32 v19, v13;
	[tilespmem:s11+$0x0] =	vst v20  }
0x11d: {  	v19 =	vadd.s32 $0x3E8, v14;
	v25 =	vld.idx.msk [tilespmem:v25+s3+$0x0], $0xffff;
	[tilespmem:s10+$0x40] =	vst v22  }
0x11e: {  	v27 =	vadd.s32 $0x7D0, v14;
	v22 =	vadd.f32 v18, v1;
	[tilespmem:s15+$0x30] =	vst v11;
	v11 =	vld.idx.msk [tilespmem:v14+s3+$0x0], $0xffff  }
0x11f: {  	s25 =	sshll.u32 s29, $0x7;
	v21 =	vadd.f32 v21, v3;
	v18 =	vadd.s32 $0xFA0, v9;
	v20 =	vld.idx.msk [tilespmem:v26+s3+$0x0], $0xffff;
	v26 =	vadd.s32 $0x7D0, v6  }
0x120: {  	s26 =	sshll.u32 s20, $0x7;
	s16 =	sadd.s32 s25, s2;
	v16 =	vadd.f32 v16, v2;
	v9 =	vld.idx.msk [tilespmem:v6+s3+$0x0], $0xffff;
	[tilespmem:s8+$0x30] =	vst v22;
	v22 =	vadd.s32 $0xBB8, v18  }
0x121: {  	s2 =	sadd.s32 s26, s2;
	[tilespmem:s16+$0x0] =	vst v21;
	v21 =	vadd.f32 v24, v0;
	v23 =	vld.idx.msk [tilespmem:v23+s3+$0x0], $0xffff  }
0x122: {  	v24 =	vadd.s32 $0xBB8, v15;
	[tilespmem:s2+$0x0] =	vst v16;
	v19 =	vld.idx.msk [tilespmem:v19+s3+$0x0], $0xffff;
	v16 =	vadd.f32 v25, v5  }
0x123: {  	[tilespmem:s9+$0x30] =	vst v21;
	v25 =	vld.idx.msk [tilespmem:v27+s3+$0x0], $0xffff;
	v11 =	vadd.f32 v11, v4  }
0x124: {  	v21 =	vadd.s32 $0x3E8, v12;
	v20 =	vadd.f32 v20, v8;
	[tilespmem:s19+$0x10] =	vst v16;
	v26 =	vld.idx.msk [tilespmem:v26+s3+$0x0], $0xffff  }
0x125: {  	v27 =	vadd.s32 $0x3E8, v18;
	v9 =	vadd.f32 v9, v13;
	v22 =	vld.idx.msk [tilespmem:v22+s3+$0x0], $0xffff;
	[tilespmem:s11+$0x10] =	vst v11  }
0x126: {  	[tilespmem:s10+$0x50] =	vst v20;
	v20 =	vadd.s32 $0x7D0, v18;
	v23 =	vadd.f32 v23, v1;
	v28 =	vld.idx.msk [tilespmem:v18+s3+$0x0], $0xffff  }
0x127: {  	v16 =	vadd.s32 $0xFA0, v7;
	v19 =	vadd.f32 v19, v3;
	[tilespmem:s15+$0x40] =	vst v9;
	v11 =	vld.idx.msk [tilespmem:v24+s3+$0x0], $0xffff;
	v24 =	vadd.s32 $0x7D0, v12  }
0x128: {  	v7 =	vadd.f32 v25, v2;
	v9 =	vld.idx.msk [tilespmem:v12+s3+$0x0], $0xffff;
	[tilespmem:s8+$0x40] =	vst v23;
	v23 =	vadd.s32 $0xBB8, v16  }
0x129: {  	[tilespmem:s16+$0x10] =	vst v19;
	v19 =	vld.idx.msk [tilespmem:v21+s3+$0x0], $0xffff;
	v21 =	vadd.f32 v26, v0  }
0x12a: {  	v25 =	vadd.s32 $0xBB8, v17;
	v26 =	vld.idx.msk [tilespmem:v27+s3+$0x0], $0xffff;
	[tilespmem:s2+$0x10] =	vst v7;
	v7 =	vadd.f32 v22, v5  }
0x12b: {  	v20 =	vld.idx.msk [tilespmem:v20+s3+$0x0], $0xffff;
	[tilespmem:s9+$0x40] =	vst v21;
	v22 =	vadd.f32 v28, v4  }
0x12c: {  	s28 =	sadd.s32 $0x1, s18;
	v11 =	vadd.f32 v11, v8;
	[tilespmem:s19+$0x20] =	vst v7;
	v24 =	vld.idx.msk [tilespmem:v24+s3+$0x0], $0xffff  }
0x12d: {  	s25 =	simm.s32 $0x8;
	s0 =	sshll.u32 s28, $0x7;
	v7 =	vadd.s32 $0x3E8, v16;
	v9 =	vadd.f32 v9, v13;
	v23 =	vld.idx.msk [tilespmem:v23+s3+$0x0], $0xffff;
	[tilespmem:s11+$0x20] =	vst v22  }
0x12e: {  	v10 =	vadd.s32 $0xFA0, v10;
	s4 =	sand.u32 $0x4, s25;
	s0 =	sand.u32 $0x3FFFFF80, s0;
	[tilespmem:s10+$0x60] =	vst v11;
	v11 =	vadd.f32 v19, v1;
	v22 =	vld.idx.msk [tilespmem:v16+s3+$0x0], $0xffff  }
0x12f: {  	v29 =	vadd.s32 $0x3E8, v10;
	s0 =	sadd.s32 $0xFA00, s0;
	s30 =	sshll.u32 s4, $0x4;
	[tilespmem:s15+$0x50] =	vst v9;
	v19 =	vld.idx.msk [tilespmem:v25+s3+$0x0], $0xffff;
	v25 =	vadd.f32 v26, v3  }
0x130: {  	s20 =	sor.u32 $0x3, s4;
	s24 =	sor.u32 s30, s0;
	v9 =	vadd.s32 $0xBB8, v10;
	v26 =	vld.idx.msk [tilespmem:v15+s3+$0x0], $0xffff;
	[tilespmem:s8+$0x50] =	vst v11  }
0x131: {  	s29 =	sshll.u32 s20, $0x4;
	v11 =	vadd.s32 $0xFA0, v6;
	v6 =	vld [tilespmem:s24+$0x0];
	[tilespmem:s16+$0x20] =	vst v25  }
0x132: {  	v30 =	vadd.s32 $0x7D0, v10;
	s23 =	sor.u32 s29, s0;
	v20 =	vadd.f32 v20, v2;
	v25 =	vld.idx.msk [tilespmem:v7+s3+$0x0], $0xffff  }
0x133: {  	s26 =	sor.u32 $0x1, s4;
	v27 =	vadd.s32 $0xBB8, v11;
	v7 =	vld [tilespmem:s23+$0x0]  }
0x134: {  	s31 =	sshll.u32 s26, $0x4;
	v23 =	vadd.f32 v23, v5;
	[tilespmem:s2+$0x20] =	vst v20;
	v20 =	vadd.f32 v24, v0;
	v24 =	vld.idx.msk [tilespmem:v29+s3+$0x0], $0xffff  }
0x135: {  	s23 =	sor.u32 s31, s0;
	v28 =	vld.idx.msk [tilespmem:v9+s3+$0x0], $0xffff;
	v22 =	vadd.f32 v22, v4  }
0x136: {  	v21 =	vadd.s32 $0x3E8, v15;
	v9 =	vld [tilespmem:s23+$0x0];
	[tilespmem:s19+$0x30] =	vst v23  }
0x137: {  	s28 =	sor.u32 $0x2, s4;
	v23 =	vadd.s32 $0x7D0, v16;
	[tilespmem:s11+$0x30] =	vst v22;
	v22 =	vld.idx.msk [tilespmem:v30+s3+$0x0], $0xffff  }
0x138: {  	s12 =	sshll.u32 s28, $0x4;
	v8 =	vadd.f32 v19, v8;
	v19 =	vld.idx.msk [tilespmem:v27+s3+$0x0], $0xffff  }
0x139: {  	v14 =	vadd.s32 $0xFA0, v14;
	s24 =	simm.s32 $0x400;
	s0 =	sor.u32 s12, s0;
	v30 =	vadd.s32 $0x3E8, v11;
	v27 =	vld.idx.msk [tilespmem:v10+s3+$0x0], $0xffff  }
0x13a: {  	v31 =	vadd.s32 $0xBB8, v14;
	[tilespmem:s10+$0x70] =	vst v8;
	v8 =	vld [tilespmem:s0+$0x0];
	s0 =	sand.u32 $0x3FFFFC00, s24;
	v25 =	vadd.f32 v25, v3  }
0x13b: {  	s29 =	sshll.u32 s20, $0x7;
	v60 =	vadd.s32 $0x3E8, v14;
	v12 =	vadd.s32 $0xFA0, v12;
	v21 =	vld.idx.msk [tilespmem:v21+s3+$0x0], $0xffff;
	[tilespmem:s9+$0x50] =	vst v20;
	s0 =	sadd.s32 $0x16E00, s0;
	v28 =	vadd.f32 v28, v7  }
0x13c: {  	s30 =	sshll.u32 s26, $0x7;
	v29 =	vadd.s32 $0xBB8, v12;
	s23 =	sadd.s32 s29, s0;
	v24 =	vadd.f32 v24, v9;
	v20 =	vld.idx.msk [tilespmem:v23+s3+$0x0], $0xffff;
	[tilespmem:s16+$0x30] =	vst v25  }
0x13d: {  	s26 =	sadd.s32 s30, s0;
	[tilespmem:s23+$0x0] =	vst v28;
	v28 =	vld.idx.msk [tilespmem:v11+s3+$0x0], $0xffff;
	v19 =	vadd.f32 v19, v5  }
0x13e: {  	s4 =	sshll.u32 s4, $0x7;
	v23 =	vadd.s32 $0x7D0, v15;
	v30 =	vld.idx.msk [tilespmem:v30+s3+$0x0], $0xffff;
	[tilespmem:s26+$0x0] =	vst v24;
	v27 =	vadd.f32 v27, v6  }
0x13f: {  	s24 =	sadd.s32 s4, s0;
	v31 =	vld.idx.msk [tilespmem:v31+s3+$0x0], $0xffff;
	[tilespmem:s19+$0x40] =	vst v19;
	v19 =	vadd.f32 v26, v13;
	v26 =	vadd.s32 $0x7D0, v14  }
0x140: {  	s31 =	sshll.u32 s28, $0x7;
	v22 =	vadd.f32 v22, v8;
	v24 =	vld.idx.msk [tilespmem:v60+s3+$0x0], $0xffff;
	[tilespmem:s24+$0x0] =	vst v27  }
0x141: {  	s10 =	sadd.s32 s31, s0;
	v27 =	vld.idx.msk [tilespmem:v29+s3+$0x0], $0xffff;
	[tilespmem:s15+$0x60] =	vst v19;
	v19 =	vadd.s32 $0xFA0, v18;
	v18 =	vadd.f32 v21, v1  }
0x142: {  	[tilespmem:s10+$0x0] =	vst v22;
	v25 =	vld.idx.msk [tilespmem:v14+s3+$0x0], $0xffff;
	v29 =	vadd.s32 $0x7D0, v11;
	v28 =	vadd.f32 v28, v4  }
0x143: {  	v15 =	vadd.s32 $0xFA0, v15;
	v23 =	vld.idx.msk [tilespmem:v23+s3+$0x0], $0xffff;
	v21 =	vadd.s32 $0xBB8, v19;
	[tilespmem:s8+$0x60] =	vst v18  }
0x144: {  	v22 =	vadd.s32 $0xBB8, v15;
	v20 =	vadd.f32 v20, v2;
	[tilespmem:s11+$0x40] =	vst v28;
	v18 =	vld.idx.msk [tilespmem:v26+s3+$0x0], $0xffff  }
0x145: {  	v26 =	vadd.f32 v31, v7;
	v35 =	vld.idx.msk [tilespmem:v12+s3+$0x0], $0xffff  }
0x146: {  	[tilespmem:s2+$0x30] =	vst v20;
	v31 =	vadd.s32 $0x3E8, v12;
	v20 =	vadd.f32 v27, v5;
	v27 =	vld.idx.msk [tilespmem:v17+s3+$0x0], $0xffff  }
0x147: {  	v25 =	vadd.f32 v25, v6;
	[tilespmem:s23+$0x10] =	vst v26;
	v26 =	vld.idx.msk [tilespmem:v29+s3+$0x0], $0xffff;
	v29 =	vadd.s32 $0x3E8, v19  }
0x148: {  	v61 =	vld.idx.msk [tilespmem:v21+s3+$0x0], $0xffff;
	[tilespmem:s19+$0x50] =	vst v20;
	v20 =	vadd.s32 $0x7D0, v19;
	v21 =	vadd.f32 v30, v3  }
0x149: {  	v24 =	vadd.f32 v24, v9;
	[tilespmem:s24+$0x10] =	vst v25;
	v25 =	vadd.s32 $0x3E8, v17;
	v22 =	vld.idx.msk [tilespmem:v22+s3+$0x0], $0xffff  }
0x14a: {  	v34 =	vadd.s32 $0x7D0, v12;
	v62 =	vld.idx.msk [tilespmem:v19+s3+$0x0], $0xffff;
	v18 =	vadd.f32 v18, v8;
	[tilespmem:s16+$0x40] =	vst v21;
	v21 =	vadd.s32 $0xFA0, v16  }
0x14b: {  	[tilespmem:s26+$0x10] =	vst v24;
	v23 =	vadd.f32 v23, v0;
	v16 =	vadd.s32 $0xFA0, v17;
	v24 =	vadd.s32 $0xBB8, v21;
	v36 =	vld.idx.msk [tilespmem:v31+s3+$0x0], $0xffff  }
0x14c: {  	v37 =	vadd.s32 $0xBB8, v16;
	v30 =	vld.idx.msk [tilespmem:v29+s3+$0x0], $0xffff;
	[tilespmem:s10+$0x10] =	vst v18;
	v18 =	vadd.f32 v26, v2  }
0x14d: {  	[tilespmem:s9+$0x60] =	vst v23;
	v29 =	vld.idx.msk [tilespmem:v20+s3+$0x0], $0xffff;
	v26 =	vadd.f32 v61, v7  }
0x14e: {  	v23 =	vadd.s32 $0x3E8, v15;
	v17 =	vadd.s32 $0x7D0, v17;
	v25 =	vld.idx.msk [tilespmem:v25+s3+$0x0], $0xffff;
	[tilespmem:s2+$0x40] =	vst v18;
	v63 =	vadd.f32 v22, v5  }
0x14f: {  	v33 =	vadd.f32 v35, v4;
	v28 =	vadd.s32 $0x3E8, v21;
	v38 =	vadd.f32 v62, v6;
	[tilespmem:s23+$0x20] =	vst v26;
	v26 =	vld.idx.msk [tilespmem:v34+s3+$0x0], $0xffff  }
0x150: {  	v27 =	vadd.f32 v27, v13;
	v13 =	vadd.s32 $0x7D0, v16;
	v20 =	vadd.s32 $0x7D0, v15;
	v31 =	vld.idx.msk [tilespmem:v24+s3+$0x0], $0xffff;
	[tilespmem:s19+$0x60] =	vst v63  }
0x151: {  	v22 =	vadd.s32 $0x7D0, v21;
	v18 =	vadd.s32 $0x3E8, v16;
	[tilespmem:s24+$0x20] =	vst v38;
	v32 =	vadd.f32 v36, v3;
	v24 =	vld.idx.msk [tilespmem:v37+s3+$0x0], $0xffff  }
.LBB2_5:
0x152: {  	s25 =	sadd.s32 $0x4, s25;
	v34 =	vld.idx.msk [tilespmem:v21+s3+$0x0], $0xffff;
	v30 =	vadd.f32 v30, v9;
	v10 =	vadd.s32 $0xFA0, v10;
	[tilespmem:s11+$0x50] =	vst v33  }
0x153: {  	s0 =	sshrl.u32 s25, $0x3;
	v33 =	vadd.s32 $0x3E8, v10;
	v35 =	vadd.s32 $0x7D0, v10;
	v36 =	vadd.s32 $0xBB8, v10;
	v37 =	vld.idx.msk [tilespmem:v15+s3+$0x0], $0xffff;
	[tilespmem:s16+$0x50] =	vst v32  }
0x154: {  	v29 =	vadd.f32 v29, v8;
	v11 =	vadd.s32 $0xFA0, v11;
	p1 =	slt.u32 s25, $0x3C;
	s0 =	sadd.s32 s18, s0;
	[tilespmem:s26+$0x20] =	vst v30;
	v23 =	vld.idx.msk [tilespmem:v23+s3+$0x0], $0xffff;
	v30 =	vadd.f32 v25, v1  }
0x155: {  	s4 =	sand.u32 $0x4, s25;
	v32 =	vadd.s32 $0x3E8, v11;
	v38 =	vadd.s32 $0xBB8, v11;
	v25 =	vadd.s32 $0x7D0, v11;
	v1 =	vmovc v3;
	v3 =	vmovc v9;
	s0 =	sshll.u32 s0, $0x7;
	v28 =	vld.idx.msk [tilespmem:v28+s3+$0x0], $0xffff;
	[tilespmem:s15+$0x70] =	vst v27;
	s15 =	smov.u32 s11  }
0x156: {  	s20 =	sor.u32 $0x3, s4;
	v26 =	vadd.f32 v26, v2;
	s11 =	sor.u32 $0x1, s4;
	v9 =	vadd.f32 v31, v7;
	s0 =	sand.u32 $0x3FFFFF80, s0;
	[tilespmem:s10+$0x20] =	vst v29;
	v27 =	vld.idx.msk [tilespmem:v17+s3+$0x0], $0xffff;
	v17 =	vmov v13  }
0x157: {  	s28 =	sor.u32 $0x2, s4;
	s29 =	sshll.u32 s20, $0x4;
	v24 =	vadd.f32 v24, v5;
	v5 =	vmov v7;
	s0 =	sadd.s32 $0xFA00, s0;
	v13 =	vld.idx.msk [tilespmem:v10+s3+$0x0], $0xffff;
	[tilespmem:s8+$0x70] =	vst v30  }
0x158: {  	s30 =	sshll.u32 s28, $0x4;
	s8 =	sshll.u32 s11, $0x4;
	v30 =	vadd.f32 v34, v6;
	s29 =	sor.u32 s29, s0;
	v29 =	vld.idx.msk [tilespmem:v36+s3+$0x0], $0xffff;
	[tilespmem:s23+$0x30] =	vst v9  }
0x159: {  	s31 =	sshll.u32 s4, $0x4;
	s12 =	sor.u32 s8, s0;
	s30 =	sor.u32 s30, s0;
	v31 =	vadd.f32 v37, v4;
	v7 =	vld [tilespmem:s29+$0x0];
	[tilespmem:s19+$0x70] =	vst v24  }
0x15a: {  	s28 =	sshll.u32 s28, $0x7;
	s0 =	sor.u32 s31, s0;
	s29 =	sshll.u32 s11, $0x7;
	v23 =	vadd.f32 v23, v1;
	[tilespmem:s24+$0x30] =	vst v30;
	v30 =	vld.idx.msk [tilespmem:v38+s3+$0x0], $0xffff  }
0x15b: {  	s8 =	smov.u32 s16;
	s11 =	smov.u32 s24;
	v28 =	vadd.f32 v28, v3;
	v24 =	vld [tilespmem:s0+$0x0];
	s0 =	sshll.u32 s4, $0x7;
	[tilespmem:s2+$0x50] =	vst v26  }
0x15c: {  	v14 =	vadd.s32 $0xFA0, v14;
	s16 =	smov.u32 s26;
	s19 =	smov.u32 s23;
	v26 =	vadd.f32 v27, v0;
	v0 =	vmovc v2;
	v2 =	vmov v8;
	v9 =	vld [tilespmem:s12+$0x0];
	[tilespmem:s15+$0x60] =	vst v31  }
0x15d: {  	v12 =	vadd.s32 $0xFA0, v12;
	s4 =	sshll.u32 s25, $0x7;
	v27 =	vadd.s32 $0x3E8, v14;
	v31 =	vadd.s32 $0xBB8, v14;
	v8 =	vld [tilespmem:s30+$0x0];
	[tilespmem:s16+$0x30] =	vst v28  }
0x15e: {  	v34 =	vadd.s32 $0x3E8, v12;
	v36 =	vadd.s32 $0xBB8, v12;
	s4 =	sand.u32 $0x3FFFFC00, s4;
	v28 =	vld.idx.msk [tilespmem:v33+s3+$0x0], $0xffff;
	v33 =	vadd.s32 $0x7D0, v14;
	[tilespmem:s8+$0x60] =	vst v23  }
0x15f: {  	s12 =	sshll.u32 s20, $0x7;
	s4 =	sadd.s32 $0x16E00, s4;
	v29 =	vadd.f32 v29, v7;
	v23 =	vld.idx.msk [tilespmem:v35+s3+$0x0], $0xffff;
	v35 =	vadd.s32 $0x7D0, v12;
	[tilespmem:s9+$0x70] =	vst v26;
	s9 =	smov.u32 s2  }
0x160: {  	s24 =	sadd.s32 s0, s4;
	s26 =	sadd.s32 s29, s4;
	s23 =	sadd.s32 s12, s4;
	v26 =	vadd.f32 v30, v5;
	v13 =	vadd.f32 v13, v24;
	v22 =	vld.idx.msk [tilespmem:v22+s3+$0x0], $0xffff  }
0x161: {  	s2 =	smov.u32 s10;
	s10 =	sadd.s32 s28, s4;
	[tilespmem:s23+$0x0] =	vst v29;
	v29 =	vld.idx.msk [tilespmem:v11+s3+$0x0], $0xffff  }
0x162: {  	v30 =	vld.idx.msk [tilespmem:v31+s3+$0x0], $0xffff;
	[tilespmem:s19+$0x40] =	vst v26  }
0x163: {  	[tilespmem:s24+$0x0] =	vst v13;
	v13 =	vld.idx.msk [tilespmem:v36+s3+$0x0], $0xffff  }
0x164: {  	v28 =	vadd.f32 v28, v9;
	v26 =	vld.idx.msk [tilespmem:v14+s3+$0x0], $0xffff  }
0x165: {  	v19 =	vadd.s32 $0xFA0, v19;
	v23 =	vadd.f32 v23, v8;
	v31 =	vld.idx.msk [tilespmem:v32+s3+$0x0], $0xffff  }
0x166: {  	v15 =	vadd.s32 $0xFA0, v15;
	v32 =	vadd.s32 $0x3E8, v19;
	[tilespmem:s26+$0x0] =	vst v28;
	v28 =	vadd.s32 $0xBB8, v19;
	v36 =	vld.idx.msk [tilespmem:v20+s3+$0x0], $0xffff  }
0x167: {  	v37 =	vadd.s32 $0x7D0, v19;
	v38 =	vadd.s32 $0xBB8, v15;
	v22 =	vadd.f32 v22, v2;
	v27 =	vld.idx.msk [tilespmem:v27+s3+$0x0], $0xffff;
	[tilespmem:s10+$0x0] =	vst v23  }
0x168: {  	v29 =	vadd.f32 v29, v6;
	v30 =	vadd.f32 v30, v7;
	v23 =	vadd.s32 $0x3E8, v15;
	v33 =	vld.idx.msk [tilespmem:v33+s3+$0x0], $0xffff  }
0x169: {  	v20 =	vadd.s32 $0x7D0, v15;
	v13 =	vadd.f32 v13, v5;
	[tilespmem:s2+$0x30] =	vst v22;
	v39 =	vld.idx.msk [tilespmem:v16+s3+$0x0], $0xffff  }
0x16a: {  	v22 =	vadd.f32 v26, v24;
	[tilespmem:s23+$0x10] =	vst v30;
	v25 =	vld.idx.msk [tilespmem:v25+s3+$0x0], $0xffff  }
0x16b: {  	v26 =	vld.idx.msk [tilespmem:v28+s3+$0x0], $0xffff;
	v28 =	vadd.f32 v31, v3;
	[tilespmem:s19+$0x50] =	vst v13  }
0x16c: {  	v36 =	vadd.f32 v36, v0;
	[tilespmem:s24+$0x10] =	vst v22;
	v31 =	vld.idx.msk [tilespmem:v38+s3+$0x0], $0xffff  }
0x16d: {  	v13 =	vadd.f32 v27, v9;
	v38 =	vld.idx.msk [tilespmem:v19+s3+$0x0], $0xffff;
	[tilespmem:s11+$0x40] =	vst v29  }
0x16e: {  	v21 =	vadd.s32 $0xFA0, v21;
	v27 =	vadd.f32 v33, v8;
	v33 =	vld.idx.msk [tilespmem:v12+s3+$0x0], $0xffff;
	[tilespmem:s16+$0x40] =	vst v28  }
0x16f: {  	v40 =	vadd.s32 $0xBB8, v21;
	v16 =	vadd.s32 $0xFA0, v16;
	v28 =	vadd.s32 $0x3E8, v21;
	[tilespmem:s26+$0x10] =	vst v13;
	v34 =	vld.idx.msk [tilespmem:v34+s3+$0x0], $0xffff  }
0x170: {  	v41 =	vadd.s32 $0xBB8, v16;
	v22 =	vadd.s32 $0x7D0, v21;
	v25 =	vadd.f32 v25, v2;
	v30 =	vld.idx.msk [tilespmem:v32+s3+$0x0], $0xffff;
	[tilespmem:s10+$0x10] =	vst v27  }
.Ltmp3:
0x171: {  	v13 =	vadd.s32 $0x7D0, v16;
	v26 =	vadd.f32 v26, v7;
	v32 =	vadd.s32 $0x3E8, v16;
	v29 =	vld.idx.msk [tilespmem:v37+s3+$0x0], $0xffff;
	[tilespmem:s9+$0x60] =	vst v36;
	(pc) =	sbr.rel @p1 .LBB2_5-.Ltmp3, $4  }
0x172: {  	v27 =	vadd.f32 v39, v4;
	v4 =	vmov v6;
	v36 =	vadd.f32 v31, v5;
	[tilespmem:s2+$0x40] =	vst v25;
	v25 =	vld.idx.msk [tilespmem:v18+s3+$0x0], $0xffff  }
0x173: {  	v6 =	vmov v24;
	v37 =	vadd.f32 v38, v24;
	v18 =	vmov v32;
	[tilespmem:s23+$0x20] =	vst v26;
	v26 =	vld.idx.msk [tilespmem:v35+s3+$0x0], $0xffff  }
0x174: {  	v33 =	vadd.f32 v33, v4;
	v31 =	vld.idx.msk [tilespmem:v40+s3+$0x0], $0xffff;
	[tilespmem:s19+$0x60] =	vst v36  }
0x175: {  	v32 =	vadd.f32 v34, v3;
	[tilespmem:s24+$0x20] =	vst v37;
	v24 =	vld.idx.msk [tilespmem:v41+s3+$0x0], $0xffff  }
0x176: {  	_ =	sdelay $0x1  }
0x177: {  	v10 =	vadd.f32 v30, v9;
	_ =	sdelay $0x1  }
0x178: {  	v14 =	vadd.f32 v29, v8;
	v19 =	vld.idx.msk [tilespmem:v21+s3+$0x0], $0xffff;
	[tilespmem:s26+$0x20] =	vst v10;
	v10 =	vadd.s32 $0xFA0, v11  }
0x179: {  	v11 =	vld.idx.msk [tilespmem:v28+s3+$0x0], $0xffff;
	v21 =	vadd.s32 $0xBB8, v10  }
0x17a: {  	[tilespmem:s10+$0x20] =	vst v14  }
0x17b: {  	v14 =	vld.idx.msk [tilespmem:v22+s3+$0x0], $0xffff;
	v22 =	vadd.f32 v31, v7  }
0x17c: {  	v28 =	vadd.s32 $0x3E8, v10  }
0x17d: {  	v19 =	vadd.f32 v19, v6;
	[tilespmem:s23+$0x30] =	vst v22  }
0x17e: {  	v29 =	vadd.s32 $0x7D0, v10;
	v21 =	vld.idx.msk [tilespmem:v21+s3+$0x0], $0xffff;
	v11 =	vadd.f32 v11, v9  }
0x17f: {  	[tilespmem:s24+$0x30] =	vst v19  }
0x180: {  	v14 =	vadd.f32 v14, v8;
	v10 =	vld.idx.msk [tilespmem:v10+s3+$0x0], $0xffff;
	[tilespmem:s26+$0x30] =	vst v11;
	v11 =	vadd.s32 $0xFA0, v12  }
0x181: {  	v12 =	vadd.s32 $0xBB8, v11;
	v19 =	vld.idx.msk [tilespmem:v28+s3+$0x0], $0xffff  }
0x182: {  	[tilespmem:s10+$0x30] =	vst v14  }
0x183: {  	v14 =	vld.idx.msk [tilespmem:v29+s3+$0x0], $0xffff;
	v21 =	vadd.f32 v21, v7  }
0x184: {  	v22 =	vadd.s32 $0x3E8, v11  }
0x185: {  	v10 =	vadd.f32 v10, v6;
	[tilespmem:s23+$0x40] =	vst v21  }
0x186: {  	[tilespmem:s11+$0x50] =	vst v33;
	v12 =	vld.idx.msk [tilespmem:v12+s3+$0x0], $0xffff;
	v19 =	vadd.f32 v19, v9  }
0x187: {  	v28 =	vadd.s32 $0x7D0, v11;
	[tilespmem:s24+$0x40] =	vst v10  }
0x188: {  	v1 =	vadd.f32 v25, v1;
	v10 =	vadd.f32 v14, v8;
	v14 =	vadd.s32 $0xFA0, v15;
	v11 =	vld.idx.msk [tilespmem:v11+s3+$0x0], $0xffff;
	[tilespmem:s26+$0x40] =	vst v19  }
0x189: {  	[tilespmem:s16+$0x50] =	vst v32;
	v19 =	vadd.s32 $0xBB8, v14;
	v21 =	vld.idx.msk [tilespmem:v22+s3+$0x0], $0xffff  }
0x18a: {  	v23 =	vld.idx.msk [tilespmem:v23+s3+$0x0], $0xffff;
	[tilespmem:s8+$0x70] =	vst v1;
	v22 =	vadd.f32 v26, v2  }
0x18b: {  	v15 =	vld.idx.msk [tilespmem:v15+s3+$0x0], $0xffff;
	[tilespmem:s10+$0x40] =	vst v10;
	v12 =	vadd.f32 v12, v7  }
0x18c: {  	v5 =	vadd.f32 v24, v5;
	v1 =	vadd.s32 $0x3E8, v14;
	v10 =	vld.idx.msk [tilespmem:v28+s3+$0x0], $0xffff;
	[tilespmem:s2+$0x50] =	vst v22  }
0x18d: {  	v11 =	vadd.f32 v11, v6;
	v20 =	vld.idx.msk [tilespmem:v20+s3+$0x0], $0xffff;
	[tilespmem:s23+$0x50] =	vst v12  }
0x18e: {  	[tilespmem:s19+$0x70] =	vst v5;
	v12 =	vld.idx.msk [tilespmem:v19+s3+$0x0], $0xffff;
	v19 =	vadd.f32 v21, v9  }
0x18f: {  	v17 =	vld.idx.msk [tilespmem:v17+s3+$0x0], $0xffff;
	v5 =	vadd.f32 v23, v3;
	v25 =	vadd.s32 $0x7D0, v14;
	[tilespmem:s24+$0x50] =	vst v11  }
0x190: {  	v15 =	vadd.f32 v15, v4;
	v14 =	vld.idx.msk [tilespmem:v14+s3+$0x0], $0xffff;
	[tilespmem:s26+$0x50] =	vst v19  }
0x191: {  	[tilespmem:s16+$0x60] =	vst v5;
	v11 =	vadd.s32 $0xFA0, v16;
	v10 =	vadd.f32 v10, v8;
	v1 =	vld.idx.msk [tilespmem:v1+s3+$0x0], $0xffff  }
0x192: {  	[tilespmem:s11+$0x60] =	vst v15;
	v19 =	vadd.s32 $0xBB8, v11;
	v15 =	vadd.f32 v20, v2  }
0x193: {  	v18 =	vld.idx.msk [tilespmem:v18+s3+$0x0], $0xffff;
	[tilespmem:s10+$0x50] =	vst v10;
	v12 =	vadd.f32 v12, v7  }
0x194: {  	v0 =	vadd.f32 v17, v0;
	v10 =	vld.idx.msk [tilespmem:v25+s3+$0x0], $0xffff;
	[tilespmem:s2+$0x60] =	vst v15  }
0x195: {  	v5 =	vld.idx.msk [tilespmem:v16+s3+$0x0], $0xffff;
	[tilespmem:s23+$0x60] =	vst v12;
	v12 =	vadd.f32 v14, v6  }
0x196: {  	[tilespmem:s9+$0x70] =	vst v0;
	v16 =	vadd.s32 $0x3E8, v11;
	v13 =	vld.idx.msk [tilespmem:v13+s3+$0x0], $0xffff;
	v1 =	vadd.f32 v1, v9  }
0x197: {  	v20 =	vadd.s32 $0x7D0, v11;
	v14 =	vld.idx.msk [tilespmem:v19+s3+$0x0], $0xffff;
	[tilespmem:s24+$0x60] =	vst v12  }
0x198: {  	v0 =	vadd.f32 v18, v3;
	[tilespmem:s26+$0x60] =	vst v1;
	v1 =	vld.idx.msk [tilespmem:v11+s3+$0x0], $0xffff  }
0x199: {  	[tilespmem:s15+$0x70] =	vst v27;
	v10 =	vadd.f32 v10, v8  }
0x19a: {  	[tilespmem:s16+$0x70] =	vst v0;
	v4 =	vadd.f32 v5, v4  }
0x19b: {  	[tilespmem:s10+$0x60] =	vst v10;
	v5 =	vld.idx.msk [tilespmem:v16+s3+$0x0], $0xffff;
	v0 =	vadd.f32 v13, v2  }
0x19c: {  	[tilespmem:s11+$0x70] =	vst v4;
	v3 =	vld.idx.msk [tilespmem:v20+s3+$0x0], $0xffff;
	v4 =	vadd.f32 v14, v7  }
0x19d: {  	[tilespmem:s2+$0x70] =	vst v0;
	v1 =	vadd.f32 v1, v6  }
0x19e: {  	[tilespmem:s23+$0x70] =	vst v4  }
0x19f: {  	[tilespmem:s24+$0x70] =	vst v1  }
0x1a0: {  	v0 =	vadd.f32 v5, v9;
	s0 =	rddreg [dreg:$0xa]  }
0x1a1: {  	v1 =	vadd.f32 v3, v8;
	s0 =	sor.u32 s0, s6  }
0x1a2: {  	[tilespmem:s26+$0x70] =	vst v0;
	s0 =	sshrl.u32 s0, $0x3  }
0x1a3: {  	s20 =	simm.s32 $0x16E00;
	[tilespmem:s10+$0x70] =	vst v1;
	s0 =	sadd.s32 s1, s0  }
0x1a4: {  	[hbm4b:s0+s21] =	stream.strided.scatter [tilespmem:s20], [sflag:$0x4], $0x2000, s22, s21, $0x38;
	[tilespmem:$0x1CE00] =	vst v63  }
0x1a5: {  	s0 =	simm.s32 @!p0 $0x5  }
0x1a6: {  	_ =	swait.ge @!p0 [sflag:s0], $0x2000  }
0x1a7: {  	[sflag:s0] =	ssyncset.done @!p0 $0x0  }
0x1a8: {  	[sflag:s0] =	ssyncadd.s32 @!p0 $0xFFFFE000  }
0x1a9: {  	v2 =	vld [tilespmem:$0x14B00];
	_ =	sdelay $0x3  }
0x1aa: {  	s23 =	simm.s32 $0x0;
	s24 =	sadd.s32 $0x0, s18  }
0x1ab: {  	s2 =	sshll.u32 s24, $0x7;
	s0 =	sand.u32 $0x4, s23;
	v3 =	vld [tilespmem:$0x14B10];
	v0 =	vadd.s32 $0xBB8, v2  }
0x1ac: {  	s2 =	sand.u32 $0x3FFFFF80, s2;
	v9 =	vld [tilespmem:$0x14B20];
	s4 =	sor.u32 $0x3, s0  }
0x1ad: {  	s2 =	sadd.s32 $0xFA00, s2;
	v7 =	vld [tilespmem:$0x14B30];
	s25 =	sshll.u32 s4, $0x4  }
0x1ae: {  	v6 =	vld [tilespmem:$0x14B40];
	s8 =	sor.u32 s25, s2  }
0x1af: {  	s28 =	sshll.u32 s0, $0x4;
	v8 =	vld [tilespmem:s8+$0x0];
	v4 =	vadd.s32 $0x3E8, v2  }
0x1b0: {  	s26 =	sor.u32 $0x1, s0;
	s10 =	sor.u32 s28, s2;
	v0 =	vld.idx.msk [tilespmem:v0+s3+$0x0], $0xffff  }
0x1b1: {  	s29 =	sshll.u32 s26, $0x4;
	v13 =	vld [tilespmem:s10+$0x0]  }
0x1b2: {  	s8 =	sor.u32 s29, s2;
	v5 =	vld.idx.msk [tilespmem:v2+s3+$0x0], $0xffff  }
0x1b3: {  	s30 =	simm.s32 $0x0;
	v1 =	vld [tilespmem:s8+$0x0];
	v10 =	vadd.s32 $0xBB8, v3  }
0x1b4: {  	s8 =	sand.u32 $0x3FFFFC00, s30;
	v11 =	vadd.s32 $0x7D0, v2;
	v4 =	vld.idx.msk [tilespmem:v4+s3+$0x0], $0xffff  }
0x1b5: {  	v12 =	vld [tilespmem:$0x14B50];
	s4 =	sshll.u32 s4, $0x7;
	s31 =	sadd.s32 $0x18E00, s8;
	v0 =	vadd.f32 v0, v8  }
0x1b6: {  	v15 =	vld [tilespmem:$0x14B60];
	s10 =	sadd.s32 s4, s31  }
0x1b7: {  	v17 =	vld [tilespmem:$0x14B70];
	s12 =	sor.u32 $0x2, s0;
	s0 =	sshll.u32 s0, $0x7;
	v14 =	vadd.s32 $0x3E8, v3;
	v5 =	vadd.f32 v5, v13;
	[tilespmem:s10+$0x0] =	vst v0  }
0x1b8: {  	s15 =	sadd.s32 s0, s31;
	v10 =	vld.idx.msk [tilespmem:v10+s3+$0x0], $0xffff  }
0x1b9: {  	s16 =	sshll.u32 s12, $0x4;
	s19 =	sshll.u32 s26, $0x7;
	v11 =	vld.idx.msk [tilespmem:v11+s3+$0x0], $0xffff;
	v4 =	vadd.f32 v4, v1;
	[tilespmem:s15+$0x0] =	vst v5  }
0x1ba: {  	s2 =	sor.u32 s16, s2;
	s8 =	sadd.s32 s19, s31;
	v5 =	vld.idx.msk [tilespmem:v3+s3+$0x0], $0xffff  }
0x1bb: {  	v0 =	vld [tilespmem:s2+$0x0];
	[tilespmem:s8+$0x0] =	vst v4;
	v4 =	vadd.s32 $0xBB8, v9  }
0x1bc: {  	v14 =	vld.idx.msk [tilespmem:v14+s3+$0x0], $0xffff  }
0x1bd: {  	v10 =	vadd.f32 v10, v8  }
0x1be: {  	v16 =	vadd.s32 $0x7D0, v3  }
0x1bf: {  	v5 =	vadd.f32 v5, v13;
	[tilespmem:s10+$0x10] =	vst v10  }
0x1c0: {  	s20 =	sshll.u32 s12, $0x7;
	v18 =	vadd.s32 $0x3E8, v9;
	v11 =	vadd.f32 v11, v0;
	v4 =	vld.idx.msk [tilespmem:v4+s3+$0x0], $0xffff  }
0x1c1: {  	s9 =	sadd.s32 s20, s31;
	[tilespmem:s15+$0x10] =	vst v5;
	v10 =	vadd.f32 v14, v1  }
0x1c2: {  	[tilespmem:s9+$0x0] =	vst v11;
	v5 =	vld.idx.msk [tilespmem:v9+s3+$0x0], $0xffff  }
0x1c3: {  	v11 =	vld.idx.msk [tilespmem:v16+s3+$0x0], $0xffff;
	[tilespmem:s8+$0x10] =	vst v10;
	v10 =	vadd.s32 $0xBB8, v7;
	_ =	sdelay $0x1  }
0x1c4: {  	v14 =	vld.idx.msk [tilespmem:v18+s3+$0x0], $0xffff;
	v4 =	vadd.f32 v4, v8  }
0x1c5: {  	v16 =	vadd.s32 $0x7D0, v9  }
0x1c6: {  	[tilespmem:s10+$0x20] =	vst v4  }
0x1c7: {  	v11 =	vadd.f32 v11, v0;
	v4 =	vadd.f32 v5, v13;
	v5 =	vld.idx.msk [tilespmem:v10+s3+$0x0], $0xffff;
	v10 =	vadd.s32 $0xFA0, v2  }
0x1c8: {  	s24 =	sadd.s32 $0x0, s18;
	s23 =	simm.s32 $0x4  }
0x1c9: {  	s0 =	sand.u32 $0x4, s23;
	s2 =	sshll.u32 s24, $0x7;
	[tilespmem:s9+$0x10] =	vst v11;
	v2 =	vadd.f32 v14, v1;
	v11 =	vadd.s32 $0xBB8, v10  }
0x1ca: {  	s25 =	sor.u32 $0x3, s0;
	s2 =	sand.u32 $0x3FFFFF80, s2;
	v16 =	vld.idx.msk [tilespmem:v16+s3+$0x0], $0xffff;
	[tilespmem:s15+$0x20] =	vst v4  }
0x1cb: {  	s26 =	sshll.u32 s25, $0x4;
	s2 =	sadd.s32 $0xFA00, s2;
	v19 =	vld.idx.msk [tilespmem:v7+s3+$0x0], $0xffff;
	[tilespmem:s8+$0x20] =	vst v2;
	v2 =	vadd.s32 $0xBB8, v6  }
0x1cc: {  	s11 =	sor.u32 s26, s2;
	v18 =	vadd.s32 $0x3E8, v7;
	v20 =	vld.idx.msk [tilespmem:v10+s3+$0x0], $0xffff  }
0x1cd: {  	s29 =	sshll.u32 s0, $0x4;
	v4 =	vadd.f32 v5, v8;
	v5 =	vld [tilespmem:s11+$0x0]  }
0x1ce: {  	s16 =	sor.u32 s29, s2;
	v11 =	vld.idx.msk [tilespmem:v11+s3+$0x0], $0xffff  }
0x1cf: {  	s28 =	sor.u32 $0x1, s0;
	v21 =	vadd.s32 $0x3E8, v10;
	[tilespmem:s10+$0x30] =	vst v4;
	v4 =	vld [tilespmem:s16+$0x0]  }
0x1d0: {  	s20 =	sor.u32 $0x2, s0;
	s30 =	sshll.u32 s28, $0x4;
	v22 =	vadd.s32 $0x7D0, v10;
	v23 =	vld.idx.msk [tilespmem:v2+s3+$0x0], $0xffff  }
0x1d1: {  	v24 =	vadd.s32 $0x7D0, v7;
	s23 =	simm.s32 $0x200;
	s31 =	sshll.u32 s20, $0x4;
	v14 =	vadd.s32 $0xFA0, v3;
	v18 =	vld.idx.msk [tilespmem:v18+s3+$0x0], $0xffff;
	s11 =	sor.u32 s30, s2  }
0x1d2: {  	s24 =	sand.u32 $0x3FFFFC00, s23;
	v25 =	vadd.s32 $0xBB8, v14;
	v16 =	vadd.f32 v16, v0;
	s2 =	sor.u32 s31, s2;
	v3 =	vld [tilespmem:s11+$0x0]  }
0x1d3: {  	s4 =	sshll.u32 s25, $0x7;
	v2 =	vld [tilespmem:s2+$0x0];
	s2 =	sadd.s32 $0x18E00, s24;
	v11 =	vadd.f32 v11, v5  }
0x1d4: {  	v26 =	vadd.s32 $0xBB8, v12;
	s0 =	sshll.u32 s0, $0x7;
	v21 =	vld.idx.msk [tilespmem:v21+s3+$0x0], $0xffff;
	[tilespmem:s9+$0x20] =	vst v16;
	s19 =	sadd.s32 s4, s2;
	v20 =	vadd.f32 v20, v4  }
0x1d5: {  	v16 =	vld.idx.msk [tilespmem:v22+s3+$0x0], $0xffff;
	s11 =	sadd.s32 s0, s2;
	v22 =	vadd.f32 v23, v8;
	[tilespmem:s19+$0x0] =	vst v11  }
0x1d6: {  	v24 =	vld.idx.msk [tilespmem:v24+s3+$0x0], $0xffff;
	v23 =	vadd.s32 $0x3E8, v6;
	v11 =	vadd.f32 v19, v13;
	[tilespmem:s11+$0x0] =	vst v20  }
0x1d7: {  	v19 =	vadd.s32 $0x3E8, v14;
	v25 =	vld.idx.msk [tilespmem:v25+s3+$0x0], $0xffff;
	[tilespmem:s10+$0x40] =	vst v22  }
0x1d8: {  	v27 =	vadd.s32 $0x7D0, v14;
	v22 =	vadd.f32 v18, v1;
	[tilespmem:s15+$0x30] =	vst v11;
	v11 =	vld.idx.msk [tilespmem:v14+s3+$0x0], $0xffff  }
0x1d9: {  	s25 =	sshll.u32 s28, $0x7;
	v21 =	vadd.f32 v21, v3;
	v18 =	vadd.s32 $0xFA0, v9;
	v20 =	vld.idx.msk [tilespmem:v26+s3+$0x0], $0xffff;
	v26 =	vadd.s32 $0x7D0, v6  }
0x1da: {  	s26 =	sshll.u32 s20, $0x7;
	s16 =	sadd.s32 s25, s2;
	v16 =	vadd.f32 v16, v2;
	v9 =	vld.idx.msk [tilespmem:v6+s3+$0x0], $0xffff;
	[tilespmem:s8+$0x30] =	vst v22;
	v22 =	vadd.s32 $0xBB8, v18  }
0x1db: {  	s2 =	sadd.s32 s26, s2;
	[tilespmem:s16+$0x0] =	vst v21;
	v21 =	vadd.f32 v24, v0;
	v23 =	vld.idx.msk [tilespmem:v23+s3+$0x0], $0xffff  }
0x1dc: {  	v24 =	vadd.s32 $0xBB8, v15;
	[tilespmem:s2+$0x0] =	vst v16;
	v19 =	vld.idx.msk [tilespmem:v19+s3+$0x0], $0xffff;
	v16 =	vadd.f32 v25, v5  }
0x1dd: {  	[tilespmem:s9+$0x30] =	vst v21;
	v25 =	vld.idx.msk [tilespmem:v27+s3+$0x0], $0xffff;
	v11 =	vadd.f32 v11, v4  }
0x1de: {  	v21 =	vadd.s32 $0x3E8, v12;
	v20 =	vadd.f32 v20, v8;
	[tilespmem:s19+$0x10] =	vst v16;
	v26 =	vld.idx.msk [tilespmem:v26+s3+$0x0], $0xffff  }
0x1df: {  	v27 =	vadd.s32 $0x3E8, v18;
	v9 =	vadd.f32 v9, v13;
	v22 =	vld.idx.msk [tilespmem:v22+s3+$0x0], $0xffff;
	[tilespmem:s11+$0x10] =	vst v11  }
0x1e0: {  	[tilespmem:s10+$0x50] =	vst v20;
	v20 =	vadd.s32 $0x7D0, v18;
	v23 =	vadd.f32 v23, v1;
	v28 =	vld.idx.msk [tilespmem:v18+s3+$0x0], $0xffff  }
0x1e1: {  	v16 =	vadd.s32 $0xFA0, v7;
	v19 =	vadd.f32 v19, v3;
	[tilespmem:s15+$0x40] =	vst v9;
	v11 =	vld.idx.msk [tilespmem:v24+s3+$0x0], $0xffff;
	v24 =	vadd.s32 $0x7D0, v12  }
0x1e2: {  	v7 =	vadd.f32 v25, v2;
	v9 =	vld.idx.msk [tilespmem:v12+s3+$0x0], $0xffff;
	[tilespmem:s8+$0x40] =	vst v23;
	v23 =	vadd.s32 $0xBB8, v16  }
0x1e3: {  	[tilespmem:s16+$0x10] =	vst v19;
	v19 =	vld.idx.msk [tilespmem:v21+s3+$0x0], $0xffff;
	v21 =	vadd.f32 v26, v0  }
0x1e4: {  	v25 =	vadd.s32 $0xBB8, v17;
	v26 =	vld.idx.msk [tilespmem:v27+s3+$0x0], $0xffff;
	[tilespmem:s2+$0x10] =	vst v7;
	v7 =	vadd.f32 v22, v5  }
0x1e5: {  	v20 =	vld.idx.msk [tilespmem:v20+s3+$0x0], $0xffff;
	[tilespmem:s9+$0x40] =	vst v21;
	v22 =	vadd.f32 v28, v4  }
0x1e6: {  	v21 =	vadd.s32 $0x3E8, v15;
	v11 =	vadd.f32 v11, v8;
	[tilespmem:s19+$0x20] =	vst v7;
	v24 =	vld.idx.msk [tilespmem:v24+s3+$0x0], $0xffff  }
0x1e7: {  	v7 =	vadd.s32 $0x3E8, v16;
	v9 =	vadd.f32 v9, v13;
	v23 =	vld.idx.msk [tilespmem:v23+s3+$0x0], $0xffff;
	[tilespmem:s11+$0x20] =	vst v22  }
0x1e8: {  	v10 =	vadd.s32 $0xFA0, v10;
	[tilespmem:s10+$0x60] =	vst v11;
	v11 =	vadd.f32 v19, v1;
	v22 =	vld.idx.msk [tilespmem:v16+s3+$0x0], $0xffff  }
0x1e9: {  	[tilespmem:s15+$0x50] =	vst v9;
	v9 =	vadd.s32 $0xBB8, v10;
	v19 =	vld.idx.msk [tilespmem:v25+s3+$0x0], $0xffff;
	v25 =	vadd.f32 v26, v3  }
0x1ea: {  	s28 =	sadd.s32 $0x1, s18;
	s26 =	simm.s32 $0x8;
	v26 =	vld.idx.msk [tilespmem:v15+s3+$0x0], $0xffff;
	[tilespmem:s8+$0x50] =	vst v11  }
0x1eb: {  	s0 =	sshll.u32 s28, $0x7;
	s4 =	sand.u32 $0x4, s26;
	[tilespmem:s16+$0x20] =	vst v25;
	v21 =	vld.idx.msk [tilespmem:v21+s3+$0x0], $0xffff  }
0x1ec: {  	v29 =	vadd.s32 $0x7D0, v10;
	s0 =	sand.u32 $0x3FFFFF80, s0;
	s25 =	sor.u32 $0x1, s4;
	v11 =	vadd.s32 $0xFA0, v6;
	v25 =	vld.idx.msk [tilespmem:v7+s3+$0x0], $0xffff  }
0x1ed: {  	s12 =	sor.u32 $0x3, s4;
	s0 =	sadd.s32 $0xFA00, s0;
	s31 =	sshll.u32 s25, $0x4;
	v20 =	vadd.f32 v20, v2;
	v6 =	vadd.s32 $0xBB8, v11;
	v7 =	vadd.f32 v23, v5;
	v23 =	vld.idx.msk [tilespmem:v10+s3+$0x0], $0xffff  }
0x1ee: {  	s29 =	sshll.u32 s12, $0x4;
	s24 =	sor.u32 s31, s0;
	v27 =	vld.idx.msk [tilespmem:v9+s3+$0x0], $0xffff  }
0x1ef: {  	s20 =	sor.u32 s29, s0;
	[tilespmem:s2+$0x20] =	vst v20;
	v9 =	vld [tilespmem:s24+$0x0];
	v20 =	vadd.f32 v22, v4  }
0x1f0: {  	v28 =	vadd.s32 $0x3E8, v10;
	[tilespmem:s19+$0x30] =	vst v7;
	v7 =	vld [tilespmem:s20+$0x0]  }
0x1f1: {  	s30 =	sshll.u32 s4, $0x4;
	v31 =	vadd.s32 $0x7D0, v16;
	s20 =	sor.u32 $0x2, s4;
	[tilespmem:s11+$0x30] =	vst v20;
	v20 =	vld.idx.msk [tilespmem:v29+s3+$0x0], $0xffff  }
0x1f2: {  	s23 =	sor.u32 s30, s0;
	v24 =	vadd.f32 v24, v0;
	s28 =	sshll.u32 s20, $0x4;
	v29 =	vadd.s32 $0x3E8, v11;
	v30 =	vld.idx.msk [tilespmem:v6+s3+$0x0], $0xffff  }
0x1f3: {  	v14 =	vadd.s32 $0xFA0, v14;
	v19 =	vadd.f32 v19, v8;
	v6 =	vld [tilespmem:s23+$0x0];
	s0 =	sor.u32 s28, s0  }
0x1f4: {  	v12 =	vadd.s32 $0xFA0, v12;
	s24 =	simm.s32 $0x400;
	v22 =	vadd.s32 $0xBB8, v14;
	[tilespmem:s9+$0x50] =	vst v24;
	v8 =	vld [tilespmem:s0+$0x0];
	v25 =	vadd.f32 v25, v3  }
0x1f5: {  	v26 =	vadd.f32 v26, v13;
	[tilespmem:s10+$0x70] =	vst v19;
	s28 =	sand.u32 $0x3FFFFC00, s24;
	v19 =	vld.idx.msk [tilespmem:v28+s3+$0x0], $0xffff;
	v28 =	vadd.s32 $0xBB8, v12  }
0x1f6: {  	s29 =	sshll.u32 s12, $0x7;
	v24 =	vld.idx.msk [tilespmem:v31+s3+$0x0], $0xffff;
	s0 =	sadd.s32 $0x18E00, s28;
	v27 =	vadd.f32 v27, v7;
	[tilespmem:s16+$0x30] =	vst v25  }
0x1f7: {  	v31 =	vadd.s32 $0x7D0, v15;
	[tilespmem:s15+$0x60] =	vst v26;
	s23 =	sadd.s32 s29, s0;
	v26 =	vld.idx.msk [tilespmem:v29+s3+$0x0], $0xffff;
	v30 =	vadd.f32 v30, v5  }
0x1f8: {  	s4 =	sshll.u32 s4, $0x7;
	v23 =	vadd.f32 v23, v6;
	[tilespmem:s23+$0x0] =	vst v27;
	v27 =	vld.idx.msk [tilespmem:v11+s3+$0x0], $0xffff  }
0x1f9: {  	v59 =	vadd.s32 $0x3E8, v14;
	s31 =	sshll.u32 s20, $0x7;
	s24 =	sadd.s32 s4, s0;
	v22 =	vld.idx.msk [tilespmem:v22+s3+$0x0], $0xffff;
	v20 =	vadd.f32 v20, v8;
	[tilespmem:s19+$0x40] =	vst v30  }
0x1fa: {  	s30 =	sshll.u32 s25, $0x7;
	s10 =	sadd.s32 s31, s0;
	v30 =	vadd.s32 $0x7D0, v14;
	[tilespmem:s24+$0x0] =	vst v23;
	v23 =	vld.idx.msk [tilespmem:v28+s3+$0x0], $0xffff;
	v28 =	vadd.f32 v19, v9  }
0x1fb: {  	v60 =	vadd.s32 $0x7D0, v11;
	s25 =	sadd.s32 s30, s0;
	v25 =	vld.idx.msk [tilespmem:v14+s3+$0x0], $0xffff;
	v19 =	vadd.s32 $0xFA0, v18;
	v18 =	vadd.f32 v21, v1;
	[tilespmem:s10+$0x0] =	vst v20  }
0x1fc: {  	v20 =	vadd.f32 v24, v2;
	[tilespmem:s25+$0x0] =	vst v28;
	v28 =	vld.idx.msk [tilespmem:v31+s3+$0x0], $0xffff  }
0x1fd: {  	v15 =	vadd.s32 $0xFA0, v15;
	v21 =	vadd.s32 $0xBB8, v19;
	[tilespmem:s8+$0x60] =	vst v18;
	v31 =	vld.idx.msk [tilespmem:v17+s3+$0x0], $0xffff;
	v27 =	vadd.f32 v27, v4  }
0x1fe: {  	v24 =	vadd.s32 $0xBB8, v15;
	[tilespmem:s2+$0x30] =	vst v20;
	v29 =	vld.idx.msk [tilespmem:v59+s3+$0x0], $0xffff;
	v22 =	vadd.f32 v22, v7  }
0x1ff: {  	v18 =	vld.idx.msk [tilespmem:v30+s3+$0x0], $0xffff;
	[tilespmem:s11+$0x40] =	vst v27  }
0x200: {  	v20 =	vadd.f32 v23, v5;
	v23 =	vadd.s32 $0x3E8, v12;
	[tilespmem:s23+$0x10] =	vst v22;
	v22 =	vld.idx.msk [tilespmem:v60+s3+$0x0], $0xffff  }
0x201: {  	v30 =	vadd.s32 $0x3E8, v19;
	v25 =	vadd.f32 v25, v6;
	v62 =	vld.idx.msk [tilespmem:v12+s3+$0x0], $0xffff  }
0x202: {  	v61 =	vld.idx.msk [tilespmem:v21+s3+$0x0], $0xffff;
	v21 =	vadd.f32 v26, v3;
	[tilespmem:s19+$0x50] =	vst v20;
	v20 =	vadd.s32 $0x7D0, v19  }
0x203: {  	[tilespmem:s24+$0x10] =	vst v25;
	v25 =	vadd.s32 $0x3E8, v17;
	v24 =	vld.idx.msk [tilespmem:v24+s3+$0x0], $0xffff;
	v29 =	vadd.f32 v29, v9  }
0x204: {  	v27 =	vadd.s32 $0x7D0, v12;
	v26 =	vld.idx.msk [tilespmem:v19+s3+$0x0], $0xffff;
	[tilespmem:s16+$0x40] =	vst v21;
	v21 =	vadd.s32 $0xFA0, v16;
	v18 =	vadd.f32 v18, v8  }
0x205: {  	v28 =	vadd.f32 v28, v0;
	v16 =	vadd.s32 $0xFA0, v17;
	v34 =	vadd.s32 $0xBB8, v21;
	[tilespmem:s25+$0x10] =	vst v29;
	v35 =	vld.idx.msk [tilespmem:v23+s3+$0x0], $0xffff  }
0x206: {  	v36 =	vadd.s32 $0xBB8, v16;
	v30 =	vld.idx.msk [tilespmem:v30+s3+$0x0], $0xffff;
	[tilespmem:s10+$0x10] =	vst v18;
	v18 =	vadd.f32 v22, v2  }
0x207: {  	[tilespmem:s9+$0x60] =	vst v28;
	v22 =	vadd.f32 v61, v7;
	v29 =	vld.idx.msk [tilespmem:v20+s3+$0x0], $0xffff  }
0x208: {  	v17 =	vadd.s32 $0x7D0, v17;
	v28 =	vadd.s32 $0x3E8, v21;
	v25 =	vld.idx.msk [tilespmem:v25+s3+$0x0], $0xffff;
	[tilespmem:s2+$0x40] =	vst v18;
	v24 =	vadd.f32 v24, v5  }
0x209: {  	v23 =	vadd.s32 $0x3E8, v15;
	v33 =	vadd.f32 v62, v4;
	v63 =	vadd.f32 v26, v6;
	[tilespmem:s23+$0x20] =	vst v22;
	v26 =	vld.idx.msk [tilespmem:v27+s3+$0x0], $0xffff  }
0x20a: {  	v20 =	vadd.s32 $0x7D0, v15;
	v22 =	vadd.s32 $0x7D0, v21;
	v27 =	vadd.f32 v31, v13;
	v31 =	vld.idx.msk [tilespmem:v34+s3+$0x0], $0xffff;
	[tilespmem:s19+$0x60] =	vst v24  }
0x20b: {  	v18 =	vadd.s32 $0x3E8, v16;
	v13 =	vadd.s32 $0x7D0, v16;
	[tilespmem:s24+$0x20] =	vst v63;
	v32 =	vadd.f32 v35, v3;
	v24 =	vld.idx.msk [tilespmem:v36+s3+$0x0], $0xffff  }
.LBB2_7:
0x20c: {  	s26 =	sadd.s32 $0x4, s26;
	v34 =	vld.idx.msk [tilespmem:v21+s3+$0x0], $0xffff;
	v30 =	vadd.f32 v30, v9;
	v10 =	vadd.s32 $0xFA0, v10;
	[tilespmem:s11+$0x50] =	vst v33  }
0x20d: {  	s0 =	sshrl.u32 s26, $0x3;
	v33 =	vadd.s32 $0x3E8, v10;
	v35 =	vadd.s32 $0x7D0, v10;
	v36 =	vadd.s32 $0xBB8, v10;
	v37 =	vld.idx.msk [tilespmem:v15+s3+$0x0], $0xffff;
	[tilespmem:s16+$0x50] =	vst v32  }
0x20e: {  	v29 =	vadd.f32 v29, v8;
	v11 =	vadd.s32 $0xFA0, v11;
	p1 =	slt.u32 s26, $0x3C;
	s0 =	sadd.s32 s18, s0;
	[tilespmem:s25+$0x20] =	vst v30;
	v23 =	vld.idx.msk [tilespmem:v23+s3+$0x0], $0xffff;
	v30 =	vadd.f32 v25, v1  }
0x20f: {  	s4 =	sand.u32 $0x4, s26;
	v32 =	vadd.s32 $0x3E8, v11;
	v38 =	vadd.s32 $0xBB8, v11;
	v25 =	vadd.s32 $0x7D0, v11;
	v1 =	vmovc v3;
	v3 =	vmovc v9;
	s0 =	sshll.u32 s0, $0x7;
	v28 =	vld.idx.msk [tilespmem:v28+s3+$0x0], $0xffff;
	[tilespmem:s15+$0x70] =	vst v27;
	s15 =	smov.u32 s11  }
0x210: {  	s20 =	sor.u32 $0x3, s4;
	v26 =	vadd.f32 v26, v2;
	s11 =	sor.u32 $0x1, s4;
	v9 =	vadd.f32 v31, v7;
	s0 =	sand.u32 $0x3FFFFF80, s0;
	[tilespmem:s10+$0x20] =	vst v29;
	v27 =	vld.idx.msk [tilespmem:v17+s3+$0x0], $0xffff;
	v17 =	vmov v13  }
0x211: {  	s12 =	sor.u32 $0x2, s4;
	s28 =	sshll.u32 s20, $0x4;
	v24 =	vadd.f32 v24, v5;
	v5 =	vmov v7;
	s0 =	sadd.s32 $0xFA00, s0;
	v13 =	vld.idx.msk [tilespmem:v10+s3+$0x0], $0xffff;
	[tilespmem:s8+$0x70] =	vst v30  }
0x212: {  	s29 =	sshll.u32 s12, $0x4;
	s8 =	sshll.u32 s11, $0x4;
	v30 =	vadd.f32 v34, v6;
	s28 =	sor.u32 s28, s0;
	v29 =	vld.idx.msk [tilespmem:v36+s3+$0x0], $0xffff;
	[tilespmem:s23+$0x30] =	vst v9  }
0x213: {  	s30 =	sshll.u32 s4, $0x4;
	s31 =	sor.u32 s8, s0;
	s29 =	sor.u32 s29, s0;
	v31 =	vadd.f32 v37, v4;
	v7 =	vld [tilespmem:s28+$0x0];
	[tilespmem:s19+$0x70] =	vst v24  }
0x214: {  	s12 =	sshll.u32 s12, $0x7;
	s0 =	sor.u32 s30, s0;
	s28 =	sshll.u32 s11, $0x7;
	v23 =	vadd.f32 v23, v1;
	[tilespmem:s24+$0x30] =	vst v30;
	v30 =	vld.idx.msk [tilespmem:v38+s3+$0x0], $0xffff  }
0x215: {  	s8 =	smov.u32 s16;
	s11 =	smov.u32 s24;
	v28 =	vadd.f32 v28, v3;
	v24 =	vld [tilespmem:s0+$0x0];
	s0 =	sshll.u32 s4, $0x7;
	[tilespmem:s2+$0x50] =	vst v26  }
0x216: {  	v14 =	vadd.s32 $0xFA0, v14;
	s16 =	smov.u32 s25;
	s19 =	smov.u32 s23;
	v26 =	vadd.f32 v27, v0;
	v0 =	vmovc v2;
	v2 =	vmov v8;
	v9 =	vld [tilespmem:s31+$0x0];
	[tilespmem:s15+$0x60] =	vst v31  }
0x217: {  	v12 =	vadd.s32 $0xFA0, v12;
	s4 =	sshll.u32 s26, $0x7;
	v27 =	vadd.s32 $0x3E8, v14;
	v31 =	vadd.s32 $0xBB8, v14;
	v8 =	vld [tilespmem:s29+$0x0];
	[tilespmem:s16+$0x30] =	vst v28  }
0x218: {  	v34 =	vadd.s32 $0x3E8, v12;
	v36 =	vadd.s32 $0xBB8, v12;
	s4 =	sand.u32 $0x3FFFFC00, s4;
	v28 =	vld.idx.msk [tilespmem:v33+s3+$0x0], $0xffff;
	v33 =	vadd.s32 $0x7D0, v14;
	[tilespmem:s8+$0x60] =	vst v23  }
0x219: {  	s20 =	sshll.u32 s20, $0x7;
	s4 =	sadd.s32 $0x18E00, s4;
	v29 =	vadd.f32 v29, v7;
	v23 =	vld.idx.msk [tilespmem:v35+s3+$0x0], $0xffff;
	v35 =	vadd.s32 $0x7D0, v12;
	[tilespmem:s9+$0x70] =	vst v26;
	s9 =	smov.u32 s2  }
0x21a: {  	s24 =	sadd.s32 s0, s4;
	s25 =	sadd.s32 s28, s4;
	s23 =	sadd.s32 s20, s4;
	v26 =	vadd.f32 v30, v5;
	v13 =	vadd.f32 v13, v24;
	v22 =	vld.idx.msk [tilespmem:v22+s3+$0x0], $0xffff  }
0x21b: {  	s2 =	smov.u32 s10;
	s10 =	sadd.s32 s12, s4;
	[tilespmem:s23+$0x0] =	vst v29;
	v29 =	vld.idx.msk [tilespmem:v11+s3+$0x0], $0xffff  }
0x21c: {  	v30 =	vld.idx.msk [tilespmem:v31+s3+$0x0], $0xffff;
	[tilespmem:s19+$0x40] =	vst v26  }
0x21d: {  	[tilespmem:s24+$0x0] =	vst v13;
	v13 =	vld.idx.msk [tilespmem:v36+s3+$0x0], $0xffff  }
0x21e: {  	v28 =	vadd.f32 v28, v9;
	v26 =	vld.idx.msk [tilespmem:v14+s3+$0x0], $0xffff  }
0x21f: {  	v19 =	vadd.s32 $0xFA0, v19;
	v23 =	vadd.f32 v23, v8;
	v31 =	vld.idx.msk [tilespmem:v32+s3+$0x0], $0xffff  }
0x220: {  	v15 =	vadd.s32 $0xFA0, v15;
	v32 =	vadd.s32 $0x3E8, v19;
	[tilespmem:s25+$0x0] =	vst v28;
	v28 =	vadd.s32 $0xBB8, v19;
	v36 =	vld.idx.msk [tilespmem:v20+s3+$0x0], $0xffff  }
0x221: {  	v37 =	vadd.s32 $0x7D0, v19;
	v38 =	vadd.s32 $0xBB8, v15;
	v22 =	vadd.f32 v22, v2;
	v27 =	vld.idx.msk [tilespmem:v27+s3+$0x0], $0xffff;
	[tilespmem:s10+$0x0] =	vst v23  }
0x222: {  	v29 =	vadd.f32 v29, v6;
	v30 =	vadd.f32 v30, v7;
	v23 =	vadd.s32 $0x3E8, v15;
	v33 =	vld.idx.msk [tilespmem:v33+s3+$0x0], $0xffff  }
0x223: {  	v20 =	vadd.s32 $0x7D0, v15;
	v13 =	vadd.f32 v13, v5;
	[tilespmem:s2+$0x30] =	vst v22;
	v39 =	vld.idx.msk [tilespmem:v16+s3+$0x0], $0xffff  }
0x224: {  	v22 =	vadd.f32 v26, v24;
	[tilespmem:s23+$0x10] =	vst v30;
	v25 =	vld.idx.msk [tilespmem:v25+s3+$0x0], $0xffff  }
0x225: {  	v26 =	vld.idx.msk [tilespmem:v28+s3+$0x0], $0xffff;
	v28 =	vadd.f32 v31, v3;
	[tilespmem:s19+$0x50] =	vst v13  }
0x226: {  	v36 =	vadd.f32 v36, v0;
	[tilespmem:s24+$0x10] =	vst v22;
	v31 =	vld.idx.msk [tilespmem:v38+s3+$0x0], $0xffff  }
0x227: {  	v13 =	vadd.f32 v27, v9;
	v38 =	vld.idx.msk [tilespmem:v19+s3+$0x0], $0xffff;
	[tilespmem:s11+$0x40] =	vst v29  }
0x228: {  	v21 =	vadd.s32 $0xFA0, v21;
	v27 =	vadd.f32 v33, v8;
	v33 =	vld.idx.msk [tilespmem:v12+s3+$0x0], $0xffff;
	[tilespmem:s16+$0x40] =	vst v28  }
0x229: {  	v40 =	vadd.s32 $0xBB8, v21;
	v16 =	vadd.s32 $0xFA0, v16;
	v28 =	vadd.s32 $0x3E8, v21;
	[tilespmem:s25+$0x10] =	vst v13;
	v34 =	vld.idx.msk [tilespmem:v34+s3+$0x0], $0xffff  }
0x22a: {  	v41 =	vadd.s32 $0xBB8, v16;
	v22 =	vadd.s32 $0x7D0, v21;
	v25 =	vadd.f32 v25, v2;
	v30 =	vld.idx.msk [tilespmem:v32+s3+$0x0], $0xffff;
	[tilespmem:s10+$0x10] =	vst v27  }
.Ltmp4:
0x22b: {  	v13 =	vadd.s32 $0x7D0, v16;
	v26 =	vadd.f32 v26, v7;
	v32 =	vadd.s32 $0x3E8, v16;
	v29 =	vld.idx.msk [tilespmem:v37+s3+$0x0], $0xffff;
	[tilespmem:s9+$0x60] =	vst v36;
	(pc) =	sbr.rel @p1 .LBB2_7-.Ltmp4, $4  }
0x22c: {  	v27 =	vadd.f32 v39, v4;
	v4 =	vmov v6;
	v36 =	vadd.f32 v31, v5;
	[tilespmem:s2+$0x40] =	vst v25;
	v25 =	vld.idx.msk [tilespmem:v18+s3+$0x0], $0xffff  }
0x22d: {  	v6 =	vmov v24;
	v37 =	vadd.f32 v38, v24;
	v18 =	vmov v32;
	[tilespmem:s23+$0x20] =	vst v26;
	v26 =	vld.idx.msk [tilespmem:v35+s3+$0x0], $0xffff  }
0x22e: {  	v33 =	vadd.f32 v33, v4;
	v31 =	vld.idx.msk [tilespmem:v40+s3+$0x0], $0xffff;
	[tilespmem:s19+$0x60] =	vst v36  }
0x22f: {  	v32 =	vadd.f32 v34, v3;
	[tilespmem:s24+$0x20] =	vst v37;
	v24 =	vld.idx.msk [tilespmem:v41+s3+$0x0], $0xffff  }
0x230: {  	_ =	sdelay $0x1  }
0x231: {  	v10 =	vadd.f32 v30, v9  }
0x232: {  	v14 =	vadd.f32 v29, v8  }
0x233: {  	v19 =	vld.idx.msk [tilespmem:v21+s3+$0x0], $0xffff;
	[tilespmem:s25+$0x20] =	vst v10;
	v10 =	vadd.s32 $0xFA0, v11  }
0x234: {  	[tilespmem:s10+$0x20] =	vst v14;
	v11 =	vld.idx.msk [tilespmem:v28+s3+$0x0], $0xffff;
	v21 =	vadd.s32 $0xBB8, v10  }
0x235: {  	v14 =	vld.idx.msk [tilespmem:v22+s3+$0x0], $0xffff  }
0x236: {  	v22 =	vadd.f32 v31, v7  }
0x237: {  	v28 =	vadd.s32 $0x3E8, v10  }
0x238: {  	v29 =	vadd.s32 $0x7D0, v10;
	v19 =	vadd.f32 v19, v6;
	[tilespmem:s23+$0x30] =	vst v22  }
0x239: {  	v21 =	vld.idx.msk [tilespmem:v21+s3+$0x0], $0xffff;
	v11 =	vadd.f32 v11, v9  }
0x23a: {  	[tilespmem:s24+$0x30] =	vst v19;
	v14 =	vadd.f32 v14, v8  }
0x23b: {  	v10 =	vld.idx.msk [tilespmem:v10+s3+$0x0], $0xffff;
	[tilespmem:s25+$0x30] =	vst v11;
	v11 =	vadd.s32 $0xFA0, v12  }
0x23c: {  	[tilespmem:s10+$0x30] =	vst v14;
	v12 =	vadd.s32 $0xBB8, v11;
	v19 =	vld.idx.msk [tilespmem:v28+s3+$0x0], $0xffff  }
0x23d: {  	v14 =	vld.idx.msk [tilespmem:v29+s3+$0x0], $0xffff  }
0x23e: {  	v21 =	vadd.f32 v21, v7  }
0x23f: {  	[tilespmem:s11+$0x50] =	vst v33;
	v22 =	vadd.s32 $0x3E8, v11  }
0x240: {  	v28 =	vadd.s32 $0x7D0, v11;
	v10 =	vadd.f32 v10, v6;
	[tilespmem:s23+$0x40] =	vst v21  }
0x241: {  	[tilespmem:s16+$0x50] =	vst v32;
	v12 =	vld.idx.msk [tilespmem:v12+s3+$0x0], $0xffff;
	v19 =	vadd.f32 v19, v9  }
0x242: {  	v23 =	vld.idx.msk [tilespmem:v23+s3+$0x0], $0xffff;
	[tilespmem:s24+$0x40] =	vst v10;
	v10 =	vadd.f32 v14, v8  }
0x243: {  	v1 =	vadd.f32 v25, v1;
	v14 =	vadd.s32 $0xFA0, v15;
	v11 =	vld.idx.msk [tilespmem:v11+s3+$0x0], $0xffff;
	[tilespmem:s25+$0x40] =	vst v19  }
0x244: {  	v5 =	vadd.f32 v24, v5;
	v19 =	vadd.s32 $0xBB8, v14;
	[tilespmem:s10+$0x40] =	vst v10;
	v21 =	vld.idx.msk [tilespmem:v22+s3+$0x0], $0xffff  }
0x245: {  	[tilespmem:s8+$0x70] =	vst v1;
	v10 =	vld.idx.msk [tilespmem:v28+s3+$0x0], $0xffff;
	v22 =	vadd.f32 v26, v2  }
0x246: {  	[tilespmem:s19+$0x70] =	vst v5;
	v15 =	vld.idx.msk [tilespmem:v15+s3+$0x0], $0xffff;
	v12 =	vadd.f32 v12, v7  }
0x247: {  	v5 =	vadd.f32 v23, v3;
	v1 =	vadd.s32 $0x3E8, v14;
	[tilespmem:s2+$0x50] =	vst v22  }
0x248: {  	v25 =	vadd.s32 $0x7D0, v14;
	v11 =	vadd.f32 v11, v6;
	v20 =	vld.idx.msk [tilespmem:v20+s3+$0x0], $0xffff;
	[tilespmem:s23+$0x50] =	vst v12  }
0x249: {  	[tilespmem:s16+$0x60] =	vst v5;
	v12 =	vld.idx.msk [tilespmem:v19+s3+$0x0], $0xffff;
	v19 =	vadd.f32 v21, v9  }
0x24a: {  	v17 =	vld.idx.msk [tilespmem:v17+s3+$0x0], $0xffff;
	[tilespmem:s24+$0x50] =	vst v11;
	v10 =	vadd.f32 v10, v8  }
0x24b: {  	v15 =	vadd.f32 v15, v4;
	v14 =	vld.idx.msk [tilespmem:v14+s3+$0x0], $0xffff;
	[tilespmem:s25+$0x50] =	vst v19  }
0x24c: {  	v11 =	vadd.s32 $0xFA0, v16;
	[tilespmem:s10+$0x50] =	vst v10;
	v1 =	vld.idx.msk [tilespmem:v1+s3+$0x0], $0xffff  }
0x24d: {  	[tilespmem:s11+$0x60] =	vst v15;
	v19 =	vadd.s32 $0xBB8, v11;
	v10 =	vld.idx.msk [tilespmem:v25+s3+$0x0], $0xffff;
	v15 =	vadd.f32 v20, v2  }
0x24e: {  	v18 =	vld.idx.msk [tilespmem:v18+s3+$0x0], $0xffff;
	v12 =	vadd.f32 v12, v7  }
0x24f: {  	v0 =	vadd.f32 v17, v0;
	v5 =	vld.idx.msk [tilespmem:v16+s3+$0x0], $0xffff;
	v16 =	vadd.s32 $0x3E8, v11;
	[tilespmem:s2+$0x60] =	vst v15  }
0x250: {  	v20 =	vadd.s32 $0x7D0, v11;
	[tilespmem:s23+$0x60] =	vst v12;
	v12 =	vadd.f32 v14, v6  }
0x251: {  	[tilespmem:s9+$0x70] =	vst v0;
	v13 =	vld.idx.msk [tilespmem:v13+s3+$0x0], $0xffff;
	v1 =	vadd.f32 v1, v9  }
0x252: {  	v14 =	vld.idx.msk [tilespmem:v19+s3+$0x0], $0xffff;
	v10 =	vadd.f32 v10, v8;
	[tilespmem:s24+$0x60] =	vst v12  }
0x253: {  	[tilespmem:s25+$0x60] =	vst v1;
	v1 =	vld.idx.msk [tilespmem:v11+s3+$0x0], $0xffff  }
0x254: {  	v0 =	vadd.f32 v18, v3;
	v4 =	vadd.f32 v5, v4;
	[tilespmem:s10+$0x60] =	vst v10;
	v5 =	vld.idx.msk [tilespmem:v16+s3+$0x0], $0xffff  }
0x255: {  	[tilespmem:s15+$0x70] =	vst v27;
	v3 =	vld.idx.msk [tilespmem:v20+s3+$0x0], $0xffff  }
0x256: {  	[tilespmem:s16+$0x70] =	vst v0;
	v0 =	vadd.f32 v13, v2  }
0x257: {  	[tilespmem:s11+$0x70] =	vst v4;
	v4 =	vadd.f32 v14, v7  }
0x258: {  	[tilespmem:s2+$0x70] =	vst v0;
	v1 =	vadd.f32 v1, v6  }
0x259: {  	[tilespmem:s23+$0x70] =	vst v4;
	v0 =	vadd.f32 v5, v9  }
0x25a: {  	s0 =	sor.u32 s13, s6;
	[tilespmem:s24+$0x70] =	vst v1;
	v1 =	vadd.f32 v3, v8  }
0x25b: {  	s0 =	sshrl.u32 s0, $0x3;
	[tilespmem:s25+$0x70] =	vst v0  }
0x25c: {  	s20 =	simm.s32 $0x18E00;
	s0 =	sadd.s32 s1, s0;
	[tilespmem:s10+$0x70] =	vst v1  }
0x25d: {  	[hbm4b:s0+s21] =	stream.strided.scatter [tilespmem:s20], [sflag:$0x5], $0x2000, s22, s21, $0x38;
	[tilespmem:$0x1CE00] =	vst v63  }
0x25e: {  	s0 =	simm.s32 @!p0 $0x6  }
0x25f: {  	_ =	swait.ge @!p0 [sflag:s0], $0x2000  }
0x260: {  	[sflag:s0] =	ssyncset.done @!p0 $0x0  }
0x261: {  	[sflag:s0] =	ssyncadd.s32 @!p0 $0xFFFFE000  }
0x262: {  	v2 =	vld [tilespmem:$0x14B80];
	_ =	sdelay $0x3  }
0x263: {  	s23 =	simm.s32 $0x0;
	s24 =	sadd.s32 $0x0, s18  }
0x264: {  	s2 =	sshll.u32 s24, $0x7;
	s0 =	sand.u32 $0x4, s23;
	v3 =	vld [tilespmem:$0x14B90];
	v0 =	vadd.s32 $0xBB8, v2  }
0x265: {  	s2 =	sand.u32 $0x3FFFFF80, s2;
	v9 =	vld [tilespmem:$0x14BA0];
	s4 =	sor.u32 $0x3, s0  }
0x266: {  	s2 =	sadd.s32 $0xFA00, s2;
	v7 =	vld [tilespmem:$0x14BB0];
	s25 =	sshll.u32 s4, $0x4  }
0x267: {  	v6 =	vld [tilespmem:$0x14BC0];
	s8 =	sor.u32 s25, s2  }
0x268: {  	s28 =	sshll.u32 s0, $0x4;
	v8 =	vld [tilespmem:s8+$0x0];
	v4 =	vadd.s32 $0x3E8, v2  }
0x269: {  	s26 =	sor.u32 $0x1, s0;
	s10 =	sor.u32 s28, s2;
	v0 =	vld.idx.msk [tilespmem:v0+s3+$0x0], $0xffff  }
0x26a: {  	s29 =	sshll.u32 s26, $0x4;
	v13 =	vld [tilespmem:s10+$0x0]  }
0x26b: {  	s8 =	sor.u32 s29, s2;
	v5 =	vld.idx.msk [tilespmem:v2+s3+$0x0], $0xffff  }
0x26c: {  	s30 =	simm.s32 $0x0;
	v1 =	vld [tilespmem:s8+$0x0];
	v10 =	vadd.s32 $0xBB8, v3  }
0x26d: {  	s8 =	sand.u32 $0x3FFFFC00, s30;
	v11 =	vadd.s32 $0x7D0, v2;
	v4 =	vld.idx.msk [tilespmem:v4+s3+$0x0], $0xffff  }
0x26e: {  	v12 =	vld [tilespmem:$0x14BD0];
	s4 =	sshll.u32 s4, $0x7;
	s31 =	sadd.s32 $0x1AE00, s8;
	v0 =	vadd.f32 v0, v8  }
0x26f: {  	v15 =	vld [tilespmem:$0x14BE0];
	s10 =	sadd.s32 s4, s31  }
0x270: {  	v17 =	vld [tilespmem:$0x14BF0];
	s12 =	sor.u32 $0x2, s0;
	s0 =	sshll.u32 s0, $0x7;
	v14 =	vadd.s32 $0x3E8, v3;
	v5 =	vadd.f32 v5, v13;
	[tilespmem:s10+$0x0] =	vst v0  }
0x271: {  	s15 =	sadd.s32 s0, s31;
	v10 =	vld.idx.msk [tilespmem:v10+s3+$0x0], $0xffff  }
0x272: {  	s16 =	sshll.u32 s12, $0x4;
	s19 =	sshll.u32 s26, $0x7;
	v11 =	vld.idx.msk [tilespmem:v11+s3+$0x0], $0xffff;
	v4 =	vadd.f32 v4, v1;
	[tilespmem:s15+$0x0] =	vst v5  }
0x273: {  	s2 =	sor.u32 s16, s2;
	s8 =	sadd.s32 s19, s31;
	v5 =	vld.idx.msk [tilespmem:v3+s3+$0x0], $0xffff  }
0x274: {  	v0 =	vld [tilespmem:s2+$0x0];
	[tilespmem:s8+$0x0] =	vst v4;
	v4 =	vadd.s32 $0xBB8, v9  }
0x275: {  	v14 =	vld.idx.msk [tilespmem:v14+s3+$0x0], $0xffff  }
0x276: {  	v10 =	vadd.f32 v10, v8  }
0x277: {  	v16 =	vadd.s32 $0x7D0, v3  }
0x278: {  	v5 =	vadd.f32 v5, v13;
	[tilespmem:s10+$0x10] =	vst v10  }
0x279: {  	s20 =	sshll.u32 s12, $0x7;
	v18 =	vadd.s32 $0x3E8, v9;
	v11 =	vadd.f32 v11, v0;
	v4 =	vld.idx.msk [tilespmem:v4+s3+$0x0], $0xffff  }
0x27a: {  	s9 =	sadd.s32 s20, s31;
	[tilespmem:s15+$0x10] =	vst v5;
	v10 =	vadd.f32 v14, v1  }
0x27b: {  	[tilespmem:s9+$0x0] =	vst v11;
	v5 =	vld.idx.msk [tilespmem:v9+s3+$0x0], $0xffff  }
0x27c: {  	v11 =	vld.idx.msk [tilespmem:v16+s3+$0x0], $0xffff;
	[tilespmem:s8+$0x10] =	vst v10;
	v10 =	vadd.s32 $0xBB8, v7;
	_ =	sdelay $0x1  }
0x27d: {  	v14 =	vld.idx.msk [tilespmem:v18+s3+$0x0], $0xffff;
	v4 =	vadd.f32 v4, v8  }
0x27e: {  	v16 =	vadd.s32 $0x7D0, v9  }
0x27f: {  	[tilespmem:s10+$0x20] =	vst v4  }
0x280: {  	v11 =	vadd.f32 v11, v0;
	v4 =	vadd.f32 v5, v13;
	v5 =	vld.idx.msk [tilespmem:v10+s3+$0x0], $0xffff;
	v10 =	vadd.s32 $0xFA0, v2  }
0x281: {  	s24 =	sadd.s32 $0x0, s18;
	s23 =	simm.s32 $0x4  }
0x282: {  	s0 =	sand.u32 $0x4, s23;
	s2 =	sshll.u32 s24, $0x7;
	[tilespmem:s9+$0x10] =	vst v11;
	v2 =	vadd.f32 v14, v1;
	v11 =	vadd.s32 $0xBB8, v10  }
0x283: {  	s25 =	sor.u32 $0x3, s0;
	s2 =	sand.u32 $0x3FFFFF80, s2;
	v16 =	vld.idx.msk [tilespmem:v16+s3+$0x0], $0xffff;
	[tilespmem:s15+$0x20] =	vst v4  }
0x284: {  	s26 =	sshll.u32 s25, $0x4;
	s2 =	sadd.s32 $0xFA00, s2;
	v19 =	vld.idx.msk [tilespmem:v7+s3+$0x0], $0xffff;
	[tilespmem:s8+$0x20] =	vst v2;
	v2 =	vadd.s32 $0xBB8, v6  }
0x285: {  	s11 =	sor.u32 s26, s2;
	v18 =	vadd.s32 $0x3E8, v7;
	v20 =	vld.idx.msk [tilespmem:v10+s3+$0x0], $0xffff  }
0x286: {  	s29 =	sshll.u32 s0, $0x4;
	v4 =	vadd.f32 v5, v8;
	v5 =	vld [tilespmem:s11+$0x0]  }
0x287: {  	s16 =	sor.u32 s29, s2;
	v11 =	vld.idx.msk [tilespmem:v11+s3+$0x0], $0xffff  }
0x288: {  	s28 =	sor.u32 $0x1, s0;
	v21 =	vadd.s32 $0x3E8, v10;
	[tilespmem:s10+$0x30] =	vst v4;
	v4 =	vld [tilespmem:s16+$0x0]  }
0x289: {  	s20 =	sor.u32 $0x2, s0;
	s30 =	sshll.u32 s28, $0x4;
	v22 =	vadd.s32 $0x7D0, v10;
	v23 =	vld.idx.msk [tilespmem:v2+s3+$0x0], $0xffff  }
0x28a: {  	v24 =	vadd.s32 $0x7D0, v7;
	s23 =	simm.s32 $0x200;
	s31 =	sshll.u32 s20, $0x4;
	v14 =	vadd.s32 $0xFA0, v3;
	v18 =	vld.idx.msk [tilespmem:v18+s3+$0x0], $0xffff;
	s11 =	sor.u32 s30, s2  }
0x28b: {  	s24 =	sand.u32 $0x3FFFFC00, s23;
	v25 =	vadd.s32 $0xBB8, v14;
	v16 =	vadd.f32 v16, v0;
	s2 =	sor.u32 s31, s2;
	v3 =	vld [tilespmem:s11+$0x0]  }
0x28c: {  	s4 =	sshll.u32 s25, $0x7;
	v2 =	vld [tilespmem:s2+$0x0];
	s2 =	sadd.s32 $0x1AE00, s24;
	v11 =	vadd.f32 v11, v5  }
0x28d: {  	v26 =	vadd.s32 $0xBB8, v12;
	s0 =	sshll.u32 s0, $0x7;
	v21 =	vld.idx.msk [tilespmem:v21+s3+$0x0], $0xffff;
	[tilespmem:s9+$0x20] =	vst v16;
	s19 =	sadd.s32 s4, s2;
	v20 =	vadd.f32 v20, v4  }
0x28e: {  	v16 =	vld.idx.msk [tilespmem:v22+s3+$0x0], $0xffff;
	s11 =	sadd.s32 s0, s2;
	v22 =	vadd.f32 v23, v8;
	[tilespmem:s19+$0x0] =	vst v11  }
0x28f: {  	v24 =	vld.idx.msk [tilespmem:v24+s3+$0x0], $0xffff;
	v23 =	vadd.s32 $0x3E8, v6;
	v11 =	vadd.f32 v19, v13;
	[tilespmem:s11+$0x0] =	vst v20  }
0x290: {  	v19 =	vadd.s32 $0x3E8, v14;
	v25 =	vld.idx.msk [tilespmem:v25+s3+$0x0], $0xffff;
	[tilespmem:s10+$0x40] =	vst v22  }
0x291: {  	v27 =	vadd.s32 $0x7D0, v14;
	v22 =	vadd.f32 v18, v1;
	[tilespmem:s15+$0x30] =	vst v11;
	v11 =	vld.idx.msk [tilespmem:v14+s3+$0x0], $0xffff  }
0x292: {  	s25 =	sshll.u32 s28, $0x7;
	v21 =	vadd.f32 v21, v3;
	v18 =	vadd.s32 $0xFA0, v9;
	v20 =	vld.idx.msk [tilespmem:v26+s3+$0x0], $0xffff;
	v26 =	vadd.s32 $0x7D0, v6  }
0x293: {  	s26 =	sshll.u32 s20, $0x7;
	s16 =	sadd.s32 s25, s2;
	v16 =	vadd.f32 v16, v2;
	v9 =	vld.idx.msk [tilespmem:v6+s3+$0x0], $0xffff;
	[tilespmem:s8+$0x30] =	vst v22;
	v22 =	vadd.s32 $0xBB8, v18  }
0x294: {  	s2 =	sadd.s32 s26, s2;
	[tilespmem:s16+$0x0] =	vst v21;
	v21 =	vadd.f32 v24, v0;
	v23 =	vld.idx.msk [tilespmem:v23+s3+$0x0], $0xffff  }
0x295: {  	v24 =	vadd.s32 $0xBB8, v15;
	[tilespmem:s2+$0x0] =	vst v16;
	v19 =	vld.idx.msk [tilespmem:v19+s3+$0x0], $0xffff;
	v16 =	vadd.f32 v25, v5  }
0x296: {  	[tilespmem:s9+$0x30] =	vst v21;
	v25 =	vld.idx.msk [tilespmem:v27+s3+$0x0], $0xffff;
	v11 =	vadd.f32 v11, v4  }
0x297: {  	v21 =	vadd.s32 $0x3E8, v12;
	v20 =	vadd.f32 v20, v8;
	[tilespmem:s19+$0x10] =	vst v16;
	v26 =	vld.idx.msk [tilespmem:v26+s3+$0x0], $0xffff  }
0x298: {  	v27 =	vadd.s32 $0x3E8, v18;
	v9 =	vadd.f32 v9, v13;
	v22 =	vld.idx.msk [tilespmem:v22+s3+$0x0], $0xffff;
	[tilespmem:s11+$0x10] =	vst v11  }
0x299: {  	[tilespmem:s10+$0x50] =	vst v20;
	v20 =	vadd.s32 $0x7D0, v18;
	v23 =	vadd.f32 v23, v1;
	v28 =	vld.idx.msk [tilespmem:v18+s3+$0x0], $0xffff  }
0x29a: {  	v16 =	vadd.s32 $0xFA0, v7;
	v19 =	vadd.f32 v19, v3;
	[tilespmem:s15+$0x40] =	vst v9;
	v11 =	vld.idx.msk [tilespmem:v24+s3+$0x0], $0xffff;
	v24 =	vadd.s32 $0x7D0, v12  }
0x29b: {  	v7 =	vadd.f32 v25, v2;
	v9 =	vld.idx.msk [tilespmem:v12+s3+$0x0], $0xffff;
	[tilespmem:s8+$0x40] =	vst v23;
	v23 =	vadd.s32 $0xBB8, v16  }
0x29c: {  	[tilespmem:s16+$0x10] =	vst v19;
	v19 =	vld.idx.msk [tilespmem:v21+s3+$0x0], $0xffff;
	v21 =	vadd.f32 v26, v0  }
0x29d: {  	v25 =	vadd.s32 $0xBB8, v17;
	v26 =	vld.idx.msk [tilespmem:v27+s3+$0x0], $0xffff;
	[tilespmem:s2+$0x10] =	vst v7;
	v7 =	vadd.f32 v22, v5  }
0x29e: {  	v20 =	vld.idx.msk [tilespmem:v20+s3+$0x0], $0xffff;
	[tilespmem:s9+$0x40] =	vst v21;
	v22 =	vadd.f32 v28, v4  }
0x29f: {  	v21 =	vadd.s32 $0x3E8, v15;
	v11 =	vadd.f32 v11, v8;
	[tilespmem:s19+$0x20] =	vst v7;
	v24 =	vld.idx.msk [tilespmem:v24+s3+$0x0], $0xffff  }
0x2a0: {  	v7 =	vadd.s32 $0x3E8, v16;
	v9 =	vadd.f32 v9, v13;
	v23 =	vld.idx.msk [tilespmem:v23+s3+$0x0], $0xffff;
	[tilespmem:s11+$0x20] =	vst v22  }
0x2a1: {  	v10 =	vadd.s32 $0xFA0, v10;
	[tilespmem:s10+$0x60] =	vst v11;
	v11 =	vadd.f32 v19, v1;
	v22 =	vld.idx.msk [tilespmem:v16+s3+$0x0], $0xffff  }
0x2a2: {  	[tilespmem:s15+$0x50] =	vst v9;
	v9 =	vadd.s32 $0xBB8, v10;
	v19 =	vld.idx.msk [tilespmem:v25+s3+$0x0], $0xffff;
	v25 =	vadd.f32 v26, v3  }
0x2a3: {  	s28 =	sadd.s32 $0x1, s18;
	s26 =	simm.s32 $0x8;
	v26 =	vld.idx.msk [tilespmem:v15+s3+$0x0], $0xffff;
	[tilespmem:s8+$0x50] =	vst v11  }
0x2a4: {  	s0 =	sshll.u32 s28, $0x7;
	s4 =	sand.u32 $0x4, s26;
	[tilespmem:s16+$0x20] =	vst v25;
	v21 =	vld.idx.msk [tilespmem:v21+s3+$0x0], $0xffff  }
0x2a5: {  	v29 =	vadd.s32 $0x7D0, v10;
	s0 =	sand.u32 $0x3FFFFF80, s0;
	s25 =	sor.u32 $0x1, s4;
	v11 =	vadd.s32 $0xFA0, v6;
	v25 =	vld.idx.msk [tilespmem:v7+s3+$0x0], $0xffff  }
0x2a6: {  	s12 =	sor.u32 $0x3, s4;
	s0 =	sadd.s32 $0xFA00, s0;
	s31 =	sshll.u32 s25, $0x4;
	v20 =	vadd.f32 v20, v2;
	v6 =	vadd.s32 $0xBB8, v11;
	v7 =	vadd.f32 v23, v5;
	v23 =	vld.idx.msk [tilespmem:v10+s3+$0x0], $0xffff  }
0x2a7: {  	s29 =	sshll.u32 s12, $0x4;
	s24 =	sor.u32 s31, s0;
	v27 =	vld.idx.msk [tilespmem:v9+s3+$0x0], $0xffff  }
0x2a8: {  	s20 =	sor.u32 s29, s0;
	[tilespmem:s2+$0x20] =	vst v20;
	v9 =	vld [tilespmem:s24+$0x0];
	v20 =	vadd.f32 v22, v4  }
0x2a9: {  	v28 =	vadd.s32 $0x3E8, v10;
	[tilespmem:s19+$0x30] =	vst v7;
	v7 =	vld [tilespmem:s20+$0x0]  }
0x2aa: {  	s30 =	sshll.u32 s4, $0x4;
	v31 =	vadd.s32 $0x7D0, v16;
	s20 =	sor.u32 $0x2, s4;
	[tilespmem:s11+$0x30] =	vst v20;
	v20 =	vld.idx.msk [tilespmem:v29+s3+$0x0], $0xffff  }
0x2ab: {  	s23 =	sor.u32 s30, s0;
	v24 =	vadd.f32 v24, v0;
	s28 =	sshll.u32 s20, $0x4;
	v29 =	vadd.s32 $0x3E8, v11;
	v30 =	vld.idx.msk [tilespmem:v6+s3+$0x0], $0xffff  }
0x2ac: {  	v14 =	vadd.s32 $0xFA0, v14;
	v19 =	vadd.f32 v19, v8;
	v6 =	vld [tilespmem:s23+$0x0];
	s0 =	sor.u32 s28, s0  }
0x2ad: {  	v12 =	vadd.s32 $0xFA0, v12;
	s24 =	simm.s32 $0x400;
	v22 =	vadd.s32 $0xBB8, v14;
	[tilespmem:s9+$0x50] =	vst v24;
	v8 =	vld [tilespmem:s0+$0x0];
	v25 =	vadd.f32 v25, v3  }
0x2ae: {  	v26 =	vadd.f32 v26, v13;
	[tilespmem:s10+$0x70] =	vst v19;
	s28 =	sand.u32 $0x3FFFFC00, s24;
	v19 =	vld.idx.msk [tilespmem:v28+s3+$0x0], $0xffff;
	v28 =	vadd.s32 $0xBB8, v12  }
0x2af: {  	s29 =	sshll.u32 s12, $0x7;
	v24 =	vld.idx.msk [tilespmem:v31+s3+$0x0], $0xffff;
	s0 =	sadd.s32 $0x1AE00, s28;
	v27 =	vadd.f32 v27, v7;
	[tilespmem:s16+$0x30] =	vst v25  }
0x2b0: {  	v31 =	vadd.s32 $0x7D0, v15;
	[tilespmem:s15+$0x60] =	vst v26;
	s23 =	sadd.s32 s29, s0;
	v26 =	vld.idx.msk [tilespmem:v29+s3+$0x0], $0xffff;
	v30 =	vadd.f32 v30, v5  }
0x2b1: {  	s4 =	sshll.u32 s4, $0x7;
	v23 =	vadd.f32 v23, v6;
	[tilespmem:s23+$0x0] =	vst v27;
	v27 =	vld.idx.msk [tilespmem:v11+s3+$0x0], $0xffff  }
0x2b2: {  	v59 =	vadd.s32 $0x3E8, v14;
	s31 =	sshll.u32 s20, $0x7;
	s24 =	sadd.s32 s4, s0;
	v22 =	vld.idx.msk [tilespmem:v22+s3+$0x0], $0xffff;
	v20 =	vadd.f32 v20, v8;
	[tilespmem:s19+$0x40] =	vst v30  }
0x2b3: {  	s30 =	sshll.u32 s25, $0x7;
	s10 =	sadd.s32 s31, s0;
	v30 =	vadd.s32 $0x7D0, v14;
	[tilespmem:s24+$0x0] =	vst v23;
	v23 =	vld.idx.msk [tilespmem:v28+s3+$0x0], $0xffff;
	v28 =	vadd.f32 v19, v9  }
0x2b4: {  	v60 =	vadd.s32 $0x7D0, v11;
	s25 =	sadd.s32 s30, s0;
	v25 =	vld.idx.msk [tilespmem:v14+s3+$0x0], $0xffff;
	v19 =	vadd.s32 $0xFA0, v18;
	v18 =	vadd.f32 v21, v1;
	[tilespmem:s10+$0x0] =	vst v20  }
0x2b5: {  	v20 =	vadd.f32 v24, v2;
	[tilespmem:s25+$0x0] =	vst v28;
	v28 =	vld.idx.msk [tilespmem:v31+s3+$0x0], $0xffff  }
0x2b6: {  	v15 =	vadd.s32 $0xFA0, v15;
	v21 =	vadd.s32 $0xBB8, v19;
	[tilespmem:s8+$0x60] =	vst v18;
	v31 =	vld.idx.msk [tilespmem:v17+s3+$0x0], $0xffff;
	v27 =	vadd.f32 v27, v4  }
0x2b7: {  	v24 =	vadd.s32 $0xBB8, v15;
	[tilespmem:s2+$0x30] =	vst v20;
	v29 =	vld.idx.msk [tilespmem:v59+s3+$0x0], $0xffff;
	v22 =	vadd.f32 v22, v7  }
0x2b8: {  	v18 =	vld.idx.msk [tilespmem:v30+s3+$0x0], $0xffff;
	[tilespmem:s11+$0x40] =	vst v27  }
0x2b9: {  	v20 =	vadd.f32 v23, v5;
	v23 =	vadd.s32 $0x3E8, v12;
	[tilespmem:s23+$0x10] =	vst v22;
	v22 =	vld.idx.msk [tilespmem:v60+s3+$0x0], $0xffff  }
0x2ba: {  	v30 =	vadd.s32 $0x3E8, v19;
	v25 =	vadd.f32 v25, v6;
	v62 =	vld.idx.msk [tilespmem:v12+s3+$0x0], $0xffff  }
0x2bb: {  	v61 =	vld.idx.msk [tilespmem:v21+s3+$0x0], $0xffff;
	v21 =	vadd.f32 v26, v3;
	[tilespmem:s19+$0x50] =	vst v20;
	v20 =	vadd.s32 $0x7D0, v19  }
0x2bc: {  	[tilespmem:s24+$0x10] =	vst v25;
	v25 =	vadd.s32 $0x3E8, v17;
	v24 =	vld.idx.msk [tilespmem:v24+s3+$0x0], $0xffff;
	v29 =	vadd.f32 v29, v9  }
0x2bd: {  	v27 =	vadd.s32 $0x7D0, v12;
	v26 =	vld.idx.msk [tilespmem:v19+s3+$0x0], $0xffff;
	[tilespmem:s16+$0x40] =	vst v21;
	v21 =	vadd.s32 $0xFA0, v16;
	v18 =	vadd.f32 v18, v8  }
0x2be: {  	v28 =	vadd.f32 v28, v0;
	v16 =	vadd.s32 $0xFA0, v17;
	v34 =	vadd.s32 $0xBB8, v21;
	[tilespmem:s25+$0x10] =	vst v29;
	v35 =	vld.idx.msk [tilespmem:v23+s3+$0x0], $0xffff  }
0x2bf: {  	v36 =	vadd.s32 $0xBB8, v16;
	v30 =	vld.idx.msk [tilespmem:v30+s3+$0x0], $0xffff;
	[tilespmem:s10+$0x10] =	vst v18;
	v18 =	vadd.f32 v22, v2  }
0x2c0: {  	[tilespmem:s9+$0x60] =	vst v28;
	v22 =	vadd.f32 v61, v7;
	v29 =	vld.idx.msk [tilespmem:v20+s3+$0x0], $0xffff  }
0x2c1: {  	v17 =	vadd.s32 $0x7D0, v17;
	v28 =	vadd.s32 $0x3E8, v21;
	v25 =	vld.idx.msk [tilespmem:v25+s3+$0x0], $0xffff;
	[tilespmem:s2+$0x40] =	vst v18;
	v24 =	vadd.f32 v24, v5  }
0x2c2: {  	v23 =	vadd.s32 $0x3E8, v15;
	v33 =	vadd.f32 v62, v4;
	v63 =	vadd.f32 v26, v6;
	[tilespmem:s23+$0x20] =	vst v22;
	v26 =	vld.idx.msk [tilespmem:v27+s3+$0x0], $0xffff  }
0x2c3: {  	v20 =	vadd.s32 $0x7D0, v15;
	v22 =	vadd.s32 $0x7D0, v21;
	v27 =	vadd.f32 v31, v13;
	v31 =	vld.idx.msk [tilespmem:v34+s3+$0x0], $0xffff;
	[tilespmem:s19+$0x60] =	vst v24  }
0x2c4: {  	v18 =	vadd.s32 $0x3E8, v16;
	v13 =	vadd.s32 $0x7D0, v16;
	[tilespmem:s24+$0x20] =	vst v63;
	v32 =	vadd.f32 v35, v3;
	v24 =	vld.idx.msk [tilespmem:v36+s3+$0x0], $0xffff  }
.LBB2_9:
0x2c5: {  	s26 =	sadd.s32 $0x4, s26;
	v34 =	vld.idx.msk [tilespmem:v21+s3+$0x0], $0xffff;
	v30 =	vadd.f32 v30, v9;
	v10 =	vadd.s32 $0xFA0, v10;
	[tilespmem:s11+$0x50] =	vst v33  }
0x2c6: {  	s0 =	sshrl.u32 s26, $0x3;
	v33 =	vadd.s32 $0x3E8, v10;
	v35 =	vadd.s32 $0x7D0, v10;
	v36 =	vadd.s32 $0xBB8, v10;
	v37 =	vld.idx.msk [tilespmem:v15+s3+$0x0], $0xffff;
	[tilespmem:s16+$0x50] =	vst v32  }
0x2c7: {  	v29 =	vadd.f32 v29, v8;
	v11 =	vadd.s32 $0xFA0, v11;
	p0 =	slt.u32 s26, $0x3C;
	s0 =	sadd.s32 s18, s0;
	[tilespmem:s25+$0x20] =	vst v30;
	v23 =	vld.idx.msk [tilespmem:v23+s3+$0x0], $0xffff;
	v30 =	vadd.f32 v25, v1  }
0x2c8: {  	s4 =	sand.u32 $0x4, s26;
	v32 =	vadd.s32 $0x3E8, v11;
	v38 =	vadd.s32 $0xBB8, v11;
	v25 =	vadd.s32 $0x7D0, v11;
	v1 =	vmovc v3;
	v3 =	vmovc v9;
	s0 =	sshll.u32 s0, $0x7;
	v28 =	vld.idx.msk [tilespmem:v28+s3+$0x0], $0xffff;
	[tilespmem:s15+$0x70] =	vst v27;
	s15 =	smov.u32 s11  }
0x2c9: {  	s20 =	sor.u32 $0x3, s4;
	v26 =	vadd.f32 v26, v2;
	s11 =	sor.u32 $0x1, s4;
	v9 =	vadd.f32 v31, v7;
	s0 =	sand.u32 $0x3FFFFF80, s0;
	[tilespmem:s10+$0x20] =	vst v29;
	v27 =	vld.idx.msk [tilespmem:v17+s3+$0x0], $0xffff;
	v17 =	vmov v13  }
0x2ca: {  	s12 =	sor.u32 $0x2, s4;
	s28 =	sshll.u32 s20, $0x4;
	v24 =	vadd.f32 v24, v5;
	v5 =	vmov v7;
	s0 =	sadd.s32 $0xFA00, s0;
	v13 =	vld.idx.msk [tilespmem:v10+s3+$0x0], $0xffff;
	[tilespmem:s8+$0x70] =	vst v30  }
0x2cb: {  	s29 =	sshll.u32 s12, $0x4;
	s8 =	sshll.u32 s11, $0x4;
	v30 =	vadd.f32 v34, v6;
	s28 =	sor.u32 s28, s0;
	v29 =	vld.idx.msk [tilespmem:v36+s3+$0x0], $0xffff;
	[tilespmem:s23+$0x30] =	vst v9  }
0x2cc: {  	s30 =	sshll.u32 s4, $0x4;
	s31 =	sor.u32 s8, s0;
	s29 =	sor.u32 s29, s0;
	v31 =	vadd.f32 v37, v4;
	v7 =	vld [tilespmem:s28+$0x0];
	[tilespmem:s19+$0x70] =	vst v24  }
0x2cd: {  	s12 =	sshll.u32 s12, $0x7;
	s0 =	sor.u32 s30, s0;
	s28 =	sshll.u32 s11, $0x7;
	v23 =	vadd.f32 v23, v1;
	[tilespmem:s24+$0x30] =	vst v30;
	v30 =	vld.idx.msk [tilespmem:v38+s3+$0x0], $0xffff  }
0x2ce: {  	s8 =	smov.u32 s16;
	s11 =	smov.u32 s24;
	v28 =	vadd.f32 v28, v3;
	v24 =	vld [tilespmem:s0+$0x0];
	s0 =	sshll.u32 s4, $0x7;
	[tilespmem:s2+$0x50] =	vst v26  }
0x2cf: {  	v14 =	vadd.s32 $0xFA0, v14;
	s16 =	smov.u32 s25;
	s19 =	smov.u32 s23;
	v26 =	vadd.f32 v27, v0;
	v0 =	vmovc v2;
	v2 =	vmov v8;
	v9 =	vld [tilespmem:s31+$0x0];
	[tilespmem:s15+$0x60] =	vst v31  }
0x2d0: {  	v12 =	vadd.s32 $0xFA0, v12;
	s4 =	sshll.u32 s26, $0x7;
	v27 =	vadd.s32 $0x3E8, v14;
	v31 =	vadd.s32 $0xBB8, v14;
	v8 =	vld [tilespmem:s29+$0x0];
	[tilespmem:s16+$0x30] =	vst v28  }
0x2d1: {  	v34 =	vadd.s32 $0x3E8, v12;
	v36 =	vadd.s32 $0xBB8, v12;
	s4 =	sand.u32 $0x3FFFFC00, s4;
	v28 =	vld.idx.msk [tilespmem:v33+s3+$0x0], $0xffff;
	v33 =	vadd.s32 $0x7D0, v14;
	[tilespmem:s8+$0x60] =	vst v23  }
0x2d2: {  	s20 =	sshll.u32 s20, $0x7;
	s4 =	sadd.s32 $0x1AE00, s4;
	v29 =	vadd.f32 v29, v7;
	v23 =	vld.idx.msk [tilespmem:v35+s3+$0x0], $0xffff;
	v35 =	vadd.s32 $0x7D0, v12;
	[tilespmem:s9+$0x70] =	vst v26;
	s9 =	smov.u32 s2  }
0x2d3: {  	s24 =	sadd.s32 s0, s4;
	s25 =	sadd.s32 s28, s4;
	s23 =	sadd.s32 s20, s4;
	v26 =	vadd.f32 v30, v5;
	v13 =	vadd.f32 v13, v24;
	v22 =	vld.idx.msk [tilespmem:v22+s3+$0x0], $0xffff  }
0x2d4: {  	s2 =	smov.u32 s10;
	s10 =	sadd.s32 s12, s4;
	[tilespmem:s23+$0x0] =	vst v29;
	v29 =	vld.idx.msk [tilespmem:v11+s3+$0x0], $0xffff  }
0x2d5: {  	v30 =	vld.idx.msk [tilespmem:v31+s3+$0x0], $0xffff;
	[tilespmem:s19+$0x40] =	vst v26  }
0x2d6: {  	[tilespmem:s24+$0x0] =	vst v13;
	v13 =	vld.idx.msk [tilespmem:v36+s3+$0x0], $0xffff  }
0x2d7: {  	v28 =	vadd.f32 v28, v9;
	v26 =	vld.idx.msk [tilespmem:v14+s3+$0x0], $0xffff  }
0x2d8: {  	v19 =	vadd.s32 $0xFA0, v19;
	v23 =	vadd.f32 v23, v8;
	v31 =	vld.idx.msk [tilespmem:v32+s3+$0x0], $0xffff  }
0x2d9: {  	v15 =	vadd.s32 $0xFA0, v15;
	v32 =	vadd.s32 $0x3E8, v19;
	[tilespmem:s25+$0x0] =	vst v28;
	v28 =	vadd.s32 $0xBB8, v19;
	v36 =	vld.idx.msk [tilespmem:v20+s3+$0x0], $0xffff  }
0x2da: {  	v37 =	vadd.s32 $0x7D0, v19;
	v38 =	vadd.s32 $0xBB8, v15;
	v22 =	vadd.f32 v22, v2;
	v27 =	vld.idx.msk [tilespmem:v27+s3+$0x0], $0xffff;
	[tilespmem:s10+$0x0] =	vst v23  }
0x2db: {  	v29 =	vadd.f32 v29, v6;
	v30 =	vadd.f32 v30, v7;
	v23 =	vadd.s32 $0x3E8, v15;
	v33 =	vld.idx.msk [tilespmem:v33+s3+$0x0], $0xffff  }
0x2dc: {  	v20 =	vadd.s32 $0x7D0, v15;
	v13 =	vadd.f32 v13, v5;
	[tilespmem:s2+$0x30] =	vst v22;
	v39 =	vld.idx.msk [tilespmem:v16+s3+$0x0], $0xffff  }
0x2dd: {  	v22 =	vadd.f32 v26, v24;
	[tilespmem:s23+$0x10] =	vst v30;
	v25 =	vld.idx.msk [tilespmem:v25+s3+$0x0], $0xffff  }
0x2de: {  	v26 =	vld.idx.msk [tilespmem:v28+s3+$0x0], $0xffff;
	v28 =	vadd.f32 v31, v3;
	[tilespmem:s19+$0x50] =	vst v13  }
0x2df: {  	v36 =	vadd.f32 v36, v0;
	[tilespmem:s24+$0x10] =	vst v22;
	v31 =	vld.idx.msk [tilespmem:v38+s3+$0x0], $0xffff  }
0x2e0: {  	v13 =	vadd.f32 v27, v9;
	v38 =	vld.idx.msk [tilespmem:v19+s3+$0x0], $0xffff;
	[tilespmem:s11+$0x40] =	vst v29  }
0x2e1: {  	v21 =	vadd.s32 $0xFA0, v21;
	v27 =	vadd.f32 v33, v8;
	v33 =	vld.idx.msk [tilespmem:v12+s3+$0x0], $0xffff;
	[tilespmem:s16+$0x40] =	vst v28  }
0x2e2: {  	v40 =	vadd.s32 $0xBB8, v21;
	v16 =	vadd.s32 $0xFA0, v16;
	v28 =	vadd.s32 $0x3E8, v21;
	[tilespmem:s25+$0x10] =	vst v13;
	v34 =	vld.idx.msk [tilespmem:v34+s3+$0x0], $0xffff  }
0x2e3: {  	v41 =	vadd.s32 $0xBB8, v16;
	v22 =	vadd.s32 $0x7D0, v21;
	v25 =	vadd.f32 v25, v2;
	v30 =	vld.idx.msk [tilespmem:v32+s3+$0x0], $0xffff;
	[tilespmem:s10+$0x10] =	vst v27  }
.Ltmp5:
0x2e4: {  	v13 =	vadd.s32 $0x7D0, v16;
	v26 =	vadd.f32 v26, v7;
	v32 =	vadd.s32 $0x3E8, v16;
	v29 =	vld.idx.msk [tilespmem:v37+s3+$0x0], $0xffff;
	[tilespmem:s9+$0x60] =	vst v36;
	(pc) =	sbr.rel @p0 .LBB2_9-.Ltmp5, $4  }
0x2e5: {  	v27 =	vadd.f32 v39, v4;
	v4 =	vmov v6;
	v36 =	vadd.f32 v31, v5;
	[tilespmem:s2+$0x40] =	vst v25;
	v25 =	vld.idx.msk [tilespmem:v18+s3+$0x0], $0xffff  }
0x2e6: {  	v6 =	vmov v24;
	v37 =	vadd.f32 v38, v24;
	v18 =	vmov v32;
	[tilespmem:s23+$0x20] =	vst v26;
	v26 =	vld.idx.msk [tilespmem:v35+s3+$0x0], $0xffff  }
0x2e7: {  	v33 =	vadd.f32 v33, v4;
	v31 =	vld.idx.msk [tilespmem:v40+s3+$0x0], $0xffff;
	[tilespmem:s19+$0x60] =	vst v36  }
0x2e8: {  	v32 =	vadd.f32 v34, v3;
	[tilespmem:s24+$0x20] =	vst v37;
	v24 =	vld.idx.msk [tilespmem:v41+s3+$0x0], $0xffff  }
0x2e9: {  	_ =	sdelay $0x1  }
0x2ea: {  	v10 =	vadd.f32 v30, v9  }
0x2eb: {  	v14 =	vadd.f32 v29, v8  }
0x2ec: {  	v19 =	vld.idx.msk [tilespmem:v21+s3+$0x0], $0xffff;
	[tilespmem:s25+$0x20] =	vst v10;
	v10 =	vadd.s32 $0xFA0, v11  }
0x2ed: {  	[tilespmem:s10+$0x20] =	vst v14;
	v11 =	vld.idx.msk [tilespmem:v28+s3+$0x0], $0xffff;
	v21 =	vadd.s32 $0xBB8, v10  }
0x2ee: {  	v14 =	vld.idx.msk [tilespmem:v22+s3+$0x0], $0xffff  }
0x2ef: {  	v22 =	vadd.f32 v31, v7  }
0x2f0: {  	v28 =	vadd.s32 $0x3E8, v10  }
0x2f1: {  	v29 =	vadd.s32 $0x7D0, v10;
	v19 =	vadd.f32 v19, v6;
	[tilespmem:s23+$0x30] =	vst v22  }
0x2f2: {  	v21 =	vld.idx.msk [tilespmem:v21+s3+$0x0], $0xffff;
	v11 =	vadd.f32 v11, v9  }
0x2f3: {  	[tilespmem:s24+$0x30] =	vst v19;
	v14 =	vadd.f32 v14, v8  }
0x2f4: {  	v10 =	vld.idx.msk [tilespmem:v10+s3+$0x0], $0xffff;
	[tilespmem:s25+$0x30] =	vst v11;
	v11 =	vadd.s32 $0xFA0, v12  }
0x2f5: {  	[tilespmem:s10+$0x30] =	vst v14;
	v12 =	vadd.s32 $0xBB8, v11;
	v19 =	vld.idx.msk [tilespmem:v28+s3+$0x0], $0xffff  }
0x2f6: {  	v14 =	vld.idx.msk [tilespmem:v29+s3+$0x0], $0xffff  }
0x2f7: {  	v21 =	vadd.f32 v21, v7  }
0x2f8: {  	[tilespmem:s11+$0x50] =	vst v33;
	v22 =	vadd.s32 $0x3E8, v11  }
0x2f9: {  	v28 =	vadd.s32 $0x7D0, v11;
	v10 =	vadd.f32 v10, v6;
	[tilespmem:s23+$0x40] =	vst v21  }
0x2fa: {  	[tilespmem:s16+$0x50] =	vst v32;
	v12 =	vld.idx.msk [tilespmem:v12+s3+$0x0], $0xffff;
	v19 =	vadd.f32 v19, v9  }
0x2fb: {  	v23 =	vld.idx.msk [tilespmem:v23+s3+$0x0], $0xffff;
	[tilespmem:s24+$0x40] =	vst v10;
	v10 =	vadd.f32 v14, v8  }
0x2fc: {  	v1 =	vadd.f32 v25, v1;
	v14 =	vadd.s32 $0xFA0, v15;
	v11 =	vld.idx.msk [tilespmem:v11+s3+$0x0], $0xffff;
	[tilespmem:s25+$0x40] =	vst v19  }
0x2fd: {  	v5 =	vadd.f32 v24, v5;
	v19 =	vadd.s32 $0xBB8, v14;
	[tilespmem:s10+$0x40] =	vst v10;
	v21 =	vld.idx.msk [tilespmem:v22+s3+$0x0], $0xffff  }
0x2fe: {  	[tilespmem:s8+$0x70] =	vst v1;
	v10 =	vld.idx.msk [tilespmem:v28+s3+$0x0], $0xffff;
	v22 =	vadd.f32 v26, v2  }
0x2ff: {  	[tilespmem:s19+$0x70] =	vst v5;
	v15 =	vld.idx.msk [tilespmem:v15+s3+$0x0], $0xffff;
	v12 =	vadd.f32 v12, v7  }
0x300: {  	v5 =	vadd.f32 v23, v3;
	v1 =	vadd.s32 $0x3E8, v14;
	[tilespmem:s2+$0x50] =	vst v22  }
0x301: {  	v25 =	vadd.s32 $0x7D0, v14;
	v11 =	vadd.f32 v11, v6;
	v20 =	vld.idx.msk [tilespmem:v20+s3+$0x0], $0xffff;
	[tilespmem:s23+$0x50] =	vst v12  }
0x302: {  	[tilespmem:s16+$0x60] =	vst v5;
	v12 =	vld.idx.msk [tilespmem:v19+s3+$0x0], $0xffff;
	v19 =	vadd.f32 v21, v9  }
0x303: {  	v17 =	vld.idx.msk [tilespmem:v17+s3+$0x0], $0xffff;
	[tilespmem:s24+$0x50] =	vst v11;
	v10 =	vadd.f32 v10, v8  }
0x304: {  	v15 =	vadd.f32 v15, v4;
	v14 =	vld.idx.msk [tilespmem:v14+s3+$0x0], $0xffff;
	[tilespmem:s25+$0x50] =	vst v19  }
0x305: {  	v11 =	vadd.s32 $0xFA0, v16;
	[tilespmem:s10+$0x50] =	vst v10;
	v1 =	vld.idx.msk [tilespmem:v1+s3+$0x0], $0xffff  }
0x306: {  	[tilespmem:s11+$0x60] =	vst v15;
	v19 =	vadd.s32 $0xBB8, v11;
	v10 =	vld.idx.msk [tilespmem:v25+s3+$0x0], $0xffff;
	v15 =	vadd.f32 v20, v2  }
0x307: {  	v18 =	vld.idx.msk [tilespmem:v18+s3+$0x0], $0xffff;
	v12 =	vadd.f32 v12, v7  }
0x308: {  	v0 =	vadd.f32 v17, v0;
	v5 =	vld.idx.msk [tilespmem:v16+s3+$0x0], $0xffff;
	v16 =	vadd.s32 $0x3E8, v11;
	[tilespmem:s2+$0x60] =	vst v15  }
0x309: {  	v20 =	vadd.s32 $0x7D0, v11;
	[tilespmem:s23+$0x60] =	vst v12;
	v12 =	vadd.f32 v14, v6  }
0x30a: {  	[tilespmem:s9+$0x70] =	vst v0;
	v13 =	vld.idx.msk [tilespmem:v13+s3+$0x0], $0xffff;
	v1 =	vadd.f32 v1, v9  }
0x30b: {  	v14 =	vld.idx.msk [tilespmem:v19+s3+$0x0], $0xffff;
	v10 =	vadd.f32 v10, v8;
	[tilespmem:s24+$0x60] =	vst v12  }
0x30c: {  	[tilespmem:s25+$0x60] =	vst v1;
	v1 =	vld.idx.msk [tilespmem:v11+s3+$0x0], $0xffff  }
0x30d: {  	v0 =	vadd.f32 v18, v3;
	v4 =	vadd.f32 v5, v4;
	[tilespmem:s10+$0x60] =	vst v10;
	v5 =	vld.idx.msk [tilespmem:v16+s3+$0x0], $0xffff  }
0x30e: {  	[tilespmem:s15+$0x70] =	vst v27;
	v3 =	vld.idx.msk [tilespmem:v20+s3+$0x0], $0xffff  }
0x30f: {  	[tilespmem:s16+$0x70] =	vst v0;
	v0 =	vadd.f32 v13, v2  }
0x310: {  	[tilespmem:s11+$0x70] =	vst v4;
	v4 =	vadd.f32 v14, v7  }
0x311: {  	[tilespmem:s2+$0x70] =	vst v0;
	v1 =	vadd.f32 v1, v6  }
0x312: {  	[tilespmem:s23+$0x70] =	vst v4;
	v0 =	vadd.f32 v5, v9  }
0x313: {  	s0 =	sor.u32 s14, s6;
	[tilespmem:s24+$0x70] =	vst v1;
	v1 =	vadd.f32 v3, v8  }
0x314: {  	s0 =	sshrl.u32 s0, $0x3;
	[tilespmem:s25+$0x70] =	vst v0  }
0x315: {  	s31 =	simm.s32 $0x1AE00;
	p0 =	seq.s32 s17, $0x9;
	s0 =	sadd.s32 s1, s0;
	[tilespmem:s10+$0x70] =	vst v1  }
0x316: {  	[hbm4b:s0+s21] =	stream.strided.scatter [tilespmem:s31], [sflag:$0x6], $0x2000, s22, s21, $0x38;
	[tilespmem:$0x1CE00] =	vst v63  }
0x317: {  	s0 =	sshll.u32 @!p0 s17, $0xF;
	s2 =	rddreg [dreg:$0x8]  }
0x318: {  	s0 =	sadd.s32 @!p0 s2, s0  }
0x319: {  	s4 =	simm.s32 @!p0 $0x14A00;
	s2 =	rddreg [dreg:$0x3];
	s0 =	sshrl.u32 @!p0 s0, $0x3  }
0x31a: {  	s16 =	simm.s32 $0x2;
	s0 =	sadd.s32 @!p0 s2, s0;
	s2 =	simm.s32 @!p0 $0x0  }
0x31b: {  	[tilespmem:s4], [sflag:$0x1] =	stream.linear.gather @!p0 [hbm4b:s0+s2], $0x200, $0x38;
	[tilespmem:$0x1CE00] =	vst v63  }
0x31c: {  	_ =	swait.ge [sflag:s16], $0x200  }
0x31d: {  	[sflag:s16] =	ssyncset.done $0x0  }
0x31e: {  	s18 =	simm.s32 $0x3;
	[sflag:s16] =	ssyncadd.s32 $0xFFFFFE00  }
0x31f: {  	_ =	swait.ge [sflag:s18], $0x2000  }
0x320: {  	[sflag:s18] =	ssyncset.done $0x0  }
0x321: {  	[sflag:s18] =	ssyncadd.s32 $0xFFFFE000  }
0x322: {  	v2 =	vld [tilespmem:$0x14C00];
	_ =	sdelay $0x1  }
0x323: {  	s5 =	sor.u32 $0x1, s5  }
0x324: {  	s18 =	sshll.u32 s5, $0x3  }
0x325: {  	s19 =	simm.s32 $0x0;
	s20 =	sadd.s32 $0x0, s18  }
0x326: {  	s0 =	sand.u32 $0x4, s19;
	v3 =	vld [tilespmem:$0x14C10];
	s2 =	sshll.u32 s20, $0x7;
	v0 =	vadd.s32 $0xBB8, v2  }
0x327: {  	s23 =	sor.u32 $0x3, s0;
	v9 =	vld [tilespmem:$0x14C20];
	s2 =	sand.u32 $0x3FFFFF80, s2  }
0x328: {  	s24 =	sshll.u32 s23, $0x4;
	v7 =	vld [tilespmem:$0x14C30];
	s2 =	sadd.s32 $0xFA00, s2  }
0x329: {  	v6 =	vld [tilespmem:$0x14C40];
	s6 =	sor.u32 s24, s2  }
0x32a: {  	s26 =	sshll.u32 s0, $0x4;
	v4 =	vadd.s32 $0x3E8, v2;
	v8 =	vld [tilespmem:s6+$0x0]  }
0x32b: {  	s25 =	sor.u32 $0x1, s0;
	s9 =	sor.u32 s26, s2;
	v0 =	vld.idx.msk [tilespmem:v0+s3+$0x0], $0xffff  }
0x32c: {  	s28 =	sshll.u32 s25, $0x4;
	v13 =	vld [tilespmem:s9+$0x0]  }
0x32d: {  	s6 =	sor.u32 s28, s2;
	v5 =	vld.idx.msk [tilespmem:v2+s3+$0x0], $0xffff  }
0x32e: {  	s29 =	simm.s32 $0x0;
	v10 =	vadd.s32 $0xBB8, v3;
	v1 =	vld [tilespmem:s6+$0x0]  }
0x32f: {  	v11 =	vadd.s32 $0x7D0, v2;
	s6 =	sand.u32 $0x3FFFFC00, s29;
	v4 =	vld.idx.msk [tilespmem:v4+s3+$0x0], $0xffff  }
0x330: {  	s4 =	sshll.u32 s23, $0x7;
	v12 =	vld [tilespmem:$0x14C50];
	s6 =	sadd.s32 $0x14E00, s6;
	v0 =	vadd.f32 v0, v8  }
0x331: {  	v15 =	vld [tilespmem:$0x14C60];
	s10 =	sadd.s32 s4, s6  }
0x332: {  	s30 =	sor.u32 $0x2, s0;
	s0 =	sshll.u32 s0, $0x7;
	v17 =	vld [tilespmem:$0x14C70];
	v14 =	vadd.s32 $0x3E8, v3;
	v5 =	vadd.f32 v5, v13;
	[tilespmem:s10+$0x0] =	vst v0  }
0x333: {  	s9 =	sadd.s32 s0, s6;
	v10 =	vld.idx.msk [tilespmem:v10+s3+$0x0], $0xffff  }
0x334: {  	s12 =	sshll.u32 s30, $0x4;
	s15 =	sshll.u32 s25, $0x7;
	v11 =	vld.idx.msk [tilespmem:v11+s3+$0x0], $0xffff;
	v4 =	vadd.f32 v4, v1;
	[tilespmem:s9+$0x0] =	vst v5  }
0x335: {  	s2 =	sor.u32 s12, s2;
	s8 =	sadd.s32 s15, s6;
	v5 =	vld.idx.msk [tilespmem:v3+s3+$0x0], $0xffff  }
0x336: {  	v0 =	vld [tilespmem:s2+$0x0];
	[tilespmem:s8+$0x0] =	vst v4;
	v4 =	vadd.s32 $0xBB8, v9  }
0x337: {  	v14 =	vld.idx.msk [tilespmem:v14+s3+$0x0], $0xffff  }
0x338: {  	v10 =	vadd.f32 v10, v8  }
0x339: {  	v16 =	vadd.s32 $0x7D0, v3  }
0x33a: {  	v5 =	vadd.f32 v5, v13;
	[tilespmem:s10+$0x10] =	vst v10  }
0x33b: {  	s16 =	sshll.u32 s30, $0x7;
	v18 =	vadd.s32 $0x3E8, v9;
	v11 =	vadd.f32 v11, v0;
	v4 =	vld.idx.msk [tilespmem:v4+s3+$0x0], $0xffff  }
0x33c: {  	s6 =	sadd.s32 s16, s6;
	[tilespmem:s9+$0x10] =	vst v5;
	v10 =	vadd.f32 v14, v1  }
0x33d: {  	[tilespmem:s6+$0x0] =	vst v11;
	v5 =	vld.idx.msk [tilespmem:v9+s3+$0x0], $0xffff  }
0x33e: {  	v11 =	vld.idx.msk [tilespmem:v16+s3+$0x0], $0xffff;
	[tilespmem:s8+$0x10] =	vst v10;
	v10 =	vadd.s32 $0xBB8, v7;
	_ =	sdelay $0x1  }
0x33f: {  	v14 =	vld.idx.msk [tilespmem:v18+s3+$0x0], $0xffff;
	v4 =	vadd.f32 v4, v8  }
0x340: {  	v16 =	vadd.s32 $0x7D0, v9  }
0x341: {  	[tilespmem:s10+$0x20] =	vst v4  }
0x342: {  	v11 =	vadd.f32 v11, v0;
	v4 =	vadd.f32 v5, v13;
	v5 =	vld.idx.msk [tilespmem:v10+s3+$0x0], $0xffff;
	v10 =	vadd.s32 $0xFA0, v2  }
0x343: {  	s19 =	simm.s32 $0x4;
	s20 =	sadd.s32 $0x0, s18  }
0x344: {  	s0 =	sand.u32 $0x4, s19;
	s2 =	sshll.u32 s20, $0x7;
	[tilespmem:s6+$0x10] =	vst v11;
	v2 =	vadd.f32 v14, v1;
	v11 =	vadd.s32 $0xBB8, v10  }
0x345: {  	s23 =	sor.u32 $0x3, s0;
	s2 =	sand.u32 $0x3FFFFF80, s2;
	v16 =	vld.idx.msk [tilespmem:v16+s3+$0x0], $0xffff;
	[tilespmem:s9+$0x20] =	vst v4  }
0x346: {  	s24 =	sshll.u32 s23, $0x4;
	s2 =	sadd.s32 $0xFA00, s2;
	v19 =	vld.idx.msk [tilespmem:v7+s3+$0x0], $0xffff;
	[tilespmem:s8+$0x20] =	vst v2;
	v2 =	vadd.s32 $0xBB8, v6  }
0x347: {  	s11 =	sor.u32 s24, s2;
	v18 =	vadd.s32 $0x3E8, v7;
	v20 =	vld.idx.msk [tilespmem:v10+s3+$0x0], $0xffff  }
0x348: {  	s25 =	sshll.u32 s0, $0x4;
	v4 =	vadd.f32 v5, v8;
	v5 =	vld [tilespmem:s11+$0x0]  }
0x349: {  	s15 =	sor.u32 s25, s2;
	v11 =	vld.idx.msk [tilespmem:v11+s3+$0x0], $0xffff  }
0x34a: {  	s12 =	sor.u32 $0x1, s0;
	v21 =	vadd.s32 $0x3E8, v10;
	[tilespmem:s10+$0x30] =	vst v4;
	v4 =	vld [tilespmem:s15+$0x0]  }
0x34b: {  	s26 =	sor.u32 $0x2, s0;
	s28 =	sshll.u32 s12, $0x4;
	v22 =	vadd.s32 $0x7D0, v10;
	v23 =	vld.idx.msk [tilespmem:v2+s3+$0x0], $0xffff  }
0x34c: {  	s30 =	simm.s32 $0x200;
	v24 =	vadd.s32 $0x7D0, v7;
	s29 =	sshll.u32 s26, $0x4;
	v14 =	vadd.s32 $0xFA0, v3;
	v18 =	vld.idx.msk [tilespmem:v18+s3+$0x0], $0xffff;
	s11 =	sor.u32 s28, s2  }
0x34d: {  	v25 =	vadd.s32 $0xBB8, v14;
	v16 =	vadd.f32 v16, v0;
	s2 =	sor.u32 s29, s2;
	v3 =	vld [tilespmem:s11+$0x0];
	s11 =	sand.u32 $0x3FFFFC00, s30  }
0x34e: {  	s4 =	sshll.u32 s23, $0x7;
	v2 =	vld [tilespmem:s2+$0x0];
	s2 =	sadd.s32 $0x14E00, s11;
	v11 =	vadd.f32 v11, v5  }
0x34f: {  	v26 =	vadd.s32 $0xBB8, v12;
	s0 =	sshll.u32 s0, $0x7;
	v21 =	vld.idx.msk [tilespmem:v21+s3+$0x0], $0xffff;
	[tilespmem:s6+$0x20] =	vst v16;
	s16 =	sadd.s32 s4, s2;
	v20 =	vadd.f32 v20, v4  }
0x350: {  	v16 =	vld.idx.msk [tilespmem:v22+s3+$0x0], $0xffff;
	s11 =	sadd.s32 s0, s2;
	v22 =	vadd.f32 v23, v8;
	[tilespmem:s16+$0x0] =	vst v11  }
0x351: {  	v24 =	vld.idx.msk [tilespmem:v24+s3+$0x0], $0xffff;
	v23 =	vadd.s32 $0x3E8, v6;
	v11 =	vadd.f32 v19, v13;
	[tilespmem:s11+$0x0] =	vst v20  }
0x352: {  	v19 =	vadd.s32 $0x3E8, v14;
	v25 =	vld.idx.msk [tilespmem:v25+s3+$0x0], $0xffff;
	[tilespmem:s10+$0x40] =	vst v22  }
0x353: {  	v27 =	vadd.s32 $0x7D0, v14;
	v22 =	vadd.f32 v18, v1;
	[tilespmem:s9+$0x30] =	vst v11;
	v11 =	vld.idx.msk [tilespmem:v14+s3+$0x0], $0xffff  }
0x354: {  	s15 =	sshll.u32 s12, $0x7;
	v21 =	vadd.f32 v21, v3;
	v18 =	vadd.s32 $0xFA0, v9;
	v20 =	vld.idx.msk [tilespmem:v26+s3+$0x0], $0xffff;
	v26 =	vadd.s32 $0x7D0, v6  }
0x355: {  	s20 =	sshll.u32 s26, $0x7;
	s15 =	sadd.s32 s15, s2;
	v16 =	vadd.f32 v16, v2;
	v9 =	vld.idx.msk [tilespmem:v6+s3+$0x0], $0xffff;
	[tilespmem:s8+$0x30] =	vst v22;
	v22 =	vadd.s32 $0xBB8, v18  }
0x356: {  	s2 =	sadd.s32 s20, s2;
	[tilespmem:s15+$0x0] =	vst v21;
	v21 =	vadd.f32 v24, v0;
	v23 =	vld.idx.msk [tilespmem:v23+s3+$0x0], $0xffff  }
0x357: {  	v24 =	vadd.s32 $0xBB8, v15;
	[tilespmem:s2+$0x0] =	vst v16;
	v19 =	vld.idx.msk [tilespmem:v19+s3+$0x0], $0xffff;
	v16 =	vadd.f32 v25, v5  }
0x358: {  	[tilespmem:s6+$0x30] =	vst v21;
	v25 =	vld.idx.msk [tilespmem:v27+s3+$0x0], $0xffff;
	v11 =	vadd.f32 v11, v4  }
0x359: {  	v21 =	vadd.s32 $0x3E8, v12;
	v20 =	vadd.f32 v20, v8;
	[tilespmem:s16+$0x10] =	vst v16;
	v26 =	vld.idx.msk [tilespmem:v26+s3+$0x0], $0xffff  }
0x35a: {  	v27 =	vadd.s32 $0x3E8, v18;
	v9 =	vadd.f32 v9, v13;
	v22 =	vld.idx.msk [tilespmem:v22+s3+$0x0], $0xffff;
	[tilespmem:s11+$0x10] =	vst v11  }
0x35b: {  	[tilespmem:s10+$0x50] =	vst v20;
	v20 =	vadd.s32 $0x7D0, v18;
	v23 =	vadd.f32 v23, v1;
	v28 =	vld.idx.msk [tilespmem:v18+s3+$0x0], $0xffff  }
0x35c: {  	v16 =	vadd.s32 $0xFA0, v7;
	v19 =	vadd.f32 v19, v3;
	[tilespmem:s9+$0x40] =	vst v9;
	v11 =	vld.idx.msk [tilespmem:v24+s3+$0x0], $0xffff;
	v24 =	vadd.s32 $0x7D0, v12  }
0x35d: {  	v7 =	vadd.f32 v25, v2;
	v9 =	vld.idx.msk [tilespmem:v12+s3+$0x0], $0xffff;
	[tilespmem:s8+$0x40] =	vst v23;
	v23 =	vadd.s32 $0xBB8, v16  }
0x35e: {  	[tilespmem:s15+$0x10] =	vst v19;
	v19 =	vld.idx.msk [tilespmem:v21+s3+$0x0], $0xffff;
	v21 =	vadd.f32 v26, v0  }
0x35f: {  	v25 =	vadd.s32 $0xBB8, v17;
	v26 =	vld.idx.msk [tilespmem:v27+s3+$0x0], $0xffff;
	[tilespmem:s2+$0x10] =	vst v7;
	v7 =	vadd.f32 v22, v5  }
0x360: {  	v20 =	vld.idx.msk [tilespmem:v20+s3+$0x0], $0xffff;
	[tilespmem:s6+$0x40] =	vst v21;
	v22 =	vadd.f32 v28, v4  }
0x361: {  	s23 =	sadd.s32 $0x1, s18;
	v11 =	vadd.f32 v11, v8;
	[tilespmem:s16+$0x20] =	vst v7;
	v24 =	vld.idx.msk [tilespmem:v24+s3+$0x0], $0xffff  }
0x362: {  	s24 =	simm.s32 $0x8;
	s0 =	sshll.u32 s23, $0x7;
	v7 =	vadd.s32 $0x3E8, v16;
	v9 =	vadd.f32 v9, v13;
	v23 =	vld.idx.msk [tilespmem:v23+s3+$0x0], $0xffff;
	[tilespmem:s11+$0x20] =	vst v22  }
0x363: {  	v10 =	vadd.s32 $0xFA0, v10;
	s4 =	sand.u32 $0x4, s24;
	s0 =	sand.u32 $0x3FFFFF80, s0;
	[tilespmem:s10+$0x60] =	vst v11;
	v11 =	vadd.f32 v19, v1;
	v22 =	vld.idx.msk [tilespmem:v16+s3+$0x0], $0xffff  }
0x364: {  	v29 =	vadd.s32 $0x3E8, v10;
	s28 =	sshll.u32 s4, $0x4;
	s0 =	sadd.s32 $0xFA00, s0;
	[tilespmem:s9+$0x50] =	vst v9;
	v19 =	vld.idx.msk [tilespmem:v25+s3+$0x0], $0xffff;
	v25 =	vadd.f32 v26, v3  }
0x365: {  	s25 =	sor.u32 $0x3, s4;
	s23 =	sor.u32 s28, s0;
	v9 =	vadd.s32 $0xBB8, v10;
	v26 =	vld.idx.msk [tilespmem:v15+s3+$0x0], $0xffff;
	[tilespmem:s8+$0x50] =	vst v11  }
0x366: {  	s26 =	sshll.u32 s25, $0x4;
	v11 =	vadd.s32 $0xFA0, v6;
	v6 =	vld [tilespmem:s23+$0x0];
	[tilespmem:s15+$0x20] =	vst v25  }
0x367: {  	v30 =	vadd.s32 $0x7D0, v10;
	s19 =	sor.u32 s26, s0;
	v20 =	vadd.f32 v20, v2;
	v25 =	vld.idx.msk [tilespmem:v7+s3+$0x0], $0xffff  }
0x368: {  	s20 =	sor.u32 $0x1, s4;
	v27 =	vadd.s32 $0xBB8, v11;
	v7 =	vld [tilespmem:s19+$0x0]  }
0x369: {  	s29 =	sshll.u32 s20, $0x4;
	v23 =	vadd.f32 v23, v5;
	[tilespmem:s2+$0x20] =	vst v20;
	v20 =	vadd.f32 v24, v0;
	v24 =	vld.idx.msk [tilespmem:v29+s3+$0x0], $0xffff  }
0x36a: {  	s19 =	sor.u32 s29, s0;
	v28 =	vld.idx.msk [tilespmem:v9+s3+$0x0], $0xffff;
	v22 =	vadd.f32 v22, v4  }
0x36b: {  	v21 =	vadd.s32 $0x3E8, v15;
	v9 =	vld [tilespmem:s19+$0x0];
	[tilespmem:s16+$0x30] =	vst v23  }
0x36c: {  	s30 =	sor.u32 $0x2, s4;
	v23 =	vadd.s32 $0x7D0, v16;
	[tilespmem:s11+$0x30] =	vst v22;
	v22 =	vld.idx.msk [tilespmem:v30+s3+$0x0], $0xffff  }
0x36d: {  	s23 =	sshll.u32 s30, $0x4;
	v8 =	vadd.f32 v19, v8;
	v19 =	vld.idx.msk [tilespmem:v27+s3+$0x0], $0xffff  }
0x36e: {  	s26 =	simm.s32 $0x400;
	v14 =	vadd.s32 $0xFA0, v14;
	s0 =	sor.u32 s23, s0;
	v30 =	vadd.s32 $0x3E8, v11;
	v27 =	vld.idx.msk [tilespmem:v10+s3+$0x0], $0xffff  }
0x36f: {  	v31 =	vadd.s32 $0xBB8, v14;
	[tilespmem:s10+$0x70] =	vst v8;
	v8 =	vld [tilespmem:s0+$0x0];
	s0 =	sand.u32 $0x3FFFFC00, s26;
	v25 =	vadd.f32 v25, v3  }
0x370: {  	s28 =	sshll.u32 s25, $0x7;
	v60 =	vadd.s32 $0x3E8, v14;
	v12 =	vadd.s32 $0xFA0, v12;
	v21 =	vld.idx.msk [tilespmem:v21+s3+$0x0], $0xffff;
	[tilespmem:s6+$0x50] =	vst v20;
	s0 =	sadd.s32 $0x14E00, s0;
	v28 =	vadd.f32 v28, v7  }
0x371: {  	v29 =	vadd.s32 $0xBB8, v12;
	s29 =	sshll.u32 s20, $0x7;
	s10 =	sadd.s32 s28, s0;
	v24 =	vadd.f32 v24, v9;
	v20 =	vld.idx.msk [tilespmem:v23+s3+$0x0], $0xffff;
	[tilespmem:s15+$0x30] =	vst v25  }
0x372: {  	s25 =	sadd.s32 s29, s0;
	[tilespmem:s10+$0x0] =	vst v28;
	v28 =	vld.idx.msk [tilespmem:v11+s3+$0x0], $0xffff;
	v19 =	vadd.f32 v19, v5  }
0x373: {  	s4 =	sshll.u32 s4, $0x7;
	v23 =	vadd.s32 $0x7D0, v15;
	v30 =	vld.idx.msk [tilespmem:v30+s3+$0x0], $0xffff;
	[tilespmem:s25+$0x0] =	vst v24;
	v27 =	vadd.f32 v27, v6  }
0x374: {  	s23 =	sadd.s32 s4, s0;
	v31 =	vld.idx.msk [tilespmem:v31+s3+$0x0], $0xffff;
	[tilespmem:s16+$0x40] =	vst v19;
	v19 =	vadd.f32 v26, v13;
	v26 =	vadd.s32 $0x7D0, v14  }
0x375: {  	s30 =	sshll.u32 s30, $0x7;
	v22 =	vadd.f32 v22, v8;
	v24 =	vld.idx.msk [tilespmem:v60+s3+$0x0], $0xffff;
	[tilespmem:s23+$0x0] =	vst v27  }
0x376: {  	s19 =	sadd.s32 s30, s0;
	v27 =	vld.idx.msk [tilespmem:v29+s3+$0x0], $0xffff;
	[tilespmem:s9+$0x60] =	vst v19;
	v19 =	vadd.s32 $0xFA0, v18;
	v18 =	vadd.f32 v21, v1  }
0x377: {  	[tilespmem:s19+$0x0] =	vst v22;
	v25 =	vld.idx.msk [tilespmem:v14+s3+$0x0], $0xffff;
	v29 =	vadd.s32 $0x7D0, v11;
	v28 =	vadd.f32 v28, v4  }
0x378: {  	v15 =	vadd.s32 $0xFA0, v15;
	v23 =	vld.idx.msk [tilespmem:v23+s3+$0x0], $0xffff;
	v21 =	vadd.s32 $0xBB8, v19;
	[tilespmem:s8+$0x60] =	vst v18  }
0x379: {  	v22 =	vadd.s32 $0xBB8, v15;
	v20 =	vadd.f32 v20, v2;
	[tilespmem:s11+$0x40] =	vst v28;
	v18 =	vld.idx.msk [tilespmem:v26+s3+$0x0], $0xffff  }
0x37a: {  	v26 =	vadd.f32 v31, v7;
	v35 =	vld.idx.msk [tilespmem:v12+s3+$0x0], $0xffff  }
0x37b: {  	[tilespmem:s2+$0x30] =	vst v20;
	v31 =	vadd.s32 $0x3E8, v12;
	v20 =	vadd.f32 v27, v5;
	v27 =	vld.idx.msk [tilespmem:v17+s3+$0x0], $0xffff  }
0x37c: {  	v25 =	vadd.f32 v25, v6;
	[tilespmem:s10+$0x10] =	vst v26;
	v26 =	vld.idx.msk [tilespmem:v29+s3+$0x0], $0xffff;
	v29 =	vadd.s32 $0x3E8, v19  }
0x37d: {  	v61 =	vld.idx.msk [tilespmem:v21+s3+$0x0], $0xffff;
	[tilespmem:s16+$0x50] =	vst v20;
	v20 =	vadd.s32 $0x7D0, v19;
	v21 =	vadd.f32 v30, v3  }
0x37e: {  	v24 =	vadd.f32 v24, v9;
	[tilespmem:s23+$0x10] =	vst v25;
	v25 =	vadd.s32 $0x3E8, v17;
	v22 =	vld.idx.msk [tilespmem:v22+s3+$0x0], $0xffff  }
0x37f: {  	v34 =	vadd.s32 $0x7D0, v12;
	v62 =	vld.idx.msk [tilespmem:v19+s3+$0x0], $0xffff;
	v18 =	vadd.f32 v18, v8;
	[tilespmem:s15+$0x40] =	vst v21;
	v21 =	vadd.s32 $0xFA0, v16  }
0x380: {  	[tilespmem:s25+$0x10] =	vst v24;
	v23 =	vadd.f32 v23, v0;
	v16 =	vadd.s32 $0xFA0, v17;
	v24 =	vadd.s32 $0xBB8, v21;
	v36 =	vld.idx.msk [tilespmem:v31+s3+$0x0], $0xffff  }
0x381: {  	v37 =	vadd.s32 $0xBB8, v16;
	v30 =	vld.idx.msk [tilespmem:v29+s3+$0x0], $0xffff;
	[tilespmem:s19+$0x10] =	vst v18;
	v18 =	vadd.f32 v26, v2  }
0x382: {  	[tilespmem:s6+$0x60] =	vst v23;
	v29 =	vld.idx.msk [tilespmem:v20+s3+$0x0], $0xffff;
	v26 =	vadd.f32 v61, v7  }
0x383: {  	v23 =	vadd.s32 $0x3E8, v15;
	v17 =	vadd.s32 $0x7D0, v17;
	v25 =	vld.idx.msk [tilespmem:v25+s3+$0x0], $0xffff;
	[tilespmem:s2+$0x40] =	vst v18;
	v63 =	vadd.f32 v22, v5  }
0x384: {  	v33 =	vadd.f32 v35, v4;
	v28 =	vadd.s32 $0x3E8, v21;
	v38 =	vadd.f32 v62, v6;
	[tilespmem:s10+$0x20] =	vst v26;
	v26 =	vld.idx.msk [tilespmem:v34+s3+$0x0], $0xffff  }
0x385: {  	v27 =	vadd.f32 v27, v13;
	v13 =	vadd.s32 $0x7D0, v16;
	v20 =	vadd.s32 $0x7D0, v15;
	v31 =	vld.idx.msk [tilespmem:v24+s3+$0x0], $0xffff;
	[tilespmem:s16+$0x60] =	vst v63  }
0x386: {  	v22 =	vadd.s32 $0x7D0, v21;
	v18 =	vadd.s32 $0x3E8, v16;
	[tilespmem:s23+$0x20] =	vst v38;
	v32 =	vadd.f32 v36, v3;
	v24 =	vld.idx.msk [tilespmem:v37+s3+$0x0], $0xffff  }
.LBB2_11:
0x387: {  	s24 =	sadd.s32 $0x4, s24;
	v34 =	vld.idx.msk [tilespmem:v21+s3+$0x0], $0xffff;
	v30 =	vadd.f32 v30, v9;
	v10 =	vadd.s32 $0xFA0, v10;
	[tilespmem:s11+$0x50] =	vst v33  }
0x388: {  	s0 =	sshrl.u32 s24, $0x3;
	v33 =	vadd.s32 $0x3E8, v10;
	v35 =	vadd.s32 $0x7D0, v10;
	v36 =	vadd.s32 $0xBB8, v10;
	v37 =	vld.idx.msk [tilespmem:v15+s3+$0x0], $0xffff;
	[tilespmem:s15+$0x50] =	vst v32  }
0x389: {  	v29 =	vadd.f32 v29, v8;
	v11 =	vadd.s32 $0xFA0, v11;
	p1 =	slt.u32 s24, $0x3C;
	s0 =	sadd.s32 s18, s0;
	[tilespmem:s25+$0x20] =	vst v30;
	v23 =	vld.idx.msk [tilespmem:v23+s3+$0x0], $0xffff;
	v30 =	vadd.f32 v25, v1  }
0x38a: {  	s4 =	sand.u32 $0x4, s24;
	v32 =	vadd.s32 $0x3E8, v11;
	v38 =	vadd.s32 $0xBB8, v11;
	v25 =	vadd.s32 $0x7D0, v11;
	v1 =	vmovc v3;
	v3 =	vmovc v9;
	s0 =	sshll.u32 s0, $0x7;
	v28 =	vld.idx.msk [tilespmem:v28+s3+$0x0], $0xffff;
	[tilespmem:s9+$0x70] =	vst v27;
	s9 =	smov.u32 s11  }
0x38b: {  	s20 =	sor.u32 $0x3, s4;
	v26 =	vadd.f32 v26, v2;
	s11 =	sor.u32 $0x1, s4;
	v9 =	vadd.f32 v31, v7;
	s0 =	sand.u32 $0x3FFFFF80, s0;
	[tilespmem:s19+$0x20] =	vst v29;
	v27 =	vld.idx.msk [tilespmem:v17+s3+$0x0], $0xffff;
	v17 =	vmov v13  }
0x38c: {  	s12 =	sor.u32 $0x2, s4;
	s26 =	sshll.u32 s20, $0x4;
	v24 =	vadd.f32 v24, v5;
	v5 =	vmov v7;
	s0 =	sadd.s32 $0xFA00, s0;
	v13 =	vld.idx.msk [tilespmem:v10+s3+$0x0], $0xffff;
	[tilespmem:s8+$0x70] =	vst v30  }
0x38d: {  	s28 =	sshll.u32 s12, $0x4;
	s8 =	sshll.u32 s11, $0x4;
	v30 =	vadd.f32 v34, v6;
	s26 =	sor.u32 s26, s0;
	v29 =	vld.idx.msk [tilespmem:v36+s3+$0x0], $0xffff;
	[tilespmem:s10+$0x30] =	vst v9  }
0x38e: {  	s29 =	sshll.u32 s4, $0x4;
	s30 =	sor.u32 s8, s0;
	s28 =	sor.u32 s28, s0;
	v31 =	vadd.f32 v37, v4;
	v7 =	vld [tilespmem:s26+$0x0];
	[tilespmem:s16+$0x70] =	vst v24  }
0x38f: {  	s12 =	sshll.u32 s12, $0x7;
	s0 =	sor.u32 s29, s0;
	s26 =	sshll.u32 s11, $0x7;
	v23 =	vadd.f32 v23, v1;
	[tilespmem:s23+$0x30] =	vst v30;
	v30 =	vld.idx.msk [tilespmem:v38+s3+$0x0], $0xffff  }
0x390: {  	s8 =	smov.u32 s15;
	s11 =	smov.u32 s23;
	v28 =	vadd.f32 v28, v3;
	v24 =	vld [tilespmem:s0+$0x0];
	s0 =	sshll.u32 s4, $0x7;
	[tilespmem:s2+$0x50] =	vst v26  }
0x391: {  	v14 =	vadd.s32 $0xFA0, v14;
	s15 =	smov.u32 s25;
	s16 =	smov.u32 s10;
	v26 =	vadd.f32 v27, v0;
	v0 =	vmovc v2;
	v2 =	vmov v8;
	v9 =	vld [tilespmem:s30+$0x0];
	[tilespmem:s9+$0x60] =	vst v31  }
0x392: {  	v12 =	vadd.s32 $0xFA0, v12;
	s4 =	sshll.u32 s24, $0x7;
	v27 =	vadd.s32 $0x3E8, v14;
	v31 =	vadd.s32 $0xBB8, v14;
	v8 =	vld [tilespmem:s28+$0x0];
	[tilespmem:s15+$0x30] =	vst v28  }
0x393: {  	v34 =	vadd.s32 $0x3E8, v12;
	v36 =	vadd.s32 $0xBB8, v12;
	s4 =	sand.u32 $0x3FFFFC00, s4;
	v28 =	vld.idx.msk [tilespmem:v33+s3+$0x0], $0xffff;
	v33 =	vadd.s32 $0x7D0, v14;
	[tilespmem:s8+$0x60] =	vst v23  }
0x394: {  	s10 =	sshll.u32 s20, $0x7;
	s4 =	sadd.s32 $0x14E00, s4;
	v29 =	vadd.f32 v29, v7;
	v23 =	vld.idx.msk [tilespmem:v35+s3+$0x0], $0xffff;
	v35 =	vadd.s32 $0x7D0, v12;
	[tilespmem:s6+$0x70] =	vst v26;
	s6 =	smov.u32 s2  }
0x395: {  	s23 =	sadd.s32 s0, s4;
	s25 =	sadd.s32 s26, s4;
	s10 =	sadd.s32 s10, s4;
	v26 =	vadd.f32 v30, v5;
	v13 =	vadd.f32 v13, v24;
	v22 =	vld.idx.msk [tilespmem:v22+s3+$0x0], $0xffff  }
0x396: {  	s2 =	smov.u32 s19;
	s19 =	sadd.s32 s12, s4;
	[tilespmem:s10+$0x0] =	vst v29;
	v29 =	vld.idx.msk [tilespmem:v11+s3+$0x0], $0xffff  }
0x397: {  	v30 =	vld.idx.msk [tilespmem:v31+s3+$0x0], $0xffff;
	[tilespmem:s16+$0x40] =	vst v26  }
0x398: {  	[tilespmem:s23+$0x0] =	vst v13;
	v13 =	vld.idx.msk [tilespmem:v36+s3+$0x0], $0xffff  }
0x399: {  	v28 =	vadd.f32 v28, v9;
	v26 =	vld.idx.msk [tilespmem:v14+s3+$0x0], $0xffff  }
0x39a: {  	v19 =	vadd.s32 $0xFA0, v19;
	v23 =	vadd.f32 v23, v8;
	v31 =	vld.idx.msk [tilespmem:v32+s3+$0x0], $0xffff  }
0x39b: {  	v15 =	vadd.s32 $0xFA0, v15;
	v32 =	vadd.s32 $0x3E8, v19;
	[tilespmem:s25+$0x0] =	vst v28;
	v28 =	vadd.s32 $0xBB8, v19;
	v36 =	vld.idx.msk [tilespmem:v20+s3+$0x0], $0xffff  }
0x39c: {  	v37 =	vadd.s32 $0x7D0, v19;
	v38 =	vadd.s32 $0xBB8, v15;
	v22 =	vadd.f32 v22, v2;
	v27 =	vld.idx.msk [tilespmem:v27+s3+$0x0], $0xffff;
	[tilespmem:s19+$0x0] =	vst v23  }
0x39d: {  	v29 =	vadd.f32 v29, v6;
	v30 =	vadd.f32 v30, v7;
	v23 =	vadd.s32 $0x3E8, v15;
	v33 =	vld.idx.msk [tilespmem:v33+s3+$0x0], $0xffff  }
0x39e: {  	v20 =	vadd.s32 $0x7D0, v15;
	v13 =	vadd.f32 v13, v5;
	[tilespmem:s2+$0x30] =	vst v22;
	v39 =	vld.idx.msk [tilespmem:v16+s3+$0x0], $0xffff  }
0x39f: {  	v22 =	vadd.f32 v26, v24;
	[tilespmem:s10+$0x10] =	vst v30;
	v25 =	vld.idx.msk [tilespmem:v25+s3+$0x0], $0xffff  }
0x3a0: {  	v26 =	vld.idx.msk [tilespmem:v28+s3+$0x0], $0xffff;
	v28 =	vadd.f32 v31, v3;
	[tilespmem:s16+$0x50] =	vst v13  }
0x3a1: {  	v36 =	vadd.f32 v36, v0;
	[tilespmem:s23+$0x10] =	vst v22;
	v31 =	vld.idx.msk [tilespmem:v38+s3+$0x0], $0xffff  }
0x3a2: {  	v13 =	vadd.f32 v27, v9;
	v38 =	vld.idx.msk [tilespmem:v19+s3+$0x0], $0xffff;
	[tilespmem:s11+$0x40] =	vst v29  }
0x3a3: {  	v21 =	vadd.s32 $0xFA0, v21;
	v27 =	vadd.f32 v33, v8;
	v33 =	vld.idx.msk [tilespmem:v12+s3+$0x0], $0xffff;
	[tilespmem:s15+$0x40] =	vst v28  }
0x3a4: {  	v40 =	vadd.s32 $0xBB8, v21;
	v16 =	vadd.s32 $0xFA0, v16;
	v28 =	vadd.s32 $0x3E8, v21;
	[tilespmem:s25+$0x10] =	vst v13;
	v34 =	vld.idx.msk [tilespmem:v34+s3+$0x0], $0xffff  }
0x3a5: {  	v41 =	vadd.s32 $0xBB8, v16;
	v22 =	vadd.s32 $0x7D0, v21;
	v25 =	vadd.f32 v25, v2;
	v30 =	vld.idx.msk [tilespmem:v32+s3+$0x0], $0xffff;
	[tilespmem:s19+$0x10] =	vst v27  }
.Ltmp6:
0x3a6: {  	v13 =	vadd.s32 $0x7D0, v16;
	v26 =	vadd.f32 v26, v7;
	v32 =	vadd.s32 $0x3E8, v16;
	v29 =	vld.idx.msk [tilespmem:v37+s3+$0x0], $0xffff;
	[tilespmem:s6+$0x60] =	vst v36;
	(pc) =	sbr.rel @p1 .LBB2_11-.Ltmp6, $4  }
0x3a7: {  	v27 =	vadd.f32 v39, v4;
	v4 =	vmov v6;
	v36 =	vadd.f32 v31, v5;
	[tilespmem:s2+$0x40] =	vst v25;
	v25 =	vld.idx.msk [tilespmem:v18+s3+$0x0], $0xffff  }
0x3a8: {  	v6 =	vmov v24;
	v37 =	vadd.f32 v38, v24;
	v18 =	vmov v32;
	[tilespmem:s10+$0x20] =	vst v26;
	v26 =	vld.idx.msk [tilespmem:v35+s3+$0x0], $0xffff  }
0x3a9: {  	v33 =	vadd.f32 v33, v4;
	v31 =	vld.idx.msk [tilespmem:v40+s3+$0x0], $0xffff;
	[tilespmem:s16+$0x60] =	vst v36  }
0x3aa: {  	v32 =	vadd.f32 v34, v3;
	[tilespmem:s23+$0x20] =	vst v37;
	v24 =	vld.idx.msk [tilespmem:v41+s3+$0x0], $0xffff  }
0x3ab: {  	_ =	sdelay $0x1  }
0x3ac: {  	v10 =	vadd.f32 v30, v9  }
0x3ad: {  	v14 =	vadd.f32 v29, v8  }
0x3ae: {  	v19 =	vld.idx.msk [tilespmem:v21+s3+$0x0], $0xffff;
	[tilespmem:s25+$0x20] =	vst v10;
	v10 =	vadd.s32 $0xFA0, v11  }
0x3af: {  	[tilespmem:s19+$0x20] =	vst v14;
	v11 =	vld.idx.msk [tilespmem:v28+s3+$0x0], $0xffff;
	v21 =	vadd.s32 $0xBB8, v10  }
0x3b0: {  	v14 =	vld.idx.msk [tilespmem:v22+s3+$0x0], $0xffff  }
0x3b1: {  	v22 =	vadd.f32 v31, v7  }
0x3b2: {  	v28 =	vadd.s32 $0x3E8, v10  }
0x3b3: {  	v29 =	vadd.s32 $0x7D0, v10;
	v19 =	vadd.f32 v19, v6;
	[tilespmem:s10+$0x30] =	vst v22  }
0x3b4: {  	v21 =	vld.idx.msk [tilespmem:v21+s3+$0x0], $0xffff;
	v11 =	vadd.f32 v11, v9  }
0x3b5: {  	[tilespmem:s23+$0x30] =	vst v19;
	v14 =	vadd.f32 v14, v8  }
0x3b6: {  	v10 =	vld.idx.msk [tilespmem:v10+s3+$0x0], $0xffff;
	[tilespmem:s25+$0x30] =	vst v11;
	v11 =	vadd.s32 $0xFA0, v12  }
0x3b7: {  	[tilespmem:s19+$0x30] =	vst v14;
	v12 =	vadd.s32 $0xBB8, v11;
	v19 =	vld.idx.msk [tilespmem:v28+s3+$0x0], $0xffff  }
0x3b8: {  	v14 =	vld.idx.msk [tilespmem:v29+s3+$0x0], $0xffff  }
0x3b9: {  	v21 =	vadd.f32 v21, v7  }
0x3ba: {  	[tilespmem:s11+$0x50] =	vst v33;
	v22 =	vadd.s32 $0x3E8, v11  }
0x3bb: {  	v28 =	vadd.s32 $0x7D0, v11;
	v10 =	vadd.f32 v10, v6;
	[tilespmem:s10+$0x40] =	vst v21  }
0x3bc: {  	[tilespmem:s15+$0x50] =	vst v32;
	v12 =	vld.idx.msk [tilespmem:v12+s3+$0x0], $0xffff;
	v19 =	vadd.f32 v19, v9  }
0x3bd: {  	v23 =	vld.idx.msk [tilespmem:v23+s3+$0x0], $0xffff;
	[tilespmem:s23+$0x40] =	vst v10;
	v10 =	vadd.f32 v14, v8  }
0x3be: {  	v1 =	vadd.f32 v25, v1;
	v14 =	vadd.s32 $0xFA0, v15;
	v11 =	vld.idx.msk [tilespmem:v11+s3+$0x0], $0xffff;
	[tilespmem:s25+$0x40] =	vst v19  }
0x3bf: {  	v5 =	vadd.f32 v24, v5;
	v19 =	vadd.s32 $0xBB8, v14;
	[tilespmem:s19+$0x40] =	vst v10;
	v21 =	vld.idx.msk [tilespmem:v22+s3+$0x0], $0xffff  }
0x3c0: {  	[tilespmem:s8+$0x70] =	vst v1;
	v10 =	vld.idx.msk [tilespmem:v28+s3+$0x0], $0xffff;
	v22 =	vadd.f32 v26, v2  }
0x3c1: {  	[tilespmem:s16+$0x70] =	vst v5;
	v15 =	vld.idx.msk [tilespmem:v15+s3+$0x0], $0xffff;
	v12 =	vadd.f32 v12, v7  }
0x3c2: {  	v5 =	vadd.f32 v23, v3;
	v1 =	vadd.s32 $0x3E8, v14;
	[tilespmem:s2+$0x50] =	vst v22  }
0x3c3: {  	v25 =	vadd.s32 $0x7D0, v14;
	v11 =	vadd.f32 v11, v6;
	v20 =	vld.idx.msk [tilespmem:v20+s3+$0x0], $0xffff;
	[tilespmem:s10+$0x50] =	vst v12  }
0x3c4: {  	[tilespmem:s15+$0x60] =	vst v5;
	v12 =	vld.idx.msk [tilespmem:v19+s3+$0x0], $0xffff;
	v19 =	vadd.f32 v21, v9  }
0x3c5: {  	v17 =	vld.idx.msk [tilespmem:v17+s3+$0x0], $0xffff;
	[tilespmem:s23+$0x50] =	vst v11;
	v10 =	vadd.f32 v10, v8  }
0x3c6: {  	v15 =	vadd.f32 v15, v4;
	v14 =	vld.idx.msk [tilespmem:v14+s3+$0x0], $0xffff;
	[tilespmem:s25+$0x50] =	vst v19  }
0x3c7: {  	v11 =	vadd.s32 $0xFA0, v16;
	[tilespmem:s19+$0x50] =	vst v10;
	v1 =	vld.idx.msk [tilespmem:v1+s3+$0x0], $0xffff  }
0x3c8: {  	[tilespmem:s11+$0x60] =	vst v15;
	v19 =	vadd.s32 $0xBB8, v11;
	v10 =	vld.idx.msk [tilespmem:v25+s3+$0x0], $0xffff;
	v15 =	vadd.f32 v20, v2  }
0x3c9: {  	v18 =	vld.idx.msk [tilespmem:v18+s3+$0x0], $0xffff;
	v12 =	vadd.f32 v12, v7  }
0x3ca: {  	v0 =	vadd.f32 v17, v0;
	v5 =	vld.idx.msk [tilespmem:v16+s3+$0x0], $0xffff;
	v16 =	vadd.s32 $0x3E8, v11;
	[tilespmem:s2+$0x60] =	vst v15  }
0x3cb: {  	v20 =	vadd.s32 $0x7D0, v11;
	[tilespmem:s10+$0x60] =	vst v12;
	v12 =	vadd.f32 v14, v6  }
0x3cc: {  	[tilespmem:s6+$0x70] =	vst v0;
	v13 =	vld.idx.msk [tilespmem:v13+s3+$0x0], $0xffff;
	v1 =	vadd.f32 v1, v9  }
0x3cd: {  	v14 =	vld.idx.msk [tilespmem:v19+s3+$0x0], $0xffff;
	v10 =	vadd.f32 v10, v8;
	[tilespmem:s23+$0x60] =	vst v12  }
0x3ce: {  	[tilespmem:s25+$0x60] =	vst v1;
	v1 =	vld.idx.msk [tilespmem:v11+s3+$0x0], $0xffff  }
0x3cf: {  	v0 =	vadd.f32 v18, v3;
	v4 =	vadd.f32 v5, v4;
	[tilespmem:s19+$0x60] =	vst v10;
	v5 =	vld.idx.msk [tilespmem:v16+s3+$0x0], $0xffff  }
0x3d0: {  	[tilespmem:s9+$0x70] =	vst v27;
	v3 =	vld.idx.msk [tilespmem:v20+s3+$0x0], $0xffff  }
0x3d1: {  	[tilespmem:s15+$0x70] =	vst v0;
	v0 =	vadd.f32 v13, v2  }
0x3d2: {  	[tilespmem:s11+$0x70] =	vst v4;
	v4 =	vadd.f32 v14, v7  }
0x3d3: {  	[tilespmem:s2+$0x70] =	vst v0;
	v1 =	vadd.f32 v1, v6  }
0x3d4: {  	s5 =	sshll.u32 s5, $0x14;
	[tilespmem:s10+$0x70] =	vst v4;
	v0 =	vadd.f32 v5, v9  }
0x3d5: {  	s0 =	sor.u32 s7, s5;
	[tilespmem:s23+$0x70] =	vst v1;
	v1 =	vadd.f32 v3, v8  }
0x3d6: {  	s0 =	sshrl.u32 s0, $0x3;
	[tilespmem:s25+$0x70] =	vst v0  }
0x3d7: {  	s0 =	sadd.s32 s1, s0;
	s16 =	simm.s32 $0x14E00;
	[tilespmem:s19+$0x70] =	vst v1;
	s19 =	simm.s32 $0x4  }
0x3d8: {  	[hbm4b:s0+s21] =	stream.strided.scatter [tilespmem:s16], [sflag:$0x3], $0x2000, s22, s21, $0x38;
	[tilespmem:$0x1CE00] =	vst v63  }
0x3d9: {  	_ =	swait.ge [sflag:s19], $0x2000  }
0x3da: {  	[sflag:s19] =	ssyncset.done $0x0  }
0x3db: {  	[sflag:s19] =	ssyncadd.s32 $0xFFFFE000  }
0x3dc: {  	v2 =	vld [tilespmem:$0x14C80];
	_ =	sdelay $0x3  }
0x3dd: {  	s20 =	simm.s32 $0x0;
	s23 =	sadd.s32 $0x0, s18  }
0x3de: {  	s2 =	sshll.u32 s23, $0x7;
	s0 =	sand.u32 $0x4, s20;
	v3 =	vld [tilespmem:$0x14C90];
	v0 =	vadd.s32 $0xBB8, v2  }
0x3df: {  	s2 =	sand.u32 $0x3FFFFF80, s2;
	s4 =	sor.u32 $0x3, s0;
	v9 =	vld [tilespmem:$0x14CA0]  }
0x3e0: {  	s2 =	sadd.s32 $0xFA00, s2;
	s24 =	sshll.u32 s4, $0x4;
	v7 =	vld [tilespmem:$0x14CB0]  }
0x3e1: {  	s6 =	sor.u32 s24, s2;
	v6 =	vld [tilespmem:$0x14CC0]  }
0x3e2: {  	s26 =	sshll.u32 s0, $0x4;
	v8 =	vld [tilespmem:s6+$0x0];
	v4 =	vadd.s32 $0x3E8, v2  }
0x3e3: {  	s25 =	sor.u32 $0x1, s0;
	s9 =	sor.u32 s26, s2;
	v0 =	vld.idx.msk [tilespmem:v0+s3+$0x0], $0xffff  }
0x3e4: {  	s28 =	sshll.u32 s25, $0x4;
	v13 =	vld [tilespmem:s9+$0x0]  }
0x3e5: {  	s6 =	sor.u32 s28, s2;
	v5 =	vld.idx.msk [tilespmem:v2+s3+$0x0], $0xffff  }
0x3e6: {  	s29 =	simm.s32 $0x0;
	v1 =	vld [tilespmem:s6+$0x0];
	v10 =	vadd.s32 $0xBB8, v3  }
0x3e7: {  	s6 =	sand.u32 $0x3FFFFC00, s29;
	v11 =	vadd.s32 $0x7D0, v2;
	v4 =	vld.idx.msk [tilespmem:v4+s3+$0x0], $0xffff  }
0x3e8: {  	s4 =	sshll.u32 s4, $0x7;
	v12 =	vld [tilespmem:$0x14CD0];
	s6 =	sadd.s32 $0x16E00, s6;
	v0 =	vadd.f32 v0, v8  }
0x3e9: {  	v15 =	vld [tilespmem:$0x14CE0];
	s10 =	sadd.s32 s4, s6  }
0x3ea: {  	s30 =	sor.u32 $0x2, s0;
	s0 =	sshll.u32 s0, $0x7;
	v17 =	vld [tilespmem:$0x14CF0];
	v14 =	vadd.s32 $0x3E8, v3;
	v5 =	vadd.f32 v5, v13;
	[tilespmem:s10+$0x0] =	vst v0  }
0x3eb: {  	s9 =	sadd.s32 s0, s6;
	v10 =	vld.idx.msk [tilespmem:v10+s3+$0x0], $0xffff  }
0x3ec: {  	s12 =	sshll.u32 s30, $0x4;
	s15 =	sshll.u32 s25, $0x7;
	v11 =	vld.idx.msk [tilespmem:v11+s3+$0x0], $0xffff;
	v4 =	vadd.f32 v4, v1;
	[tilespmem:s9+$0x0] =	vst v5  }
0x3ed: {  	s2 =	sor.u32 s12, s2;
	s8 =	sadd.s32 s15, s6;
	v5 =	vld.idx.msk [tilespmem:v3+s3+$0x0], $0xffff  }
0x3ee: {  	v0 =	vld [tilespmem:s2+$0x0];
	[tilespmem:s8+$0x0] =	vst v4;
	v4 =	vadd.s32 $0xBB8, v9  }
0x3ef: {  	v14 =	vld.idx.msk [tilespmem:v14+s3+$0x0], $0xffff  }
0x3f0: {  	v10 =	vadd.f32 v10, v8  }
0x3f1: {  	v16 =	vadd.s32 $0x7D0, v3  }
0x3f2: {  	v5 =	vadd.f32 v5, v13;
	[tilespmem:s10+$0x10] =	vst v10  }
0x3f3: {  	s16 =	sshll.u32 s30, $0x7;
	v18 =	vadd.s32 $0x3E8, v9;
	v11 =	vadd.f32 v11, v0;
	v4 =	vld.idx.msk [tilespmem:v4+s3+$0x0], $0xffff  }
0x3f4: {  	s6 =	sadd.s32 s16, s6;
	[tilespmem:s9+$0x10] =	vst v5;
	v10 =	vadd.f32 v14, v1  }
0x3f5: {  	[tilespmem:s6+$0x0] =	vst v11;
	v5 =	vld.idx.msk [tilespmem:v9+s3+$0x0], $0xffff  }
0x3f6: {  	v11 =	vld.idx.msk [tilespmem:v16+s3+$0x0], $0xffff;
	[tilespmem:s8+$0x10] =	vst v10;
	v10 =	vadd.s32 $0xBB8, v7;
	_ =	sdelay $0x1  }
0x3f7: {  	v14 =	vld.idx.msk [tilespmem:v18+s3+$0x0], $0xffff;
	v4 =	vadd.f32 v4, v8  }
0x3f8: {  	v16 =	vadd.s32 $0x7D0, v9  }
0x3f9: {  	[tilespmem:s10+$0x20] =	vst v4  }
0x3fa: {  	v11 =	vadd.f32 v11, v0;
	v4 =	vadd.f32 v5, v13;
	v5 =	vld.idx.msk [tilespmem:v10+s3+$0x0], $0xffff;
	v10 =	vadd.s32 $0xFA0, v2  }
0x3fb: {  	s20 =	sadd.s32 $0x0, s18;
	s19 =	simm.s32 $0x4  }
0x3fc: {  	s0 =	sand.u32 $0x4, s19;
	s2 =	sshll.u32 s20, $0x7;
	[tilespmem:s6+$0x10] =	vst v11;
	v2 =	vadd.f32 v14, v1;
	v11 =	vadd.s32 $0xBB8, v10  }
0x3fd: {  	s23 =	sor.u32 $0x3, s0;
	s2 =	sand.u32 $0x3FFFFF80, s2;
	v16 =	vld.idx.msk [tilespmem:v16+s3+$0x0], $0xffff;
	[tilespmem:s9+$0x20] =	vst v4  }
0x3fe: {  	s24 =	sshll.u32 s23, $0x4;
	s2 =	sadd.s32 $0xFA00, s2;
	v19 =	vld.idx.msk [tilespmem:v7+s3+$0x0], $0xffff;
	[tilespmem:s8+$0x20] =	vst v2;
	v2 =	vadd.s32 $0xBB8, v6  }
0x3ff: {  	s11 =	sor.u32 s24, s2;
	v18 =	vadd.s32 $0x3E8, v7;
	v20 =	vld.idx.msk [tilespmem:v10+s3+$0x0], $0xffff  }
0x400: {  	s25 =	sshll.u32 s0, $0x4;
	v4 =	vadd.f32 v5, v8;
	v5 =	vld [tilespmem:s11+$0x0]  }
0x401: {  	s15 =	sor.u32 s25, s2;
	v11 =	vld.idx.msk [tilespmem:v11+s3+$0x0], $0xffff  }
0x402: {  	s12 =	sor.u32 $0x1, s0;
	v21 =	vadd.s32 $0x3E8, v10;
	[tilespmem:s10+$0x30] =	vst v4;
	v4 =	vld [tilespmem:s15+$0x0]  }
0x403: {  	s26 =	sor.u32 $0x2, s0;
	s28 =	sshll.u32 s12, $0x4;
	v22 =	vadd.s32 $0x7D0, v10;
	v23 =	vld.idx.msk [tilespmem:v2+s3+$0x0], $0xffff  }
0x404: {  	s30 =	simm.s32 $0x200;
	v24 =	vadd.s32 $0x7D0, v7;
	s29 =	sshll.u32 s26, $0x4;
	v14 =	vadd.s32 $0xFA0, v3;
	v18 =	vld.idx.msk [tilespmem:v18+s3+$0x0], $0xffff;
	s11 =	sor.u32 s28, s2  }
0x405: {  	v25 =	vadd.s32 $0xBB8, v14;
	v16 =	vadd.f32 v16, v0;
	s2 =	sor.u32 s29, s2;
	v3 =	vld [tilespmem:s11+$0x0];
	s11 =	sand.u32 $0x3FFFFC00, s30  }
0x406: {  	s4 =	sshll.u32 s23, $0x7;
	v2 =	vld [tilespmem:s2+$0x0];
	s2 =	sadd.s32 $0x16E00, s11;
	v11 =	vadd.f32 v11, v5  }
0x407: {  	s0 =	sshll.u32 s0, $0x7;
	v26 =	vadd.s32 $0xBB8, v12;
	v21 =	vld.idx.msk [tilespmem:v21+s3+$0x0], $0xffff;
	[tilespmem:s6+$0x20] =	vst v16;
	s16 =	sadd.s32 s4, s2;
	v20 =	vadd.f32 v20, v4  }
0x408: {  	v16 =	vld.idx.msk [tilespmem:v22+s3+$0x0], $0xffff;
	s11 =	sadd.s32 s0, s2;
	v22 =	vadd.f32 v23, v8;
	[tilespmem:s16+$0x0] =	vst v11  }
0x409: {  	v24 =	vld.idx.msk [tilespmem:v24+s3+$0x0], $0xffff;
	v23 =	vadd.s32 $0x3E8, v6;
	v11 =	vadd.f32 v19, v13;
	[tilespmem:s11+$0x0] =	vst v20  }
0x40a: {  	v19 =	vadd.s32 $0x3E8, v14;
	v25 =	vld.idx.msk [tilespmem:v25+s3+$0x0], $0xffff;
	[tilespmem:s10+$0x40] =	vst v22  }
0x40b: {  	v27 =	vadd.s32 $0x7D0, v14;
	v22 =	vadd.f32 v18, v1;
	[tilespmem:s9+$0x30] =	vst v11;
	v11 =	vld.idx.msk [tilespmem:v14+s3+$0x0], $0xffff  }
0x40c: {  	s15 =	sshll.u32 s12, $0x7;
	v21 =	vadd.f32 v21, v3;
	v18 =	vadd.s32 $0xFA0, v9;
	v20 =	vld.idx.msk [tilespmem:v26+s3+$0x0], $0xffff;
	v26 =	vadd.s32 $0x7D0, v6  }
0x40d: {  	s20 =	sshll.u32 s26, $0x7;
	s15 =	sadd.s32 s15, s2;
	v16 =	vadd.f32 v16, v2;
	v9 =	vld.idx.msk [tilespmem:v6+s3+$0x0], $0xffff;
	[tilespmem:s8+$0x30] =	vst v22;
	v22 =	vadd.s32 $0xBB8, v18  }
0x40e: {  	s2 =	sadd.s32 s20, s2;
	[tilespmem:s15+$0x0] =	vst v21;
	v21 =	vadd.f32 v24, v0;
	v23 =	vld.idx.msk [tilespmem:v23+s3+$0x0], $0xffff  }
0x40f: {  	v24 =	vadd.s32 $0xBB8, v15;
	[tilespmem:s2+$0x0] =	vst v16;
	v19 =	vld.idx.msk [tilespmem:v19+s3+$0x0], $0xffff;
	v16 =	vadd.f32 v25, v5  }
0x410: {  	[tilespmem:s6+$0x30] =	vst v21;
	v25 =	vld.idx.msk [tilespmem:v27+s3+$0x0], $0xffff;
	v11 =	vadd.f32 v11, v4  }
0x411: {  	v21 =	vadd.s32 $0x3E8, v12;
	v20 =	vadd.f32 v20, v8;
	[tilespmem:s16+$0x10] =	vst v16;
	v26 =	vld.idx.msk [tilespmem:v26+s3+$0x0], $0xffff  }
0x412: {  	v27 =	vadd.s32 $0x3E8, v18;
	v9 =	vadd.f32 v9, v13;
	v22 =	vld.idx.msk [tilespmem:v22+s3+$0x0], $0xffff;
	[tilespmem:s11+$0x10] =	vst v11  }
0x413: {  	[tilespmem:s10+$0x50] =	vst v20;
	v20 =	vadd.s32 $0x7D0, v18;
	v23 =	vadd.f32 v23, v1;
	v28 =	vld.idx.msk [tilespmem:v18+s3+$0x0], $0xffff  }
0x414: {  	v16 =	vadd.s32 $0xFA0, v7;
	v19 =	vadd.f32 v19, v3;
	[tilespmem:s9+$0x40] =	vst v9;
	v11 =	vld.idx.msk [tilespmem:v24+s3+$0x0], $0xffff;
	v24 =	vadd.s32 $0x7D0, v12  }
0x415: {  	v7 =	vadd.f32 v25, v2;
	v9 =	vld.idx.msk [tilespmem:v12+s3+$0x0], $0xffff;
	[tilespmem:s8+$0x40] =	vst v23;
	v23 =	vadd.s32 $0xBB8, v16  }
0x416: {  	[tilespmem:s15+$0x10] =	vst v19;
	v19 =	vld.idx.msk [tilespmem:v21+s3+$0x0], $0xffff;
	v21 =	vadd.f32 v26, v0  }
0x417: {  	v25 =	vadd.s32 $0xBB8, v17;
	v26 =	vld.idx.msk [tilespmem:v27+s3+$0x0], $0xffff;
	[tilespmem:s2+$0x10] =	vst v7;
	v7 =	vadd.f32 v22, v5  }
0x418: {  	v20 =	vld.idx.msk [tilespmem:v20+s3+$0x0], $0xffff;
	[tilespmem:s6+$0x40] =	vst v21;
	v22 =	vadd.f32 v28, v4  }
0x419: {  	s23 =	sadd.s32 $0x1, s18;
	v11 =	vadd.f32 v11, v8;
	[tilespmem:s16+$0x20] =	vst v7;
	v24 =	vld.idx.msk [tilespmem:v24+s3+$0x0], $0xffff  }
0x41a: {  	s24 =	simm.s32 $0x8;
	s0 =	sshll.u32 s23, $0x7;
	v7 =	vadd.s32 $0x3E8, v16;
	v9 =	vadd.f32 v9, v13;
	v23 =	vld.idx.msk [tilespmem:v23+s3+$0x0], $0xffff;
	[tilespmem:s11+$0x20] =	vst v22  }
0x41b: {  	v10 =	vadd.s32 $0xFA0, v10;
	s4 =	sand.u32 $0x4, s24;
	s0 =	sand.u32 $0x3FFFFF80, s0;
	[tilespmem:s10+$0x60] =	vst v11;
	v11 =	vadd.f32 v19, v1;
	v22 =	vld.idx.msk [tilespmem:v16+s3+$0x0], $0xffff  }
0x41c: {  	v29 =	vadd.s32 $0x3E8, v10;
	s28 =	sshll.u32 s4, $0x4;
	s0 =	sadd.s32 $0xFA00, s0;
	[tilespmem:s9+$0x50] =	vst v9;
	v19 =	vld.idx.msk [tilespmem:v25+s3+$0x0], $0xffff;
	v25 =	vadd.f32 v26, v3  }
0x41d: {  	s25 =	sor.u32 $0x3, s4;
	s23 =	sor.u32 s28, s0;
	v9 =	vadd.s32 $0xBB8, v10;
	v26 =	vld.idx.msk [tilespmem:v15+s3+$0x0], $0xffff;
	[tilespmem:s8+$0x50] =	vst v11  }
0x41e: {  	s26 =	sshll.u32 s25, $0x4;
	v11 =	vadd.s32 $0xFA0, v6;
	v6 =	vld [tilespmem:s23+$0x0];
	[tilespmem:s15+$0x20] =	vst v25  }
0x41f: {  	v30 =	vadd.s32 $0x7D0, v10;
	s19 =	sor.u32 s26, s0;
	v20 =	vadd.f32 v20, v2;
	v25 =	vld.idx.msk [tilespmem:v7+s3+$0x0], $0xffff  }
0x420: {  	s20 =	sor.u32 $0x1, s4;
	v27 =	vadd.s32 $0xBB8, v11;
	v7 =	vld [tilespmem:s19+$0x0]  }
0x421: {  	s29 =	sshll.u32 s20, $0x4;
	v23 =	vadd.f32 v23, v5;
	[tilespmem:s2+$0x20] =	vst v20;
	v20 =	vadd.f32 v24, v0;
	v24 =	vld.idx.msk [tilespmem:v29+s3+$0x0], $0xffff  }
0x422: {  	s19 =	sor.u32 s29, s0;
	v28 =	vld.idx.msk [tilespmem:v9+s3+$0x0], $0xffff;
	v22 =	vadd.f32 v22, v4  }
0x423: {  	v21 =	vadd.s32 $0x3E8, v15;
	v9 =	vld [tilespmem:s19+$0x0];
	[tilespmem:s16+$0x30] =	vst v23  }
0x424: {  	s30 =	sor.u32 $0x2, s4;
	v23 =	vadd.s32 $0x7D0, v16;
	[tilespmem:s11+$0x30] =	vst v22;
	v22 =	vld.idx.msk [tilespmem:v30+s3+$0x0], $0xffff  }
0x425: {  	s23 =	sshll.u32 s30, $0x4;
	v8 =	vadd.f32 v19, v8;
	v19 =	vld.idx.msk [tilespmem:v27+s3+$0x0], $0xffff  }
0x426: {  	s26 =	simm.s32 $0x400;
	v14 =	vadd.s32 $0xFA0, v14;
	s0 =	sor.u32 s23, s0;
	v30 =	vadd.s32 $0x3E8, v11;
	v27 =	vld.idx.msk [tilespmem:v10+s3+$0x0], $0xffff  }
0x427: {  	v31 =	vadd.s32 $0xBB8, v14;
	[tilespmem:s10+$0x70] =	vst v8;
	v8 =	vld [tilespmem:s0+$0x0];
	s0 =	sand.u32 $0x3FFFFC00, s26;
	v25 =	vadd.f32 v25, v3  }
0x428: {  	s28 =	sshll.u32 s25, $0x7;
	v60 =	vadd.s32 $0x3E8, v14;
	v12 =	vadd.s32 $0xFA0, v12;
	v21 =	vld.idx.msk [tilespmem:v21+s3+$0x0], $0xffff;
	[tilespmem:s6+$0x50] =	vst v20;
	s0 =	sadd.s32 $0x16E00, s0;
	v28 =	vadd.f32 v28, v7  }
0x429: {  	v29 =	vadd.s32 $0xBB8, v12;
	s29 =	sshll.u32 s20, $0x7;
	s19 =	sadd.s32 s28, s0;
	v24 =	vadd.f32 v24, v9;
	v20 =	vld.idx.msk [tilespmem:v23+s3+$0x0], $0xffff;
	[tilespmem:s15+$0x30] =	vst v25  }
0x42a: {  	s25 =	sadd.s32 s29, s0;
	[tilespmem:s19+$0x0] =	vst v28;
	v28 =	vld.idx.msk [tilespmem:v11+s3+$0x0], $0xffff;
	v19 =	vadd.f32 v19, v5  }
0x42b: {  	s4 =	sshll.u32 s4, $0x7;
	v23 =	vadd.s32 $0x7D0, v15;
	v30 =	vld.idx.msk [tilespmem:v30+s3+$0x0], $0xffff;
	[tilespmem:s25+$0x0] =	vst v24;
	v27 =	vadd.f32 v27, v6  }
0x42c: {  	s23 =	sadd.s32 s4, s0;
	v31 =	vld.idx.msk [tilespmem:v31+s3+$0x0], $0xffff;
	[tilespmem:s16+$0x40] =	vst v19;
	v19 =	vadd.f32 v26, v13;
	v26 =	vadd.s32 $0x7D0, v14  }
0x42d: {  	s30 =	sshll.u32 s30, $0x7;
	v22 =	vadd.f32 v22, v8;
	v24 =	vld.idx.msk [tilespmem:v60+s3+$0x0], $0xffff;
	[tilespmem:s23+$0x0] =	vst v27  }
0x42e: {  	s10 =	sadd.s32 s30, s0;
	v27 =	vld.idx.msk [tilespmem:v29+s3+$0x0], $0xffff;
	[tilespmem:s9+$0x60] =	vst v19;
	v19 =	vadd.s32 $0xFA0, v18;
	v18 =	vadd.f32 v21, v1  }
0x42f: {  	[tilespmem:s10+$0x0] =	vst v22;
	v25 =	vld.idx.msk [tilespmem:v14+s3+$0x0], $0xffff;
	v29 =	vadd.s32 $0x7D0, v11;
	v28 =	vadd.f32 v28, v4  }
0x430: {  	v15 =	vadd.s32 $0xFA0, v15;
	v23 =	vld.idx.msk [tilespmem:v23+s3+$0x0], $0xffff;
	v21 =	vadd.s32 $0xBB8, v19;
	[tilespmem:s8+$0x60] =	vst v18  }
0x431: {  	v22 =	vadd.s32 $0xBB8, v15;
	v20 =	vadd.f32 v20, v2;
	[tilespmem:s11+$0x40] =	vst v28;
	v18 =	vld.idx.msk [tilespmem:v26+s3+$0x0], $0xffff  }
0x432: {  	v26 =	vadd.f32 v31, v7;
	v35 =	vld.idx.msk [tilespmem:v12+s3+$0x0], $0xffff  }
0x433: {  	[tilespmem:s2+$0x30] =	vst v20;
	v31 =	vadd.s32 $0x3E8, v12;
	v20 =	vadd.f32 v27, v5;
	v27 =	vld.idx.msk [tilespmem:v17+s3+$0x0], $0xffff  }
0x434: {  	v25 =	vadd.f32 v25, v6;
	[tilespmem:s19+$0x10] =	vst v26;
	v26 =	vld.idx.msk [tilespmem:v29+s3+$0x0], $0xffff;
	v29 =	vadd.s32 $0x3E8, v19  }
0x435: {  	v61 =	vld.idx.msk [tilespmem:v21+s3+$0x0], $0xffff;
	[tilespmem:s16+$0x50] =	vst v20;
	v20 =	vadd.s32 $0x7D0, v19;
	v21 =	vadd.f32 v30, v3  }
0x436: {  	v24 =	vadd.f32 v24, v9;
	[tilespmem:s23+$0x10] =	vst v25;
	v25 =	vadd.s32 $0x3E8, v17;
	v22 =	vld.idx.msk [tilespmem:v22+s3+$0x0], $0xffff  }
0x437: {  	v34 =	vadd.s32 $0x7D0, v12;
	v62 =	vld.idx.msk [tilespmem:v19+s3+$0x0], $0xffff;
	v18 =	vadd.f32 v18, v8;
	[tilespmem:s15+$0x40] =	vst v21;
	v21 =	vadd.s32 $0xFA0, v16  }
0x438: {  	[tilespmem:s25+$0x10] =	vst v24;
	v23 =	vadd.f32 v23, v0;
	v16 =	vadd.s32 $0xFA0, v17;
	v24 =	vadd.s32 $0xBB8, v21;
	v36 =	vld.idx.msk [tilespmem:v31+s3+$0x0], $0xffff  }
0x439: {  	v37 =	vadd.s32 $0xBB8, v16;
	v30 =	vld.idx.msk [tilespmem:v29+s3+$0x0], $0xffff;
	[tilespmem:s10+$0x10] =	vst v18;
	v18 =	vadd.f32 v26, v2  }
0x43a: {  	[tilespmem:s6+$0x60] =	vst v23;
	v29 =	vld.idx.msk [tilespmem:v20+s3+$0x0], $0xffff;
	v26 =	vadd.f32 v61, v7  }
0x43b: {  	v23 =	vadd.s32 $0x3E8, v15;
	v17 =	vadd.s32 $0x7D0, v17;
	v25 =	vld.idx.msk [tilespmem:v25+s3+$0x0], $0xffff;
	[tilespmem:s2+$0x40] =	vst v18;
	v63 =	vadd.f32 v22, v5  }
0x43c: {  	v33 =	vadd.f32 v35, v4;
	v28 =	vadd.s32 $0x3E8, v21;
	v38 =	vadd.f32 v62, v6;
	[tilespmem:s19+$0x20] =	vst v26;
	v26 =	vld.idx.msk [tilespmem:v34+s3+$0x0], $0xffff  }
0x43d: {  	v27 =	vadd.f32 v27, v13;
	v13 =	vadd.s32 $0x7D0, v16;
	v20 =	vadd.s32 $0x7D0, v15;
	v31 =	vld.idx.msk [tilespmem:v24+s3+$0x0], $0xffff;
	[tilespmem:s16+$0x60] =	vst v63  }
0x43e: {  	v22 =	vadd.s32 $0x7D0, v21;
	v18 =	vadd.s32 $0x3E8, v16;
	[tilespmem:s23+$0x20] =	vst v38;
	v32 =	vadd.f32 v36, v3;
	v24 =	vld.idx.msk [tilespmem:v37+s3+$0x0], $0xffff  }
.LBB2_13:
0x43f: {  	s24 =	sadd.s32 $0x4, s24;
	v34 =	vld.idx.msk [tilespmem:v21+s3+$0x0], $0xffff;
	v30 =	vadd.f32 v30, v9;
	v10 =	vadd.s32 $0xFA0, v10;
	[tilespmem:s11+$0x50] =	vst v33  }
0x440: {  	s0 =	sshrl.u32 s24, $0x3;
	v33 =	vadd.s32 $0x3E8, v10;
	v35 =	vadd.s32 $0x7D0, v10;
	v36 =	vadd.s32 $0xBB8, v10;
	v37 =	vld.idx.msk [tilespmem:v15+s3+$0x0], $0xffff;
	[tilespmem:s15+$0x50] =	vst v32  }
0x441: {  	v29 =	vadd.f32 v29, v8;
	v11 =	vadd.s32 $0xFA0, v11;
	p1 =	slt.u32 s24, $0x3C;
	s0 =	sadd.s32 s18, s0;
	[tilespmem:s25+$0x20] =	vst v30;
	v23 =	vld.idx.msk [tilespmem:v23+s3+$0x0], $0xffff;
	v30 =	vadd.f32 v25, v1  }
0x442: {  	s4 =	sand.u32 $0x4, s24;
	v32 =	vadd.s32 $0x3E8, v11;
	v38 =	vadd.s32 $0xBB8, v11;
	v25 =	vadd.s32 $0x7D0, v11;
	v1 =	vmovc v3;
	v3 =	vmovc v9;
	s0 =	sshll.u32 s0, $0x7;
	v28 =	vld.idx.msk [tilespmem:v28+s3+$0x0], $0xffff;
	[tilespmem:s9+$0x70] =	vst v27;
	s9 =	smov.u32 s11  }
0x443: {  	s20 =	sor.u32 $0x3, s4;
	v26 =	vadd.f32 v26, v2;
	s11 =	sor.u32 $0x1, s4;
	v9 =	vadd.f32 v31, v7;
	s0 =	sand.u32 $0x3FFFFF80, s0;
	[tilespmem:s10+$0x20] =	vst v29;
	v27 =	vld.idx.msk [tilespmem:v17+s3+$0x0], $0xffff;
	v17 =	vmov v13  }
0x444: {  	s12 =	sor.u32 $0x2, s4;
	s26 =	sshll.u32 s20, $0x4;
	v24 =	vadd.f32 v24, v5;
	v5 =	vmov v7;
	s0 =	sadd.s32 $0xFA00, s0;
	v13 =	vld.idx.msk [tilespmem:v10+s3+$0x0], $0xffff;
	[tilespmem:s8+$0x70] =	vst v30  }
0x445: {  	s28 =	sshll.u32 s12, $0x4;
	s8 =	sshll.u32 s11, $0x4;
	v30 =	vadd.f32 v34, v6;
	s26 =	sor.u32 s26, s0;
	v29 =	vld.idx.msk [tilespmem:v36+s3+$0x0], $0xffff;
	[tilespmem:s19+$0x30] =	vst v9  }
0x446: {  	s29 =	sshll.u32 s4, $0x4;
	s30 =	sor.u32 s8, s0;
	s28 =	sor.u32 s28, s0;
	v31 =	vadd.f32 v37, v4;
	v7 =	vld [tilespmem:s26+$0x0];
	[tilespmem:s16+$0x70] =	vst v24  }
0x447: {  	s12 =	sshll.u32 s12, $0x7;
	s0 =	sor.u32 s29, s0;
	s26 =	sshll.u32 s11, $0x7;
	v23 =	vadd.f32 v23, v1;
	[tilespmem:s23+$0x30] =	vst v30;
	v30 =	vld.idx.msk [tilespmem:v38+s3+$0x0], $0xffff  }
0x448: {  	s8 =	smov.u32 s15;
	s11 =	smov.u32 s23;
	v28 =	vadd.f32 v28, v3;
	v24 =	vld [tilespmem:s0+$0x0];
	s0 =	sshll.u32 s4, $0x7;
	[tilespmem:s2+$0x50] =	vst v26  }
0x449: {  	v14 =	vadd.s32 $0xFA0, v14;
	s15 =	smov.u32 s25;
	s16 =	smov.u32 s19;
	v26 =	vadd.f32 v27, v0;
	v0 =	vmovc v2;
	v2 =	vmov v8;
	v9 =	vld [tilespmem:s30+$0x0];
	[tilespmem:s9+$0x60] =	vst v31  }
0x44a: {  	v12 =	vadd.s32 $0xFA0, v12;
	s4 =	sshll.u32 s24, $0x7;
	v27 =	vadd.s32 $0x3E8, v14;
	v31 =	vadd.s32 $0xBB8, v14;
	v8 =	vld [tilespmem:s28+$0x0];
	[tilespmem:s15+$0x30] =	vst v28  }
0x44b: {  	v34 =	vadd.s32 $0x3E8, v12;
	v36 =	vadd.s32 $0xBB8, v12;
	s4 =	sand.u32 $0x3FFFFC00, s4;
	v28 =	vld.idx.msk [tilespmem:v33+s3+$0x0], $0xffff;
	v33 =	vadd.s32 $0x7D0, v14;
	[tilespmem:s8+$0x60] =	vst v23  }
0x44c: {  	s19 =	sshll.u32 s20, $0x7;
	s4 =	sadd.s32 $0x16E00, s4;
	v29 =	vadd.f32 v29, v7;
	v23 =	vld.idx.msk [tilespmem:v35+s3+$0x0], $0xffff;
	v35 =	vadd.s32 $0x7D0, v12;
	[tilespmem:s6+$0x70] =	vst v26;
	s6 =	smov.u32 s2  }
0x44d: {  	s23 =	sadd.s32 s0, s4;
	s25 =	sadd.s32 s26, s4;
	s19 =	sadd.s32 s19, s4;
	v26 =	vadd.f32 v30, v5;
	v13 =	vadd.f32 v13, v24;
	v22 =	vld.idx.msk [tilespmem:v22+s3+$0x0], $0xffff  }
0x44e: {  	s2 =	smov.u32 s10;
	s10 =	sadd.s32 s12, s4;
	[tilespmem:s19+$0x0] =	vst v29;
	v29 =	vld.idx.msk [tilespmem:v11+s3+$0x0], $0xffff  }
0x44f: {  	v30 =	vld.idx.msk [tilespmem:v31+s3+$0x0], $0xffff;
	[tilespmem:s16+$0x40] =	vst v26  }
0x450: {  	[tilespmem:s23+$0x0] =	vst v13;
	v13 =	vld.idx.msk [tilespmem:v36+s3+$0x0], $0xffff  }
0x451: {  	v28 =	vadd.f32 v28, v9;
	v26 =	vld.idx.msk [tilespmem:v14+s3+$0x0], $0xffff  }
0x452: {  	v19 =	vadd.s32 $0xFA0, v19;
	v23 =	vadd.f32 v23, v8;
	v31 =	vld.idx.msk [tilespmem:v32+s3+$0x0], $0xffff  }
0x453: {  	v15 =	vadd.s32 $0xFA0, v15;
	v32 =	vadd.s32 $0x3E8, v19;
	[tilespmem:s25+$0x0] =	vst v28;
	v28 =	vadd.s32 $0xBB8, v19;
	v36 =	vld.idx.msk [tilespmem:v20+s3+$0x0], $0xffff  }
0x454: {  	v37 =	vadd.s32 $0x7D0, v19;
	v38 =	vadd.s32 $0xBB8, v15;
	v22 =	vadd.f32 v22, v2;
	v27 =	vld.idx.msk [tilespmem:v27+s3+$0x0], $0xffff;
	[tilespmem:s10+$0x0] =	vst v23  }
0x455: {  	v29 =	vadd.f32 v29, v6;
	v30 =	vadd.f32 v30, v7;
	v23 =	vadd.s32 $0x3E8, v15;
	v33 =	vld.idx.msk [tilespmem:v33+s3+$0x0], $0xffff  }
0x456: {  	v20 =	vadd.s32 $0x7D0, v15;
	v13 =	vadd.f32 v13, v5;
	[tilespmem:s2+$0x30] =	vst v22;
	v39 =	vld.idx.msk [tilespmem:v16+s3+$0x0], $0xffff  }
0x457: {  	v22 =	vadd.f32 v26, v24;
	[tilespmem:s19+$0x10] =	vst v30;
	v25 =	vld.idx.msk [tilespmem:v25+s3+$0x0], $0xffff  }
0x458: {  	v26 =	vld.idx.msk [tilespmem:v28+s3+$0x0], $0xffff;
	v28 =	vadd.f32 v31, v3;
	[tilespmem:s16+$0x50] =	vst v13  }
0x459: {  	v36 =	vadd.f32 v36, v0;
	[tilespmem:s23+$0x10] =	vst v22;
	v31 =	vld.idx.msk [tilespmem:v38+s3+$0x0], $0xffff  }
0x45a: {  	v13 =	vadd.f32 v27, v9;
	v38 =	vld.idx.msk [tilespmem:v19+s3+$0x0], $0xffff;
	[tilespmem:s11+$0x40] =	vst v29  }
0x45b: {  	v21 =	vadd.s32 $0xFA0, v21;
	v27 =	vadd.f32 v33, v8;
	v33 =	vld.idx.msk [tilespmem:v12+s3+$0x0], $0xffff;
	[tilespmem:s15+$0x40] =	vst v28  }
0x45c: {  	v40 =	vadd.s32 $0xBB8, v21;
	v16 =	vadd.s32 $0xFA0, v16;
	v28 =	vadd.s32 $0x3E8, v21;
	[tilespmem:s25+$0x10] =	vst v13;
	v34 =	vld.idx.msk [tilespmem:v34+s3+$0x0], $0xffff  }
0x45d: {  	v41 =	vadd.s32 $0xBB8, v16;
	v22 =	vadd.s32 $0x7D0, v21;
	v25 =	vadd.f32 v25, v2;
	v30 =	vld.idx.msk [tilespmem:v32+s3+$0x0], $0xffff;
	[tilespmem:s10+$0x10] =	vst v27  }
.Ltmp7:
0x45e: {  	v13 =	vadd.s32 $0x7D0, v16;
	v26 =	vadd.f32 v26, v7;
	v32 =	vadd.s32 $0x3E8, v16;
	v29 =	vld.idx.msk [tilespmem:v37+s3+$0x0], $0xffff;
	[tilespmem:s6+$0x60] =	vst v36;
	(pc) =	sbr.rel @p1 .LBB2_13-.Ltmp7, $4  }
0x45f: {  	v27 =	vadd.f32 v39, v4;
	v4 =	vmov v6;
	v36 =	vadd.f32 v31, v5;
	[tilespmem:s2+$0x40] =	vst v25;
	v25 =	vld.idx.msk [tilespmem:v18+s3+$0x0], $0xffff  }
0x460: {  	v6 =	vmov v24;
	v37 =	vadd.f32 v38, v24;
	v18 =	vmov v32;
	[tilespmem:s19+$0x20] =	vst v26;
	v26 =	vld.idx.msk [tilespmem:v35+s3+$0x0], $0xffff  }
0x461: {  	v33 =	vadd.f32 v33, v4;
	v31 =	vld.idx.msk [tilespmem:v40+s3+$0x0], $0xffff;
	[tilespmem:s16+$0x60] =	vst v36  }
0x462: {  	v32 =	vadd.f32 v34, v3;
	[tilespmem:s23+$0x20] =	vst v37;
	v24 =	vld.idx.msk [tilespmem:v41+s3+$0x0], $0xffff  }
0x463: {  	_ =	sdelay $0x1  }
0x464: {  	v10 =	vadd.f32 v30, v9;
	_ =	sdelay $0x1  }
0x465: {  	v14 =	vadd.f32 v29, v8;
	v19 =	vld.idx.msk [tilespmem:v21+s3+$0x0], $0xffff;
	[tilespmem:s25+$0x20] =	vst v10;
	v10 =	vadd.s32 $0xFA0, v11  }
0x466: {  	v11 =	vld.idx.msk [tilespmem:v28+s3+$0x0], $0xffff;
	v21 =	vadd.s32 $0xBB8, v10  }
0x467: {  	[tilespmem:s10+$0x20] =	vst v14  }
0x468: {  	v14 =	vld.idx.msk [tilespmem:v22+s3+$0x0], $0xffff;
	v22 =	vadd.f32 v31, v7  }
0x469: {  	v28 =	vadd.s32 $0x3E8, v10  }
0x46a: {  	v19 =	vadd.f32 v19, v6;
	[tilespmem:s19+$0x30] =	vst v22  }
0x46b: {  	v29 =	vadd.s32 $0x7D0, v10;
	v21 =	vld.idx.msk [tilespmem:v21+s3+$0x0], $0xffff;
	v11 =	vadd.f32 v11, v9  }
0x46c: {  	[tilespmem:s23+$0x30] =	vst v19  }
0x46d: {  	v14 =	vadd.f32 v14, v8;
	v10 =	vld.idx.msk [tilespmem:v10+s3+$0x0], $0xffff;
	[tilespmem:s25+$0x30] =	vst v11;
	v11 =	vadd.s32 $0xFA0, v12  }
0x46e: {  	v12 =	vadd.s32 $0xBB8, v11;
	v19 =	vld.idx.msk [tilespmem:v28+s3+$0x0], $0xffff  }
0x46f: {  	[tilespmem:s10+$0x30] =	vst v14  }
0x470: {  	v14 =	vld.idx.msk [tilespmem:v29+s3+$0x0], $0xffff;
	v21 =	vadd.f32 v21, v7  }
0x471: {  	v22 =	vadd.s32 $0x3E8, v11  }
0x472: {  	v10 =	vadd.f32 v10, v6;
	[tilespmem:s19+$0x40] =	vst v21  }
0x473: {  	[tilespmem:s11+$0x50] =	vst v33;
	v12 =	vld.idx.msk [tilespmem:v12+s3+$0x0], $0xffff;
	v19 =	vadd.f32 v19, v9  }
0x474: {  	v28 =	vadd.s32 $0x7D0, v11;
	[tilespmem:s23+$0x40] =	vst v10  }
0x475: {  	v1 =	vadd.f32 v25, v1;
	v10 =	vadd.f32 v14, v8;
	v14 =	vadd.s32 $0xFA0, v15;
	v11 =	vld.idx.msk [tilespmem:v11+s3+$0x0], $0xffff;
	[tilespmem:s25+$0x40] =	vst v19  }
0x476: {  	[tilespmem:s15+$0x50] =	vst v32;
	v19 =	vadd.s32 $0xBB8, v14;
	v21 =	vld.idx.msk [tilespmem:v22+s3+$0x0], $0xffff  }
0x477: {  	v23 =	vld.idx.msk [tilespmem:v23+s3+$0x0], $0xffff;
	[tilespmem:s8+$0x70] =	vst v1;
	v22 =	vadd.f32 v26, v2  }
0x478: {  	v15 =	vld.idx.msk [tilespmem:v15+s3+$0x0], $0xffff;
	[tilespmem:s10+$0x40] =	vst v10;
	v12 =	vadd.f32 v12, v7  }
0x479: {  	v5 =	vadd.f32 v24, v5;
	v1 =	vadd.s32 $0x3E8, v14;
	v10 =	vld.idx.msk [tilespmem:v28+s3+$0x0], $0xffff;
	[tilespmem:s2+$0x50] =	vst v22  }
0x47a: {  	v11 =	vadd.f32 v11, v6;
	v20 =	vld.idx.msk [tilespmem:v20+s3+$0x0], $0xffff;
	[tilespmem:s19+$0x50] =	vst v12  }
0x47b: {  	[tilespmem:s16+$0x70] =	vst v5;
	v12 =	vld.idx.msk [tilespmem:v19+s3+$0x0], $0xffff;
	v19 =	vadd.f32 v21, v9  }
0x47c: {  	v17 =	vld.idx.msk [tilespmem:v17+s3+$0x0], $0xffff;
	v5 =	vadd.f32 v23, v3;
	v25 =	vadd.s32 $0x7D0, v14;
	[tilespmem:s23+$0x50] =	vst v11  }
0x47d: {  	v15 =	vadd.f32 v15, v4;
	v14 =	vld.idx.msk [tilespmem:v14+s3+$0x0], $0xffff;
	[tilespmem:s25+$0x50] =	vst v19  }
0x47e: {  	[tilespmem:s15+$0x60] =	vst v5;
	v11 =	vadd.s32 $0xFA0, v16;
	v10 =	vadd.f32 v10, v8;
	v1 =	vld.idx.msk [tilespmem:v1+s3+$0x0], $0xffff  }
0x47f: {  	[tilespmem:s11+$0x60] =	vst v15;
	v19 =	vadd.s32 $0xBB8, v11;
	v15 =	vadd.f32 v20, v2  }
0x480: {  	v18 =	vld.idx.msk [tilespmem:v18+s3+$0x0], $0xffff;
	[tilespmem:s10+$0x50] =	vst v10;
	v12 =	vadd.f32 v12, v7  }
0x481: {  	v0 =	vadd.f32 v17, v0;
	v10 =	vld.idx.msk [tilespmem:v25+s3+$0x0], $0xffff;
	[tilespmem:s2+$0x60] =	vst v15  }
0x482: {  	v5 =	vld.idx.msk [tilespmem:v16+s3+$0x0], $0xffff;
	[tilespmem:s19+$0x60] =	vst v12;
	v12 =	vadd.f32 v14, v6  }
0x483: {  	[tilespmem:s6+$0x70] =	vst v0;
	v16 =	vadd.s32 $0x3E8, v11;
	v13 =	vld.idx.msk [tilespmem:v13+s3+$0x0], $0xffff;
	v1 =	vadd.f32 v1, v9  }
0x484: {  	v20 =	vadd.s32 $0x7D0, v11;
	v14 =	vld.idx.msk [tilespmem:v19+s3+$0x0], $0xffff;
	[tilespmem:s23+$0x60] =	vst v12  }
0x485: {  	v0 =	vadd.f32 v18, v3;
	[tilespmem:s25+$0x60] =	vst v1;
	v1 =	vld.idx.msk [tilespmem:v11+s3+$0x0], $0xffff  }
0x486: {  	[tilespmem:s9+$0x70] =	vst v27;
	v10 =	vadd.f32 v10, v8  }
0x487: {  	[tilespmem:s15+$0x70] =	vst v0;
	v4 =	vadd.f32 v5, v4  }
0x488: {  	[tilespmem:s10+$0x60] =	vst v10;
	v5 =	vld.idx.msk [tilespmem:v16+s3+$0x0], $0xffff;
	v0 =	vadd.f32 v13, v2  }
0x489: {  	[tilespmem:s11+$0x70] =	vst v4;
	v3 =	vld.idx.msk [tilespmem:v20+s3+$0x0], $0xffff;
	v4 =	vadd.f32 v14, v7  }
0x48a: {  	[tilespmem:s2+$0x70] =	vst v0;
	v1 =	vadd.f32 v1, v6  }
0x48b: {  	[tilespmem:s19+$0x70] =	vst v4  }
0x48c: {  	[tilespmem:s23+$0x70] =	vst v1  }
0x48d: {  	v0 =	vadd.f32 v5, v9;
	s0 =	rddreg [dreg:$0xa]  }
0x48e: {  	v1 =	vadd.f32 v3, v8;
	s0 =	sor.u32 s0, s5  }
0x48f: {  	[tilespmem:s25+$0x70] =	vst v0;
	s0 =	sshrl.u32 s0, $0x3  }
0x490: {  	s16 =	simm.s32 $0x16E00;
	s19 =	simm.s32 $0x5;
	[tilespmem:s10+$0x70] =	vst v1;
	s0 =	sadd.s32 s1, s0  }
0x491: {  	[hbm4b:s0+s21] =	stream.strided.scatter [tilespmem:s16], [sflag:$0x4], $0x2000, s22, s21, $0x38;
	[tilespmem:$0x1CE00] =	vst v63  }
0x492: {  	_ =	swait.ge [sflag:s19], $0x2000  }
0x493: {  	[sflag:s19] =	ssyncset.done $0x0  }
0x494: {  	[sflag:s19] =	ssyncadd.s32 $0xFFFFE000  }
0x495: {  	v2 =	vld [tilespmem:$0x14D00];
	_ =	sdelay $0x3  }
0x496: {  	s20 =	simm.s32 $0x0;
	s23 =	sadd.s32 $0x0, s18  }
0x497: {  	s2 =	sshll.u32 s23, $0x7;
	s0 =	sand.u32 $0x4, s20;
	v3 =	vld [tilespmem:$0x14D10];
	v0 =	vadd.s32 $0xBB8, v2  }
0x498: {  	s2 =	sand.u32 $0x3FFFFF80, s2;
	s4 =	sor.u32 $0x3, s0;
	v9 =	vld [tilespmem:$0x14D20]  }
0x499: {  	s2 =	sadd.s32 $0xFA00, s2;
	s24 =	sshll.u32 s4, $0x4;
	v7 =	vld [tilespmem:$0x14D30]  }
0x49a: {  	s6 =	sor.u32 s24, s2;
	v6 =	vld [tilespmem:$0x14D40]  }
0x49b: {  	s26 =	sshll.u32 s0, $0x4;
	v8 =	vld [tilespmem:s6+$0x0];
	v4 =	vadd.s32 $0x3E8, v2  }
0x49c: {  	s25 =	sor.u32 $0x1, s0;
	s9 =	sor.u32 s26, s2;
	v0 =	vld.idx.msk [tilespmem:v0+s3+$0x0], $0xffff  }
0x49d: {  	s28 =	sshll.u32 s25, $0x4;
	v13 =	vld [tilespmem:s9+$0x0]  }
0x49e: {  	s6 =	sor.u32 s28, s2;
	v5 =	vld.idx.msk [tilespmem:v2+s3+$0x0], $0xffff  }
0x49f: {  	s29 =	simm.s32 $0x0;
	v1 =	vld [tilespmem:s6+$0x0];
	v10 =	vadd.s32 $0xBB8, v3  }
0x4a0: {  	s6 =	sand.u32 $0x3FFFFC00, s29;
	v11 =	vadd.s32 $0x7D0, v2;
	v4 =	vld.idx.msk [tilespmem:v4+s3+$0x0], $0xffff  }
0x4a1: {  	s4 =	sshll.u32 s4, $0x7;
	v12 =	vld [tilespmem:$0x14D50];
	s6 =	sadd.s32 $0x18E00, s6;
	v0 =	vadd.f32 v0, v8  }
0x4a2: {  	v15 =	vld [tilespmem:$0x14D60];
	s10 =	sadd.s32 s4, s6  }
0x4a3: {  	s30 =	sor.u32 $0x2, s0;
	s0 =	sshll.u32 s0, $0x7;
	v17 =	vld [tilespmem:$0x14D70];
	v14 =	vadd.s32 $0x3E8, v3;
	v5 =	vadd.f32 v5, v13;
	[tilespmem:s10+$0x0] =	vst v0  }
0x4a4: {  	s9 =	sadd.s32 s0, s6;
	v10 =	vld.idx.msk [tilespmem:v10+s3+$0x0], $0xffff  }
0x4a5: {  	s12 =	sshll.u32 s30, $0x4;
	s15 =	sshll.u32 s25, $0x7;
	v11 =	vld.idx.msk [tilespmem:v11+s3+$0x0], $0xffff;
	v4 =	vadd.f32 v4, v1;
	[tilespmem:s9+$0x0] =	vst v5  }
0x4a6: {  	s2 =	sor.u32 s12, s2;
	s8 =	sadd.s32 s15, s6;
	v5 =	vld.idx.msk [tilespmem:v3+s3+$0x0], $0xffff  }
0x4a7: {  	v0 =	vld [tilespmem:s2+$0x0];
	[tilespmem:s8+$0x0] =	vst v4;
	v4 =	vadd.s32 $0xBB8, v9  }
0x4a8: {  	v14 =	vld.idx.msk [tilespmem:v14+s3+$0x0], $0xffff  }
0x4a9: {  	v10 =	vadd.f32 v10, v8  }
0x4aa: {  	v16 =	vadd.s32 $0x7D0, v3  }
0x4ab: {  	v5 =	vadd.f32 v5, v13;
	[tilespmem:s10+$0x10] =	vst v10  }
0x4ac: {  	s16 =	sshll.u32 s30, $0x7;
	v18 =	vadd.s32 $0x3E8, v9;
	v11 =	vadd.f32 v11, v0;
	v4 =	vld.idx.msk [tilespmem:v4+s3+$0x0], $0xffff  }
0x4ad: {  	s6 =	sadd.s32 s16, s6;
	[tilespmem:s9+$0x10] =	vst v5;
	v10 =	vadd.f32 v14, v1  }
0x4ae: {  	[tilespmem:s6+$0x0] =	vst v11;
	v5 =	vld.idx.msk [tilespmem:v9+s3+$0x0], $0xffff  }
0x4af: {  	v11 =	vld.idx.msk [tilespmem:v16+s3+$0x0], $0xffff;
	[tilespmem:s8+$0x10] =	vst v10;
	v10 =	vadd.s32 $0xBB8, v7;
	_ =	sdelay $0x1  }
0x4b0: {  	v14 =	vld.idx.msk [tilespmem:v18+s3+$0x0], $0xffff;
	v4 =	vadd.f32 v4, v8  }
0x4b1: {  	v16 =	vadd.s32 $0x7D0, v9  }
0x4b2: {  	[tilespmem:s10+$0x20] =	vst v4  }
0x4b3: {  	v11 =	vadd.f32 v11, v0;
	v4 =	vadd.f32 v5, v13;
	v5 =	vld.idx.msk [tilespmem:v10+s3+$0x0], $0xffff;
	v10 =	vadd.s32 $0xFA0, v2  }
0x4b4: {  	s20 =	sadd.s32 $0x0, s18;
	s19 =	simm.s32 $0x4  }
0x4b5: {  	s0 =	sand.u32 $0x4, s19;
	s2 =	sshll.u32 s20, $0x7;
	[tilespmem:s6+$0x10] =	vst v11;
	v2 =	vadd.f32 v14, v1;
	v11 =	vadd.s32 $0xBB8, v10  }
0x4b6: {  	s23 =	sor.u32 $0x3, s0;
	s2 =	sand.u32 $0x3FFFFF80, s2;
	v16 =	vld.idx.msk [tilespmem:v16+s3+$0x0], $0xffff;
	[tilespmem:s9+$0x20] =	vst v4  }
0x4b7: {  	s24 =	sshll.u32 s23, $0x4;
	s2 =	sadd.s32 $0xFA00, s2;
	v19 =	vld.idx.msk [tilespmem:v7+s3+$0x0], $0xffff;
	[tilespmem:s8+$0x20] =	vst v2;
	v2 =	vadd.s32 $0xBB8, v6  }
0x4b8: {  	s11 =	sor.u32 s24, s2;
	v18 =	vadd.s32 $0x3E8, v7;
	v20 =	vld.idx.msk [tilespmem:v10+s3+$0x0], $0xffff  }
0x4b9: {  	s25 =	sshll.u32 s0, $0x4;
	v4 =	vadd.f32 v5, v8;
	v5 =	vld [tilespmem:s11+$0x0]  }
0x4ba: {  	s15 =	sor.u32 s25, s2;
	v11 =	vld.idx.msk [tilespmem:v11+s3+$0x0], $0xffff  }
0x4bb: {  	s12 =	sor.u32 $0x1, s0;
	v21 =	vadd.s32 $0x3E8, v10;
	[tilespmem:s10+$0x30] =	vst v4;
	v4 =	vld [tilespmem:s15+$0x0]  }
0x4bc: {  	s26 =	sor.u32 $0x2, s0;
	s28 =	sshll.u32 s12, $0x4;
	v22 =	vadd.s32 $0x7D0, v10;
	v23 =	vld.idx.msk [tilespmem:v2+s3+$0x0], $0xffff  }
0x4bd: {  	s30 =	simm.s32 $0x200;
	v24 =	vadd.s32 $0x7D0, v7;
	s29 =	sshll.u32 s26, $0x4;
	v14 =	vadd.s32 $0xFA0, v3;
	v18 =	vld.idx.msk [tilespmem:v18+s3+$0x0], $0xffff;
	s11 =	sor.u32 s28, s2  }
0x4be: {  	v25 =	vadd.s32 $0xBB8, v14;
	v16 =	vadd.f32 v16, v0;
	s2 =	sor.u32 s29, s2;
	v3 =	vld [tilespmem:s11+$0x0];
	s11 =	sand.u32 $0x3FFFFC00, s30  }
0x4bf: {  	s4 =	sshll.u32 s23, $0x7;
	v2 =	vld [tilespmem:s2+$0x0];
	s2 =	sadd.s32 $0x18E00, s11;
	v11 =	vadd.f32 v11, v5  }
0x4c0: {  	s0 =	sshll.u32 s0, $0x7;
	v26 =	vadd.s32 $0xBB8, v12;
	v21 =	vld.idx.msk [tilespmem:v21+s3+$0x0], $0xffff;
	[tilespmem:s6+$0x20] =	vst v16;
	s16 =	sadd.s32 s4, s2;
	v20 =	vadd.f32 v20, v4  }
0x4c1: {  	v16 =	vld.idx.msk [tilespmem:v22+s3+$0x0], $0xffff;
	s11 =	sadd.s32 s0, s2;
	v22 =	vadd.f32 v23, v8;
	[tilespmem:s16+$0x0] =	vst v11  }
0x4c2: {  	v24 =	vld.idx.msk [tilespmem:v24+s3+$0x0], $0xffff;
	v23 =	vadd.s32 $0x3E8, v6;
	v11 =	vadd.f32 v19, v13;
	[tilespmem:s11+$0x0] =	vst v20  }
0x4c3: {  	v19 =	vadd.s32 $0x3E8, v14;
	v25 =	vld.idx.msk [tilespmem:v25+s3+$0x0], $0xffff;
	[tilespmem:s10+$0x40] =	vst v22  }
0x4c4: {  	v27 =	vadd.s32 $0x7D0, v14;
	v22 =	vadd.f32 v18, v1;
	[tilespmem:s9+$0x30] =	vst v11;
	v11 =	vld.idx.msk [tilespmem:v14+s3+$0x0], $0xffff  }
0x4c5: {  	s15 =	sshll.u32 s12, $0x7;
	v21 =	vadd.f32 v21, v3;
	v18 =	vadd.s32 $0xFA0, v9;
	v20 =	vld.idx.msk [tilespmem:v26+s3+$0x0], $0xffff;
	v26 =	vadd.s32 $0x7D0, v6  }
0x4c6: {  	s20 =	sshll.u32 s26, $0x7;
	s15 =	sadd.s32 s15, s2;
	v16 =	vadd.f32 v16, v2;
	v9 =	vld.idx.msk [tilespmem:v6+s3+$0x0], $0xffff;
	[tilespmem:s8+$0x30] =	vst v22;
	v22 =	vadd.s32 $0xBB8, v18  }
0x4c7: {  	s2 =	sadd.s32 s20, s2;
	[tilespmem:s15+$0x0] =	vst v21;
	v21 =	vadd.f32 v24, v0;
	v23 =	vld.idx.msk [tilespmem:v23+s3+$0x0], $0xffff  }
0x4c8: {  	v24 =	vadd.s32 $0xBB8, v15;
	[tilespmem:s2+$0x0] =	vst v16;
	v19 =	vld.idx.msk [tilespmem:v19+s3+$0x0], $0xffff;
	v16 =	vadd.f32 v25, v5  }
0x4c9: {  	[tilespmem:s6+$0x30] =	vst v21;
	v25 =	vld.idx.msk [tilespmem:v27+s3+$0x0], $0xffff;
	v11 =	vadd.f32 v11, v4  }
0x4ca: {  	v21 =	vadd.s32 $0x3E8, v12;
	v20 =	vadd.f32 v20, v8;
	[tilespmem:s16+$0x10] =	vst v16;
	v26 =	vld.idx.msk [tilespmem:v26+s3+$0x0], $0xffff  }
0x4cb: {  	v27 =	vadd.s32 $0x3E8, v18;
	v9 =	vadd.f32 v9, v13;
	v22 =	vld.idx.msk [tilespmem:v22+s3+$0x0], $0xffff;
	[tilespmem:s11+$0x10] =	vst v11  }
0x4cc: {  	[tilespmem:s10+$0x50] =	vst v20;
	v20 =	vadd.s32 $0x7D0, v18;
	v23 =	vadd.f32 v23, v1;
	v28 =	vld.idx.msk [tilespmem:v18+s3+$0x0], $0xffff  }
0x4cd: {  	v16 =	vadd.s32 $0xFA0, v7;
	v19 =	vadd.f32 v19, v3;
	[tilespmem:s9+$0x40] =	vst v9;
	v11 =	vld.idx.msk [tilespmem:v24+s3+$0x0], $0xffff;
	v24 =	vadd.s32 $0x7D0, v12  }
0x4ce: {  	v7 =	vadd.f32 v25, v2;
	v9 =	vld.idx.msk [tilespmem:v12+s3+$0x0], $0xffff;
	[tilespmem:s8+$0x40] =	vst v23;
	v23 =	vadd.s32 $0xBB8, v16  }
0x4cf: {  	[tilespmem:s15+$0x10] =	vst v19;
	v19 =	vld.idx.msk [tilespmem:v21+s3+$0x0], $0xffff;
	v21 =	vadd.f32 v26, v0  }
0x4d0: {  	v25 =	vadd.s32 $0xBB8, v17;
	v26 =	vld.idx.msk [tilespmem:v27+s3+$0x0], $0xffff;
	[tilespmem:s2+$0x10] =	vst v7;
	v7 =	vadd.f32 v22, v5  }
0x4d1: {  	v20 =	vld.idx.msk [tilespmem:v20+s3+$0x0], $0xffff;
	[tilespmem:s6+$0x40] =	vst v21;
	v22 =	vadd.f32 v28, v4  }
0x4d2: {  	s23 =	sadd.s32 $0x1, s18;
	v11 =	vadd.f32 v11, v8;
	[tilespmem:s16+$0x20] =	vst v7;
	v24 =	vld.idx.msk [tilespmem:v24+s3+$0x0], $0xffff  }
0x4d3: {  	s24 =	simm.s32 $0x8;
	s0 =	sshll.u32 s23, $0x7;
	v7 =	vadd.s32 $0x3E8, v16;
	v9 =	vadd.f32 v9, v13;
	v23 =	vld.idx.msk [tilespmem:v23+s3+$0x0], $0xffff;
	[tilespmem:s11+$0x20] =	vst v22  }
0x4d4: {  	v10 =	vadd.s32 $0xFA0, v10;
	s4 =	sand.u32 $0x4, s24;
	s0 =	sand.u32 $0x3FFFFF80, s0;
	[tilespmem:s10+$0x60] =	vst v11;
	v11 =	vadd.f32 v19, v1;
	v22 =	vld.idx.msk [tilespmem:v16+s3+$0x0], $0xffff  }
0x4d5: {  	v29 =	vadd.s32 $0x3E8, v10;
	s28 =	sshll.u32 s4, $0x4;
	s0 =	sadd.s32 $0xFA00, s0;
	[tilespmem:s9+$0x50] =	vst v9;
	v19 =	vld.idx.msk [tilespmem:v25+s3+$0x0], $0xffff;
	v25 =	vadd.f32 v26, v3  }
0x4d6: {  	s25 =	sor.u32 $0x3, s4;
	s23 =	sor.u32 s28, s0;
	v9 =	vadd.s32 $0xBB8, v10;
	v26 =	vld.idx.msk [tilespmem:v15+s3+$0x0], $0xffff;
	[tilespmem:s8+$0x50] =	vst v11  }
0x4d7: {  	s26 =	sshll.u32 s25, $0x4;
	v11 =	vadd.s32 $0xFA0, v6;
	v6 =	vld [tilespmem:s23+$0x0];
	[tilespmem:s15+$0x20] =	vst v25  }
0x4d8: {  	v30 =	vadd.s32 $0x7D0, v10;
	s19 =	sor.u32 s26, s0;
	v20 =	vadd.f32 v20, v2;
	v25 =	vld.idx.msk [tilespmem:v7+s3+$0x0], $0xffff  }
0x4d9: {  	s20 =	sor.u32 $0x1, s4;
	v27 =	vadd.s32 $0xBB8, v11;
	v7 =	vld [tilespmem:s19+$0x0]  }
0x4da: {  	s29 =	sshll.u32 s20, $0x4;
	v23 =	vadd.f32 v23, v5;
	[tilespmem:s2+$0x20] =	vst v20;
	v20 =	vadd.f32 v24, v0;
	v24 =	vld.idx.msk [tilespmem:v29+s3+$0x0], $0xffff  }
0x4db: {  	s19 =	sor.u32 s29, s0;
	v28 =	vld.idx.msk [tilespmem:v9+s3+$0x0], $0xffff;
	v22 =	vadd.f32 v22, v4  }
0x4dc: {  	v21 =	vadd.s32 $0x3E8, v15;
	v9 =	vld [tilespmem:s19+$0x0];
	[tilespmem:s16+$0x30] =	vst v23  }
0x4dd: {  	s30 =	sor.u32 $0x2, s4;
	v23 =	vadd.s32 $0x7D0, v16;
	[tilespmem:s11+$0x30] =	vst v22;
	v22 =	vld.idx.msk [tilespmem:v30+s3+$0x0], $0xffff  }
0x4de: {  	s23 =	sshll.u32 s30, $0x4;
	v8 =	vadd.f32 v19, v8;
	v19 =	vld.idx.msk [tilespmem:v27+s3+$0x0], $0xffff  }
0x4df: {  	s26 =	simm.s32 $0x400;
	v14 =	vadd.s32 $0xFA0, v14;
	s0 =	sor.u32 s23, s0;
	v30 =	vadd.s32 $0x3E8, v11;
	v27 =	vld.idx.msk [tilespmem:v10+s3+$0x0], $0xffff  }
0x4e0: {  	v31 =	vadd.s32 $0xBB8, v14;
	[tilespmem:s10+$0x70] =	vst v8;
	v8 =	vld [tilespmem:s0+$0x0];
	s0 =	sand.u32 $0x3FFFFC00, s26;
	v25 =	vadd.f32 v25, v3  }
0x4e1: {  	s28 =	sshll.u32 s25, $0x7;
	v60 =	vadd.s32 $0x3E8, v14;
	v12 =	vadd.s32 $0xFA0, v12;
	v21 =	vld.idx.msk [tilespmem:v21+s3+$0x0], $0xffff;
	[tilespmem:s6+$0x50] =	vst v20;
	s0 =	sadd.s32 $0x18E00, s0;
	v28 =	vadd.f32 v28, v7  }
0x4e2: {  	v29 =	vadd.s32 $0xBB8, v12;
	s29 =	sshll.u32 s20, $0x7;
	s19 =	sadd.s32 s28, s0;
	v24 =	vadd.f32 v24, v9;
	v20 =	vld.idx.msk [tilespmem:v23+s3+$0x0], $0xffff;
	[tilespmem:s15+$0x30] =	vst v25  }
0x4e3: {  	s25 =	sadd.s32 s29, s0;
	[tilespmem:s19+$0x0] =	vst v28;
	v28 =	vld.idx.msk [tilespmem:v11+s3+$0x0], $0xffff;
	v19 =	vadd.f32 v19, v5  }
0x4e4: {  	s4 =	sshll.u32 s4, $0x7;
	v23 =	vadd.s32 $0x7D0, v15;
	v30 =	vld.idx.msk [tilespmem:v30+s3+$0x0], $0xffff;
	[tilespmem:s25+$0x0] =	vst v24;
	v27 =	vadd.f32 v27, v6  }
0x4e5: {  	s23 =	sadd.s32 s4, s0;
	v31 =	vld.idx.msk [tilespmem:v31+s3+$0x0], $0xffff;
	[tilespmem:s16+$0x40] =	vst v19;
	v19 =	vadd.f32 v26, v13;
	v26 =	vadd.s32 $0x7D0, v14  }
0x4e6: {  	s30 =	sshll.u32 s30, $0x7;
	v22 =	vadd.f32 v22, v8;
	v24 =	vld.idx.msk [tilespmem:v60+s3+$0x0], $0xffff;
	[tilespmem:s23+$0x0] =	vst v27  }
0x4e7: {  	s10 =	sadd.s32 s30, s0;
	v27 =	vld.idx.msk [tilespmem:v29+s3+$0x0], $0xffff;
	[tilespmem:s9+$0x60] =	vst v19;
	v19 =	vadd.s32 $0xFA0, v18;
	v18 =	vadd.f32 v21, v1  }
0x4e8: {  	[tilespmem:s10+$0x0] =	vst v22;
	v25 =	vld.idx.msk [tilespmem:v14+s3+$0x0], $0xffff;
	v29 =	vadd.s32 $0x7D0, v11;
	v28 =	vadd.f32 v28, v4  }
0x4e9: {  	v15 =	vadd.s32 $0xFA0, v15;
	v23 =	vld.idx.msk [tilespmem:v23+s3+$0x0], $0xffff;
	v21 =	vadd.s32 $0xBB8, v19;
	[tilespmem:s8+$0x60] =	vst v18  }
0x4ea: {  	v22 =	vadd.s32 $0xBB8, v15;
	v20 =	vadd.f32 v20, v2;
	[tilespmem:s11+$0x40] =	vst v28;
	v18 =	vld.idx.msk [tilespmem:v26+s3+$0x0], $0xffff  }
0x4eb: {  	v26 =	vadd.f32 v31, v7;
	v35 =	vld.idx.msk [tilespmem:v12+s3+$0x0], $0xffff  }
0x4ec: {  	[tilespmem:s2+$0x30] =	vst v20;
	v31 =	vadd.s32 $0x3E8, v12;
	v20 =	vadd.f32 v27, v5;
	v27 =	vld.idx.msk [tilespmem:v17+s3+$0x0], $0xffff  }
0x4ed: {  	v25 =	vadd.f32 v25, v6;
	[tilespmem:s19+$0x10] =	vst v26;
	v26 =	vld.idx.msk [tilespmem:v29+s3+$0x0], $0xffff;
	v29 =	vadd.s32 $0x3E8, v19  }
0x4ee: {  	v61 =	vld.idx.msk [tilespmem:v21+s3+$0x0], $0xffff;
	[tilespmem:s16+$0x50] =	vst v20;
	v20 =	vadd.s32 $0x7D0, v19;
	v21 =	vadd.f32 v30, v3  }
0x4ef: {  	v24 =	vadd.f32 v24, v9;
	[tilespmem:s23+$0x10] =	vst v25;
	v25 =	vadd.s32 $0x3E8, v17;
	v22 =	vld.idx.msk [tilespmem:v22+s3+$0x0], $0xffff  }
0x4f0: {  	v34 =	vadd.s32 $0x7D0, v12;
	v62 =	vld.idx.msk [tilespmem:v19+s3+$0x0], $0xffff;
	v18 =	vadd.f32 v18, v8;
	[tilespmem:s15+$0x40] =	vst v21;
	v21 =	vadd.s32 $0xFA0, v16  }
0x4f1: {  	[tilespmem:s25+$0x10] =	vst v24;
	v23 =	vadd.f32 v23, v0;
	v16 =	vadd.s32 $0xFA0, v17;
	v24 =	vadd.s32 $0xBB8, v21;
	v36 =	vld.idx.msk [tilespmem:v31+s3+$0x0], $0xffff  }
0x4f2: {  	v37 =	vadd.s32 $0xBB8, v16;
	v30 =	vld.idx.msk [tilespmem:v29+s3+$0x0], $0xffff;
	[tilespmem:s10+$0x10] =	vst v18;
	v18 =	vadd.f32 v26, v2  }
0x4f3: {  	[tilespmem:s6+$0x60] =	vst v23;
	v29 =	vld.idx.msk [tilespmem:v20+s3+$0x0], $0xffff;
	v26 =	vadd.f32 v61, v7  }
0x4f4: {  	v23 =	vadd.s32 $0x3E8, v15;
	v17 =	vadd.s32 $0x7D0, v17;
	v25 =	vld.idx.msk [tilespmem:v25+s3+$0x0], $0xffff;
	[tilespmem:s2+$0x40] =	vst v18;
	v63 =	vadd.f32 v22, v5  }
0x4f5: {  	v33 =	vadd.f32 v35, v4;
	v28 =	vadd.s32 $0x3E8, v21;
	v38 =	vadd.f32 v62, v6;
	[tilespmem:s19+$0x20] =	vst v26;
	v26 =	vld.idx.msk [tilespmem:v34+s3+$0x0], $0xffff  }
0x4f6: {  	v27 =	vadd.f32 v27, v13;
	v13 =	vadd.s32 $0x7D0, v16;
	v20 =	vadd.s32 $0x7D0, v15;
	v31 =	vld.idx.msk [tilespmem:v24+s3+$0x0], $0xffff;
	[tilespmem:s16+$0x60] =	vst v63  }
0x4f7: {  	v22 =	vadd.s32 $0x7D0, v21;
	v18 =	vadd.s32 $0x3E8, v16;
	[tilespmem:s23+$0x20] =	vst v38;
	v32 =	vadd.f32 v36, v3;
	v24 =	vld.idx.msk [tilespmem:v37+s3+$0x0], $0xffff  }
.LBB2_15:
0x4f8: {  	s24 =	sadd.s32 $0x4, s24;
	v34 =	vld.idx.msk [tilespmem:v21+s3+$0x0], $0xffff;
	v30 =	vadd.f32 v30, v9;
	v10 =	vadd.s32 $0xFA0, v10;
	[tilespmem:s11+$0x50] =	vst v33  }
0x4f9: {  	s0 =	sshrl.u32 s24, $0x3;
	v33 =	vadd.s32 $0x3E8, v10;
	v35 =	vadd.s32 $0x7D0, v10;
	v36 =	vadd.s32 $0xBB8, v10;
	v37 =	vld.idx.msk [tilespmem:v15+s3+$0x0], $0xffff;
	[tilespmem:s15+$0x50] =	vst v32  }
0x4fa: {  	v29 =	vadd.f32 v29, v8;
	v11 =	vadd.s32 $0xFA0, v11;
	p1 =	slt.u32 s24, $0x3C;
	s0 =	sadd.s32 s18, s0;
	[tilespmem:s25+$0x20] =	vst v30;
	v23 =	vld.idx.msk [tilespmem:v23+s3+$0x0], $0xffff;
	v30 =	vadd.f32 v25, v1  }
0x4fb: {  	s4 =	sand.u32 $0x4, s24;
	v32 =	vadd.s32 $0x3E8, v11;
	v38 =	vadd.s32 $0xBB8, v11;
	v25 =	vadd.s32 $0x7D0, v11;
	v1 =	vmovc v3;
	v3 =	vmovc v9;
	s0 =	sshll.u32 s0, $0x7;
	v28 =	vld.idx.msk [tilespmem:v28+s3+$0x0], $0xffff;
	[tilespmem:s9+$0x70] =	vst v27;
	s9 =	smov.u32 s11  }
0x4fc: {  	s20 =	sor.u32 $0x3, s4;
	v26 =	vadd.f32 v26, v2;
	s11 =	sor.u32 $0x1, s4;
	v9 =	vadd.f32 v31, v7;
	s0 =	sand.u32 $0x3FFFFF80, s0;
	[tilespmem:s10+$0x20] =	vst v29;
	v27 =	vld.idx.msk [tilespmem:v17+s3+$0x0], $0xffff;
	v17 =	vmov v13  }
0x4fd: {  	s12 =	sor.u32 $0x2, s4;
	s26 =	sshll.u32 s20, $0x4;
	v24 =	vadd.f32 v24, v5;
	v5 =	vmov v7;
	s0 =	sadd.s32 $0xFA00, s0;
	v13 =	vld.idx.msk [tilespmem:v10+s3+$0x0], $0xffff;
	[tilespmem:s8+$0x70] =	vst v30  }
0x4fe: {  	s28 =	sshll.u32 s12, $0x4;
	s8 =	sshll.u32 s11, $0x4;
	v30 =	vadd.f32 v34, v6;
	s26 =	sor.u32 s26, s0;
	v29 =	vld.idx.msk [tilespmem:v36+s3+$0x0], $0xffff;
	[tilespmem:s19+$0x30] =	vst v9  }
0x4ff: {  	s29 =	sshll.u32 s4, $0x4;
	s30 =	sor.u32 s8, s0;
	s28 =	sor.u32 s28, s0;
	v31 =	vadd.f32 v37, v4;
	v7 =	vld [tilespmem:s26+$0x0];
	[tilespmem:s16+$0x70] =	vst v24  }
0x500: {  	s12 =	sshll.u32 s12, $0x7;
	s0 =	sor.u32 s29, s0;
	s26 =	sshll.u32 s11, $0x7;
	v23 =	vadd.f32 v23, v1;
	[tilespmem:s23+$0x30] =	vst v30;
	v30 =	vld.idx.msk [tilespmem:v38+s3+$0x0], $0xffff  }
0x501: {  	s8 =	smov.u32 s15;
	s11 =	smov.u32 s23;
	v28 =	vadd.f32 v28, v3;
	v24 =	vld [tilespmem:s0+$0x0];
	s0 =	sshll.u32 s4, $0x7;
	[tilespmem:s2+$0x50] =	vst v26  }
0x502: {  	v14 =	vadd.s32 $0xFA0, v14;
	s15 =	smov.u32 s25;
	s16 =	smov.u32 s19;
	v26 =	vadd.f32 v27, v0;
	v0 =	vmovc v2;
	v2 =	vmov v8;
	v9 =	vld [tilespmem:s30+$0x0];
	[tilespmem:s9+$0x60] =	vst v31  }
0x503: {  	v12 =	vadd.s32 $0xFA0, v12;
	s4 =	sshll.u32 s24, $0x7;
	v27 =	vadd.s32 $0x3E8, v14;
	v31 =	vadd.s32 $0xBB8, v14;
	v8 =	vld [tilespmem:s28+$0x0];
	[tilespmem:s15+$0x30] =	vst v28  }
0x504: {  	v34 =	vadd.s32 $0x3E8, v12;
	v36 =	vadd.s32 $0xBB8, v12;
	s4 =	sand.u32 $0x3FFFFC00, s4;
	v28 =	vld.idx.msk [tilespmem:v33+s3+$0x0], $0xffff;
	v33 =	vadd.s32 $0x7D0, v14;
	[tilespmem:s8+$0x60] =	vst v23  }
0x505: {  	s19 =	sshll.u32 s20, $0x7;
	s4 =	sadd.s32 $0x18E00, s4;
	v29 =	vadd.f32 v29, v7;
	v23 =	vld.idx.msk [tilespmem:v35+s3+$0x0], $0xffff;
	v35 =	vadd.s32 $0x7D0, v12;
	[tilespmem:s6+$0x70] =	vst v26;
	s6 =	smov.u32 s2  }
0x506: {  	s23 =	sadd.s32 s0, s4;
	s25 =	sadd.s32 s26, s4;
	s19 =	sadd.s32 s19, s4;
	v26 =	vadd.f32 v30, v5;
	v13 =	vadd.f32 v13, v24;
	v22 =	vld.idx.msk [tilespmem:v22+s3+$0x0], $0xffff  }
0x507: {  	s2 =	smov.u32 s10;
	s10 =	sadd.s32 s12, s4;
	[tilespmem:s19+$0x0] =	vst v29;
	v29 =	vld.idx.msk [tilespmem:v11+s3+$0x0], $0xffff  }
0x508: {  	v30 =	vld.idx.msk [tilespmem:v31+s3+$0x0], $0xffff;
	[tilespmem:s16+$0x40] =	vst v26  }
0x509: {  	[tilespmem:s23+$0x0] =	vst v13;
	v13 =	vld.idx.msk [tilespmem:v36+s3+$0x0], $0xffff  }
0x50a: {  	v28 =	vadd.f32 v28, v9;
	v26 =	vld.idx.msk [tilespmem:v14+s3+$0x0], $0xffff  }
0x50b: {  	v19 =	vadd.s32 $0xFA0, v19;
	v23 =	vadd.f32 v23, v8;
	v31 =	vld.idx.msk [tilespmem:v32+s3+$0x0], $0xffff  }
0x50c: {  	v15 =	vadd.s32 $0xFA0, v15;
	v32 =	vadd.s32 $0x3E8, v19;
	[tilespmem:s25+$0x0] =	vst v28;
	v28 =	vadd.s32 $0xBB8, v19;
	v36 =	vld.idx.msk [tilespmem:v20+s3+$0x0], $0xffff  }
0x50d: {  	v37 =	vadd.s32 $0x7D0, v19;
	v38 =	vadd.s32 $0xBB8, v15;
	v22 =	vadd.f32 v22, v2;
	v27 =	vld.idx.msk [tilespmem:v27+s3+$0x0], $0xffff;
	[tilespmem:s10+$0x0] =	vst v23  }
0x50e: {  	v29 =	vadd.f32 v29, v6;
	v30 =	vadd.f32 v30, v7;
	v23 =	vadd.s32 $0x3E8, v15;
	v33 =	vld.idx.msk [tilespmem:v33+s3+$0x0], $0xffff  }
0x50f: {  	v20 =	vadd.s32 $0x7D0, v15;
	v13 =	vadd.f32 v13, v5;
	[tilespmem:s2+$0x30] =	vst v22;
	v39 =	vld.idx.msk [tilespmem:v16+s3+$0x0], $0xffff  }
0x510: {  	v22 =	vadd.f32 v26, v24;
	[tilespmem:s19+$0x10] =	vst v30;
	v25 =	vld.idx.msk [tilespmem:v25+s3+$0x0], $0xffff  }
0x511: {  	v26 =	vld.idx.msk [tilespmem:v28+s3+$0x0], $0xffff;
	v28 =	vadd.f32 v31, v3;
	[tilespmem:s16+$0x50] =	vst v13  }
0x512: {  	v36 =	vadd.f32 v36, v0;
	[tilespmem:s23+$0x10] =	vst v22;
	v31 =	vld.idx.msk [tilespmem:v38+s3+$0x0], $0xffff  }
0x513: {  	v13 =	vadd.f32 v27, v9;
	v38 =	vld.idx.msk [tilespmem:v19+s3+$0x0], $0xffff;
	[tilespmem:s11+$0x40] =	vst v29  }
0x514: {  	v21 =	vadd.s32 $0xFA0, v21;
	v27 =	vadd.f32 v33, v8;
	v33 =	vld.idx.msk [tilespmem:v12+s3+$0x0], $0xffff;
	[tilespmem:s15+$0x40] =	vst v28  }
0x515: {  	v40 =	vadd.s32 $0xBB8, v21;
	v16 =	vadd.s32 $0xFA0, v16;
	v28 =	vadd.s32 $0x3E8, v21;
	[tilespmem:s25+$0x10] =	vst v13;
	v34 =	vld.idx.msk [tilespmem:v34+s3+$0x0], $0xffff  }
0x516: {  	v41 =	vadd.s32 $0xBB8, v16;
	v22 =	vadd.s32 $0x7D0, v21;
	v25 =	vadd.f32 v25, v2;
	v30 =	vld.idx.msk [tilespmem:v32+s3+$0x0], $0xffff;
	[tilespmem:s10+$0x10] =	vst v27  }
.Ltmp8:
0x517: {  	v13 =	vadd.s32 $0x7D0, v16;
	v26 =	vadd.f32 v26, v7;
	v32 =	vadd.s32 $0x3E8, v16;
	v29 =	vld.idx.msk [tilespmem:v37+s3+$0x0], $0xffff;
	[tilespmem:s6+$0x60] =	vst v36;
	(pc) =	sbr.rel @p1 .LBB2_15-.Ltmp8, $4  }
0x518: {  	v27 =	vadd.f32 v39, v4;
	v4 =	vmov v6;
	v36 =	vadd.f32 v31, v5;
	[tilespmem:s2+$0x40] =	vst v25;
	v25 =	vld.idx.msk [tilespmem:v18+s3+$0x0], $0xffff  }
0x519: {  	v6 =	vmov v24;
	v37 =	vadd.f32 v38, v24;
	v18 =	vmov v32;
	[tilespmem:s19+$0x20] =	vst v26;
	v26 =	vld.idx.msk [tilespmem:v35+s3+$0x0], $0xffff  }
0x51a: {  	v33 =	vadd.f32 v33, v4;
	v31 =	vld.idx.msk [tilespmem:v40+s3+$0x0], $0xffff;
	[tilespmem:s16+$0x60] =	vst v36  }
0x51b: {  	v32 =	vadd.f32 v34, v3;
	[tilespmem:s23+$0x20] =	vst v37;
	v24 =	vld.idx.msk [tilespmem:v41+s3+$0x0], $0xffff  }
0x51c: {  	_ =	sdelay $0x1  }
0x51d: {  	v10 =	vadd.f32 v30, v9  }
0x51e: {  	v14 =	vadd.f32 v29, v8  }
0x51f: {  	v19 =	vld.idx.msk [tilespmem:v21+s3+$0x0], $0xffff;
	[tilespmem:s25+$0x20] =	vst v10;
	v10 =	vadd.s32 $0xFA0, v11  }
0x520: {  	[tilespmem:s10+$0x20] =	vst v14;
	v11 =	vld.idx.msk [tilespmem:v28+s3+$0x0], $0xffff;
	v21 =	vadd.s32 $0xBB8, v10  }
0x521: {  	v14 =	vld.idx.msk [tilespmem:v22+s3+$0x0], $0xffff  }
0x522: {  	v22 =	vadd.f32 v31, v7  }
0x523: {  	v28 =	vadd.s32 $0x3E8, v10  }
0x524: {  	v29 =	vadd.s32 $0x7D0, v10;
	v19 =	vadd.f32 v19, v6;
	[tilespmem:s19+$0x30] =	vst v22  }
0x525: {  	v21 =	vld.idx.msk [tilespmem:v21+s3+$0x0], $0xffff;
	v11 =	vadd.f32 v11, v9  }
0x526: {  	[tilespmem:s23+$0x30] =	vst v19;
	v14 =	vadd.f32 v14, v8  }
0x527: {  	v10 =	vld.idx.msk [tilespmem:v10+s3+$0x0], $0xffff;
	[tilespmem:s25+$0x30] =	vst v11;
	v11 =	vadd.s32 $0xFA0, v12  }
0x528: {  	[tilespmem:s10+$0x30] =	vst v14;
	v12 =	vadd.s32 $0xBB8, v11;
	v19 =	vld.idx.msk [tilespmem:v28+s3+$0x0], $0xffff  }
0x529: {  	v14 =	vld.idx.msk [tilespmem:v29+s3+$0x0], $0xffff  }
0x52a: {  	v21 =	vadd.f32 v21, v7  }
0x52b: {  	[tilespmem:s11+$0x50] =	vst v33;
	v22 =	vadd.s32 $0x3E8, v11  }
0x52c: {  	v28 =	vadd.s32 $0x7D0, v11;
	v10 =	vadd.f32 v10, v6;
	[tilespmem:s19+$0x40] =	vst v21  }
0x52d: {  	[tilespmem:s15+$0x50] =	vst v32;
	v12 =	vld.idx.msk [tilespmem:v12+s3+$0x0], $0xffff;
	v19 =	vadd.f32 v19, v9  }
0x52e: {  	v23 =	vld.idx.msk [tilespmem:v23+s3+$0x0], $0xffff;
	[tilespmem:s23+$0x40] =	vst v10;
	v10 =	vadd.f32 v14, v8  }
0x52f: {  	v1 =	vadd.f32 v25, v1;
	v14 =	vadd.s32 $0xFA0, v15;
	v11 =	vld.idx.msk [tilespmem:v11+s3+$0x0], $0xffff;
	[tilespmem:s25+$0x40] =	vst v19  }
0x530: {  	v5 =	vadd.f32 v24, v5;
	v19 =	vadd.s32 $0xBB8, v14;
	[tilespmem:s10+$0x40] =	vst v10;
	v21 =	vld.idx.msk [tilespmem:v22+s3+$0x0], $0xffff  }
0x531: {  	[tilespmem:s8+$0x70] =	vst v1;
	v10 =	vld.idx.msk [tilespmem:v28+s3+$0x0], $0xffff;
	v22 =	vadd.f32 v26, v2  }
0x532: {  	[tilespmem:s16+$0x70] =	vst v5;
	v15 =	vld.idx.msk [tilespmem:v15+s3+$0x0], $0xffff;
	v12 =	vadd.f32 v12, v7  }
0x533: {  	v5 =	vadd.f32 v23, v3;
	v1 =	vadd.s32 $0x3E8, v14;
	[tilespmem:s2+$0x50] =	vst v22  }
0x534: {  	v25 =	vadd.s32 $0x7D0, v14;
	v11 =	vadd.f32 v11, v6;
	v20 =	vld.idx.msk [tilespmem:v20+s3+$0x0], $0xffff;
	[tilespmem:s19+$0x50] =	vst v12  }
0x535: {  	[tilespmem:s15+$0x60] =	vst v5;
	v12 =	vld.idx.msk [tilespmem:v19+s3+$0x0], $0xffff;
	v19 =	vadd.f32 v21, v9  }
0x536: {  	v17 =	vld.idx.msk [tilespmem:v17+s3+$0x0], $0xffff;
	[tilespmem:s23+$0x50] =	vst v11;
	v10 =	vadd.f32 v10, v8  }
0x537: {  	v15 =	vadd.f32 v15, v4;
	v14 =	vld.idx.msk [tilespmem:v14+s3+$0x0], $0xffff;
	[tilespmem:s25+$0x50] =	vst v19  }
0x538: {  	v11 =	vadd.s32 $0xFA0, v16;
	[tilespmem:s10+$0x50] =	vst v10;
	v1 =	vld.idx.msk [tilespmem:v1+s3+$0x0], $0xffff  }
0x539: {  	[tilespmem:s11+$0x60] =	vst v15;
	v19 =	vadd.s32 $0xBB8, v11;
	v10 =	vld.idx.msk [tilespmem:v25+s3+$0x0], $0xffff;
	v15 =	vadd.f32 v20, v2  }
0x53a: {  	v18 =	vld.idx.msk [tilespmem:v18+s3+$0x0], $0xffff;
	v12 =	vadd.f32 v12, v7  }
0x53b: {  	v0 =	vadd.f32 v17, v0;
	v5 =	vld.idx.msk [tilespmem:v16+s3+$0x0], $0xffff;
	v16 =	vadd.s32 $0x3E8, v11;
	[tilespmem:s2+$0x60] =	vst v15  }
0x53c: {  	v20 =	vadd.s32 $0x7D0, v11;
	[tilespmem:s19+$0x60] =	vst v12;
	v12 =	vadd.f32 v14, v6  }
0x53d: {  	[tilespmem:s6+$0x70] =	vst v0;
	v13 =	vld.idx.msk [tilespmem:v13+s3+$0x0], $0xffff;
	v1 =	vadd.f32 v1, v9  }
0x53e: {  	v14 =	vld.idx.msk [tilespmem:v19+s3+$0x0], $0xffff;
	v10 =	vadd.f32 v10, v8;
	[tilespmem:s23+$0x60] =	vst v12  }
0x53f: {  	[tilespmem:s25+$0x60] =	vst v1;
	v1 =	vld.idx.msk [tilespmem:v11+s3+$0x0], $0xffff  }
0x540: {  	v0 =	vadd.f32 v18, v3;
	v4 =	vadd.f32 v5, v4;
	[tilespmem:s10+$0x60] =	vst v10;
	v5 =	vld.idx.msk [tilespmem:v16+s3+$0x0], $0xffff  }
0x541: {  	[tilespmem:s9+$0x70] =	vst v27;
	v3 =	vld.idx.msk [tilespmem:v20+s3+$0x0], $0xffff  }
0x542: {  	[tilespmem:s15+$0x70] =	vst v0;
	v0 =	vadd.f32 v13, v2  }
0x543: {  	[tilespmem:s11+$0x70] =	vst v4;
	v4 =	vadd.f32 v14, v7  }
0x544: {  	[tilespmem:s2+$0x70] =	vst v0;
	v1 =	vadd.f32 v1, v6  }
0x545: {  	[tilespmem:s19+$0x70] =	vst v4;
	v0 =	vadd.f32 v5, v9  }
0x546: {  	s0 =	sor.u32 s13, s5;
	[tilespmem:s23+$0x70] =	vst v1;
	v1 =	vadd.f32 v3, v8  }
0x547: {  	s0 =	sshrl.u32 s0, $0x3;
	[tilespmem:s25+$0x70] =	vst v0  }
0x548: {  	s0 =	sadd.s32 s1, s0;
	s16 =	simm.s32 $0x18E00;
	s19 =	simm.s32 $0x6;
	[tilespmem:s10+$0x70] =	vst v1  }
0x549: {  	[hbm4b:s0+s21] =	stream.strided.scatter [tilespmem:s16], [sflag:$0x5], $0x2000, s22, s21, $0x38;
	[tilespmem:$0x1CE00] =	vst v63  }
0x54a: {  	_ =	swait.ge [sflag:s19], $0x2000  }
0x54b: {  	[sflag:s19] =	ssyncset.done $0x0  }
0x54c: {  	[sflag:s19] =	ssyncadd.s32 $0xFFFFE000  }
0x54d: {  	v2 =	vld [tilespmem:$0x14D80];
	_ =	sdelay $0x3  }
0x54e: {  	s20 =	simm.s32 $0x0;
	s23 =	sadd.s32 $0x0, s18  }
0x54f: {  	s2 =	sshll.u32 s23, $0x7;
	s0 =	sand.u32 $0x4, s20;
	v3 =	vld [tilespmem:$0x14D90];
	v0 =	vadd.s32 $0xBB8, v2  }
0x550: {  	s2 =	sand.u32 $0x3FFFFF80, s2;
	s4 =	sor.u32 $0x3, s0;
	v9 =	vld [tilespmem:$0x14DA0]  }
0x551: {  	s2 =	sadd.s32 $0xFA00, s2;
	s24 =	sshll.u32 s4, $0x4;
	v7 =	vld [tilespmem:$0x14DB0]  }
0x552: {  	s6 =	sor.u32 s24, s2;
	v6 =	vld [tilespmem:$0x14DC0]  }
0x553: {  	s26 =	sshll.u32 s0, $0x4;
	v8 =	vld [tilespmem:s6+$0x0];
	v4 =	vadd.s32 $0x3E8, v2  }
0x554: {  	s25 =	sor.u32 $0x1, s0;
	s9 =	sor.u32 s26, s2;
	v0 =	vld.idx.msk [tilespmem:v0+s3+$0x0], $0xffff  }
0x555: {  	s28 =	sshll.u32 s25, $0x4;
	v13 =	vld [tilespmem:s9+$0x0]  }
0x556: {  	s6 =	sor.u32 s28, s2;
	v5 =	vld.idx.msk [tilespmem:v2+s3+$0x0], $0xffff  }
0x557: {  	s29 =	simm.s32 $0x0;
	v1 =	vld [tilespmem:s6+$0x0];
	v10 =	vadd.s32 $0xBB8, v3  }
0x558: {  	s6 =	sand.u32 $0x3FFFFC00, s29;
	v11 =	vadd.s32 $0x7D0, v2;
	v4 =	vld.idx.msk [tilespmem:v4+s3+$0x0], $0xffff  }
0x559: {  	s4 =	sshll.u32 s4, $0x7;
	v12 =	vld [tilespmem:$0x14DD0];
	s6 =	sadd.s32 $0x1AE00, s6;
	v0 =	vadd.f32 v0, v8  }
0x55a: {  	v15 =	vld [tilespmem:$0x14DE0];
	s10 =	sadd.s32 s4, s6  }
0x55b: {  	s30 =	sor.u32 $0x2, s0;
	s0 =	sshll.u32 s0, $0x7;
	v17 =	vld [tilespmem:$0x14DF0];
	v14 =	vadd.s32 $0x3E8, v3;
	v5 =	vadd.f32 v5, v13;
	[tilespmem:s10+$0x0] =	vst v0  }
0x55c: {  	s9 =	sadd.s32 s0, s6;
	v10 =	vld.idx.msk [tilespmem:v10+s3+$0x0], $0xffff  }
0x55d: {  	s12 =	sshll.u32 s30, $0x4;
	s15 =	sshll.u32 s25, $0x7;
	v11 =	vld.idx.msk [tilespmem:v11+s3+$0x0], $0xffff;
	v4 =	vadd.f32 v4, v1;
	[tilespmem:s9+$0x0] =	vst v5  }
0x55e: {  	s2 =	sor.u32 s12, s2;
	s8 =	sadd.s32 s15, s6;
	v5 =	vld.idx.msk [tilespmem:v3+s3+$0x0], $0xffff  }
0x55f: {  	v0 =	vld [tilespmem:s2+$0x0];
	[tilespmem:s8+$0x0] =	vst v4;
	v4 =	vadd.s32 $0xBB8, v9  }
0x560: {  	v14 =	vld.idx.msk [tilespmem:v14+s3+$0x0], $0xffff  }
0x561: {  	v10 =	vadd.f32 v10, v8  }
0x562: {  	v16 =	vadd.s32 $0x7D0, v3  }
0x563: {  	v5 =	vadd.f32 v5, v13;
	[tilespmem:s10+$0x10] =	vst v10  }
0x564: {  	s16 =	sshll.u32 s30, $0x7;
	v18 =	vadd.s32 $0x3E8, v9;
	v11 =	vadd.f32 v11, v0;
	v4 =	vld.idx.msk [tilespmem:v4+s3+$0x0], $0xffff  }
0x565: {  	s6 =	sadd.s32 s16, s6;
	[tilespmem:s9+$0x10] =	vst v5;
	v10 =	vadd.f32 v14, v1  }
0x566: {  	[tilespmem:s6+$0x0] =	vst v11;
	v5 =	vld.idx.msk [tilespmem:v9+s3+$0x0], $0xffff  }
0x567: {  	v11 =	vld.idx.msk [tilespmem:v16+s3+$0x0], $0xffff;
	[tilespmem:s8+$0x10] =	vst v10;
	v10 =	vadd.s32 $0xBB8, v7;
	_ =	sdelay $0x1  }
0x568: {  	v14 =	vld.idx.msk [tilespmem:v18+s3+$0x0], $0xffff;
	v4 =	vadd.f32 v4, v8  }
0x569: {  	v16 =	vadd.s32 $0x7D0, v9  }
0x56a: {  	[tilespmem:s10+$0x20] =	vst v4  }
0x56b: {  	v11 =	vadd.f32 v11, v0;
	v4 =	vadd.f32 v5, v13;
	v5 =	vld.idx.msk [tilespmem:v10+s3+$0x0], $0xffff;
	v10 =	vadd.s32 $0xFA0, v2  }
0x56c: {  	s20 =	sadd.s32 $0x0, s18;
	s19 =	simm.s32 $0x4  }
0x56d: {  	s0 =	sand.u32 $0x4, s19;
	s2 =	sshll.u32 s20, $0x7;
	[tilespmem:s6+$0x10] =	vst v11;
	v2 =	vadd.f32 v14, v1;
	v11 =	vadd.s32 $0xBB8, v10  }
0x56e: {  	s23 =	sor.u32 $0x3, s0;
	s2 =	sand.u32 $0x3FFFFF80, s2;
	v16 =	vld.idx.msk [tilespmem:v16+s3+$0x0], $0xffff;
	[tilespmem:s9+$0x20] =	vst v4  }
0x56f: {  	s24 =	sshll.u32 s23, $0x4;
	s2 =	sadd.s32 $0xFA00, s2;
	v19 =	vld.idx.msk [tilespmem:v7+s3+$0x0], $0xffff;
	[tilespmem:s8+$0x20] =	vst v2;
	v2 =	vadd.s32 $0xBB8, v6  }
0x570: {  	s11 =	sor.u32 s24, s2;
	v18 =	vadd.s32 $0x3E8, v7;
	v20 =	vld.idx.msk [tilespmem:v10+s3+$0x0], $0xffff  }
0x571: {  	s25 =	sshll.u32 s0, $0x4;
	v4 =	vadd.f32 v5, v8;
	v5 =	vld [tilespmem:s11+$0x0]  }
0x572: {  	s15 =	sor.u32 s25, s2;
	v11 =	vld.idx.msk [tilespmem:v11+s3+$0x0], $0xffff  }
0x573: {  	s12 =	sor.u32 $0x1, s0;
	v21 =	vadd.s32 $0x3E8, v10;
	[tilespmem:s10+$0x30] =	vst v4;
	v4 =	vld [tilespmem:s15+$0x0]  }
0x574: {  	s26 =	sor.u32 $0x2, s0;
	s28 =	sshll.u32 s12, $0x4;
	v22 =	vadd.s32 $0x7D0, v10;
	v23 =	vld.idx.msk [tilespmem:v2+s3+$0x0], $0xffff  }
0x575: {  	s30 =	simm.s32 $0x200;
	v24 =	vadd.s32 $0x7D0, v7;
	s29 =	sshll.u32 s26, $0x4;
	v14 =	vadd.s32 $0xFA0, v3;
	v18 =	vld.idx.msk [tilespmem:v18+s3+$0x0], $0xffff;
	s11 =	sor.u32 s28, s2  }
0x576: {  	v25 =	vadd.s32 $0xBB8, v14;
	v16 =	vadd.f32 v16, v0;
	s2 =	sor.u32 s29, s2;
	v3 =	vld [tilespmem:s11+$0x0];
	s11 =	sand.u32 $0x3FFFFC00, s30  }
0x577: {  	s4 =	sshll.u32 s23, $0x7;
	v2 =	vld [tilespmem:s2+$0x0];
	s2 =	sadd.s32 $0x1AE00, s11;
	v11 =	vadd.f32 v11, v5  }
0x578: {  	s0 =	sshll.u32 s0, $0x7;
	v26 =	vadd.s32 $0xBB8, v12;
	v21 =	vld.idx.msk [tilespmem:v21+s3+$0x0], $0xffff;
	[tilespmem:s6+$0x20] =	vst v16;
	s16 =	sadd.s32 s4, s2;
	v20 =	vadd.f32 v20, v4  }
0x579: {  	v16 =	vld.idx.msk [tilespmem:v22+s3+$0x0], $0xffff;
	s11 =	sadd.s32 s0, s2;
	v22 =	vadd.f32 v23, v8;
	[tilespmem:s16+$0x0] =	vst v11  }
0x57a: {  	v24 =	vld.idx.msk [tilespmem:v24+s3+$0x0], $0xffff;
	v23 =	vadd.s32 $0x3E8, v6;
	v11 =	vadd.f32 v19, v13;
	[tilespmem:s11+$0x0] =	vst v20  }
0x57b: {  	v19 =	vadd.s32 $0x3E8, v14;
	v25 =	vld.idx.msk [tilespmem:v25+s3+$0x0], $0xffff;
	[tilespmem:s10+$0x40] =	vst v22  }
0x57c: {  	v27 =	vadd.s32 $0x7D0, v14;
	v22 =	vadd.f32 v18, v1;
	[tilespmem:s9+$0x30] =	vst v11;
	v11 =	vld.idx.msk [tilespmem:v14+s3+$0x0], $0xffff  }
0x57d: {  	s15 =	sshll.u32 s12, $0x7;
	v21 =	vadd.f32 v21, v3;
	v18 =	vadd.s32 $0xFA0, v9;
	v20 =	vld.idx.msk [tilespmem:v26+s3+$0x0], $0xffff;
	v26 =	vadd.s32 $0x7D0, v6  }
0x57e: {  	s20 =	sshll.u32 s26, $0x7;
	s15 =	sadd.s32 s15, s2;
	v16 =	vadd.f32 v16, v2;
	v9 =	vld.idx.msk [tilespmem:v6+s3+$0x0], $0xffff;
	[tilespmem:s8+$0x30] =	vst v22;
	v22 =	vadd.s32 $0xBB8, v18  }
0x57f: {  	s2 =	sadd.s32 s20, s2;
	[tilespmem:s15+$0x0] =	vst v21;
	v21 =	vadd.f32 v24, v0;
	v23 =	vld.idx.msk [tilespmem:v23+s3+$0x0], $0xffff  }
0x580: {  	v24 =	vadd.s32 $0xBB8, v15;
	[tilespmem:s2+$0x0] =	vst v16;
	v19 =	vld.idx.msk [tilespmem:v19+s3+$0x0], $0xffff;
	v16 =	vadd.f32 v25, v5  }
0x581: {  	[tilespmem:s6+$0x30] =	vst v21;
	v25 =	vld.idx.msk [tilespmem:v27+s3+$0x0], $0xffff;
	v11 =	vadd.f32 v11, v4  }
0x582: {  	v21 =	vadd.s32 $0x3E8, v12;
	v20 =	vadd.f32 v20, v8;
	[tilespmem:s16+$0x10] =	vst v16;
	v26 =	vld.idx.msk [tilespmem:v26+s3+$0x0], $0xffff  }
0x583: {  	v27 =	vadd.s32 $0x3E8, v18;
	v9 =	vadd.f32 v9, v13;
	v22 =	vld.idx.msk [tilespmem:v22+s3+$0x0], $0xffff;
	[tilespmem:s11+$0x10] =	vst v11  }
0x584: {  	[tilespmem:s10+$0x50] =	vst v20;
	v20 =	vadd.s32 $0x7D0, v18;
	v23 =	vadd.f32 v23, v1;
	v28 =	vld.idx.msk [tilespmem:v18+s3+$0x0], $0xffff  }
0x585: {  	v16 =	vadd.s32 $0xFA0, v7;
	v19 =	vadd.f32 v19, v3;
	[tilespmem:s9+$0x40] =	vst v9;
	v11 =	vld.idx.msk [tilespmem:v24+s3+$0x0], $0xffff;
	v24 =	vadd.s32 $0x7D0, v12  }
0x586: {  	v7 =	vadd.f32 v25, v2;
	v9 =	vld.idx.msk [tilespmem:v12+s3+$0x0], $0xffff;
	[tilespmem:s8+$0x40] =	vst v23;
	v23 =	vadd.s32 $0xBB8, v16  }
0x587: {  	[tilespmem:s15+$0x10] =	vst v19;
	v19 =	vld.idx.msk [tilespmem:v21+s3+$0x0], $0xffff;
	v21 =	vadd.f32 v26, v0  }
0x588: {  	v25 =	vadd.s32 $0xBB8, v17;
	v26 =	vld.idx.msk [tilespmem:v27+s3+$0x0], $0xffff;
	[tilespmem:s2+$0x10] =	vst v7;
	v7 =	vadd.f32 v22, v5  }
0x589: {  	v20 =	vld.idx.msk [tilespmem:v20+s3+$0x0], $0xffff;
	[tilespmem:s6+$0x40] =	vst v21;
	v22 =	vadd.f32 v28, v4  }
0x58a: {  	s23 =	sadd.s32 $0x1, s18;
	v11 =	vadd.f32 v11, v8;
	[tilespmem:s16+$0x20] =	vst v7;
	v24 =	vld.idx.msk [tilespmem:v24+s3+$0x0], $0xffff  }
0x58b: {  	s24 =	simm.s32 $0x8;
	s0 =	sshll.u32 s23, $0x7;
	v7 =	vadd.s32 $0x3E8, v16;
	v9 =	vadd.f32 v9, v13;
	v23 =	vld.idx.msk [tilespmem:v23+s3+$0x0], $0xffff;
	[tilespmem:s11+$0x20] =	vst v22  }
0x58c: {  	v10 =	vadd.s32 $0xFA0, v10;
	s4 =	sand.u32 $0x4, s24;
	s0 =	sand.u32 $0x3FFFFF80, s0;
	[tilespmem:s10+$0x60] =	vst v11;
	v11 =	vadd.f32 v19, v1;
	v22 =	vld.idx.msk [tilespmem:v16+s3+$0x0], $0xffff  }
0x58d: {  	v29 =	vadd.s32 $0x3E8, v10;
	s28 =	sshll.u32 s4, $0x4;
	s0 =	sadd.s32 $0xFA00, s0;
	[tilespmem:s9+$0x50] =	vst v9;
	v19 =	vld.idx.msk [tilespmem:v25+s3+$0x0], $0xffff;
	v25 =	vadd.f32 v26, v3  }
0x58e: {  	s25 =	sor.u32 $0x3, s4;
	s23 =	sor.u32 s28, s0;
	v9 =	vadd.s32 $0xBB8, v10;
	v26 =	vld.idx.msk [tilespmem:v15+s3+$0x0], $0xffff;
	[tilespmem:s8+$0x50] =	vst v11  }
0x58f: {  	s26 =	sshll.u32 s25, $0x4;
	v11 =	vadd.s32 $0xFA0, v6;
	v6 =	vld [tilespmem:s23+$0x0];
	[tilespmem:s15+$0x20] =	vst v25  }
0x590: {  	v30 =	vadd.s32 $0x7D0, v10;
	s19 =	sor.u32 s26, s0;
	v20 =	vadd.f32 v20, v2;
	v25 =	vld.idx.msk [tilespmem:v7+s3+$0x0], $0xffff  }
0x591: {  	s20 =	sor.u32 $0x1, s4;
	v27 =	vadd.s32 $0xBB8, v11;
	v7 =	vld [tilespmem:s19+$0x0]  }
0x592: {  	s29 =	sshll.u32 s20, $0x4;
	v23 =	vadd.f32 v23, v5;
	[tilespmem:s2+$0x20] =	vst v20;
	v20 =	vadd.f32 v24, v0;
	v24 =	vld.idx.msk [tilespmem:v29+s3+$0x0], $0xffff  }
0x593: {  	s19 =	sor.u32 s29, s0;
	v28 =	vld.idx.msk [tilespmem:v9+s3+$0x0], $0xffff;
	v22 =	vadd.f32 v22, v4  }
0x594: {  	v21 =	vadd.s32 $0x3E8, v15;
	v9 =	vld [tilespmem:s19+$0x0];
	[tilespmem:s16+$0x30] =	vst v23  }
0x595: {  	s30 =	sor.u32 $0x2, s4;
	v23 =	vadd.s32 $0x7D0, v16;
	[tilespmem:s11+$0x30] =	vst v22;
	v22 =	vld.idx.msk [tilespmem:v30+s3+$0x0], $0xffff  }
0x596: {  	s23 =	sshll.u32 s30, $0x4;
	v8 =	vadd.f32 v19, v8;
	v19 =	vld.idx.msk [tilespmem:v27+s3+$0x0], $0xffff  }
0x597: {  	s26 =	simm.s32 $0x400;
	v14 =	vadd.s32 $0xFA0, v14;
	s0 =	sor.u32 s23, s0;
	v30 =	vadd.s32 $0x3E8, v11;
	v27 =	vld.idx.msk [tilespmem:v10+s3+$0x0], $0xffff  }
0x598: {  	v31 =	vadd.s32 $0xBB8, v14;
	[tilespmem:s10+$0x70] =	vst v8;
	v8 =	vld [tilespmem:s0+$0x0];
	s0 =	sand.u32 $0x3FFFFC00, s26;
	v25 =	vadd.f32 v25, v3  }
0x599: {  	s28 =	sshll.u32 s25, $0x7;
	v60 =	vadd.s32 $0x3E8, v14;
	v12 =	vadd.s32 $0xFA0, v12;
	v21 =	vld.idx.msk [tilespmem:v21+s3+$0x0], $0xffff;
	[tilespmem:s6+$0x50] =	vst v20;
	s0 =	sadd.s32 $0x1AE00, s0;
	v28 =	vadd.f32 v28, v7  }
0x59a: {  	v29 =	vadd.s32 $0xBB8, v12;
	s29 =	sshll.u32 s20, $0x7;
	s19 =	sadd.s32 s28, s0;
	v24 =	vadd.f32 v24, v9;
	v20 =	vld.idx.msk [tilespmem:v23+s3+$0x0], $0xffff;
	[tilespmem:s15+$0x30] =	vst v25  }
0x59b: {  	s25 =	sadd.s32 s29, s0;
	[tilespmem:s19+$0x0] =	vst v28;
	v28 =	vld.idx.msk [tilespmem:v11+s3+$0x0], $0xffff;
	v19 =	vadd.f32 v19, v5  }
0x59c: {  	s4 =	sshll.u32 s4, $0x7;
	v23 =	vadd.s32 $0x7D0, v15;
	v30 =	vld.idx.msk [tilespmem:v30+s3+$0x0], $0xffff;
	[tilespmem:s25+$0x0] =	vst v24;
	v27 =	vadd.f32 v27, v6  }
0x59d: {  	s23 =	sadd.s32 s4, s0;
	v31 =	vld.idx.msk [tilespmem:v31+s3+$0x0], $0xffff;
	[tilespmem:s16+$0x40] =	vst v19;
	v19 =	vadd.f32 v26, v13;
	v26 =	vadd.s32 $0x7D0, v14  }
0x59e: {  	s30 =	sshll.u32 s30, $0x7;
	v22 =	vadd.f32 v22, v8;
	v24 =	vld.idx.msk [tilespmem:v60+s3+$0x0], $0xffff;
	[tilespmem:s23+$0x0] =	vst v27  }
0x59f: {  	s10 =	sadd.s32 s30, s0;
	v27 =	vld.idx.msk [tilespmem:v29+s3+$0x0], $0xffff;
	[tilespmem:s9+$0x60] =	vst v19;
	v19 =	vadd.s32 $0xFA0, v18;
	v18 =	vadd.f32 v21, v1  }
0x5a0: {  	[tilespmem:s10+$0x0] =	vst v22;
	v25 =	vld.idx.msk [tilespmem:v14+s3+$0x0], $0xffff;
	v29 =	vadd.s32 $0x7D0, v11;
	v28 =	vadd.f32 v28, v4  }
0x5a1: {  	v15 =	vadd.s32 $0xFA0, v15;
	v23 =	vld.idx.msk [tilespmem:v23+s3+$0x0], $0xffff;
	v21 =	vadd.s32 $0xBB8, v19;
	[tilespmem:s8+$0x60] =	vst v18  }
0x5a2: {  	v22 =	vadd.s32 $0xBB8, v15;
	v20 =	vadd.f32 v20, v2;
	[tilespmem:s11+$0x40] =	vst v28;
	v18 =	vld.idx.msk [tilespmem:v26+s3+$0x0], $0xffff  }
0x5a3: {  	v26 =	vadd.f32 v31, v7;
	v35 =	vld.idx.msk [tilespmem:v12+s3+$0x0], $0xffff  }
0x5a4: {  	[tilespmem:s2+$0x30] =	vst v20;
	v31 =	vadd.s32 $0x3E8, v12;
	v20 =	vadd.f32 v27, v5;
	v27 =	vld.idx.msk [tilespmem:v17+s3+$0x0], $0xffff  }
0x5a5: {  	v25 =	vadd.f32 v25, v6;
	[tilespmem:s19+$0x10] =	vst v26;
	v26 =	vld.idx.msk [tilespmem:v29+s3+$0x0], $0xffff;
	v29 =	vadd.s32 $0x3E8, v19  }
0x5a6: {  	v61 =	vld.idx.msk [tilespmem:v21+s3+$0x0], $0xffff;
	[tilespmem:s16+$0x50] =	vst v20;
	v20 =	vadd.s32 $0x7D0, v19;
	v21 =	vadd.f32 v30, v3  }
0x5a7: {  	v24 =	vadd.f32 v24, v9;
	[tilespmem:s23+$0x10] =	vst v25;
	v25 =	vadd.s32 $0x3E8, v17;
	v22 =	vld.idx.msk [tilespmem:v22+s3+$0x0], $0xffff  }
0x5a8: {  	v34 =	vadd.s32 $0x7D0, v12;
	v62 =	vld.idx.msk [tilespmem:v19+s3+$0x0], $0xffff;
	v18 =	vadd.f32 v18, v8;
	[tilespmem:s15+$0x40] =	vst v21;
	v21 =	vadd.s32 $0xFA0, v16  }
0x5a9: {  	[tilespmem:s25+$0x10] =	vst v24;
	v23 =	vadd.f32 v23, v0;
	v16 =	vadd.s32 $0xFA0, v17;
	v24 =	vadd.s32 $0xBB8, v21;
	v36 =	vld.idx.msk [tilespmem:v31+s3+$0x0], $0xffff  }
0x5aa: {  	v37 =	vadd.s32 $0xBB8, v16;
	v30 =	vld.idx.msk [tilespmem:v29+s3+$0x0], $0xffff;
	[tilespmem:s10+$0x10] =	vst v18;
	v18 =	vadd.f32 v26, v2  }
0x5ab: {  	[tilespmem:s6+$0x60] =	vst v23;
	v29 =	vld.idx.msk [tilespmem:v20+s3+$0x0], $0xffff;
	v26 =	vadd.f32 v61, v7  }
0x5ac: {  	v23 =	vadd.s32 $0x3E8, v15;
	v17 =	vadd.s32 $0x7D0, v17;
	v25 =	vld.idx.msk [tilespmem:v25+s3+$0x0], $0xffff;
	[tilespmem:s2+$0x40] =	vst v18;
	v63 =	vadd.f32 v22, v5  }
0x5ad: {  	v33 =	vadd.f32 v35, v4;
	v28 =	vadd.s32 $0x3E8, v21;
	v38 =	vadd.f32 v62, v6;
	[tilespmem:s19+$0x20] =	vst v26;
	v26 =	vld.idx.msk [tilespmem:v34+s3+$0x0], $0xffff  }
0x5ae: {  	v27 =	vadd.f32 v27, v13;
	v13 =	vadd.s32 $0x7D0, v16;
	v20 =	vadd.s32 $0x7D0, v15;
	v31 =	vld.idx.msk [tilespmem:v24+s3+$0x0], $0xffff;
	[tilespmem:s16+$0x60] =	vst v63  }
0x5af: {  	v22 =	vadd.s32 $0x7D0, v21;
	v18 =	vadd.s32 $0x3E8, v16;
	[tilespmem:s23+$0x20] =	vst v38;
	v32 =	vadd.f32 v36, v3;
	v24 =	vld.idx.msk [tilespmem:v37+s3+$0x0], $0xffff  }
.LBB2_17:
0x5b0: {  	s24 =	sadd.s32 $0x4, s24;
	v34 =	vld.idx.msk [tilespmem:v21+s3+$0x0], $0xffff;
	v30 =	vadd.f32 v30, v9;
	v10 =	vadd.s32 $0xFA0, v10;
	[tilespmem:s11+$0x50] =	vst v33  }
0x5b1: {  	s0 =	sshrl.u32 s24, $0x3;
	v33 =	vadd.s32 $0x3E8, v10;
	v35 =	vadd.s32 $0x7D0, v10;
	v36 =	vadd.s32 $0xBB8, v10;
	v37 =	vld.idx.msk [tilespmem:v15+s3+$0x0], $0xffff;
	[tilespmem:s15+$0x50] =	vst v32  }
0x5b2: {  	v29 =	vadd.f32 v29, v8;
	v11 =	vadd.s32 $0xFA0, v11;
	p1 =	slt.u32 s24, $0x3C;
	s0 =	sadd.s32 s18, s0;
	[tilespmem:s25+$0x20] =	vst v30;
	v23 =	vld.idx.msk [tilespmem:v23+s3+$0x0], $0xffff;
	v30 =	vadd.f32 v25, v1  }
0x5b3: {  	s4 =	sand.u32 $0x4, s24;
	v32 =	vadd.s32 $0x3E8, v11;
	v38 =	vadd.s32 $0xBB8, v11;
	v25 =	vadd.s32 $0x7D0, v11;
	v1 =	vmovc v3;
	v3 =	vmovc v9;
	s0 =	sshll.u32 s0, $0x7;
	v28 =	vld.idx.msk [tilespmem:v28+s3+$0x0], $0xffff;
	[tilespmem:s9+$0x70] =	vst v27;
	s9 =	smov.u32 s11  }
0x5b4: {  	s20 =	sor.u32 $0x3, s4;
	v26 =	vadd.f32 v26, v2;
	s11 =	sor.u32 $0x1, s4;
	v9 =	vadd.f32 v31, v7;
	s0 =	sand.u32 $0x3FFFFF80, s0;
	[tilespmem:s10+$0x20] =	vst v29;
	v27 =	vld.idx.msk [tilespmem:v17+s3+$0x0], $0xffff;
	v17 =	vmov v13  }
0x5b5: {  	s12 =	sor.u32 $0x2, s4;
	s26 =	sshll.u32 s20, $0x4;
	v24 =	vadd.f32 v24, v5;
	v5 =	vmov v7;
	s0 =	sadd.s32 $0xFA00, s0;
	v13 =	vld.idx.msk [tilespmem:v10+s3+$0x0], $0xffff;
	[tilespmem:s8+$0x70] =	vst v30  }
0x5b6: {  	s28 =	sshll.u32 s12, $0x4;
	s8 =	sshll.u32 s11, $0x4;
	v30 =	vadd.f32 v34, v6;
	s26 =	sor.u32 s26, s0;
	v29 =	vld.idx.msk [tilespmem:v36+s3+$0x0], $0xffff;
	[tilespmem:s19+$0x30] =	vst v9  }
0x5b7: {  	s29 =	sshll.u32 s4, $0x4;
	s30 =	sor.u32 s8, s0;
	s28 =	sor.u32 s28, s0;
	v31 =	vadd.f32 v37, v4;
	v7 =	vld [tilespmem:s26+$0x0];
	[tilespmem:s16+$0x70] =	vst v24  }
0x5b8: {  	s12 =	sshll.u32 s12, $0x7;
	s0 =	sor.u32 s29, s0;
	s26 =	sshll.u32 s11, $0x7;
	v23 =	vadd.f32 v23, v1;
	[tilespmem:s23+$0x30] =	vst v30;
	v30 =	vld.idx.msk [tilespmem:v38+s3+$0x0], $0xffff  }
0x5b9: {  	s8 =	smov.u32 s15;
	s11 =	smov.u32 s23;
	v28 =	vadd.f32 v28, v3;
	v24 =	vld [tilespmem:s0+$0x0];
	s0 =	sshll.u32 s4, $0x7;
	[tilespmem:s2+$0x50] =	vst v26  }
0x5ba: {  	v14 =	vadd.s32 $0xFA0, v14;
	s15 =	smov.u32 s25;
	s16 =	smov.u32 s19;
	v26 =	vadd.f32 v27, v0;
	v0 =	vmovc v2;
	v2 =	vmov v8;
	v9 =	vld [tilespmem:s30+$0x0];
	[tilespmem:s9+$0x60] =	vst v31  }
0x5bb: {  	v12 =	vadd.s32 $0xFA0, v12;
	s4 =	sshll.u32 s24, $0x7;
	v27 =	vadd.s32 $0x3E8, v14;
	v31 =	vadd.s32 $0xBB8, v14;
	v8 =	vld [tilespmem:s28+$0x0];
	[tilespmem:s15+$0x30] =	vst v28  }
0x5bc: {  	v34 =	vadd.s32 $0x3E8, v12;
	v36 =	vadd.s32 $0xBB8, v12;
	s4 =	sand.u32 $0x3FFFFC00, s4;
	v28 =	vld.idx.msk [tilespmem:v33+s3+$0x0], $0xffff;
	v33 =	vadd.s32 $0x7D0, v14;
	[tilespmem:s8+$0x60] =	vst v23  }
0x5bd: {  	s19 =	sshll.u32 s20, $0x7;
	s4 =	sadd.s32 $0x1AE00, s4;
	v29 =	vadd.f32 v29, v7;
	v23 =	vld.idx.msk [tilespmem:v35+s3+$0x0], $0xffff;
	v35 =	vadd.s32 $0x7D0, v12;
	[tilespmem:s6+$0x70] =	vst v26;
	s6 =	smov.u32 s2  }
0x5be: {  	s23 =	sadd.s32 s0, s4;
	s25 =	sadd.s32 s26, s4;
	s19 =	sadd.s32 s19, s4;
	v26 =	vadd.f32 v30, v5;
	v13 =	vadd.f32 v13, v24;
	v22 =	vld.idx.msk [tilespmem:v22+s3+$0x0], $0xffff  }
0x5bf: {  	s2 =	smov.u32 s10;
	s10 =	sadd.s32 s12, s4;
	[tilespmem:s19+$0x0] =	vst v29;
	v29 =	vld.idx.msk [tilespmem:v11+s3+$0x0], $0xffff  }
0x5c0: {  	v30 =	vld.idx.msk [tilespmem:v31+s3+$0x0], $0xffff;
	[tilespmem:s16+$0x40] =	vst v26  }
0x5c1: {  	[tilespmem:s23+$0x0] =	vst v13;
	v13 =	vld.idx.msk [tilespmem:v36+s3+$0x0], $0xffff  }
0x5c2: {  	v28 =	vadd.f32 v28, v9;
	v26 =	vld.idx.msk [tilespmem:v14+s3+$0x0], $0xffff  }
0x5c3: {  	v19 =	vadd.s32 $0xFA0, v19;
	v23 =	vadd.f32 v23, v8;
	v31 =	vld.idx.msk [tilespmem:v32+s3+$0x0], $0xffff  }
0x5c4: {  	v15 =	vadd.s32 $0xFA0, v15;
	v32 =	vadd.s32 $0x3E8, v19;
	[tilespmem:s25+$0x0] =	vst v28;
	v28 =	vadd.s32 $0xBB8, v19;
	v36 =	vld.idx.msk [tilespmem:v20+s3+$0x0], $0xffff  }
0x5c5: {  	v37 =	vadd.s32 $0x7D0, v19;
	v38 =	vadd.s32 $0xBB8, v15;
	v22 =	vadd.f32 v22, v2;
	v27 =	vld.idx.msk [tilespmem:v27+s3+$0x0], $0xffff;
	[tilespmem:s10+$0x0] =	vst v23  }
0x5c6: {  	v29 =	vadd.f32 v29, v6;
	v30 =	vadd.f32 v30, v7;
	v23 =	vadd.s32 $0x3E8, v15;
	v33 =	vld.idx.msk [tilespmem:v33+s3+$0x0], $0xffff  }
0x5c7: {  	v20 =	vadd.s32 $0x7D0, v15;
	v13 =	vadd.f32 v13, v5;
	[tilespmem:s2+$0x30] =	vst v22;
	v39 =	vld.idx.msk [tilespmem:v16+s3+$0x0], $0xffff  }
0x5c8: {  	v22 =	vadd.f32 v26, v24;
	[tilespmem:s19+$0x10] =	vst v30;
	v25 =	vld.idx.msk [tilespmem:v25+s3+$0x0], $0xffff  }
0x5c9: {  	v26 =	vld.idx.msk [tilespmem:v28+s3+$0x0], $0xffff;
	v28 =	vadd.f32 v31, v3;
	[tilespmem:s16+$0x50] =	vst v13  }
0x5ca: {  	v36 =	vadd.f32 v36, v0;
	[tilespmem:s23+$0x10] =	vst v22;
	v31 =	vld.idx.msk [tilespmem:v38+s3+$0x0], $0xffff  }
0x5cb: {  	v13 =	vadd.f32 v27, v9;
	v38 =	vld.idx.msk [tilespmem:v19+s3+$0x0], $0xffff;
	[tilespmem:s11+$0x40] =	vst v29  }
0x5cc: {  	v21 =	vadd.s32 $0xFA0, v21;
	v27 =	vadd.f32 v33, v8;
	v33 =	vld.idx.msk [tilespmem:v12+s3+$0x0], $0xffff;
	[tilespmem:s15+$0x40] =	vst v28  }
0x5cd: {  	v40 =	vadd.s32 $0xBB8, v21;
	v16 =	vadd.s32 $0xFA0, v16;
	v28 =	vadd.s32 $0x3E8, v21;
	[tilespmem:s25+$0x10] =	vst v13;
	v34 =	vld.idx.msk [tilespmem:v34+s3+$0x0], $0xffff  }
0x5ce: {  	v41 =	vadd.s32 $0xBB8, v16;
	v22 =	vadd.s32 $0x7D0, v21;
	v25 =	vadd.f32 v25, v2;
	v30 =	vld.idx.msk [tilespmem:v32+s3+$0x0], $0xffff;
	[tilespmem:s10+$0x10] =	vst v27  }
.Ltmp9:
0x5cf: {  	v13 =	vadd.s32 $0x7D0, v16;
	v26 =	vadd.f32 v26, v7;
	v32 =	vadd.s32 $0x3E8, v16;
	v29 =	vld.idx.msk [tilespmem:v37+s3+$0x0], $0xffff;
	[tilespmem:s6+$0x60] =	vst v36;
	(pc) =	sbr.rel @p1 .LBB2_17-.Ltmp9, $4  }
0x5d0: {  	v27 =	vadd.f32 v39, v4;
	v4 =	vmov v6;
	v36 =	vadd.f32 v31, v5;
	[tilespmem:s2+$0x40] =	vst v25;
	v25 =	vld.idx.msk [tilespmem:v18+s3+$0x0], $0xffff  }
0x5d1: {  	v6 =	vmov v24;
	v37 =	vadd.f32 v38, v24;
	v18 =	vmov v32;
	[tilespmem:s19+$0x20] =	vst v26;
	v26 =	vld.idx.msk [tilespmem:v35+s3+$0x0], $0xffff  }
0x5d2: {  	v33 =	vadd.f32 v33, v4;
	v31 =	vld.idx.msk [tilespmem:v40+s3+$0x0], $0xffff;
	[tilespmem:s16+$0x60] =	vst v36  }
0x5d3: {  	v32 =	vadd.f32 v34, v3;
	[tilespmem:s23+$0x20] =	vst v37;
	v24 =	vld.idx.msk [tilespmem:v41+s3+$0x0], $0xffff  }
0x5d4: {  	_ =	sdelay $0x1  }
0x5d5: {  	v10 =	vadd.f32 v30, v9  }
0x5d6: {  	v14 =	vadd.f32 v29, v8  }
0x5d7: {  	v19 =	vld.idx.msk [tilespmem:v21+s3+$0x0], $0xffff;
	[tilespmem:s25+$0x20] =	vst v10  }
0x5d8: {  	v57 =	vadd.s32 $0xFA0, v11;
	[tilespmem:s10+$0x20] =	vst v14;
	v58 =	vld.idx.msk [tilespmem:v28+s3+$0x0], $0xffff  }
0x5d9: {  	v59 =	vadd.s32 $0xBB8, v57;
	v14 =	vld.idx.msk [tilespmem:v22+s3+$0x0], $0xffff;
	_ =	sdelay $0x1  }
0x5da: {  	v61 =	vadd.s32 $0x3E8, v57;
	v60 =	vadd.f32 v31, v7  }
0x5db: {  	v62 =	vadd.s32 $0x7D0, v57;
	v19 =	vadd.f32 v19, v6  }
0x5dc: {  	[tilespmem:s19+$0x30] =	vst v60;
	v11 =	vadd.f32 v58, v9  }
0x5dd: {  	v21 =	vld.idx.msk [tilespmem:v59+s3+$0x0], $0xffff;
	[tilespmem:s23+$0x30] =	vst v19;
	v14 =	vadd.f32 v14, v8  }
0x5de: {  	v10 =	vld.idx.msk [tilespmem:v57+s3+$0x0], $0xffff;
	[tilespmem:s25+$0x30] =	vst v11  }
0x5df: {  	v63 =	vadd.s32 $0xFA0, v12;
	[tilespmem:s10+$0x30] =	vst v14;
	v34 =	vld.idx.msk [tilespmem:v61+s3+$0x0], $0xffff  }
0x5e0: {  	v12 =	vadd.s32 $0xBB8, v63;
	v14 =	vld.idx.msk [tilespmem:v62+s3+$0x0], $0xffff;
	_ =	sdelay $0x1  }
0x5e1: {  	v35 =	vadd.s32 $0x3E8, v63;
	v21 =	vadd.f32 v21, v7  }
0x5e2: {  	[tilespmem:s11+$0x50] =	vst v33;
	v36 =	vadd.s32 $0x7D0, v63;
	v10 =	vadd.f32 v10, v6  }
0x5e3: {  	[tilespmem:s19+$0x40] =	vst v21;
	v19 =	vadd.f32 v34, v9  }
0x5e4: {  	v12 =	vld.idx.msk [tilespmem:v12+s3+$0x0], $0xffff;
	[tilespmem:s23+$0x40] =	vst v10;
	v37 =	vadd.f32 v14, v8  }
0x5e5: {  	v11 =	vld.idx.msk [tilespmem:v63+s3+$0x0], $0xffff;
	[tilespmem:s25+$0x40] =	vst v19  }
0x5e6: {  	v38 =	vadd.s32 $0xFA0, v15;
	[tilespmem:s10+$0x40] =	vst v37;
	v40 =	vld.idx.msk [tilespmem:v35+s3+$0x0], $0xffff  }
0x5e7: {  	[tilespmem:s9+$0x70] =	vst v27;
	v39 =	vadd.s32 $0xBB8, v38;
	v1 =	vadd.f32 v25, v1;
	v10 =	vld.idx.msk [tilespmem:v36+s3+$0x0], $0xffff  }
0x5e8: {  	[tilespmem:s15+$0x50] =	vst v32;
	v42 =	vadd.f32 v26, v2  }
0x5e9: {  	v41 =	vld.idx.msk [tilespmem:v15+s3+$0x0], $0xffff;
	v43 =	vadd.s32 $0x3E8, v38;
	[tilespmem:s8+$0x70] =	vst v1;
	v12 =	vadd.f32 v12, v7  }
0x5ea: {  	v44 =	vadd.s32 $0x7D0, v38;
	v23 =	vld.idx.msk [tilespmem:v23+s3+$0x0], $0xffff;
	[tilespmem:s2+$0x50] =	vst v42;
	v11 =	vadd.f32 v11, v6  }
0x5eb: {  	v20 =	vld.idx.msk [tilespmem:v20+s3+$0x0], $0xffff;
	[tilespmem:s19+$0x50] =	vst v12;
	v45 =	vadd.f32 v40, v9  }
0x5ec: {  	v12 =	vld.idx.msk [tilespmem:v39+s3+$0x0], $0xffff;
	[tilespmem:s23+$0x50] =	vst v11;
	v10 =	vadd.f32 v10, v8  }
0x5ed: {  	v5 =	vadd.f32 v24, v5;
	v14 =	vld.idx.msk [tilespmem:v38+s3+$0x0], $0xffff;
	[tilespmem:s25+$0x50] =	vst v45  }
0x5ee: {  	v46 =	vadd.s32 $0xFA0, v16;
	v15 =	vadd.f32 v41, v4;
	[tilespmem:s10+$0x50] =	vst v10;
	v1 =	vld.idx.msk [tilespmem:v43+s3+$0x0], $0xffff  }
0x5ef: {  	v47 =	vadd.s32 $0xBB8, v46;
	[tilespmem:s16+$0x70] =	vst v5;
	v48 =	vadd.f32 v23, v3;
	v10 =	vld.idx.msk [tilespmem:v44+s3+$0x0], $0xffff  }
0x5f0: {  	v17 =	vld.idx.msk [tilespmem:v17+s3+$0x0], $0xffff;
	[tilespmem:s11+$0x60] =	vst v15;
	v50 =	vadd.f32 v20, v2  }
0x5f1: {  	v51 =	vadd.s32 $0x3E8, v46;
	[tilespmem:s15+$0x60] =	vst v48;
	v49 =	vld.idx.msk [tilespmem:v16+s3+$0x0], $0xffff;
	v12 =	vadd.f32 v12, v7  }
0x5f2: {  	v52 =	vadd.s32 $0x7D0, v46;
	v18 =	vld.idx.msk [tilespmem:v18+s3+$0x0], $0xffff;
	[tilespmem:s2+$0x60] =	vst v50;
	v53 =	vadd.f32 v14, v6  }
0x5f3: {  	v13 =	vld.idx.msk [tilespmem:v13+s3+$0x0], $0xffff;
	[tilespmem:s19+$0x60] =	vst v12;
	v1 =	vadd.f32 v1, v9  }
0x5f4: {  	v54 =	vld.idx.msk [tilespmem:v47+s3+$0x0], $0xffff;
	[tilespmem:s23+$0x60] =	vst v53;
	v10 =	vadd.f32 v10, v8  }
0x5f5: {  	v0 =	vadd.f32 v17, v0;
	v55 =	vld.idx.msk [tilespmem:v46+s3+$0x0], $0xffff;
	[tilespmem:s25+$0x60] =	vst v1  }
0x5f6: {  	v56 =	vadd.f32 v49, v4;
	[tilespmem:s10+$0x60] =	vst v10;
	v57 =	vld.idx.msk [tilespmem:v51+s3+$0x0], $0xffff  }
0x5f7: {  	[tilespmem:s6+$0x70] =	vst v0;
	v58 =	vadd.f32 v18, v3;
	v59 =	vld.idx.msk [tilespmem:v52+s3+$0x0], $0xffff  }
0x5f8: {  	[tilespmem:s11+$0x70] =	vst v56;
	v61 =	vadd.f32 v13, v2  }
0x5f9: {  	[tilespmem:s15+$0x70] =	vst v58;
	v60 =	vadd.f32 v54, v7  }
0x5fa: {  	[tilespmem:s2+$0x70] =	vst v61;
	v1 =	vadd.f32 v55, v6  }
.Ltmp10:
0x5fb: {  	[tilespmem:s19+$0x70] =	vst v60;
	v62 =	vadd.f32 v57, v9;
	(pc) =	sbr.rel @p0 .LBB2_20-.Ltmp10, $4  }
0x5fc: {  	s0 =	sor.u32 s14, s5;
	[tilespmem:s23+$0x70] =	vst v1;
	v63 =	vadd.f32 v59, v8  }
0x5fd: {  	s0 =	sshrl.u32 s0, $0x3;
	[tilespmem:s25+$0x70] =	vst v62  }
0x5fe: {  	s0 =	sadd.s32 s1, s0;
	[tilespmem:s10+$0x70] =	vst v63  }
0x5ff: {  	[hbm4b:s0+s21] =	stream.strided.scatter [tilespmem:s31], [sflag:$0x6], $0x2000, s22, s21, $0x38;
	[tilespmem:$0x1CE00] =	vst v63  }
.Ltmp11:
0x600: {  	s0 =	sshll.u32 s17, $0xF;
	s2 =	rddreg [dreg:$0x9];
	(pc) =	sbr.rel .LBB2_2-.Ltmp11, $4  }
0x601: {  	s0 =	sadd.s32 s2, s0  }
0x602: {  	s30 =	rddreg [dreg:$0x3];
	s0 =	sshrl.u32 s0, $0x3  }
0x603: {  	s31 =	simm.s32 $0x14C00;
	s17 =	sadd.s32 $0x1, s17;
	s0 =	sadd.s32 s30, s0  }
0x604: {  	[tilespmem:s31], [sflag:$0x2] =	stream.linear.gather [hbm4b:s0+s3], $0x200, $0x38;
	[tilespmem:$0x1CE00] =	vst v63  }
.LBB2_21:
0x605: {  	_ =	sfence.sel $0x180000  }
0x606: {  	[bflag:$0x0] =	sbarrier.arrive $0xFFFF  }
0x607: {  	_ =	strace $0x90000047  }
0x608: {  	s0 =	stileid.u32;
	[bflag:$0x2] =	sbarrier.arrive $0xFFFF  }
0x609: {  	p0 =	sne.s32 s0, $0x0;
	s0 =	rddreg [dreg:$0x2]  }
0x60a: {  	s0 =	sadd.s32 @!p0 $0x100000, s0  }
0x60b: {  	[sflag:s0] =	ssyncadd.tile.s32 @!p0 $0x1;
	_ =	shalt  }
.Lfunc_end2:
_tile_overlayer_lowered:
.L_overlay_start_2:
0x60c: {  	(tag) =	ssettag $0x2  }
0x60d: {  	s0 =	rddreg [dreg:$0x0];
	s2 =	stileid.u32  }
0x60e: {  	s1 =	rddreg [dreg:$0x1];
	p0 =	sne.s32 s2, $0x0  }
0x60f: {  	s3 =	rddreg [dreg:$0x2];
	[bflag:$0x3] =	sbarrier.arrive $0xFFFF;
	s2 =	simm.s32 @!p0 $0x1C07  }
0x610: {  	[timem:s3], [sflag:s2] =	dma.local @!p0 [hbm:s0], s1  }
0x611: {  	s0 =	simm.s32 @!p0 $0x7  }
0x612: {  	_ =	swait.ge @!p0 [sflag:s0], s1  }
0x613: {  	s1 =	ssub.s32 @!p0 $0x0, s1;
	[sflag:s0] =	ssyncset.done @!p0 $0x0  }
0x614: {  	[sflag:s0] =	ssyncadd.s32 @!p0 s1  }
0x615: {  	[bflag:$0x3] =	sbarrier.arrive $0xFFFF  }
0x616: {  	_ =	shalt  }

</sc_bundles>
